<compile_context>
chip_gen: v7x
topology: tpu7x:2x2x1
jax: 0.10.2.dev20260603
libtpu: 0.0.44.dev20260713+nightly
codegen_flags: <defaults>
</compile_context>

<pallas_src>
import dataclasses
import functools

import jax
import jax.numpy as jnp
from jax import lax
from jax.experimental import pallas as pl
from jax.experimental.pallas import tpu as pltpu
from jax.experimental.pallas import tpu_sc as plsc

N = 10000
E = 160000
D = 256
NC = 2
NS = 16
NPAD = 10240
HALF = 5120
EPT = 10240
NB = 80
K = 128
PADE = 16 * EPT
DUMP = HALF
ACC_ROWS = 5248
ROWS_PT = 328

_mesh = plsc.VectorSubcoreMesh(core_axis_name="c", subcore_axis_name="s")

_sc_params = pltpu.CompilerParams()
if "needs_layout_passes" in pltpu.CompilerParams.__dataclass_fields__:
    _sc_params = dataclasses.replace(_sc_params, needs_layout_passes=False)


HW = 128


def _hist(loc_r, ones_v, zdeg):

    @functools.partial(
        pl.kernel,
        out_type=jax.ShapeDtypeStruct((NC, HALF, HW), jnp.float32),
        mesh=_mesh,
        scratch_types=[
            pltpu.VMEM((NB, K), jnp.int32),
            pltpu.VMEM((K, HW), jnp.float32),
            pltpu.VMEM_SHARED((ACC_ROWS, HW), jnp.float32),
        ],
        compiler_params=_sc_params,
    )
    def k(loc_hbm, ones_hbm, zdeg_hbm, deg_out, idx2d, ones_vm, deg_sh):
        c = lax.axis_index("c")
        s = lax.axis_index("s")
        pltpu.sync_copy(loc_hbm.at[c, s], idx2d)
        pltpu.sync_copy(ones_hbm, ones_vm)
        pltpu.sync_copy(zdeg_hbm, deg_sh.at[pl.ds(s * ROWS_PT, ROWS_PT)])
        plsc.subcore_barrier()

        @pl.loop(0, NB)
        def _(r):
            pltpu.sync_copy(ones_vm, deg_sh.at[idx2d.at[r]], add=True)

        plsc.subcore_barrier()
        pltpu.sync_copy(deg_sh.at[pl.ds(s * 320, 320)],
                        deg_out.at[c, pl.ds(s * 320, 320)])

    return k(loc_r, ones_v, zdeg)


def _matmul_scale(x, deg2d, W):
    bm = 400

    def body(x_ref, d_ref, w_ref, o0_ref, o1_ref):
        deg = d_ref[...]
        dis = jnp.where(deg > 0.5, lax.rsqrt(jnp.maximum(deg, 1e-12)), 0.0)
        y = jnp.dot(x_ref[...] * dis, w_ref[...],
                    preferred_element_type=jnp.float32)
        o0_ref[...] = y[:, :128]
        o1_ref[...] = y[:, 128:]

    return pl.pallas_call(
        body,
        grid=(N // bm,),
        in_specs=[
            pl.BlockSpec((bm, D), lambda i: (i, 0)),
            pl.BlockSpec((bm, 1), lambda i: (i, 0)),
            pl.BlockSpec((D, D), lambda i: (0, 0)),
        ],
        out_specs=[pl.BlockSpec((bm, 128), lambda i: (i, 0)),
                   pl.BlockSpec((bm, 128), lambda i: (i, 0))],
        out_shape=[jax.ShapeDtypeStruct((N, 128), jnp.float32),
                   jax.ShapeDtypeStruct((N, 128), jnp.float32)],
    )(x, deg2d, W)


def _aggregate(y0, y1, src_r, loc_r, zacc):
    DH = 128
    HNB = NB // 2
    HCAP = HNB * K

    @functools.partial(
        pl.kernel,
        out_type=jax.ShapeDtypeStruct((N, D), jnp.float32),
        mesh=_mesh,
        scratch_types=[
            pltpu.VMEM((NB, K), jnp.int32),
            pltpu.VMEM((NB, K), jnp.int32),
            pltpu.VMEM((NB, K), jnp.int32),
            pltpu.VMEM((NB, K), jnp.int32),
            pltpu.VMEM((HCAP,), jnp.int32),
            pltpu.VMEM((HCAP,), jnp.int32),
            [pltpu.VMEM((K, DH), jnp.float32) for _ in range(2)],
            [pltpu.SemaphoreType.DMA for _ in range(2)],
            [pltpu.SemaphoreType.DMA for _ in range(2)],
            pltpu.VMEM_SHARED((ACC_ROWS, DH), jnp.float32),
        ],
        compiler_params=_sc_params,
    )
    def k(y0_hbm, y1_hbm, src_hbm, loc_hbm, zacc_hbm, out_hbm, raws, rawd,
          src2d, dst2d, fsrc, fdst, bufs, gsems, ssems, acc_sh):
        c = lax.axis_index("c")
        s = lax.axis_index("s")
        pltpu.sync_copy(src_hbm.at[s], raws)
        pltpu.sync_copy(loc_hbm.at[c, s], rawd)

        dumpv = jnp.full((16,), DUMP, jnp.int32) + s
        zerov = jnp.zeros((16,), jnp.int32)
        nbs = []
        for p in range(2):
            @pl.loop(0, HNB)
            def _(r):
                for kk in range(K // 16):
                    o = r * K + kk * 16
                    fsrc[pl.ds(o, 16)] = zerov
                    fdst[pl.ds(o, 16)] = dumpv

            def cbody(r, cnt):
                for kk in range(K // 16):
                    dv = rawd[r, pl.ds(kk * 16, 16)]
                    sv = raws[r, pl.ds(kk * 16, 16)]
                    ok = dv < HALF
                    plsc.store_compressed(fsrc.at[pl.ds(cnt, 16)], sv,
                                          mask=ok)
                    plsc.store_compressed(fdst.at[pl.ds(cnt, 16)], dv,
                                          mask=ok)
                    cnt = cnt + jnp.sum(ok.astype(jnp.int32))
                return cnt

            cnt = lax.fori_loop(p * HNB, (p + 1) * HNB, cbody, jnp.int32(0))
            nb = lax.div(cnt + (2 * K - 1), jnp.int32(2 * K)) * 2
            nb = jnp.maximum(nb, 2)
            nbs.append(nb)

            @pl.loop(0, nb)
            def _(r):
                for kk in range(K // 16):
                    o = r * K + kk * 16
                    src2d[p * HNB + r, pl.ds(kk * 16, 16)] = fsrc[pl.ds(o, 16)]
                    dst2d[p * HNB + r, pl.ds(kk * 16, 16)] = fdst[pl.ds(o, 16)]

        for h in range(2):
            yh = y0_hbm if h == 0 else y1_hbm
            pltpu.sync_copy(zacc_hbm, acc_sh.at[pl.ds(s * ROWS_PT, ROWS_PT)])
            plsc.subcore_barrier()

            for p in range(2):
                base = p * HNB
                nb = nbs[p]
                for j in range(2):
                    pltpu.async_copy(yh.at[src2d.at[base + j]], bufs[j],
                                     gsems[j])

                @pl.loop(0, nb, step=2)
                def _(q):
                    for j in range(2):
                        pltpu.make_async_copy(yh.at[src2d.at[base + q + j]],
                                              bufs[j], gsems[j]).wait()
                        pltpu.async_copy(bufs[j],
                                         acc_sh.at[dst2d.at[base + q + j]],
                                         ssems[j], add=True)
                    for j in range(2):
                        pltpu.make_async_copy(bufs[j],
                                              acc_sh.at[dst2d.at[base + q + j]],
                                              ssems[j]).wait()

                        @pl.when(q + 2 + j < nb)
                        def _():
                            pltpu.async_copy(
                                yh.at[src2d.at[base + q + 2 + j]], bufs[j],
                                gsems[j])

            plsc.subcore_barrier()

            @pl.when(c == 0)
            def _():
                pltpu.sync_copy(
                    acc_sh.at[pl.ds(s * 320, 320)],
                    out_hbm.at[pl.ds(s * 320, 320), pl.ds(h * DH, DH)])

            @pl.when((c == 1) & (s < 15))
            def _():
                pltpu.sync_copy(
                    acc_sh.at[pl.ds(s * 304, 304)],
                    out_hbm.at[pl.ds(HALF + s * 304, 304), pl.ds(h * DH, DH)])

            @pl.when((c == 1) & (s == 15))
            def _():
                pltpu.sync_copy(
                    acc_sh.at[pl.ds(4560, 320)],
                    out_hbm.at[pl.ds(HALF + 4560, 320), pl.ds(h * DH, DH)])

            plsc.subcore_barrier()

    return k(y0, y1, src_r, loc_r, zacc)


def _bias_relu_scale(pre, deg2d, b2d):
    bm = 400

    def body(a_ref, d_ref, b_ref, o_ref):
        deg = d_ref[...]
        dis = jnp.where(deg > 0.5, lax.rsqrt(jnp.maximum(deg, 1e-12)), 0.0)
        o_ref[...] = jnp.maximum(a_ref[...] * dis + b_ref[...], 0.0)

    return pl.pallas_call(
        body,
        grid=(N // bm,),
        in_specs=[
            pl.BlockSpec((bm, D), lambda i: (i, 0)),
            pl.BlockSpec((bm, 1), lambda i: (i, 0)),
            pl.BlockSpec((1, D), lambda i: (0, 0)),
        ],
        out_specs=pl.BlockSpec((bm, D), lambda i: (i, 0)),
        out_shape=jax.ShapeDtypeStruct((N, D), jnp.float32),
    )(pre, deg2d, b2d)


def kernel(x, edge_index, W, b):
    src = edge_index[0]
    dst = edge_index[1]
    pad = PADE - E
    src_r = jnp.concatenate([src, jnp.zeros((pad,), jnp.int32)]).reshape(
        16, NB, K)
    dstp = jnp.concatenate([dst, jnp.full((pad,), NPAD, jnp.int32)])
    dump = DUMP + jnp.repeat(jnp.arange(16, dtype=jnp.int32), EPT)
    loc_list = []
    for core in range(NC):
        lc = dstp - core * HALF
        lc = jnp.where((lc >= 0) & (lc < HALF), lc, dump)
        loc_list.append(lc.reshape(16, NB, K))
    loc_r = jnp.stack(loc_list)
    ones_v = jnp.ones((K, HW), jnp.float32)
    zdeg = jnp.zeros((ROWS_PT, HW), jnp.float32)
    zacc = jnp.zeros((ROWS_PT, 128), jnp.float32)

    deg = _hist(loc_r, ones_v, zdeg)
    deg2d = jnp.concatenate([deg[0, :, 0], deg[1, :, 0]])[:N].reshape(N, 1)
    y0, y1 = _matmul_scale(x, deg2d, W)
    pre = _aggregate(y0, y1, src_r, loc_r, zacc)
    return _bias_relu_scale(pre, deg2d, b.reshape(1, D))

# --- scband reference (transcript-rebuilt; emitter-appended) ---
"""Pipeline reference for scband-graph-convolution-18726057410569 (READ-ONLY COPY).

The authoritative reference and input builder live on the scoring server;
editing this copy changes nothing except your own understanding.
"""

import jax, jax.numpy as jnp
import numpy as np

N = 10000
E = 160000
DIN = 256
DOUT = 256


def setup_inputs(seed: int = 0) -> dict:
    key = jax.random.key(seed)
    k1, k2, k3 = jax.random.split(key, 3)
    x = jax.random.normal(k1, (N, DIN), dtype=jnp.float32)
    edge_index = jax.random.randint(k2, (2, E), 0, N, dtype=jnp.int32)
    # GCNConv learned parameters (glorot-style weight, zero bias)
    W = jax.random.normal(k3, (DIN, DOUT), dtype=jnp.float32) * (1.0 / np.sqrt(DIN))
    b = jnp.zeros((DOUT,), dtype=jnp.float32)
    return {"x": x, "edge_index": edge_index, "W": W, "b": b}


def reference(x, edge_index, W, b):
    # PyG GCNConv(add_self_loops=False, normalize=True), followed by ReLU.
    # Dropout is identity in eval mode (training=False).
    src = edge_index[0]
    dst = edge_index[1]
    num_nodes = x.shape[0]
    num_edges = edge_index.shape[1]

    # 1) Linear transform
    xw = x @ W

    # 2) Symmetric GCN normalization: deg computed over dst with unit edge weights
    ones = jnp.ones((num_edges,), dtype=x.dtype)
    deg = jax.ops.segment_sum(ones, dst, num_segments=num_nodes)
    deg_inv_sqrt = jnp.where(deg > 0, 1.0 / jnp.sqrt(jnp.maximum(deg, 1e-12)), 0.0)
    norm = deg_inv_sqrt[src] * deg_inv_sqrt[dst]

    # 3) Message passing: gather from src, scale, scatter-add to dst
    msg = xw[src] * norm[:, None]
    out = jax.ops.segment_sum(msg, dst, num_segments=num_nodes)

    # 4) Bias + activation (module returns (x_out, adj); adj is a pass-through)
    out = out + b
    out = jax.nn.relu(out)
    return out

if __name__ == "__main__":
    import jax
    _d = setup_inputs()
    print(jax.jit(kernel)(*tuple(_d.values())))

</pallas_src>

<mosaic_0001>
#map = affine_map<(d0, d1) -> (0, 0, 0, 0)>
#map1 = affine_map<(d0, d1) -> (0, 0)>
#map2 = affine_map<(d0, d1) -> (0, 0, 0)>
module attributes {stable_mosaic.version = 14 : i64} {
  func.func @k(%arg0: i32, %arg1: i32, %arg2: memref<2x16x80x128xi32, #tpu.memory_space<hbm>>, %arg3: memref<128x128xf32, #tpu.memory_space<hbm>>, %arg4: memref<328x128xf32, #tpu.memory_space<hbm>>, %arg5: memref<2x5120x128xf32, #tpu.memory_space<hbm>>, %arg6: memref<80x128xi32, #tpu.memory_space<vmem>>, %arg7: memref<128x128xf32, #tpu.memory_space<vmem>>, %arg8: memref<5248x128xf32, #tpu.memory_space<vmem_shared>>) attributes {dimension_semantics = [#tpu.dimension_semantics<core_parallel>, #tpu.dimension_semantics<subcore_parallel>], iteration_bounds = array<i64: 2, 16>, scalar_prefetch = 0 : i64, scratch_operands = 3 : i64, tpu.core_type = #tpu.core_type<sc_vector_subcore>, window_params = [{transform_indices = #map}, {transform_indices = #map1}, {transform_indices = #map1}, {transform_indices = #map2}]} {
    "tpu.region"() ({
      %run_scoped3A = tpu.sem_alloc : memref<!tpu.dma_semaphore, #tpu.memory_space<semaphore_mem>>
      %dma_start3A = arith.constant 0 : i32
      %dma_start3A_10 = arith.constant 0 : i32
      %dma_start3A_11 = tpu.memref_slice %arg2[%arg0, %arg1, %dma_start3A, %dma_start3A_10] : memref<2x16x80x128xi32, #tpu.memory_space<hbm>> -> memref<1x1x80x128xi32, #tpu.memory_space<hbm>>
      %dma_start3A_12 = tpu.memref_squeeze %dma_start3A_11 : memref<1x1x80x128xi32, #tpu.memory_space<hbm>> -> memref<80x128xi32, #tpu.memory_space<hbm>>
      %dma_start3A_13 = arith.constant 0 : i32
      %dma_start3A_14 = arith.constant 0 : i32
      %dma_start3A_15 = tpu.memref_slice %arg2[%arg0, %arg1, %dma_start3A_13, %dma_start3A_14] : memref<2x16x80x128xi32, #tpu.memory_space<hbm>> -> memref<1x1x80x128xi32, #tpu.memory_space<hbm>>
      %dma_start3A_16 = tpu.memref_squeeze %dma_start3A_15 : memref<1x1x80x128xi32, #tpu.memory_space<hbm>> -> memref<80x128xi32, #tpu.memory_space<hbm>>
      tpu.enqueue_dma source(%dma_start3A_16 : memref<80x128xi32, #tpu.memory_space<hbm>>) target(%arg6 : memref<80x128xi32, #tpu.memory_space<vmem>>) target_semaphore(%run_scoped3A : memref<!tpu.dma_semaphore, #tpu.memory_space<semaphore_mem>>)
      %dma_wait3A = arith.constant 0 : i32
      %dma_wait3A_17 = arith.constant 0 : i32
      %dma_wait3A_18 = tpu.memref_slice %arg2[%arg0, %arg1, %dma_wait3A, %dma_wait3A_17] : memref<2x16x80x128xi32, #tpu.memory_space<hbm>> -> memref<1x1x80x128xi32, #tpu.memory_space<hbm>>
      %dma_wait3A_19 = tpu.memref_squeeze %dma_wait3A_18 : memref<1x1x80x128xi32, #tpu.memory_space<hbm>> -> memref<80x128xi32, #tpu.memory_space<hbm>>
      %dma_wait3A_20 = arith.constant 0 : i32
      %dma_wait3A_21 = arith.constant 0 : i32
      %dma_wait3A_22 = tpu.memref_slice %arg2[%arg0, %arg1, %dma_wait3A_20, %dma_wait3A_21] : memref<2x16x80x128xi32, #tpu.memory_space<hbm>> -> memref<1x1x80x128xi32, #tpu.memory_space<hbm>>
      %dma_wait3A_23 = tpu.memref_squeeze %dma_wait3A_22 : memref<1x1x80x128xi32, #tpu.memory_space<hbm>> -> memref<80x128xi32, #tpu.memory_space<hbm>>
      tpu.wait_dma2 semaphore(%run_scoped3A : memref<!tpu.dma_semaphore, #tpu.memory_space<semaphore_mem>>) src(%dma_wait3A_23 : memref<80x128xi32, #tpu.memory_space<hbm>>) dst(%arg6 : memref<80x128xi32, #tpu.memory_space<vmem>>)
      tpu.yield
    }) : () -> ()
    "tpu.region"() ({
      %run_scoped3A = tpu.sem_alloc : memref<!tpu.dma_semaphore, #tpu.memory_space<semaphore_mem>>
      tpu.enqueue_dma source(%arg3 : memref<128x128xf32, #tpu.memory_space<hbm>>) target(%arg7 : memref<128x128xf32, #tpu.memory_space<vmem>>) target_semaphore(%run_scoped3A : memref<!tpu.dma_semaphore, #tpu.memory_space<semaphore_mem>>)
      tpu.wait_dma2 semaphore(%run_scoped3A : memref<!tpu.dma_semaphore, #tpu.memory_space<semaphore_mem>>) src(%arg3 : memref<128x128xf32, #tpu.memory_space<hbm>>) dst(%arg7 : memref<128x128xf32, #tpu.memory_space<vmem>>)
      tpu.yield
    }) : () -> ()
    %mul3A = arith.constant 328 : i32
    %mul3A_0 = arith.muli %arg1, %mul3A : i32
    "tpu.region"() ({
      %run_scoped3A = tpu.sem_alloc : memref<!tpu.dma_semaphore, #tpu.memory_space<semaphore_mem>>
      %dma_start3A = arith.constant 0 : i32
      %dma_start3A_10 = tpu.memref_slice %arg8[%mul3A_0, %dma_start3A] : memref<5248x128xf32, #tpu.memory_space<vmem_shared>> -> memref<328x128xf32, #tpu.memory_space<vmem_shared>>
      tpu.enqueue_dma source(%arg4 : memref<328x128xf32, #tpu.memory_space<hbm>>) target(%dma_start3A_10 : memref<328x128xf32, #tpu.memory_space<vmem_shared>>) target_semaphore(%run_scoped3A : memref<!tpu.dma_semaphore, #tpu.memory_space<semaphore_mem>>)
      %dma_wait3A = arith.constant 0 : i32
      %dma_wait3A_11 = tpu.memref_slice %arg8[%mul3A_0, %dma_wait3A] : memref<5248x128xf32, #tpu.memory_space<vmem_shared>> -> memref<328x128xf32, #tpu.memory_space<vmem_shared>>
      tpu.wait_dma2 semaphore(%run_scoped3A : memref<!tpu.dma_semaphore, #tpu.memory_space<semaphore_mem>>) src(%arg4 : memref<328x128xf32, #tpu.memory_space<hbm>>) dst(%dma_wait3A_11 : memref<328x128xf32, #tpu.memory_space<vmem_shared>>)
      tpu.yield
    }) : () -> ()
    %barrier3A = arith.constant 0 : index
    tpu.barrier barrier_id(%barrier3A)
    %scan3A = arith.constant 0 : i32
    %scan3A_1 = arith.constant 80 : i32
    %scan3A_2 = arith.addi %scan3A, %scan3A_1 : i32
    %scan3A_3 = arith.constant 1 : i32
    scf.for %scan3A_10 = %scan3A to %scan3A_2 step %scan3A_3  : i32 {
      %mul3A_11 = arith.constant 1 : i32
      %mul3A_12 = arith.muli %scan3A_10, %mul3A_11 : i32
      %add3A = arith.constant 0 : i32
      %add3A_13 = arith.addi %add3A, %mul3A_12 : i32
      "tpu.region"() ({
        %run_scoped3A = tpu.sem_alloc : memref<!tpu.dma_semaphore, #tpu.memory_space<semaphore_mem>>
        %dma_start3A = arith.constant 0 : i32
        %dma_start3A_14 = tpu.memref_slice %arg6[%add3A_13, %dma_start3A] : memref<80x128xi32, #tpu.memory_space<vmem>> -> memref<1x128xi32, #tpu.memory_space<vmem>>
        %dma_start3A_15 = tpu.memref_squeeze %dma_start3A_14 : memref<1x128xi32, #tpu.memory_space<vmem>> -> memref<128xi32, #tpu.memory_space<vmem>>
        %dma_start3A_16 = arith.constant 0 : i32
        %dma_start3A_17 = arith.constant 0 : i32
        %dma_start3A_18 = tpu.memref_slice %arg8[%dma_start3A_16, %dma_start3A_17] : memref<5248x128xf32, #tpu.memory_space<vmem_shared>> -> memref<5248x128xf32, #tpu.memory_space<vmem_shared>>
        tpu.enqueue_indirect_dma source(%arg7 : memref<128x128xf32, #tpu.memory_space<vmem>>) target(%dma_start3A_18 : memref<5248x128xf32, #tpu.memory_space<vmem_shared>>) offsets(%dma_start3A_15 : memref<128xi32, #tpu.memory_space<vmem>>) semaphore(%run_scoped3A : memref<!tpu.dma_semaphore, #tpu.memory_space<semaphore_mem>>) {add = true}
        %dma_wait3A = arith.constant 0 : i32
        %dma_wait3A_19 = tpu.memref_slice %arg6[%add3A_13, %dma_wait3A] : memref<80x128xi32, #tpu.memory_space<vmem>> -> memref<1x128xi32, #tpu.memory_space<vmem>>
        %dma_wait3A_20 = tpu.memref_squeeze %dma_wait3A_19 : memref<1x128xi32, #tpu.memory_space<vmem>> -> memref<128xi32, #tpu.memory_space<vmem>>
        %dma_wait3A_21 = arith.constant 0 : i32
        %dma_wait3A_22 = arith.constant 0 : i32
        %dma_wait3A_23 = tpu.memref_slice %arg8[%dma_wait3A_21, %dma_wait3A_22] : memref<5248x128xf32, #tpu.memory_space<vmem_shared>> -> memref<5248x128xf32, #tpu.memory_space<vmem_shared>>
        tpu.wait_indirect_dma semaphore(%run_scoped3A : memref<!tpu.dma_semaphore, #tpu.memory_space<semaphore_mem>>) src(%arg7 : memref<128x128xf32, #tpu.memory_space<vmem>>) dst(%dma_wait3A_23 : memref<5248x128xf32, #tpu.memory_space<vmem_shared>>)
        tpu.yield
      }) : () -> ()
    }
    %scan3A_4 = arith.constant 80 : i32
    %barrier3A_5 = arith.constant 0 : index
    tpu.barrier barrier_id(%barrier3A_5)
    %mul3A_6 = arith.constant 320 : i32
    %mul3A_7 = arith.muli %arg1, %mul3A_6 : i32
    %mul3A_8 = arith.constant 320 : i32
    %mul3A_9 = arith.muli %arg1, %mul3A_8 : i32
    "tpu.region"() ({
      %run_scoped3A = tpu.sem_alloc : memref<!tpu.dma_semaphore, #tpu.memory_space<semaphore_mem>>
      %dma_start3A = arith.constant 0 : i32
      %dma_start3A_10 = tpu.memref_slice %arg5[%arg0, %mul3A_9, %dma_start3A] : memref<2x5120x128xf32, #tpu.memory_space<hbm>> -> memref<1x320x128xf32, #tpu.memory_space<hbm>>
      %dma_start3A_11 = tpu.memref_squeeze %dma_start3A_10 : memref<1x320x128xf32, #tpu.memory_space<hbm>> -> memref<320x128xf32, #tpu.memory_space<hbm>>
      %dma_start3A_12 = arith.constant 0 : i32
      %dma_start3A_13 = tpu.memref_slice %arg8[%mul3A_7, %dma_start3A_12] : memref<5248x128xf32, #tpu.memory_space<vmem_shared>> -> memref<320x128xf32, #tpu.memory_space<vmem_shared>>
      tpu.enqueue_dma source(%dma_start3A_13 : memref<320x128xf32, #tpu.memory_space<vmem_shared>>) target(%dma_start3A_11 : memref<320x128xf32, #tpu.memory_space<hbm>>) target_semaphore(%run_scoped3A : memref<!tpu.dma_semaphore, #tpu.memory_space<semaphore_mem>>)
      %dma_wait3A = arith.constant 0 : i32
      %dma_wait3A_14 = tpu.memref_slice %arg5[%arg0, %mul3A_9, %dma_wait3A] : memref<2x5120x128xf32, #tpu.memory_space<hbm>> -> memref<1x320x128xf32, #tpu.memory_space<hbm>>
      %dma_wait3A_15 = tpu.memref_squeeze %dma_wait3A_14 : memref<1x320x128xf32, #tpu.memory_space<hbm>> -> memref<320x128xf32, #tpu.memory_space<hbm>>
      %dma_wait3A_16 = arith.constant 0 : i32
      %dma_wait3A_17 = tpu.memref_slice %arg8[%mul3A_7, %dma_wait3A_16] : memref<5248x128xf32, #tpu.memory_space<vmem_shared>> -> memref<320x128xf32, #tpu.memory_space<vmem_shared>>
      tpu.wait_dma2 semaphore(%run_scoped3A : memref<!tpu.dma_semaphore, #tpu.memory_space<semaphore_mem>>) src(%dma_wait3A_17 : memref<320x128xf32, #tpu.memory_space<vmem_shared>>) dst(%dma_wait3A_15 : memref<320x128xf32, #tpu.memory_space<hbm>>)
      tpu.yield
    }) : () -> ()
    return
  }
}

#map = affine_map<(d0, d1) -> (0, 0)>
#map1 = affine_map<(d0, d1) -> (0, 0, 0)>
#map2 = affine_map<(d0, d1) -> (0, 0, 0, 0)>
module attributes {stable_mosaic.version = 14 : i64} {
  func.func @k(%arg0: i32, %arg1: i32, %arg2: memref<10000x128xf32, #tpu.memory_space<hbm>>, %arg3: memref<10000x128xf32, #tpu.memory_space<hbm>>, %arg4: memref<16x80x128xi32, #tpu.memory_space<hbm>>, %arg5: memref<2x16x80x128xi32, #tpu.memory_space<hbm>>, %arg6: memref<328x128xf32, #tpu.memory_space<hbm>>, %arg7: memref<10000x256xf32, #tpu.memory_space<hbm>>, %arg8: memref<80x128xi32, #tpu.memory_space<vmem>>, %arg9: memref<80x128xi32, #tpu.memory_space<vmem>>, %arg10: memref<80x128xi32, #tpu.memory_space<vmem>>, %arg11: memref<80x128xi32, #tpu.memory_space<vmem>>, %arg12: memref<5120xi32, #tpu.memory_space<vmem>>, %arg13: memref<5120xi32, #tpu.memory_space<vmem>>, %arg14: memref<128x128xf32, #tpu.memory_space<vmem>>, %arg15: memref<128x128xf32, #tpu.memory_space<vmem>>, %arg16: memref<!tpu.dma_semaphore, #tpu.memory_space<semaphore_mem>>, %arg17: memref<!tpu.dma_semaphore, #tpu.memory_space<semaphore_mem>>, %arg18: memref<!tpu.dma_semaphore, #tpu.memory_space<semaphore_mem>>, %arg19: memref<!tpu.dma_semaphore, #tpu.memory_space<semaphore_mem>>, %arg20: memref<5248x128xf32, #tpu.memory_space<vmem_shared>>) attributes {dimension_semantics = [#tpu.dimension_semantics<core_parallel>, #tpu.dimension_semantics<subcore_parallel>], iteration_bounds = array<i64: 2, 16>, scalar_prefetch = 0 : i64, scratch_operands = 13 : i64, tpu.core_type = #tpu.core_type<sc_vector_subcore>, window_params = [{transform_indices = #map}, {transform_indices = #map}, {transform_indices = #map1}, {transform_indices = #map2}, {transform_indices = #map}, {transform_indices = #map}]} {
    "tpu.region"() ({
      %run_scoped3A = tpu.sem_alloc : memref<!tpu.dma_semaphore, #tpu.memory_space<semaphore_mem>>
      %dma_start3A_253 = arith.constant 0 : i32
      %dma_start3A_254 = arith.constant 0 : i32
      %dma_start3A_255 = tpu.memref_slice %arg4[%arg1, %dma_start3A_253, %dma_start3A_254] : memref<16x80x128xi32, #tpu.memory_space<hbm>> -> memref<1x80x128xi32, #tpu.memory_space<hbm>>
      %dma_start3A_256 = tpu.memref_squeeze %dma_start3A_255 : memref<1x80x128xi32, #tpu.memory_space<hbm>> -> memref<80x128xi32, #tpu.memory_space<hbm>>
      %dma_start3A_257 = arith.constant 0 : i32
      %dma_start3A_258 = arith.constant 0 : i32
      %dma_start3A_259 = tpu.memref_slice %arg4[%arg1, %dma_start3A_257, %dma_start3A_258] : memref<16x80x128xi32, #tpu.memory_space<hbm>> -> memref<1x80x128xi32, #tpu.memory_space<hbm>>
      %dma_start3A_260 = tpu.memref_squeeze %dma_start3A_259 : memref<1x80x128xi32, #tpu.memory_space<hbm>> -> memref<80x128xi32, #tpu.memory_space<hbm>>
      tpu.enqueue_dma source(%dma_start3A_260 : memref<80x128xi32, #tpu.memory_space<hbm>>) target(%arg8 : memref<80x128xi32, #tpu.memory_space<vmem>>) target_semaphore(%run_scoped3A : memref<!tpu.dma_semaphore, #tpu.memory_space<semaphore_mem>>)
      %dma_wait3A = arith.constant 0 : i32
      %dma_wait3A_261 = arith.constant 0 : i32
      %dma_wait3A_262 = tpu.memref_slice %arg4[%arg1, %dma_wait3A, %dma_wait3A_261] : memref<16x80x128xi32, #tpu.memory_space<hbm>> -> memref<1x80x128xi32, #tpu.memory_space<hbm>>
      %dma_wait3A_263 = tpu.memref_squeeze %dma_wait3A_262 : memref<1x80x128xi32, #tpu.memory_space<hbm>> -> memref<80x128xi32, #tpu.memory_space<hbm>>
      %dma_wait3A_264 = arith.constant 0 : i32
      %dma_wait3A_265 = arith.constant 0 : i32
      %dma_wait3A_266 = tpu.memref_slice %arg4[%arg1, %dma_wait3A_264, %dma_wait3A_265] : memref<16x80x128xi32, #tpu.memory_space<hbm>> -> memref<1x80x128xi32, #tpu.memory_space<hbm>>
      %dma_wait3A_267 = tpu.memref_squeeze %dma_wait3A_266 : memref<1x80x128xi32, #tpu.memory_space<hbm>> -> memref<80x128xi32, #tpu.memory_space<hbm>>
      tpu.wait_dma2 semaphore(%run_scoped3A : memref<!tpu.dma_semaphore, #tpu.memory_space<semaphore_mem>>) src(%dma_wait3A_267 : memref<80x128xi32, #tpu.memory_space<hbm>>) dst(%arg8 : memref<80x128xi32, #tpu.memory_space<vmem>>)
      tpu.yield
    }) : () -> ()
    "tpu.region"() ({
      %run_scoped3A = tpu.sem_alloc : memref<!tpu.dma_semaphore, #tpu.memory_space<semaphore_mem>>
      %dma_start3A_253 = arith.constant 0 : i32
      %dma_start3A_254 = arith.constant 0 : i32
      %dma_start3A_255 = tpu.memref_slice %arg5[%arg0, %arg1, %dma_start3A_253, %dma_start3A_254] : memref<2x16x80x128xi32, #tpu.memory_space<hbm>> -> memref<1x1x80x128xi32, #tpu.memory_space<hbm>>
      %dma_start3A_256 = tpu.memref_squeeze %dma_start3A_255 : memref<1x1x80x128xi32, #tpu.memory_space<hbm>> -> memref<80x128xi32, #tpu.memory_space<hbm>>
      %dma_start3A_257 = arith.constant 0 : i32
      %dma_start3A_258 = arith.constant 0 : i32
      %dma_start3A_259 = tpu.memref_slice %arg5[%arg0, %arg1, %dma_start3A_257, %dma_start3A_258] : memref<2x16x80x128xi32, #tpu.memory_space<hbm>> -> memref<1x1x80x128xi32, #tpu.memory_space<hbm>>
      %dma_start3A_260 = tpu.memref_squeeze %dma_start3A_259 : memref<1x1x80x128xi32, #tpu.memory_space<hbm>> -> memref<80x128xi32, #tpu.memory_space<hbm>>
      tpu.enqueue_dma source(%dma_start3A_260 : memref<80x128xi32, #tpu.memory_space<hbm>>) target(%arg9 : memref<80x128xi32, #tpu.memory_space<vmem>>) target_semaphore(%run_scoped3A : memref<!tpu.dma_semaphore, #tpu.memory_space<semaphore_mem>>)
      %dma_wait3A = arith.constant 0 : i32
      %dma_wait3A_261 = arith.constant 0 : i32
      %dma_wait3A_262 = tpu.memref_slice %arg5[%arg0, %arg1, %dma_wait3A, %dma_wait3A_261] : memref<2x16x80x128xi32, #tpu.memory_space<hbm>> -> memref<1x1x80x128xi32, #tpu.memory_space<hbm>>
      %dma_wait3A_263 = tpu.memref_squeeze %dma_wait3A_262 : memref<1x1x80x128xi32, #tpu.memory_space<hbm>> -> memref<80x128xi32, #tpu.memory_space<hbm>>
      %dma_wait3A_264 = arith.constant 0 : i32
      %dma_wait3A_265 = arith.constant 0 : i32
      %dma_wait3A_266 = tpu.memref_slice %arg5[%arg0, %arg1, %dma_wait3A_264, %dma_wait3A_265] : memref<2x16x80x128xi32, #tpu.memory_space<hbm>> -> memref<1x1x80x128xi32, #tpu.memory_space<hbm>>
      %dma_wait3A_267 = tpu.memref_squeeze %dma_wait3A_266 : memref<1x1x80x128xi32, #tpu.memory_space<hbm>> -> memref<80x128xi32, #tpu.memory_space<hbm>>
      tpu.wait_dma2 semaphore(%run_scoped3A : memref<!tpu.dma_semaphore, #tpu.memory_space<semaphore_mem>>) src(%dma_wait3A_267 : memref<80x128xi32, #tpu.memory_space<hbm>>) dst(%arg9 : memref<80x128xi32, #tpu.memory_space<vmem>>)
      tpu.yield
    }) : () -> ()
    %broadcast_in_dim3A = arith.constant 5120 : i32
    %broadcast_in_dim3A_0 = vector.broadcast %broadcast_in_dim3A : i32 to vector<16xi32>
    %add3A = vector.broadcast %arg1 : i32 to vector<16xi32>
    %add3A_1 = arith.addi %broadcast_in_dim3A_0, %add3A : vector<16xi32>
    %broadcast_in_dim3A_2 = arith.constant 0 : i32
    %broadcast_in_dim3A_3 = vector.broadcast %broadcast_in_dim3A_2 : i32 to vector<16xi32>
    %scan3A = arith.constant 0 : i32
    %scan3A_4 = arith.constant 40 : i32
    %scan3A_5 = arith.addi %scan3A, %scan3A_4 : i32
    %scan3A_6 = arith.constant 1 : i32
    scf.for %scan3A_253 = %scan3A to %scan3A_5 step %scan3A_6  : i32 {
      %mul3A_254 = arith.constant 1 : i32
      %mul3A_255 = arith.muli %scan3A_253, %mul3A_254 : i32
      %add3A_256 = arith.constant 0 : i32
      %add3A_257 = arith.addi %add3A_256, %mul3A_255 : i32
      %mul3A_258 = arith.constant 128 : i32
      %mul3A_259 = arith.muli %add3A_257, %mul3A_258 : i32
      %add3A_260 = arith.constant 0 : i32
      %add3A_261 = arith.addi %mul3A_259, %add3A_260 : i32
      %swap3A = arith.index_cast %add3A_261 : i32 to index
      %swap3A_262 = tpu.vector_load %arg12[%swap3A] {strides = array<i32>} : memref<5120xi32, #tpu.memory_space<vmem>>, vector<16xi32>,
      tpu.vector_store %arg12[%swap3A], %broadcast_in_dim3A_3 {strides = array<i32>} : memref<5120xi32, #tpu.memory_space<vmem>>, vector<16xi32>,
      %swap3A_263 = arith.index_cast %add3A_261 : i32 to index
      %swap3A_264 = tpu.vector_load %arg13[%swap3A_263] {strides = array<i32>} : memref<5120xi32, #tpu.memory_space<vmem>>, vector<16xi32>,
      tpu.vector_store %arg13[%swap3A_263], %add3A_1 {strides = array<i32>} : memref<5120xi32, #tpu.memory_space<vmem>>, vector<16xi32>,
      %mul3A_265 = arith.constant 128 : i32
      %mul3A_266 = arith.muli %add3A_257, %mul3A_265 : i32
      %add3A_267 = arith.constant 16 : i32
      %add3A_268 = arith.addi %mul3A_266, %add3A_267 : i32
      %swap3A_269 = arith.index_cast %add3A_268 : i32 to index
      %swap3A_270 = tpu.vector_load %arg12[%swap3A_269] {strides = array<i32>} : memref<5120xi32, #tpu.memory_space<vmem>>, vector<16xi32>,
      tpu.vector_store %arg12[%swap3A_269], %broadcast_in_dim3A_3 {strides = array<i32>} : memref<5120xi32, #tpu.memory_space<vmem>>, vector<16xi32>,
      %swap3A_271 = arith.index_cast %add3A_268 : i32 to index
      %swap3A_272 = tpu.vector_load %arg13[%swap3A_271] {strides = array<i32>} : memref<5120xi32, #tpu.memory_space<vmem>>, vector<16xi32>,
      tpu.vector_store %arg13[%swap3A_271], %add3A_1 {strides = array<i32>} : memref<5120xi32, #tpu.memory_space<vmem>>, vector<16xi32>,
      %mul3A_273 = arith.constant 128 : i32
      %mul3A_274 = arith.muli %add3A_257, %mul3A_273 : i32
      %add3A_275 = arith.constant 32 : i32
      %add3A_276 = arith.addi %mul3A_274, %add3A_275 : i32
      %swap3A_277 = arith.index_cast %add3A_276 : i32 to index
      %swap3A_278 = tpu.vector_load %arg12[%swap3A_277] {strides = array<i32>} : memref<5120xi32, #tpu.memory_space<vmem>>, vector<16xi32>,
      tpu.vector_store %arg12[%swap3A_277], %broadcast_in_dim3A_3 {strides = array<i32>} : memref<5120xi32, #tpu.memory_space<vmem>>, vector<16xi32>,
      %swap3A_279 = arith.index_cast %add3A_276 : i32 to index
      %swap3A_280 = tpu.vector_load %arg13[%swap3A_279] {strides = array<i32>} : memref<5120xi32, #tpu.memory_space<vmem>>, vector<16xi32>,
      tpu.vector_store %arg13[%swap3A_279], %add3A_1 {strides = array<i32>} : memref<5120xi32, #tpu.memory_space<vmem>>, vector<16xi32>,
      %mul3A_281 = arith.constant 128 : i32
      %mul3A_282 = arith.muli %add3A_257, %mul3A_281 : i32
      %add3A_283 = arith.constant 48 : i32
      %add3A_284 = arith.addi %mul3A_282, %add3A_283 : i32
      %swap3A_285 = arith.index_cast %add3A_284 : i32 to index
      %swap3A_286 = tpu.vector_load %arg12[%swap3A_285] {strides = array<i32>} : memref<5120xi32, #tpu.memory_space<vmem>>, vector<16xi32>,
      tpu.vector_store %arg12[%swap3A_285], %broadcast_in_dim3A_3 {strides = array<i32>} : memref<5120xi32, #tpu.memory_space<vmem>>, vector<16xi32>,
      %swap3A_287 = arith.index_cast %add3A_284 : i32 to index
      %swap3A_288 = tpu.vector_load %arg13[%swap3A_287] {strides = array<i32>} : memref<5120xi32, #tpu.memory_space<vmem>>, vector<16xi32>,
      tpu.vector_store %arg13[%swap3A_287], %add3A_1 {strides = array<i32>} : memref<5120xi32, #tpu.memory_space<vmem>>, vector<16xi32>,
      %mul3A_289 = arith.constant 128 : i32
      %mul3A_290 = arith.muli %add3A_257, %mul3A_289 : i32
      %add3A_291 = arith.constant 64 : i32
      %add3A_292 = arith.addi %mul3A_290, %add3A_291 : i32
      %swap3A_293 = arith.index_cast %add3A_292 : i32 to index
      %swap3A_294 = tpu.vector_load %arg12[%swap3A_293] {strides = array<i32>} : memref<5120xi32, #tpu.memory_space<vmem>>, vector<16xi32>,
      tpu.vector_store %arg12[%swap3A_293], %broadcast_in_dim3A_3 {strides = array<i32>} : memref<5120xi32, #tpu.memory_space<vmem>>, vector<16xi32>,
      %swap3A_295 = arith.index_cast %add3A_292 : i32 to index
      %swap3A_296 = tpu.vector_load %arg13[%swap3A_295] {strides = array<i32>} : memref<5120xi32, #tpu.memory_space<vmem>>, vector<16xi32>,
      tpu.vector_store %arg13[%swap3A_295], %add3A_1 {strides = array<i32>} : memref<5120xi32, #tpu.memory_space<vmem>>, vector<16xi32>,
      %mul3A_297 = arith.constant 128 : i32
      %mul3A_298 = arith.muli %add3A_257, %mul3A_297 : i32
      %add3A_299 = arith.constant 80 : i32
      %add3A_300 = arith.addi %mul3A_298, %add3A_299 : i32
      %swap3A_301 = arith.index_cast %add3A_300 : i32 to index
      %swap3A_302 = tpu.vector_load %arg12[%swap3A_301] {strides = array<i32>} : memref<5120xi32, #tpu.memory_space<vmem>>, vector<16xi32>,
      tpu.vector_store %arg12[%swap3A_301], %broadcast_in_dim3A_3 {strides = array<i32>} : memref<5120xi32, #tpu.memory_space<vmem>>, vector<16xi32>,
      %swap3A_303 = arith.index_cast %add3A_300 : i32 to index
      %swap3A_304 = tpu.vector_load %arg13[%swap3A_303] {strides = array<i32>} : memref<5120xi32, #tpu.memory_space<vmem>>, vector<16xi32>,
      tpu.vector_store %arg13[%swap3A_303], %add3A_1 {strides = array<i32>} : memref<5120xi32, #tpu.memory_space<vmem>>, vector<16xi32>,
      %mul3A_305 = arith.constant 128 : i32
      %mul3A_306 = arith.muli %add3A_257, %mul3A_305 : i32
      %add3A_307 = arith.constant 96 : i32
      %add3A_308 = arith.addi %mul3A_306, %add3A_307 : i32
      %swap3A_309 = arith.index_cast %add3A_308 : i32 to index
      %swap3A_310 = tpu.vector_load %arg12[%swap3A_309] {strides = array<i32>} : memref<5120xi32, #tpu.memory_space<vmem>>, vector<16xi32>,
      tpu.vector_store %arg12[%swap3A_309], %broadcast_in_dim3A_3 {strides = array<i32>} : memref<5120xi32, #tpu.memory_space<vmem>>, vector<16xi32>,
      %swap3A_311 = arith.index_cast %add3A_308 : i32 to index
      %swap3A_312 = tpu.vector_load %arg13[%swap3A_311] {strides = array<i32>} : memref<5120xi32, #tpu.memory_space<vmem>>, vector<16xi32>,
      tpu.vector_store %arg13[%swap3A_311], %add3A_1 {strides = array<i32>} : memref<5120xi32, #tpu.memory_space<vmem>>, vector<16xi32>,
      %mul3A_313 = arith.constant 128 : i32
      %mul3A_314 = arith.muli %add3A_257, %mul3A_313 : i32
      %add3A_315 = arith.constant 112 : i32
      %add3A_316 = arith.addi %mul3A_314, %add3A_315 : i32
      %swap3A_317 = arith.index_cast %add3A_316 : i32 to index
      %swap3A_318 = tpu.vector_load %arg12[%swap3A_317] {strides = array<i32>} : memref<5120xi32, #tpu.memory_space<vmem>>, vector<16xi32>,
      tpu.vector_store %arg12[%swap3A_317], %broadcast_in_dim3A_3 {strides = array<i32>} : memref<5120xi32, #tpu.memory_space<vmem>>, vector<16xi32>,
      %swap3A_319 = arith.index_cast %add3A_316 : i32 to index
      %swap3A_320 = tpu.vector_load %arg13[%swap3A_319] {strides = array<i32>} : memref<5120xi32, #tpu.memory_space<vmem>>, vector<16xi32>,
      tpu.vector_store %arg13[%swap3A_319], %add3A_1 {strides = array<i32>} : memref<5120xi32, #tpu.memory_space<vmem>>, vector<16xi32>,
    }
    %scan3A_7 = arith.constant 40 : i32
    %scan3A_8 = arith.constant 0 : i32
    %scan3A_9 = arith.constant 0 : i32
    %scan3A_10 = arith.constant 40 : i32
    %scan3A_11 = arith.addi %scan3A_9, %scan3A_10 : i32
    %scan3A_12 = arith.constant 1 : i32
    %scan3A_13 = scf.for %scan3A_253 = %scan3A_9 to %scan3A_11 step %scan3A_12 iter_args(%scan3A_254 = %scan3A_8) -> (i32)  : i32 {
      %get3A = arith.index_cast %scan3A_253 : i32 to index
      %get3A_255 = arith.constant 0 : index
      %get3A_256 = tpu.vector_load %arg9[%get3A, %get3A_255] {strides = array<i32>} : memref<80x128xi32, #tpu.memory_space<vmem>>, vector<16xi32>,
      %get3A_257 = arith.index_cast %scan3A_253 : i32 to index
      %get3A_258 = arith.constant 0 : index
      %get3A_259 = tpu.vector_load %arg8[%get3A_257, %get3A_258] {strides = array<i32>} : memref<80x128xi32, #tpu.memory_space<vmem>>, vector<16xi32>,
      %lt3A_260 = arith.constant 5120 : i32
      %lt3A_261 = vector.broadcast %lt3A_260 : i32 to vector<16xi32>
      %lt3A_262 = arith.cmpi slt, %get3A_256, %lt3A_261 : vector<16xi32>
      %swap3A = arith.index_cast %scan3A_254 : i32 to index
      %swap3A_263 = tpu.vector_load %arg12[%swap3A] masked %lt3A_262 {strides = array<i32>} : memref<5120xi32, #tpu.memory_space<vmem>>, vector<16xi32>, vector<16xi1>
      tpu.vector_store %arg12[%swap3A], %get3A_259 masked %lt3A_262 {strides = array<i32>} : memref<5120xi32, #tpu.memory_space<vmem>>, vector<16xi32>, vector<16xi1>
      %swap3A_264 = arith.index_cast %scan3A_254 : i32 to index
      %swap3A_265 = tpu.vector_load %arg13[%swap3A_264] masked %lt3A_262 {strides = array<i32>} : memref<5120xi32, #tpu.memory_space<vmem>>, vector<16xi32>, vector<16xi1>
      tpu.vector_store %arg13[%swap3A_264], %get3A_256 masked %lt3A_262 {strides = array<i32>} : memref<5120xi32, #tpu.memory_space<vmem>>, vector<16xi32>, vector<16xi1>
      %convert_element_type3A_266 = arith.extui %lt3A_262 : vector<16xi1> to vector<16xi32>
      %reduce_sum3A = arith.constant true
      %reduce_sum3A_267 = vector.broadcast %reduce_sum3A : i1 to vector<16xi1>
      %reduce_sum3A_268 = tpu.scan <sum>, %convert_element_type3A_266 masked %reduce_sum3A_267 : vector<16xi32>, vector<16xi1> -> vector<16xi32>
      %reduce_sum3A_269 = vector.extract %reduce_sum3A_268[15] : i32 from vector<16xi32>
      %add3A_270 = arith.addi %scan3A_254, %reduce_sum3A_269 : i32
      %get3A_271 = arith.index_cast %scan3A_253 : i32 to index
      %get3A_272 = arith.constant 16 : index
      %get3A_273 = tpu.vector_load %arg9[%get3A_271, %get3A_272] {strides = array<i32>} : memref<80x128xi32, #tpu.memory_space<vmem>>, vector<16xi32>,
      %get3A_274 = arith.index_cast %scan3A_253 : i32 to index
      %get3A_275 = arith.constant 16 : index
      %get3A_276 = tpu.vector_load %arg8[%get3A_274, %get3A_275] {strides = array<i32>} : memref<80x128xi32, #tpu.memory_space<vmem>>, vector<16xi32>,
      %lt3A_277 = arith.constant 5120 : i32
      %lt3A_278 = vector.broadcast %lt3A_277 : i32 to vector<16xi32>
      %lt3A_279 = arith.cmpi slt, %get3A_273, %lt3A_278 : vector<16xi32>
      %swap3A_280 = arith.index_cast %add3A_270 : i32 to index
      %swap3A_281 = tpu.vector_load %arg12[%swap3A_280] masked %lt3A_279 {strides = array<i32>} : memref<5120xi32, #tpu.memory_space<vmem>>, vector<16xi32>, vector<16xi1>
      tpu.vector_store %arg12[%swap3A_280], %get3A_276 masked %lt3A_279 {strides = array<i32>} : memref<5120xi32, #tpu.memory_space<vmem>>, vector<16xi32>, vector<16xi1>
      %swap3A_282 = arith.index_cast %add3A_270 : i32 to index
      %swap3A_283 = tpu.vector_load %arg13[%swap3A_282] masked %lt3A_279 {strides = array<i32>} : memref<5120xi32, #tpu.memory_space<vmem>>, vector<16xi32>, vector<16xi1>
      tpu.vector_store %arg13[%swap3A_282], %get3A_273 masked %lt3A_279 {strides = array<i32>} : memref<5120xi32, #tpu.memory_space<vmem>>, vector<16xi32>, vector<16xi1>
      %convert_element_type3A_284 = arith.extui %lt3A_279 : vector<16xi1> to vector<16xi32>
      %reduce_sum3A_285 = arith.constant true
      %reduce_sum3A_286 = vector.broadcast %reduce_sum3A_285 : i1 to vector<16xi1>
      %reduce_sum3A_287 = tpu.scan <sum>, %convert_element_type3A_284 masked %reduce_sum3A_286 : vector<16xi32>, vector<16xi1> -> vector<16xi32>
      %reduce_sum3A_288 = vector.extract %reduce_sum3A_287[15] : i32 from vector<16xi32>
      %add3A_289 = arith.addi %add3A_270, %reduce_sum3A_288 : i32
      %get3A_290 = arith.index_cast %scan3A_253 : i32 to index
      %get3A_291 = arith.constant 32 : index
      %get3A_292 = tpu.vector_load %arg9[%get3A_290, %get3A_291] {strides = array<i32>} : memref<80x128xi32, #tpu.memory_space<vmem>>, vector<16xi32>,
      %get3A_293 = arith.index_cast %scan3A_253 : i32 to index
      %get3A_294 = arith.constant 32 : index
      %get3A_295 = tpu.vector_load %arg8[%get3A_293, %get3A_294] {strides = array<i32>} : memref<80x128xi32, #tpu.memory_space<vmem>>, vector<16xi32>,
      %lt3A_296 = arith.constant 5120 : i32
      %lt3A_297 = vector.broadcast %lt3A_296 : i32 to vector<16xi32>
      %lt3A_298 = arith.cmpi slt, %get3A_292, %lt3A_297 : vector<16xi32>
      %swap3A_299 = arith.index_cast %add3A_289 : i32 to index
      %swap3A_300 = tpu.vector_load %arg12[%swap3A_299] masked %lt3A_298 {strides = array<i32>} : memref<5120xi32, #tpu.memory_space<vmem>>, vector<16xi32>, vector<16xi1>
      tpu.vector_store %arg12[%swap3A_299], %get3A_295 masked %lt3A_298 {strides = array<i32>} : memref<5120xi32, #tpu.memory_space<vmem>>, vector<16xi32>, vector<16xi1>
      %swap3A_301 = arith.index_cast %add3A_289 : i32 to index
      %swap3A_302 = tpu.vector_load %arg13[%swap3A_301] masked %lt3A_298 {strides = array<i32>} : memref<5120xi32, #tpu.memory_space<vmem>>, vector<16xi32>, vector<16xi1>
      tpu.vector_store %arg13[%swap3A_301], %get3A_292 masked %lt3A_298 {strides = array<i32>} : memref<5120xi32, #tpu.memory_space<vmem>>, vector<16xi32>, vector<16xi1>
      %convert_element_type3A_303 = arith.extui %lt3A_298 : vector<16xi1> to vector<16xi32>
      %reduce_sum3A_304 = arith.constant true
      %reduce_sum3A_305 = vector.broadcast %reduce_sum3A_304 : i1 to vector<16xi1>
      %reduce_sum3A_306 = tpu.scan <sum>, %convert_element_type3A_303 masked %reduce_sum3A_305 : vector<16xi32>, vector<16xi1> -> vector<16xi32>
      %reduce_sum3A_307 = vector.extract %reduce_sum3A_306[15] : i32 from vector<16xi32>
      %add3A_308 = arith.addi %add3A_289, %reduce_sum3A_307 : i32
      %get3A_309 = arith.index_cast %scan3A_253 : i32 to index
      %get3A_310 = arith.constant 48 : index
      %get3A_311 = tpu.vector_load %arg9[%get3A_309, %get3A_310] {strides = array<i32>} : memref<80x128xi32, #tpu.memory_space<vmem>>, vector<16xi32>,
      %get3A_312 = arith.index_cast %scan3A_253 : i32 to index
      %get3A_313 = arith.constant 48 : index
      %get3A_314 = tpu.vector_load %arg8[%get3A_312, %get3A_313] {strides = array<i32>} : memref<80x128xi32, #tpu.memory_space<vmem>>, vector<16xi32>,
      %lt3A_315 = arith.constant 5120 : i32
      %lt3A_316 = vector.broadcast %lt3A_315 : i32 to vector<16xi32>
      %lt3A_317 = arith.cmpi slt, %get3A_311, %lt3A_316 : vector<16xi32>
      %swap3A_318 = arith.index_cast %add3A_308 : i32 to index
      %swap3A_319 = tpu.vector_load %arg12[%swap3A_318] masked %lt3A_317 {strides = array<i32>} : memref<5120xi32, #tpu.memory_space<vmem>>, vector<16xi32>, vector<16xi1>
      tpu.vector_store %arg12[%swap3A_318], %get3A_314 masked %lt3A_317 {strides = array<i32>} : memref<5120xi32, #tpu.memory_space<vmem>>, vector<16xi32>, vector<16xi1>
      %swap3A_320 = arith.index_cast %add3A_308 : i32 to index
      %swap3A_321 = tpu.vector_load %arg13[%swap3A_320] masked %lt3A_317 {strides = array<i32>} : memref<5120xi32, #tpu.memory_space<vmem>>, vector<16xi32>, vector<16xi1>
      tpu.vector_store %arg13[%swap3A_320], %get3A_311 masked %lt3A_317 {strides = array<i32>} : memref<5120xi32, #tpu.memory_space<vmem>>, vector<16xi32>, vector<16xi1>
      %convert_element_type3A_322 = arith.extui %lt3A_317 : vector<16xi1> to vector<16xi32>
      %reduce_sum3A_323 = arith.constant true
      %reduce_sum3A_324 = vector.broadcast %reduce_sum3A_323 : i1 to vector<16xi1>
      %reduce_sum3A_325 = tpu.scan <sum>, %convert_element_type3A_322 masked %reduce_sum3A_324 : vector<16xi32>, vector<16xi1> -> vector<16xi32>
      %reduce_sum3A_326 = vector.extract %reduce_sum3A_325[15] : i32 from vector<16xi32>
      %add3A_327 = arith.addi %add3A_308, %reduce_sum3A_326 : i32
      %get3A_328 = arith.index_cast %scan3A_253 : i32 to index
      %get3A_329 = arith.constant 64 : index
      %get3A_330 = tpu.vector_load %arg9[%get3A_328, %get3A_329] {strides = array<i32>} : memref<80x128xi32, #tpu.memory_space<vmem>>, vector<16xi32>,
      %get3A_331 = arith.index_cast %scan3A_253 : i32 to index
      %get3A_332 = arith.constant 64 : index
      %get3A_333 = tpu.vector_load %arg8[%get3A_331, %get3A_332] {strides = array<i32>} : memref<80x128xi32, #tpu.memory_space<vmem>>, vector<16xi32>,
      %lt3A_334 = arith.constant 5120 : i32
      %lt3A_335 = vector.broadcast %lt3A_334 : i32 to vector<16xi32>
      %lt3A_336 = arith.cmpi slt, %get3A_330, %lt3A_335 : vector<16xi32>
      %swap3A_337 = arith.index_cast %add3A_327 : i32 to index
      %swap3A_338 = tpu.vector_load %arg12[%swap3A_337] masked %lt3A_336 {strides = array<i32>} : memref<5120xi32, #tpu.memory_space<vmem>>, vector<16xi32>, vector<16xi1>
      tpu.vector_store %arg12[%swap3A_337], %get3A_333 masked %lt3A_336 {strides = array<i32>} : memref<5120xi32, #tpu.memory_space<vmem>>, vector<16xi32>, vector<16xi1>
      %swap3A_339 = arith.index_cast %add3A_327 : i32 to index
      %swap3A_340 = tpu.vector_load %arg13[%swap3A_339] masked %lt3A_336 {strides = array<i32>} : memref<5120xi32, #tpu.memory_space<vmem>>, vector<16xi32>, vector<16xi1>
      tpu.vector_store %arg13[%swap3A_339], %get3A_330 masked %lt3A_336 {strides = array<i32>} : memref<5120xi32, #tpu.memory_space<vmem>>, vector<16xi32>, vector<16xi1>
      %convert_element_type3A_341 = arith.extui %lt3A_336 : vector<16xi1> to vector<16xi32>
      %reduce_sum3A_342 = arith.constant true
      %reduce_sum3A_343 = vector.broadcast %reduce_sum3A_342 : i1 to vector<16xi1>
      %reduce_sum3A_344 = tpu.scan <sum>, %convert_element_type3A_341 masked %reduce_sum3A_343 : vector<16xi32>, vector<16xi1> -> vector<16xi32>
      %reduce_sum3A_345 = vector.extract %reduce_sum3A_344[15] : i32 from vector<16xi32>
      %add3A_346 = arith.addi %add3A_327, %reduce_sum3A_345 : i32
      %get3A_347 = arith.index_cast %scan3A_253 : i32 to index
      %get3A_348 = arith.constant 80 : index
      %get3A_349 = tpu.vector_load %arg9[%get3A_347, %get3A_348] {strides = array<i32>} : memref<80x128xi32, #tpu.memory_space<vmem>>, vector<16xi32>,
      %get3A_350 = arith.index_cast %scan3A_253 : i32 to index
      %get3A_351 = arith.constant 80 : index
      %get3A_352 = tpu.vector_load %arg8[%get3A_350, %get3A_351] {strides = array<i32>} : memref<80x128xi32, #tpu.memory_space<vmem>>, vector<16xi32>,
      %lt3A_353 = arith.constant 5120 : i32
      %lt3A_354 = vector.broadcast %lt3A_353 : i32 to vector<16xi32>
      %lt3A_355 = arith.cmpi slt, %get3A_349, %lt3A_354 : vector<16xi32>
      %swap3A_356 = arith.index_cast %add3A_346 : i32 to index
      %swap3A_357 = tpu.vector_load %arg12[%swap3A_356] masked %lt3A_355 {strides = array<i32>} : memref<5120xi32, #tpu.memory_space<vmem>>, vector<16xi32>, vector<16xi1>
      tpu.vector_store %arg12[%swap3A_356], %get3A_352 masked %lt3A_355 {strides = array<i32>} : memref<5120xi32, #tpu.memory_space<vmem>>, vector<16xi32>, vector<16xi1>
      %swap3A_358 = arith.index_cast %add3A_346 : i32 to index
      %swap3A_359 = tpu.vector_load %arg13[%swap3A_358] masked %lt3A_355 {strides = array<i32>} : memref<5120xi32, #tpu.memory_space<vmem>>, vector<16xi32>, vector<16xi1>
      tpu.vector_store %arg13[%swap3A_358], %get3A_349 masked %lt3A_355 {strides = array<i32>} : memref<5120xi32, #tpu.memory_space<vmem>>, vector<16xi32>, vector<16xi1>
      %convert_element_type3A_360 = arith.extui %lt3A_355 : vector<16xi1> to vector<16xi32>
      %reduce_sum3A_361 = arith.constant true
      %reduce_sum3A_362 = vector.broadcast %reduce_sum3A_361 : i1 to vector<16xi1>
      %reduce_sum3A_363 = tpu.scan <sum>, %convert_element_type3A_360 masked %reduce_sum3A_362 : vector<16xi32>, vector<16xi1> -> vector<16xi32>
      %reduce_sum3A_364 = vector.extract %reduce_sum3A_363[15] : i32 from vector<16xi32>
      %add3A_365 = arith.addi %add3A_346, %reduce_sum3A_364 : i32
      %get3A_366 = arith.index_cast %scan3A_253 : i32 to index
      %get3A_367 = arith.constant 96 : index
      %get3A_368 = tpu.vector_load %arg9[%get3A_366, %get3A_367] {strides = array<i32>} : memref<80x128xi32, #tpu.memory_space<vmem>>, vector<16xi32>,
      %get3A_369 = arith.index_cast %scan3A_253 : i32 to index
      %get3A_370 = arith.constant 96 : index
      %get3A_371 = tpu.vector_load %arg8[%get3A_369, %get3A_370] {strides = array<i32>} : memref<80x128xi32, #tpu.memory_space<vmem>>, vector<16xi32>,
      %lt3A_372 = arith.constant 5120 : i32
      %lt3A_373 = vector.broadcast %lt3A_372 : i32 to vector<16xi32>
      %lt3A_374 = arith.cmpi slt, %get3A_368, %lt3A_373 : vector<16xi32>
      %swap3A_375 = arith.index_cast %add3A_365 : i32 to index
      %swap3A_376 = tpu.vector_load %arg12[%swap3A_375] masked %lt3A_374 {strides = array<i32>} : memref<5120xi32, #tpu.memory_space<vmem>>, vector<16xi32>, vector<16xi1>
      tpu.vector_store %arg12[%swap3A_375], %get3A_371 masked %lt3A_374 {strides = array<i32>} : memref<5120xi32, #tpu.memory_space<vmem>>, vector<16xi32>, vector<16xi1>
      %swap3A_377 = arith.index_cast %add3A_365 : i32 to index
      %swap3A_378 = tpu.vector_load %arg13[%swap3A_377] masked %lt3A_374 {strides = array<i32>} : memref<5120xi32, #tpu.memory_space<vmem>>, vector<16xi32>, vector<16xi1>
      tpu.vector_store %arg13[%swap3A_377], %get3A_368 masked %lt3A_374 {strides = array<i32>} : memref<5120xi32, #tpu.memory_space<vmem>>, vector<16xi32>, vector<16xi1>
      %convert_element_type3A_379 = arith.extui %lt3A_374 : vector<16xi1> to vector<16xi32>
      %reduce_sum3A_380 = arith.constant true
      %reduce_sum3A_381 = vector.broadcast %reduce_sum3A_380 : i1 to vector<16xi1>
      %reduce_sum3A_382 = tpu.scan <sum>, %convert_element_type3A_379 masked %reduce_sum3A_381 : vector<16xi32>, vector<16xi1> -> vector<16xi32>
      %reduce_sum3A_383 = vector.extract %reduce_sum3A_382[15] : i32 from vector<16xi32>
      %add3A_384 = arith.addi %add3A_365, %reduce_sum3A_383 : i32
      %get3A_385 = arith.index_cast %scan3A_253 : i32 to index
      %get3A_386 = arith.constant 112 : index
      %get3A_387 = tpu.vector_load %arg9[%get3A_385, %get3A_386] {strides = array<i32>} : memref<80x128xi32, #tpu.memory_space<vmem>>, vector<16xi32>,
      %get3A_388 = arith.index_cast %scan3A_253 : i32 to index
      %get3A_389 = arith.constant 112 : index
      %get3A_390 = tpu.vector_load %arg8[%get3A_388, %get3A_389] {strides = array<i32>} : memref<80x128xi32, #tpu.memory_space<vmem>>, vector<16xi32>,
      %lt3A_391 = arith.constant 5120 : i32
      %lt3A_392 = vector.broadcast %lt3A_391 : i32 to vector<16xi32>
      %lt3A_393 = arith.cmpi slt, %get3A_387, %lt3A_392 : vector<16xi32>
      %swap3A_394 = arith.index_cast %add3A_384 : i32 to index
      %swap3A_395 = tpu.vector_load %arg12[%swap3A_394] masked %lt3A_393 {strides = array<i32>} : memref<5120xi32, #tpu.memory_space<vmem>>, vector<16xi32>, vector<16xi1>
      tpu.vector_store %arg12[%swap3A_394], %get3A_390 masked %lt3A_393 {strides = array<i32>} : memref<5120xi32, #tpu.memory_space<vmem>>, vector<16xi32>, vector<16xi1>
      %swap3A_396 = arith.index_cast %add3A_384 : i32 to index
      %swap3A_397 = tpu.vector_load %arg13[%swap3A_396] masked %lt3A_393 {strides = array<i32>} : memref<5120xi32, #tpu.memory_space<vmem>>, vector<16xi32>, vector<16xi1>
      tpu.vector_store %arg13[%swap3A_396], %get3A_387 masked %lt3A_393 {strides = array<i32>} : memref<5120xi32, #tpu.memory_space<vmem>>, vector<16xi32>, vector<16xi1>
      %convert_element_type3A_398 = arith.extui %lt3A_393 : vector<16xi1> to vector<16xi32>
      %reduce_sum3A_399 = arith.constant true
      %reduce_sum3A_400 = vector.broadcast %reduce_sum3A_399 : i1 to vector<16xi1>
      %reduce_sum3A_401 = tpu.scan <sum>, %convert_element_type3A_398 masked %reduce_sum3A_400 : vector<16xi32>, vector<16xi1> -> vector<16xi32>
      %reduce_sum3A_402 = vector.extract %reduce_sum3A_401[15] : i32 from vector<16xi32>
      %add3A_403 = arith.addi %add3A_384, %reduce_sum3A_402 : i32
      scf.yield %add3A_403 : i32
    }
    %scan3A_14 = arith.constant 40 : i32
    %add3A_15 = arith.constant 255 : i32
    %add3A_16 = arith.addi %scan3A_13, %add3A_15 : i32
    %div3A = arith.constant 256 : i32
    %div3A_17 = arith.divsi %add3A_16, %div3A : i32
    %mul3A = arith.constant 2 : i32
    %mul3A_18 = arith.muli %div3A_17, %mul3A : i32
    %max3A = arith.constant 2 : i32
    %max3A_19 = arith.maxsi %mul3A_18, %max3A : i32
    %sub3A = arith.constant 0 : i32
    %sub3A_20 = arith.subi %max3A_19, %sub3A : i32
    %sub3A_21 = arith.constant 1 : i32
    %sub3A_22 = arith.constant 1 : i32
    %sub3A_23 = arith.subi %sub3A_21, %sub3A_22 : i32
    %add3A_24 = arith.addi %sub3A_20, %sub3A_23 : i32
    %div3A_25 = arith.constant 1 : i32
    %div3A_26 = arith.divsi %add3A_24, %div3A_25 : i32
    %while3A = arith.constant 1 : i32
    %while3A_27 = arith.constant 0 : i32
    %while3A_28 = arith.constant 0 : i32
    %while3A_29 = arith.subi %div3A_26, %while3A_28 : i32
    %while3A_30 = arith.addi %while3A_28, %while3A_29 : i32
    %while3A_31 = arith.constant 1 : i32
    %while3A_32 = arith.divsi %while3A_29, %while3A_31 : i32
    %while3A_33 = arith.muli %while3A_32, %while3A_31 : i32
    %while3A_34 = arith.addi %while3A_28, %while3A_33 : i32
    %while3A_35 = arith.constant 1 : i32
    scf.for %while3A_253 = %while3A_28 to %while3A_34 step %while3A_35  : i32 {
      %mul3A_254 = arith.muli %while3A_253, %while3A : i32
      %add3A_255 = arith.addi %while3A_27, %mul3A_254 : i32
      %mul3A_256 = arith.constant 128 : i32
      %mul3A_257 = arith.muli %add3A_255, %mul3A_256 : i32
      %add3A_258 = arith.constant 0 : i32
      %add3A_259 = arith.addi %mul3A_257, %add3A_258 : i32
      %get3A = arith.index_cast %add3A_259 : i32 to index
      %get3A_260 = tpu.vector_load %arg12[%get3A] {strides = array<i32>} : memref<5120xi32, #tpu.memory_space<vmem>>, vector<16xi32>,
      %add3A_261 = arith.constant 0 : i32
      %add3A_262 = arith.addi %add3A_261, %add3A_255 : i32
      %swap3A = arith.index_cast %add3A_262 : i32 to index
      %swap3A_263 = arith.constant 0 : index
      %swap3A_264 = tpu.vector_load %arg10[%swap3A, %swap3A_263] {strides = array<i32>} : memref<80x128xi32, #tpu.memory_space<vmem>>, vector<16xi32>,
      tpu.vector_store %arg10[%swap3A, %swap3A_263], %get3A_260 {strides = array<i32>} : memref<80x128xi32, #tpu.memory_space<vmem>>, vector<16xi32>,
      %get3A_265 = arith.index_cast %add3A_259 : i32 to index
      %get3A_266 = tpu.vector_load %arg13[%get3A_265] {strides = array<i32>} : memref<5120xi32, #tpu.memory_space<vmem>>, vector<16xi32>,
      %add3A_267 = arith.constant 0 : i32
      %add3A_268 = arith.addi %add3A_267, %add3A_255 : i32
      %swap3A_269 = arith.index_cast %add3A_268 : i32 to index
      %swap3A_270 = arith.constant 0 : index
      %swap3A_271 = tpu.vector_load %arg11[%swap3A_269, %swap3A_270] {strides = array<i32>} : memref<80x128xi32, #tpu.memory_space<vmem>>, vector<16xi32>,
      tpu.vector_store %arg11[%swap3A_269, %swap3A_270], %get3A_266 {strides = array<i32>} : memref<80x128xi32, #tpu.memory_space<vmem>>, vector<16xi32>,
      %mul3A_272 = arith.constant 128 : i32
      %mul3A_273 = arith.muli %add3A_255, %mul3A_272 : i32
      %add3A_274 = arith.constant 16 : i32
      %add3A_275 = arith.addi %mul3A_273, %add3A_274 : i32
      %get3A_276 = arith.index_cast %add3A_275 : i32 to index
      %get3A_277 = tpu.vector_load %arg12[%get3A_276] {strides = array<i32>} : memref<5120xi32, #tpu.memory_space<vmem>>, vector<16xi32>,
      %add3A_278 = arith.constant 0 : i32
      %add3A_279 = arith.addi %add3A_278, %add3A_255 : i32
      %swap3A_280 = arith.index_cast %add3A_279 : i32 to index
      %swap3A_281 = arith.constant 16 : index
      %swap3A_282 = tpu.vector_load %arg10[%swap3A_280, %swap3A_281] {strides = array<i32>} : memref<80x128xi32, #tpu.memory_space<vmem>>, vector<16xi32>,
      tpu.vector_store %arg10[%swap3A_280, %swap3A_281], %get3A_277 {strides = array<i32>} : memref<80x128xi32, #tpu.memory_space<vmem>>, vector<16xi32>,
      %get3A_283 = arith.index_cast %add3A_275 : i32 to index
      %get3A_284 = tpu.vector_load %arg13[%get3A_283] {strides = array<i32>} : memref<5120xi32, #tpu.memory_space<vmem>>, vector<16xi32>,
      %add3A_285 = arith.constant 0 : i32
      %add3A_286 = arith.addi %add3A_285, %add3A_255 : i32
      %swap3A_287 = arith.index_cast %add3A_286 : i32 to index
      %swap3A_288 = arith.constant 16 : index
      %swap3A_289 = tpu.vector_load %arg11[%swap3A_287, %swap3A_288] {strides = array<i32>} : memref<80x128xi32, #tpu.memory_space<vmem>>, vector<16xi32>,
      tpu.vector_store %arg11[%swap3A_287, %swap3A_288], %get3A_284 {strides = array<i32>} : memref<80x128xi32, #tpu.memory_space<vmem>>, vector<16xi32>,
      %mul3A_290 = arith.constant 128 : i32
      %mul3A_291 = arith.muli %add3A_255, %mul3A_290 : i32
      %add3A_292 = arith.constant 32 : i32
      %add3A_293 = arith.addi %mul3A_291, %add3A_292 : i32
      %get3A_294 = arith.index_cast %add3A_293 : i32 to index
      %get3A_295 = tpu.vector_load %arg12[%get3A_294] {strides = array<i32>} : memref<5120xi32, #tpu.memory_space<vmem>>, vector<16xi32>,
      %add3A_296 = arith.constant 0 : i32
      %add3A_297 = arith.addi %add3A_296, %add3A_255 : i32
      %swap3A_298 = arith.index_cast %add3A_297 : i32 to index
      %swap3A_299 = arith.constant 32 : index
      %swap3A_300 = tpu.vector_load %arg10[%swap3A_298, %swap3A_299] {strides = array<i32>} : memref<80x128xi32, #tpu.memory_space<vmem>>, vector<16xi32>,
      tpu.vector_store %arg10[%swap3A_298, %swap3A_299], %get3A_295 {strides = array<i32>} : memref<80x128xi32, #tpu.memory_space<vmem>>, vector<16xi32>,
      %get3A_301 = arith.index_cast %add3A_293 : i32 to index
      %get3A_302 = tpu.vector_load %arg13[%get3A_301] {strides = array<i32>} : memref<5120xi32, #tpu.memory_space<vmem>>, vector<16xi32>,
      %add3A_303 = arith.constant 0 : i32
      %add3A_304 = arith.addi %add3A_303, %add3A_255 : i32
      %swap3A_305 = arith.index_cast %add3A_304 : i32 to index
      %swap3A_306 = arith.constant 32 : index
      %swap3A_307 = tpu.vector_load %arg11[%swap3A_305, %swap3A_306] {strides = array<i32>} : memref<80x128xi32, #tpu.memory_space<vmem>>, vector<16xi32>,
      tpu.vector_store %arg11[%swap3A_305, %swap3A_306], %get3A_302 {strides = array<i32>} : memref<80x128xi32, #tpu.memory_space<vmem>>, vector<16xi32>,
      %mul3A_308 = arith.constant 128 : i32
      %mul3A_309 = arith.muli %add3A_255, %mul3A_308 : i32
      %add3A_310 = arith.constant 48 : i32
      %add3A_311 = arith.addi %mul3A_309, %add3A_310 : i32
      %get3A_312 = arith.index_cast %add3A_311 : i32 to index
      %get3A_313 = tpu.vector_load %arg12[%get3A_312] {strides = array<i32>} : memref<5120xi32, #tpu.memory_space<vmem>>, vector<16xi32>,
      %add3A_314 = arith.constant 0 : i32
      %add3A_315 = arith.addi %add3A_314, %add3A_255 : i32
      %swap3A_316 = arith.index_cast %add3A_315 : i32 to index
      %swap3A_317 = arith.constant 48 : index
      %swap3A_318 = tpu.vector_load %arg10[%swap3A_316, %swap3A_317] {strides = array<i32>} : memref<80x128xi32, #tpu.memory_space<vmem>>, vector<16xi32>,
      tpu.vector_store %arg10[%swap3A_316, %swap3A_317], %get3A_313 {strides = array<i32>} : memref<80x128xi32, #tpu.memory_space<vmem>>, vector<16xi32>,
      %get3A_319 = arith.index_cast %add3A_311 : i32 to index
      %get3A_320 = tpu.vector_load %arg13[%get3A_319] {strides = array<i32>} : memref<5120xi32, #tpu.memory_space<vmem>>, vector<16xi32>,
      %add3A_321 = arith.constant 0 : i32
      %add3A_322 = arith.addi %add3A_321, %add3A_255 : i32
      %swap3A_323 = arith.index_cast %add3A_322 : i32 to index
      %swap3A_324 = arith.constant 48 : index
      %swap3A_325 = tpu.vector_load %arg11[%swap3A_323, %swap3A_324] {strides = array<i32>} : memref<80x128xi32, #tpu.memory_space<vmem>>, vector<16xi32>,
      tpu.vector_store %arg11[%swap3A_323, %swap3A_324], %get3A_320 {strides = array<i32>} : memref<80x128xi32, #tpu.memory_space<vmem>>, vector<16xi32>,
      %mul3A_326 = arith.constant 128 : i32
      %mul3A_327 = arith.muli %add3A_255, %mul3A_326 : i32
      %add3A_328 = arith.constant 64 : i32
      %add3A_329 = arith.addi %mul3A_327, %add3A_328 : i32
      %get3A_330 = arith.index_cast %add3A_329 : i32 to index
      %get3A_331 = tpu.vector_load %arg12[%get3A_330] {strides = array<i32>} : memref<5120xi32, #tpu.memory_space<vmem>>, vector<16xi32>,
      %add3A_332 = arith.constant 0 : i32
      %add3A_333 = arith.addi %add3A_332, %add3A_255 : i32
      %swap3A_334 = arith.index_cast %add3A_333 : i32 to index
      %swap3A_335 = arith.constant 64 : index
      %swap3A_336 = tpu.vector_load %arg10[%swap3A_334, %swap3A_335] {strides = array<i32>} : memref<80x128xi32, #tpu.memory_space<vmem>>, vector<16xi32>,
      tpu.vector_store %arg10[%swap3A_334, %swap3A_335], %get3A_331 {strides = array<i32>} : memref<80x128xi32, #tpu.memory_space<vmem>>, vector<16xi32>,
      %get3A_337 = arith.index_cast %add3A_329 : i32 to index
      %get3A_338 = tpu.vector_load %arg13[%get3A_337] {strides = array<i32>} : memref<5120xi32, #tpu.memory_space<vmem>>, vector<16xi32>,
      %add3A_339 = arith.constant 0 : i32
      %add3A_340 = arith.addi %add3A_339, %add3A_255 : i32
      %swap3A_341 = arith.index_cast %add3A_340 : i32 to index
      %swap3A_342 = arith.constant 64 : index
      %swap3A_343 = tpu.vector_load %arg11[%swap3A_341, %swap3A_342] {strides = array<i32>} : memref<80x128xi32, #tpu.memory_space<vmem>>, vector<16xi32>,
      tpu.vector_store %arg11[%swap3A_341, %swap3A_342], %get3A_338 {strides = array<i32>} : memref<80x128xi32, #tpu.memory_space<vmem>>, vector<16xi32>,
      %mul3A_344 = arith.constant 128 : i32
      %mul3A_345 = arith.muli %add3A_255, %mul3A_344 : i32
      %add3A_346 = arith.constant 80 : i32
      %add3A_347 = arith.addi %mul3A_345, %add3A_346 : i32
      %get3A_348 = arith.index_cast %add3A_347 : i32 to index
      %get3A_349 = tpu.vector_load %arg12[%get3A_348] {strides = array<i32>} : memref<5120xi32, #tpu.memory_space<vmem>>, vector<16xi32>,
      %add3A_350 = arith.constant 0 : i32
      %add3A_351 = arith.addi %add3A_350, %add3A_255 : i32
      %swap3A_352 = arith.index_cast %add3A_351 : i32 to index
      %swap3A_353 = arith.constant 80 : index
      %swap3A_354 = tpu.vector_load %arg10[%swap3A_352, %swap3A_353] {strides = array<i32>} : memref<80x128xi32, #tpu.memory_space<vmem>>, vector<16xi32>,
      tpu.vector_store %arg10[%swap3A_352, %swap3A_353], %get3A_349 {strides = array<i32>} : memref<80x128xi32, #tpu.memory_space<vmem>>, vector<16xi32>,
      %get3A_355 = arith.index_cast %add3A_347 : i32 to index
      %get3A_356 = tpu.vector_load %arg13[%get3A_355] {strides = array<i32>} : memref<5120xi32, #tpu.memory_space<vmem>>, vector<16xi32>,
      %add3A_357 = arith.constant 0 : i32
      %add3A_358 = arith.addi %add3A_357, %add3A_255 : i32
      %swap3A_359 = arith.index_cast %add3A_358 : i32 to index
      %swap3A_360 = arith.constant 80 : index
      %swap3A_361 = tpu.vector_load %arg11[%swap3A_359, %swap3A_360] {strides = array<i32>} : memref<80x128xi32, #tpu.memory_space<vmem>>, vector<16xi32>,
      tpu.vector_store %arg11[%swap3A_359, %swap3A_360], %get3A_356 {strides = array<i32>} : memref<80x128xi32, #tpu.memory_space<vmem>>, vector<16xi32>,
      %mul3A_362 = arith.constant 128 : i32
      %mul3A_363 = arith.muli %add3A_255, %mul3A_362 : i32
      %add3A_364 = arith.constant 96 : i32
      %add3A_365 = arith.addi %mul3A_363, %add3A_364 : i32
      %get3A_366 = arith.index_cast %add3A_365 : i32 to index
      %get3A_367 = tpu.vector_load %arg12[%get3A_366] {strides = array<i32>} : memref<5120xi32, #tpu.memory_space<vmem>>, vector<16xi32>,
      %add3A_368 = arith.constant 0 : i32
      %add3A_369 = arith.addi %add3A_368, %add3A_255 : i32
      %swap3A_370 = arith.index_cast %add3A_369 : i32 to index
      %swap3A_371 = arith.constant 96 : index
      %swap3A_372 = tpu.vector_load %arg10[%swap3A_370, %swap3A_371] {strides = array<i32>} : memref<80x128xi32, #tpu.memory_space<vmem>>, vector<16xi32>,
      tpu.vector_store %arg10[%swap3A_370, %swap3A_371], %get3A_367 {strides = array<i32>} : memref<80x128xi32, #tpu.memory_space<vmem>>, vector<16xi32>,
      %get3A_373 = arith.index_cast %add3A_365 : i32 to index
      %get3A_374 = tpu.vector_load %arg13[%get3A_373] {strides = array<i32>} : memref<5120xi32, #tpu.memory_space<vmem>>, vector<16xi32>,
      %add3A_375 = arith.constant 0 : i32
      %add3A_376 = arith.addi %add3A_375, %add3A_255 : i32
      %swap3A_377 = arith.index_cast %add3A_376 : i32 to index
      %swap3A_378 = arith.constant 96 : index
      %swap3A_379 = tpu.vector_load %arg11[%swap3A_377, %swap3A_378] {strides = array<i32>} : memref<80x128xi32, #tpu.memory_space<vmem>>, vector<16xi32>,
      tpu.vector_store %arg11[%swap3A_377, %swap3A_378], %get3A_374 {strides = array<i32>} : memref<80x128xi32, #tpu.memory_space<vmem>>, vector<16xi32>,
      %mul3A_380 = arith.constant 128 : i32
      %mul3A_381 = arith.muli %add3A_255, %mul3A_380 : i32
      %add3A_382 = arith.constant 112 : i32
      %add3A_383 = arith.addi %mul3A_381, %add3A_382 : i32
      %get3A_384 = arith.index_cast %add3A_383 : i32 to index
      %get3A_385 = tpu.vector_load %arg12[%get3A_384] {strides = array<i32>} : memref<5120xi32, #tpu.memory_space<vmem>>, vector<16xi32>,
      %add3A_386 = arith.constant 0 : i32
      %add3A_387 = arith.addi %add3A_386, %add3A_255 : i32
      %swap3A_388 = arith.index_cast %add3A_387 : i32 to index
      %swap3A_389 = arith.constant 112 : index
      %swap3A_390 = tpu.vector_load %arg10[%swap3A_388, %swap3A_389] {strides = array<i32>} : memref<80x128xi32, #tpu.memory_space<vmem>>, vector<16xi32>,
      tpu.vector_store %arg10[%swap3A_388, %swap3A_389], %get3A_385 {strides = array<i32>} : memref<80x128xi32, #tpu.memory_space<vmem>>, vector<16xi32>,
      %get3A_391 = arith.index_cast %add3A_383 : i32 to index
      %get3A_392 = tpu.vector_load %arg13[%get3A_391] {strides = array<i32>} : memref<5120xi32, #tpu.memory_space<vmem>>, vector<16xi32>,
      %add3A_393 = arith.constant 0 : i32
      %add3A_394 = arith.addi %add3A_393, %add3A_255 : i32
      %swap3A_395 = arith.index_cast %add3A_394 : i32 to index
      %swap3A_396 = arith.constant 112 : index
      %swap3A_397 = tpu.vector_load %arg11[%swap3A_395, %swap3A_396] {strides = array<i32>} : memref<80x128xi32, #tpu.memory_space<vmem>>, vector<16xi32>,
      tpu.vector_store %arg11[%swap3A_395, %swap3A_396], %get3A_392 {strides = array<i32>} : memref<80x128xi32, #tpu.memory_space<vmem>>, vector<16xi32>,
    }
    %while3A_36 = arith.constant 1 : i32
    scf.for %while3A_253 = %while3A_34 to %while3A_30 step %while3A_36  : i32 {
      %mul3A_254 = arith.muli %while3A_253, %while3A : i32
      %add3A_255 = arith.addi %while3A_27, %mul3A_254 : i32
      %mul3A_256 = arith.constant 128 : i32
      %mul3A_257 = arith.muli %add3A_255, %mul3A_256 : i32
      %add3A_258 = arith.constant 0 : i32
      %add3A_259 = arith.addi %mul3A_257, %add3A_258 : i32
      %get3A = arith.index_cast %add3A_259 : i32 to index
      %get3A_260 = tpu.vector_load %arg12[%get3A] {strides = array<i32>} : memref<5120xi32, #tpu.memory_space<vmem>>, vector<16xi32>,
      %add3A_261 = arith.constant 0 : i32
      %add3A_262 = arith.addi %add3A_261, %add3A_255 : i32
      %swap3A = arith.index_cast %add3A_262 : i32 to index
      %swap3A_263 = arith.constant 0 : index
      %swap3A_264 = tpu.vector_load %arg10[%swap3A, %swap3A_263] {strides = array<i32>} : memref<80x128xi32, #tpu.memory_space<vmem>>, vector<16xi32>,
      tpu.vector_store %arg10[%swap3A, %swap3A_263], %get3A_260 {strides = array<i32>} : memref<80x128xi32, #tpu.memory_space<vmem>>, vector<16xi32>,
      %get3A_265 = arith.index_cast %add3A_259 : i32 to index
      %get3A_266 = tpu.vector_load %arg13[%get3A_265] {strides = array<i32>} : memref<5120xi32, #tpu.memory_space<vmem>>, vector<16xi32>,
      %add3A_267 = arith.constant 0 : i32
      %add3A_268 = arith.addi %add3A_267, %add3A_255 : i32
      %swap3A_269 = arith.index_cast %add3A_268 : i32 to index
      %swap3A_270 = arith.constant 0 : index
      %swap3A_271 = tpu.vector_load %arg11[%swap3A_269, %swap3A_270] {strides = array<i32>} : memref<80x128xi32, #tpu.memory_space<vmem>>, vector<16xi32>,
      tpu.vector_store %arg11[%swap3A_269, %swap3A_270], %get3A_266 {strides = array<i32>} : memref<80x128xi32, #tpu.memory_space<vmem>>, vector<16xi32>,
      %mul3A_272 = arith.constant 128 : i32
      %mul3A_273 = arith.muli %add3A_255, %mul3A_272 : i32
      %add3A_274 = arith.constant 16 : i32
      %add3A_275 = arith.addi %mul3A_273, %add3A_274 : i32
      %get3A_276 = arith.index_cast %add3A_275 : i32 to index
      %get3A_277 = tpu.vector_load %arg12[%get3A_276] {strides = array<i32>} : memref<5120xi32, #tpu.memory_space<vmem>>, vector<16xi32>,
      %add3A_278 = arith.constant 0 : i32
      %add3A_279 = arith.addi %add3A_278, %add3A_255 : i32
      %swap3A_280 = arith.index_cast %add3A_279 : i32 to index
      %swap3A_281 = arith.constant 16 : index
      %swap3A_282 = tpu.vector_load %arg10[%swap3A_280, %swap3A_281] {strides = array<i32>} : memref<80x128xi32, #tpu.memory_space<vmem>>, vector<16xi32>,
      tpu.vector_store %arg10[%swap3A_280, %swap3A_281], %get3A_277 {strides = array<i32>} : memref<80x128xi32, #tpu.memory_space<vmem>>, vector<16xi32>,
      %get3A_283 = arith.index_cast %add3A_275 : i32 to index
      %get3A_284 = tpu.vector_load %arg13[%get3A_283] {strides = array<i32>} : memref<5120xi32, #tpu.memory_space<vmem>>, vector<16xi32>,
      %add3A_285 = arith.constant 0 : i32
      %add3A_286 = arith.addi %add3A_285, %add3A_255 : i32
      %swap3A_287 = arith.index_cast %add3A_286 : i32 to index
      %swap3A_288 = arith.constant 16 : index
      %swap3A_289 = tpu.vector_load %arg11[%swap3A_287, %swap3A_288] {strides = array<i32>} : memref<80x128xi32, #tpu.memory_space<vmem>>, vector<16xi32>,
      tpu.vector_store %arg11[%swap3A_287, %swap3A_288], %get3A_284 {strides = array<i32>} : memref<80x128xi32, #tpu.memory_space<vmem>>, vector<16xi32>,
      %mul3A_290 = arith.constant 128 : i32
      %mul3A_291 = arith.muli %add3A_255, %mul3A_290 : i32
      %add3A_292 = arith.constant 32 : i32
      %add3A_293 = arith.addi %mul3A_291, %add3A_292 : i32
      %get3A_294 = arith.index_cast %add3A_293 : i32 to index
      %get3A_295 = tpu.vector_load %arg12[%get3A_294] {strides = array<i32>} : memref<5120xi32, #tpu.memory_space<vmem>>, vector<16xi32>,
      %add3A_296 = arith.constant 0 : i32
      %add3A_297 = arith.addi %add3A_296, %add3A_255 : i32
      %swap3A_298 = arith.index_cast %add3A_297 : i32 to index
      %swap3A_299 = arith.constant 32 : index
      %swap3A_300 = tpu.vector_load %arg10[%swap3A_298, %swap3A_299] {strides = array<i32>} : memref<80x128xi32, #tpu.memory_space<vmem>>, vector<16xi32>,
      tpu.vector_store %arg10[%swap3A_298, %swap3A_299], %get3A_295 {strides = array<i32>} : memref<80x128xi32, #tpu.memory_space<vmem>>, vector<16xi32>,
      %get3A_301 = arith.index_cast %add3A_293 : i32 to index
      %get3A_302 = tpu.vector_load %arg13[%get3A_301] {strides = array<i32>} : memref<5120xi32, #tpu.memory_space<vmem>>, vector<16xi32>,
      %add3A_303 = arith.constant 0 : i32
      %add3A_304 = arith.addi %add3A_303, %add3A_255 : i32
      %swap3A_305 = arith.index_cast %add3A_304 : i32 to index
      %swap3A_306 = arith.constant 32 : index
      %swap3A_307 = tpu.vector_load %arg11[%swap3A_305, %swap3A_306] {strides = array<i32>} : memref<80x128xi32, #tpu.memory_space<vmem>>, vector<16xi32>,
      tpu.vector_store %arg11[%swap3A_305, %swap3A_306], %get3A_302 {strides = array<i32>} : memref<80x128xi32, #tpu.memory_space<vmem>>, vector<16xi32>,
      %mul3A_308 = arith.constant 128 : i32
      %mul3A_309 = arith.muli %add3A_255, %mul3A_308 : i32
      %add3A_310 = arith.constant 48 : i32
      %add3A_311 = arith.addi %mul3A_309, %add3A_310 : i32
      %get3A_312 = arith.index_cast %add3A_311 : i32 to index
      %get3A_313 = tpu.vector_load %arg12[%get3A_312] {strides = array<i32>} : memref<5120xi32, #tpu.memory_space<vmem>>, vector<16xi32>,
      %add3A_314 = arith.constant 0 : i32
      %add3A_315 = arith.addi %add3A_314, %add3A_255 : i32
      %swap3A_316 = arith.index_cast %add3A_315 : i32 to index
      %swap3A_317 = arith.constant 48 : index
      %swap3A_318 = tpu.vector_load %arg10[%swap3A_316, %swap3A_317] {strides = array<i32>} : memref<80x128xi32, #tpu.memory_space<vmem>>, vector<16xi32>,
      tpu.vector_store %arg10[%swap3A_316, %swap3A_317], %get3A_313 {strides = array<i32>} : memref<80x128xi32, #tpu.memory_space<vmem>>, vector<16xi32>,
      %get3A_319 = arith.index_cast %add3A_311 : i32 to index
      %get3A_320 = tpu.vector_load %arg13[%get3A_319] {strides = array<i32>} : memref<5120xi32, #tpu.memory_space<vmem>>, vector<16xi32>,
      %add3A_321 = arith.constant 0 : i32
      %add3A_322 = arith.addi %add3A_321, %add3A_255 : i32
      %swap3A_323 = arith.index_cast %add3A_322 : i32 to index
      %swap3A_324 = arith.constant 48 : index
      %swap3A_325 = tpu.vector_load %arg11[%swap3A_323, %swap3A_324] {strides = array<i32>} : memref<80x128xi32, #tpu.memory_space<vmem>>, vector<16xi32>,
      tpu.vector_store %arg11[%swap3A_323, %swap3A_324], %get3A_320 {strides = array<i32>} : memref<80x128xi32, #tpu.memory_space<vmem>>, vector<16xi32>,
      %mul3A_326 = arith.constant 128 : i32
      %mul3A_327 = arith.muli %add3A_255, %mul3A_326 : i32
      %add3A_328 = arith.constant 64 : i32
      %add3A_329 = arith.addi %mul3A_327, %add3A_328 : i32
      %get3A_330 = arith.index_cast %add3A_329 : i32 to index
      %get3A_331 = tpu.vector_load %arg12[%get3A_330] {strides = array<i32>} : memref<5120xi32, #tpu.memory_space<vmem>>, vector<16xi32>,
      %add3A_332 = arith.constant 0 : i32
      %add3A_333 = arith.addi %add3A_332, %add3A_255 : i32
      %swap3A_334 = arith.index_cast %add3A_333 : i32 to index
      %swap3A_335 = arith.constant 64 : index
      %swap3A_336 = tpu.vector_load %arg10[%swap3A_334, %swap3A_335] {strides = array<i32>} : memref<80x128xi32, #tpu.memory_space<vmem>>, vector<16xi32>,
      tpu.vector_store %arg10[%swap3A_334, %swap3A_335], %get3A_331 {strides = array<i32>} : memref<80x128xi32, #tpu.memory_space<vmem>>, vector<16xi32>,
      %get3A_337 = arith.index_cast %add3A_329 : i32 to index
      %get3A_338 = tpu.vector_load %arg13[%get3A_337] {strides = array<i32>} : memref<5120xi32, #tpu.memory_space<vmem>>, vector<16xi32>,
      %add3A_339 = arith.constant 0 : i32
      %add3A_340 = arith.addi %add3A_339, %add3A_255 : i32
      %swap3A_341 = arith.index_cast %add3A_340 : i32 to index
      %swap3A_342 = arith.constant 64 : index
      %swap3A_343 = tpu.vector_load %arg11[%swap3A_341, %swap3A_342] {strides = array<i32>} : memref<80x128xi32, #tpu.memory_space<vmem>>, vector<16xi32>,
      tpu.vector_store %arg11[%swap3A_341, %swap3A_342], %get3A_338 {strides = array<i32>} : memref<80x128xi32, #tpu.memory_space<vmem>>, vector<16xi32>,
      %mul3A_344 = arith.constant 128 : i32
      %mul3A_345 = arith.muli %add3A_255, %mul3A_344 : i32
      %add3A_346 = arith.constant 80 : i32
      %add3A_347 = arith.addi %mul3A_345, %add3A_346 : i32
      %get3A_348 = arith.index_cast %add3A_347 : i32 to index
      %get3A_349 = tpu.vector_load %arg12[%get3A_348] {strides = array<i32>} : memref<5120xi32, #tpu.memory_space<vmem>>, vector<16xi32>,
      %add3A_350 = arith.constant 0 : i32
      %add3A_351 = arith.addi %add3A_350, %add3A_255 : i32
      %swap3A_352 = arith.index_cast %add3A_351 : i32 to index
      %swap3A_353 = arith.constant 80 : index
      %swap3A_354 = tpu.vector_load %arg10[%swap3A_352, %swap3A_353] {strides = array<i32>} : memref<80x128xi32, #tpu.memory_space<vmem>>, vector<16xi32>,
      tpu.vector_store %arg10[%swap3A_352, %swap3A_353], %get3A_349 {strides = array<i32>} : memref<80x128xi32, #tpu.memory_space<vmem>>, vector<16xi32>,
      %get3A_355 = arith.index_cast %add3A_347 : i32 to index
      %get3A_356 = tpu.vector_load %arg13[%get3A_355] {strides = array<i32>} : memref<5120xi32, #tpu.memory_space<vmem>>, vector<16xi32>,
      %add3A_357 = arith.constant 0 : i32
      %add3A_358 = arith.addi %add3A_357, %add3A_255 : i32
      %swap3A_359 = arith.index_cast %add3A_358 : i32 to index
      %swap3A_360 = arith.constant 80 : index
      %swap3A_361 = tpu.vector_load %arg11[%swap3A_359, %swap3A_360] {strides = array<i32>} : memref<80x128xi32, #tpu.memory_space<vmem>>, vector<16xi32>,
      tpu.vector_store %arg11[%swap3A_359, %swap3A_360], %get3A_356 {strides = array<i32>} : memref<80x128xi32, #tpu.memory_space<vmem>>, vector<16xi32>,
      %mul3A_362 = arith.constant 128 : i32
      %mul3A_363 = arith.muli %add3A_255, %mul3A_362 : i32
      %add3A_364 = arith.constant 96 : i32
      %add3A_365 = arith.addi %mul3A_363, %add3A_364 : i32
      %get3A_366 = arith.index_cast %add3A_365 : i32 to index
      %get3A_367 = tpu.vector_load %arg12[%get3A_366] {strides = array<i32>} : memref<5120xi32, #tpu.memory_space<vmem>>, vector<16xi32>,
      %add3A_368 = arith.constant 0 : i32
      %add3A_369 = arith.addi %add3A_368, %add3A_255 : i32
      %swap3A_370 = arith.index_cast %add3A_369 : i32 to index
      %swap3A_371 = arith.constant 96 : index
      %swap3A_372 = tpu.vector_load %arg10[%swap3A_370, %swap3A_371] {strides = array<i32>} : memref<80x128xi32, #tpu.memory_space<vmem>>, vector<16xi32>,
      tpu.vector_store %arg10[%swap3A_370, %swap3A_371], %get3A_367 {strides = array<i32>} : memref<80x128xi32, #tpu.memory_space<vmem>>, vector<16xi32>,
      %get3A_373 = arith.index_cast %add3A_365 : i32 to index
      %get3A_374 = tpu.vector_load %arg13[%get3A_373] {strides = array<i32>} : memref<5120xi32, #tpu.memory_space<vmem>>, vector<16xi32>,
      %add3A_375 = arith.constant 0 : i32
      %add3A_376 = arith.addi %add3A_375, %add3A_255 : i32
      %swap3A_377 = arith.index_cast %add3A_376 : i32 to index
      %swap3A_378 = arith.constant 96 : index
      %swap3A_379 = tpu.vector_load %arg11[%swap3A_377, %swap3A_378] {strides = array<i32>} : memref<80x128xi32, #tpu.memory_space<vmem>>, vector<16xi32>,
      tpu.vector_store %arg11[%swap3A_377, %swap3A_378], %get3A_374 {strides = array<i32>} : memref<80x128xi32, #tpu.memory_space<vmem>>, vector<16xi32>,
      %mul3A_380 = arith.constant 128 : i32
      %mul3A_381 = arith.muli %add3A_255, %mul3A_380 : i32
      %add3A_382 = arith.constant 112 : i32
      %add3A_383 = arith.addi %mul3A_381, %add3A_382 : i32
      %get3A_384 = arith.index_cast %add3A_383 : i32 to index
      %get3A_385 = tpu.vector_load %arg12[%get3A_384] {strides = array<i32>} : memref<5120xi32, #tpu.memory_space<vmem>>, vector<16xi32>,
      %add3A_386 = arith.constant 0 : i32
      %add3A_387 = arith.addi %add3A_386, %add3A_255 : i32
      %swap3A_388 = arith.index_cast %add3A_387 : i32 to index
      %swap3A_389 = arith.constant 112 : index
      %swap3A_390 = tpu.vector_load %arg10[%swap3A_388, %swap3A_389] {strides = array<i32>} : memref<80x128xi32, #tpu.memory_space<vmem>>, vector<16xi32>,
      tpu.vector_store %arg10[%swap3A_388, %swap3A_389], %get3A_385 {strides = array<i32>} : memref<80x128xi32, #tpu.memory_space<vmem>>, vector<16xi32>,
      %get3A_391 = arith.index_cast %add3A_383 : i32 to index
      %get3A_392 = tpu.vector_load %arg13[%get3A_391] {strides = array<i32>} : memref<5120xi32, #tpu.memory_space<vmem>>, vector<16xi32>,
      %add3A_393 = arith.constant 0 : i32
      %add3A_394 = arith.addi %add3A_393, %add3A_255 : i32
      %swap3A_395 = arith.index_cast %add3A_394 : i32 to index
      %swap3A_396 = arith.constant 112 : index
      %swap3A_397 = tpu.vector_load %arg11[%swap3A_395, %swap3A_396] {strides = array<i32>} : memref<80x128xi32, #tpu.memory_space<vmem>>, vector<16xi32>,
      tpu.vector_store %arg11[%swap3A_395, %swap3A_396], %get3A_392 {strides = array<i32>} : memref<80x128xi32, #tpu.memory_space<vmem>>, vector<16xi32>,
    }
    %scan3A_37 = arith.constant 0 : i32
    %scan3A_38 = arith.constant 40 : i32
    %scan3A_39 = arith.addi %scan3A_37, %scan3A_38 : i32
    %scan3A_40 = arith.constant 1 : i32
    scf.for %scan3A_253 = %scan3A_37 to %scan3A_39 step %scan3A_40  : i32 {
      %mul3A_254 = arith.constant 1 : i32
      %mul3A_255 = arith.muli %scan3A_253, %mul3A_254 : i32
      %add3A_256 = arith.constant 0 : i32
      %add3A_257 = arith.addi %add3A_256, %mul3A_255 : i32
      %mul3A_258 = arith.constant 128 : i32
      %mul3A_259 = arith.muli %add3A_257, %mul3A_258 : i32
      %add3A_260 = arith.constant 0 : i32
      %add3A_261 = arith.addi %mul3A_259, %add3A_260 : i32
      %swap3A = arith.index_cast %add3A_261 : i32 to index
      %swap3A_262 = tpu.vector_load %arg12[%swap3A] {strides = array<i32>} : memref<5120xi32, #tpu.memory_space<vmem>>, vector<16xi32>,
      tpu.vector_store %arg12[%swap3A], %broadcast_in_dim3A_3 {strides = array<i32>} : memref<5120xi32, #tpu.memory_space<vmem>>, vector<16xi32>,
      %swap3A_263 = arith.index_cast %add3A_261 : i32 to index
      %swap3A_264 = tpu.vector_load %arg13[%swap3A_263] {strides = array<i32>} : memref<5120xi32, #tpu.memory_space<vmem>>, vector<16xi32>,
      tpu.vector_store %arg13[%swap3A_263], %add3A_1 {strides = array<i32>} : memref<5120xi32, #tpu.memory_space<vmem>>, vector<16xi32>,
      %mul3A_265 = arith.constant 128 : i32
      %mul3A_266 = arith.muli %add3A_257, %mul3A_265 : i32
      %add3A_267 = arith.constant 16 : i32
      %add3A_268 = arith.addi %mul3A_266, %add3A_267 : i32
      %swap3A_269 = arith.index_cast %add3A_268 : i32 to index
      %swap3A_270 = tpu.vector_load %arg12[%swap3A_269] {strides = array<i32>} : memref<5120xi32, #tpu.memory_space<vmem>>, vector<16xi32>,
      tpu.vector_store %arg12[%swap3A_269], %broadcast_in_dim3A_3 {strides = array<i32>} : memref<5120xi32, #tpu.memory_space<vmem>>, vector<16xi32>,
      %swap3A_271 = arith.index_cast %add3A_268 : i32 to index
      %swap3A_272 = tpu.vector_load %arg13[%swap3A_271] {strides = array<i32>} : memref<5120xi32, #tpu.memory_space<vmem>>, vector<16xi32>,
      tpu.vector_store %arg13[%swap3A_271], %add3A_1 {strides = array<i32>} : memref<5120xi32, #tpu.memory_space<vmem>>, vector<16xi32>,
      %mul3A_273 = arith.constant 128 : i32
      %mul3A_274 = arith.muli %add3A_257, %mul3A_273 : i32
      %add3A_275 = arith.constant 32 : i32
      %add3A_276 = arith.addi %mul3A_274, %add3A_275 : i32
      %swap3A_277 = arith.index_cast %add3A_276 : i32 to index
      %swap3A_278 = tpu.vector_load %arg12[%swap3A_277] {strides = array<i32>} : memref<5120xi32, #tpu.memory_space<vmem>>, vector<16xi32>,
      tpu.vector_store %arg12[%swap3A_277], %broadcast_in_dim3A_3 {strides = array<i32>} : memref<5120xi32, #tpu.memory_space<vmem>>, vector<16xi32>,
      %swap3A_279 = arith.index_cast %add3A_276 : i32 to index
      %swap3A_280 = tpu.vector_load %arg13[%swap3A_279] {strides = array<i32>} : memref<5120xi32, #tpu.memory_space<vmem>>, vector<16xi32>,
      tpu.vector_store %arg13[%swap3A_279], %add3A_1 {strides = array<i32>} : memref<5120xi32, #tpu.memory_space<vmem>>, vector<16xi32>,
      %mul3A_281 = arith.constant 128 : i32
      %mul3A_282 = arith.muli %add3A_257, %mul3A_281 : i32
      %add3A_283 = arith.constant 48 : i32
      %add3A_284 = arith.addi %mul3A_282, %add3A_283 : i32
      %swap3A_285 = arith.index_cast %add3A_284 : i32 to index
      %swap3A_286 = tpu.vector_load %arg12[%swap3A_285] {strides = array<i32>} : memref<5120xi32, #tpu.memory_space<vmem>>, vector<16xi32>,
      tpu.vector_store %arg12[%swap3A_285], %broadcast_in_dim3A_3 {strides = array<i32>} : memref<5120xi32, #tpu.memory_space<vmem>>, vector<16xi32>,
      %swap3A_287 = arith.index_cast %add3A_284 : i32 to index
      %swap3A_288 = tpu.vector_load %arg13[%swap3A_287] {strides = array<i32>} : memref<5120xi32, #tpu.memory_space<vmem>>, vector<16xi32>,
      tpu.vector_store %arg13[%swap3A_287], %add3A_1 {strides = array<i32>} : memref<5120xi32, #tpu.memory_space<vmem>>, vector<16xi32>,
      %mul3A_289 = arith.constant 128 : i32
      %mul3A_290 = arith.muli %add3A_257, %mul3A_289 : i32
      %add3A_291 = arith.constant 64 : i32
      %add3A_292 = arith.addi %mul3A_290, %add3A_291 : i32
      %swap3A_293 = arith.index_cast %add3A_292 : i32 to index
      %swap3A_294 = tpu.vector_load %arg12[%swap3A_293] {strides = array<i32>} : memref<5120xi32, #tpu.memory_space<vmem>>, vector<16xi32>,
      tpu.vector_store %arg12[%swap3A_293], %broadcast_in_dim3A_3 {strides = array<i32>} : memref<5120xi32, #tpu.memory_space<vmem>>, vector<16xi32>,
      %swap3A_295 = arith.index_cast %add3A_292 : i32 to index
      %swap3A_296 = tpu.vector_load %arg13[%swap3A_295] {strides = array<i32>} : memref<5120xi32, #tpu.memory_space<vmem>>, vector<16xi32>,
      tpu.vector_store %arg13[%swap3A_295], %add3A_1 {strides = array<i32>} : memref<5120xi32, #tpu.memory_space<vmem>>, vector<16xi32>,
      %mul3A_297 = arith.constant 128 : i32
      %mul3A_298 = arith.muli %add3A_257, %mul3A_297 : i32
      %add3A_299 = arith.constant 80 : i32
      %add3A_300 = arith.addi %mul3A_298, %add3A_299 : i32
      %swap3A_301 = arith.index_cast %add3A_300 : i32 to index
      %swap3A_302 = tpu.vector_load %arg12[%swap3A_301] {strides = array<i32>} : memref<5120xi32, #tpu.memory_space<vmem>>, vector<16xi32>,
      tpu.vector_store %arg12[%swap3A_301], %broadcast_in_dim3A_3 {strides = array<i32>} : memref<5120xi32, #tpu.memory_space<vmem>>, vector<16xi32>,
      %swap3A_303 = arith.index_cast %add3A_300 : i32 to index
      %swap3A_304 = tpu.vector_load %arg13[%swap3A_303] {strides = array<i32>} : memref<5120xi32, #tpu.memory_space<vmem>>, vector<16xi32>,
      tpu.vector_store %arg13[%swap3A_303], %add3A_1 {strides = array<i32>} : memref<5120xi32, #tpu.memory_space<vmem>>, vector<16xi32>,
      %mul3A_305 = arith.constant 128 : i32
      %mul3A_306 = arith.muli %add3A_257, %mul3A_305 : i32
      %add3A_307 = arith.constant 96 : i32
      %add3A_308 = arith.addi %mul3A_306, %add3A_307 : i32
      %swap3A_309 = arith.index_cast %add3A_308 : i32 to index
      %swap3A_310 = tpu.vector_load %arg12[%swap3A_309] {strides = array<i32>} : memref<5120xi32, #tpu.memory_space<vmem>>, vector<16xi32>,
      tpu.vector_store %arg12[%swap3A_309], %broadcast_in_dim3A_3 {strides = array<i32>} : memref<5120xi32, #tpu.memory_space<vmem>>, vector<16xi32>,
      %swap3A_311 = arith.index_cast %add3A_308 : i32 to index
      %swap3A_312 = tpu.vector_load %arg13[%swap3A_311] {strides = array<i32>} : memref<5120xi32, #tpu.memory_space<vmem>>, vector<16xi32>,
      tpu.vector_store %arg13[%swap3A_311], %add3A_1 {strides = array<i32>} : memref<5120xi32, #tpu.memory_space<vmem>>, vector<16xi32>,
      %mul3A_313 = arith.constant 128 : i32
      %mul3A_314 = arith.muli %add3A_257, %mul3A_313 : i32
      %add3A_315 = arith.constant 112 : i32
      %add3A_316 = arith.addi %mul3A_314, %add3A_315 : i32
      %swap3A_317 = arith.index_cast %add3A_316 : i32 to index
      %swap3A_318 = tpu.vector_load %arg12[%swap3A_317] {strides = array<i32>} : memref<5120xi32, #tpu.memory_space<vmem>>, vector<16xi32>,
      tpu.vector_store %arg12[%swap3A_317], %broadcast_in_dim3A_3 {strides = array<i32>} : memref<5120xi32, #tpu.memory_space<vmem>>, vector<16xi32>,
      %swap3A_319 = arith.index_cast %add3A_316 : i32 to index
      %swap3A_320 = tpu.vector_load %arg13[%swap3A_319] {strides = array<i32>} : memref<5120xi32, #tpu.memory_space<vmem>>, vector<16xi32>,
      tpu.vector_store %arg13[%swap3A_319], %add3A_1 {strides = array<i32>} : memref<5120xi32, #tpu.memory_space<vmem>>, vector<16xi32>,
    }
    %scan3A_41 = arith.constant 40 : i32
    %scan3A_42 = arith.constant 0 : i32
    %scan3A_43 = arith.constant 40 : i32
    %scan3A_44 = arith.constant 40 : i32
    %scan3A_45 = arith.addi %scan3A_43, %scan3A_44 : i32
    %scan3A_46 = arith.constant 1 : i32
    %scan3A_47 = scf.for %scan3A_253 = %scan3A_43 to %scan3A_45 step %scan3A_46 iter_args(%scan3A_254 = %scan3A_42) -> (i32)  : i32 {
      %get3A = arith.index_cast %scan3A_253 : i32 to index
      %get3A_255 = arith.constant 0 : index
      %get3A_256 = tpu.vector_load %arg9[%get3A, %get3A_255] {strides = array<i32>} : memref<80x128xi32, #tpu.memory_space<vmem>>, vector<16xi32>,
      %get3A_257 = arith.index_cast %scan3A_253 : i32 to index
      %get3A_258 = arith.constant 0 : index
      %get3A_259 = tpu.vector_load %arg8[%get3A_257, %get3A_258] {strides = array<i32>} : memref<80x128xi32, #tpu.memory_space<vmem>>, vector<16xi32>,
      %lt3A_260 = arith.constant 5120 : i32
      %lt3A_261 = vector.broadcast %lt3A_260 : i32 to vector<16xi32>
      %lt3A_262 = arith.cmpi slt, %get3A_256, %lt3A_261 : vector<16xi32>
      %swap3A = arith.index_cast %scan3A_254 : i32 to index
      %swap3A_263 = tpu.vector_load %arg12[%swap3A] masked %lt3A_262 {strides = array<i32>} : memref<5120xi32, #tpu.memory_space<vmem>>, vector<16xi32>, vector<16xi1>
      tpu.vector_store %arg12[%swap3A], %get3A_259 masked %lt3A_262 {strides = array<i32>} : memref<5120xi32, #tpu.memory_space<vmem>>, vector<16xi32>, vector<16xi1>
      %swap3A_264 = arith.index_cast %scan3A_254 : i32 to index
      %swap3A_265 = tpu.vector_load %arg13[%swap3A_264] masked %lt3A_262 {strides = array<i32>} : memref<5120xi32, #tpu.memory_space<vmem>>, vector<16xi32>, vector<16xi1>
      tpu.vector_store %arg13[%swap3A_264], %get3A_256 masked %lt3A_262 {strides = array<i32>} : memref<5120xi32, #tpu.memory_space<vmem>>, vector<16xi32>, vector<16xi1>
      %convert_element_type3A_266 = arith.extui %lt3A_262 : vector<16xi1> to vector<16xi32>
      %reduce_sum3A = arith.constant true
      %reduce_sum3A_267 = vector.broadcast %reduce_sum3A : i1 to vector<16xi1>
      %reduce_sum3A_268 = tpu.scan <sum>, %convert_element_type3A_266 masked %reduce_sum3A_267 : vector<16xi32>, vector<16xi1> -> vector<16xi32>
      %reduce_sum3A_269 = vector.extract %reduce_sum3A_268[15] : i32 from vector<16xi32>
      %add3A_270 = arith.addi %scan3A_254, %reduce_sum3A_269 : i32
      %get3A_271 = arith.index_cast %scan3A_253 : i32 to index
      %get3A_272 = arith.constant 16 : index
      %get3A_273 = tpu.vector_load %arg9[%get3A_271, %get3A_272] {strides = array<i32>} : memref<80x128xi32, #tpu.memory_space<vmem>>, vector<16xi32>,
      %get3A_274 = arith.index_cast %scan3A_253 : i32 to index
      %get3A_275 = arith.constant 16 : index
      %get3A_276 = tpu.vector_load %arg8[%get3A_274, %get3A_275] {strides = array<i32>} : memref<80x128xi32, #tpu.memory_space<vmem>>, vector<16xi32>,
      %lt3A_277 = arith.constant 5120 : i32
      %lt3A_278 = vector.broadcast %lt3A_277 : i32 to vector<16xi32>
      %lt3A_279 = arith.cmpi slt, %get3A_273, %lt3A_278 : vector<16xi32>
      %swap3A_280 = arith.index_cast %add3A_270 : i32 to index
      %swap3A_281 = tpu.vector_load %arg12[%swap3A_280] masked %lt3A_279 {strides = array<i32>} : memref<5120xi32, #tpu.memory_space<vmem>>, vector<16xi32>, vector<16xi1>
      tpu.vector_store %arg12[%swap3A_280], %get3A_276 masked %lt3A_279 {strides = array<i32>} : memref<5120xi32, #tpu.memory_space<vmem>>, vector<16xi32>, vector<16xi1>
      %swap3A_282 = arith.index_cast %add3A_270 : i32 to index
      %swap3A_283 = tpu.vector_load %arg13[%swap3A_282] masked %lt3A_279 {strides = array<i32>} : memref<5120xi32, #tpu.memory_space<vmem>>, vector<16xi32>, vector<16xi1>
      tpu.vector_store %arg13[%swap3A_282], %get3A_273 masked %lt3A_279 {strides = array<i32>} : memref<5120xi32, #tpu.memory_space<vmem>>, vector<16xi32>, vector<16xi1>
      %convert_element_type3A_284 = arith.extui %lt3A_279 : vector<16xi1> to vector<16xi32>
      %reduce_sum3A_285 = arith.constant true
      %reduce_sum3A_286 = vector.broadcast %reduce_sum3A_285 : i1 to vector<16xi1>
      %reduce_sum3A_287 = tpu.scan <sum>, %convert_element_type3A_284 masked %reduce_sum3A_286 : vector<16xi32>, vector<16xi1> -> vector<16xi32>
      %reduce_sum3A_288 = vector.extract %reduce_sum3A_287[15] : i32 from vector<16xi32>
      %add3A_289 = arith.addi %add3A_270, %reduce_sum3A_288 : i32
      %get3A_290 = arith.index_cast %scan3A_253 : i32 to index
      %get3A_291 = arith.constant 32 : index
      %get3A_292 = tpu.vector_load %arg9[%get3A_290, %get3A_291] {strides = array<i32>} : memref<80x128xi32, #tpu.memory_space<vmem>>, vector<16xi32>,
      %get3A_293 = arith.index_cast %scan3A_253 : i32 to index
      %get3A_294 = arith.constant 32 : index
      %get3A_295 = tpu.vector_load %arg8[%get3A_293, %get3A_294] {strides = array<i32>} : memref<80x128xi32, #tpu.memory_space<vmem>>, vector<16xi32>,
      %lt3A_296 = arith.constant 5120 : i32
      %lt3A_297 = vector.broadcast %lt3A_296 : i32 to vector<16xi32>
      %lt3A_298 = arith.cmpi slt, %get3A_292, %lt3A_297 : vector<16xi32>
      %swap3A_299 = arith.index_cast %add3A_289 : i32 to index
      %swap3A_300 = tpu.vector_load %arg12[%swap3A_299] masked %lt3A_298 {strides = array<i32>} : memref<5120xi32, #tpu.memory_space<vmem>>, vector<16xi32>, vector<16xi1>
      tpu.vector_store %arg12[%swap3A_299], %get3A_295 masked %lt3A_298 {strides = array<i32>} : memref<5120xi32, #tpu.memory_space<vmem>>, vector<16xi32>, vector<16xi1>
      %swap3A_301 = arith.index_cast %add3A_289 : i32 to index
      %swap3A_302 = tpu.vector_load %arg13[%swap3A_301] masked %lt3A_298 {strides = array<i32>} : memref<5120xi32, #tpu.memory_space<vmem>>, vector<16xi32>, vector<16xi1>
      tpu.vector_store %arg13[%swap3A_301], %get3A_292 masked %lt3A_298 {strides = array<i32>} : memref<5120xi32, #tpu.memory_space<vmem>>, vector<16xi32>, vector<16xi1>
      %convert_element_type3A_303 = arith.extui %lt3A_298 : vector<16xi1> to vector<16xi32>
      %reduce_sum3A_304 = arith.constant true
      %reduce_sum3A_305 = vector.broadcast %reduce_sum3A_304 : i1 to vector<16xi1>
      %reduce_sum3A_306 = tpu.scan <sum>, %convert_element_type3A_303 masked %reduce_sum3A_305 : vector<16xi32>, vector<16xi1> -> vector<16xi32>
      %reduce_sum3A_307 = vector.extract %reduce_sum3A_306[15] : i32 from vector<16xi32>
      %add3A_308 = arith.addi %add3A_289, %reduce_sum3A_307 : i32
      %get3A_309 = arith.index_cast %scan3A_253 : i32 to index
      %get3A_310 = arith.constant 48 : index
      %get3A_311 = tpu.vector_load %arg9[%get3A_309, %get3A_310] {strides = array<i32>} : memref<80x128xi32, #tpu.memory_space<vmem>>, vector<16xi32>,
      %get3A_312 = arith.index_cast %scan3A_253 : i32 to index
      %get3A_313 = arith.constant 48 : index
      %get3A_314 = tpu.vector_load %arg8[%get3A_312, %get3A_313] {strides = array<i32>} : memref<80x128xi32, #tpu.memory_space<vmem>>, vector<16xi32>,
      %lt3A_315 = arith.constant 5120 : i32
      %lt3A_316 = vector.broadcast %lt3A_315 : i32 to vector<16xi32>
      %lt3A_317 = arith.cmpi slt, %get3A_311, %lt3A_316 : vector<16xi32>
      %swap3A_318 = arith.index_cast %add3A_308 : i32 to index
      %swap3A_319 = tpu.vector_load %arg12[%swap3A_318] masked %lt3A_317 {strides = array<i32>} : memref<5120xi32, #tpu.memory_space<vmem>>, vector<16xi32>, vector<16xi1>
      tpu.vector_store %arg12[%swap3A_318], %get3A_314 masked %lt3A_317 {strides = array<i32>} : memref<5120xi32, #tpu.memory_space<vmem>>, vector<16xi32>, vector<16xi1>
      %swap3A_320 = arith.index_cast %add3A_308 : i32 to index
      %swap3A_321 = tpu.vector_load %arg13[%swap3A_320] masked %lt3A_317 {strides = array<i32>} : memref<5120xi32, #tpu.memory_space<vmem>>, vector<16xi32>, vector<16xi1>
      tpu.vector_store %arg13[%swap3A_320], %get3A_311 masked %lt3A_317 {strides = array<i32>} : memref<5120xi32, #tpu.memory_space<vmem>>, vector<16xi32>, vector<16xi1>
      %convert_element_type3A_322 = arith.extui %lt3A_317 : vector<16xi1> to vector<16xi32>
      %reduce_sum3A_323 = arith.constant true
      %reduce_sum3A_324 = vector.broadcast %reduce_sum3A_323 : i1 to vector<16xi1>
      %reduce_sum3A_325 = tpu.scan <sum>, %convert_element_type3A_322 masked %reduce_sum3A_324 : vector<16xi32>, vector<16xi1> -> vector<16xi32>
      %reduce_sum3A_326 = vector.extract %reduce_sum3A_325[15] : i32 from vector<16xi32>
      %add3A_327 = arith.addi %add3A_308, %reduce_sum3A_326 : i32
      %get3A_328 = arith.index_cast %scan3A_253 : i32 to index
      %get3A_329 = arith.constant 64 : index
      %get3A_330 = tpu.vector_load %arg9[%get3A_328, %get3A_329] {strides = array<i32>} : memref<80x128xi32, #tpu.memory_space<vmem>>, vector<16xi32>,
      %get3A_331 = arith.index_cast %scan3A_253 : i32 to index
      %get3A_332 = arith.constant 64 : index
      %get3A_333 = tpu.vector_load %arg8[%get3A_331, %get3A_332] {strides = array<i32>} : memref<80x128xi32, #tpu.memory_space<vmem>>, vector<16xi32>,
      %lt3A_334 = arith.constant 5120 : i32
      %lt3A_335 = vector.broadcast %lt3A_334 : i32 to vector<16xi32>
      %lt3A_336 = arith.cmpi slt, %get3A_330, %lt3A_335 : vector<16xi32>
      %swap3A_337 = arith.index_cast %add3A_327 : i32 to index
      %swap3A_338 = tpu.vector_load %arg12[%swap3A_337] masked %lt3A_336 {strides = array<i32>} : memref<5120xi32, #tpu.memory_space<vmem>>, vector<16xi32>, vector<16xi1>
      tpu.vector_store %arg12[%swap3A_337], %get3A_333 masked %lt3A_336 {strides = array<i32>} : memref<5120xi32, #tpu.memory_space<vmem>>, vector<16xi32>, vector<16xi1>
      %swap3A_339 = arith.index_cast %add3A_327 : i32 to index
      %swap3A_340 = tpu.vector_load %arg13[%swap3A_339] masked %lt3A_336 {strides = array<i32>} : memref<5120xi32, #tpu.memory_space<vmem>>, vector<16xi32>, vector<16xi1>
      tpu.vector_store %arg13[%swap3A_339], %get3A_330 masked %lt3A_336 {strides = array<i32>} : memref<5120xi32, #tpu.memory_space<vmem>>, vector<16xi32>, vector<16xi1>
      %convert_element_type3A_341 = arith.extui %lt3A_336 : vector<16xi1> to vector<16xi32>
      %reduce_sum3A_342 = arith.constant true
      %reduce_sum3A_343 = vector.broadcast %reduce_sum3A_342 : i1 to vector<16xi1>
      %reduce_sum3A_344 = tpu.scan <sum>, %convert_element_type3A_341 masked %reduce_sum3A_343 : vector<16xi32>, vector<16xi1> -> vector<16xi32>
      %reduce_sum3A_345 = vector.extract %reduce_sum3A_344[15] : i32 from vector<16xi32>
      %add3A_346 = arith.addi %add3A_327, %reduce_sum3A_345 : i32
      %get3A_347 = arith.index_cast %scan3A_253 : i32 to index
      %get3A_348 = arith.constant 80 : index
      %get3A_349 = tpu.vector_load %arg9[%get3A_347, %get3A_348] {strides = array<i32>} : memref<80x128xi32, #tpu.memory_space<vmem>>, vector<16xi32>,
      %get3A_350 = arith.index_cast %scan3A_253 : i32 to index
      %get3A_351 = arith.constant 80 : index
      %get3A_352 = tpu.vector_load %arg8[%get3A_350, %get3A_351] {strides = array<i32>} : memref<80x128xi32, #tpu.memory_space<vmem>>, vector<16xi32>,
      %lt3A_353 = arith.constant 5120 : i32
      %lt3A_354 = vector.broadcast %lt3A_353 : i32 to vector<16xi32>
      %lt3A_355 = arith.cmpi slt, %get3A_349, %lt3A_354 : vector<16xi32>
      %swap3A_356 = arith.index_cast %add3A_346 : i32 to index
      %swap3A_357 = tpu.vector_load %arg12[%swap3A_356] masked %lt3A_355 {strides = array<i32>} : memref<5120xi32, #tpu.memory_space<vmem>>, vector<16xi32>, vector<16xi1>
      tpu.vector_store %arg12[%swap3A_356], %get3A_352 masked %lt3A_355 {strides = array<i32>} : memref<5120xi32, #tpu.memory_space<vmem>>, vector<16xi32>, vector<16xi1>
      %swap3A_358 = arith.index_cast %add3A_346 : i32 to index
      %swap3A_359 = tpu.vector_load %arg13[%swap3A_358] masked %lt3A_355 {strides = array<i32>} : memref<5120xi32, #tpu.memory_space<vmem>>, vector<16xi32>, vector<16xi1>
      tpu.vector_store %arg13[%swap3A_358], %get3A_349 masked %lt3A_355 {strides = array<i32>} : memref<5120xi32, #tpu.memory_space<vmem>>, vector<16xi32>, vector<16xi1>
      %convert_element_type3A_360 = arith.extui %lt3A_355 : vector<16xi1> to vector<16xi32>
      %reduce_sum3A_361 = arith.constant true
      %reduce_sum3A_362 = vector.broadcast %reduce_sum3A_361 : i1 to vector<16xi1>
      %reduce_sum3A_363 = tpu.scan <sum>, %convert_element_type3A_360 masked %reduce_sum3A_362 : vector<16xi32>, vector<16xi1> -> vector<16xi32>
      %reduce_sum3A_364 = vector.extract %reduce_sum3A_363[15] : i32 from vector<16xi32>
      %add3A_365 = arith.addi %add3A_346, %reduce_sum3A_364 : i32
      %get3A_366 = arith.index_cast %scan3A_253 : i32 to index
      %get3A_367 = arith.constant 96 : index
      %get3A_368 = tpu.vector_load %arg9[%get3A_366, %get3A_367] {strides = array<i32>} : memref<80x128xi32, #tpu.memory_space<vmem>>, vector<16xi32>,
      %get3A_369 = arith.index_cast %scan3A_253 : i32 to index
      %get3A_370 = arith.constant 96 : index
      %get3A_371 = tpu.vector_load %arg8[%get3A_369, %get3A_370] {strides = array<i32>} : memref<80x128xi32, #tpu.memory_space<vmem>>, vector<16xi32>,
      %lt3A_372 = arith.constant 5120 : i32
      %lt3A_373 = vector.broadcast %lt3A_372 : i32 to vector<16xi32>
      %lt3A_374 = arith.cmpi slt, %get3A_368, %lt3A_373 : vector<16xi32>
      %swap3A_375 = arith.index_cast %add3A_365 : i32 to index
      %swap3A_376 = tpu.vector_load %arg12[%swap3A_375] masked %lt3A_374 {strides = array<i32>} : memref<5120xi32, #tpu.memory_space<vmem>>, vector<16xi32>, vector<16xi1>
      tpu.vector_store %arg12[%swap3A_375], %get3A_371 masked %lt3A_374 {strides = array<i32>} : memref<5120xi32, #tpu.memory_space<vmem>>, vector<16xi32>, vector<16xi1>
      %swap3A_377 = arith.index_cast %add3A_365 : i32 to index
      %swap3A_378 = tpu.vector_load %arg13[%swap3A_377] masked %lt3A_374 {strides = array<i32>} : memref<5120xi32, #tpu.memory_space<vmem>>, vector<16xi32>, vector<16xi1>
      tpu.vector_store %arg13[%swap3A_377], %get3A_368 masked %lt3A_374 {strides = array<i32>} : memref<5120xi32, #tpu.memory_space<vmem>>, vector<16xi32>, vector<16xi1>
      %convert_element_type3A_379 = arith.extui %lt3A_374 : vector<16xi1> to vector<16xi32>
      %reduce_sum3A_380 = arith.constant true
      %reduce_sum3A_381 = vector.broadcast %reduce_sum3A_380 : i1 to vector<16xi1>
      %reduce_sum3A_382 = tpu.scan <sum>, %convert_element_type3A_379 masked %reduce_sum3A_381 : vector<16xi32>, vector<16xi1> -> vector<16xi32>
      %reduce_sum3A_383 = vector.extract %reduce_sum3A_382[15] : i32 from vector<16xi32>
      %add3A_384 = arith.addi %add3A_365, %reduce_sum3A_383 : i32
      %get3A_385 = arith.index_cast %scan3A_253 : i32 to index
      %get3A_386 = arith.constant 112 : index
      %get3A_387 = tpu.vector_load %arg9[%get3A_385, %get3A_386] {strides = array<i32>} : memref<80x128xi32, #tpu.memory_space<vmem>>, vector<16xi32>,
      %get3A_388 = arith.index_cast %scan3A_253 : i32 to index
      %get3A_389 = arith.constant 112 : index
      %get3A_390 = tpu.vector_load %arg8[%get3A_388, %get3A_389] {strides = array<i32>} : memref<80x128xi32, #tpu.memory_space<vmem>>, vector<16xi32>,
      %lt3A_391 = arith.constant 5120 : i32
      %lt3A_392 = vector.broadcast %lt3A_391 : i32 to vector<16xi32>
      %lt3A_393 = arith.cmpi slt, %get3A_387, %lt3A_392 : vector<16xi32>
      %swap3A_394 = arith.index_cast %add3A_384 : i32 to index
      %swap3A_395 = tpu.vector_load %arg12[%swap3A_394] masked %lt3A_393 {strides = array<i32>} : memref<5120xi32, #tpu.memory_space<vmem>>, vector<16xi32>, vector<16xi1>
      tpu.vector_store %arg12[%swap3A_394], %get3A_390 masked %lt3A_393 {strides = array<i32>} : memref<5120xi32, #tpu.memory_space<vmem>>, vector<16xi32>, vector<16xi1>
      %swap3A_396 = arith.index_cast %add3A_384 : i32 to index
      %swap3A_397 = tpu.vector_load %arg13[%swap3A_396] masked %lt3A_393 {strides = array<i32>} : memref<5120xi32, #tpu.memory_space<vmem>>, vector<16xi32>, vector<16xi1>
      tpu.vector_store %arg13[%swap3A_396], %get3A_387 masked %lt3A_393 {strides = array<i32>} : memref<5120xi32, #tpu.memory_space<vmem>>, vector<16xi32>, vector<16xi1>
      %convert_element_type3A_398 = arith.extui %lt3A_393 : vector<16xi1> to vector<16xi32>
      %reduce_sum3A_399 = arith.constant true
      %reduce_sum3A_400 = vector.broadcast %reduce_sum3A_399 : i1 to vector<16xi1>
      %reduce_sum3A_401 = tpu.scan <sum>, %convert_element_type3A_398 masked %reduce_sum3A_400 : vector<16xi32>, vector<16xi1> -> vector<16xi32>
      %reduce_sum3A_402 = vector.extract %reduce_sum3A_401[15] : i32 from vector<16xi32>
      %add3A_403 = arith.addi %add3A_384, %reduce_sum3A_402 : i32
      scf.yield %add3A_403 : i32
    }
    %scan3A_48 = arith.constant 40 : i32
    %add3A_49 = arith.constant 255 : i32
    %add3A_50 = arith.addi %scan3A_47, %add3A_49 : i32
    %div3A_51 = arith.constant 256 : i32
    %div3A_52 = arith.divsi %add3A_50, %div3A_51 : i32
    %mul3A_53 = arith.constant 2 : i32
    %mul3A_54 = arith.muli %div3A_52, %mul3A_53 : i32
    %max3A_55 = arith.constant 2 : i32
    %max3A_56 = arith.maxsi %mul3A_54, %max3A_55 : i32
    %sub3A_57 = arith.constant 0 : i32
    %sub3A_58 = arith.subi %max3A_56, %sub3A_57 : i32
    %sub3A_59 = arith.constant 1 : i32
    %sub3A_60 = arith.constant 1 : i32
    %sub3A_61 = arith.subi %sub3A_59, %sub3A_60 : i32
    %add3A_62 = arith.addi %sub3A_58, %sub3A_61 : i32
    %div3A_63 = arith.constant 1 : i32
    %div3A_64 = arith.divsi %add3A_62, %div3A_63 : i32
    %while3A_65 = arith.constant 1 : i32
    %while3A_66 = arith.constant 0 : i32
    %while3A_67 = arith.constant 0 : i32
    %while3A_68 = arith.subi %div3A_64, %while3A_67 : i32
    %while3A_69 = arith.addi %while3A_67, %while3A_68 : i32
    %while3A_70 = arith.constant 1 : i32
    %while3A_71 = arith.divsi %while3A_68, %while3A_70 : i32
    %while3A_72 = arith.muli %while3A_71, %while3A_70 : i32
    %while3A_73 = arith.addi %while3A_67, %while3A_72 : i32
    %while3A_74 = arith.constant 1 : i32
    scf.for %while3A_253 = %while3A_67 to %while3A_73 step %while3A_74  : i32 {
      %mul3A_254 = arith.muli %while3A_253, %while3A_65 : i32
      %add3A_255 = arith.addi %while3A_66, %mul3A_254 : i32
      %mul3A_256 = arith.constant 128 : i32
      %mul3A_257 = arith.muli %add3A_255, %mul3A_256 : i32
      %add3A_258 = arith.constant 0 : i32
      %add3A_259 = arith.addi %mul3A_257, %add3A_258 : i32
      %get3A = arith.index_cast %add3A_259 : i32 to index
      %get3A_260 = tpu.vector_load %arg12[%get3A] {strides = array<i32>} : memref<5120xi32, #tpu.memory_space<vmem>>, vector<16xi32>,
      %add3A_261 = arith.constant 40 : i32
      %add3A_262 = arith.addi %add3A_261, %add3A_255 : i32
      %swap3A = arith.index_cast %add3A_262 : i32 to index
      %swap3A_263 = arith.constant 0 : index
      %swap3A_264 = tpu.vector_load %arg10[%swap3A, %swap3A_263] {strides = array<i32>} : memref<80x128xi32, #tpu.memory_space<vmem>>, vector<16xi32>,
      tpu.vector_store %arg10[%swap3A, %swap3A_263], %get3A_260 {strides = array<i32>} : memref<80x128xi32, #tpu.memory_space<vmem>>, vector<16xi32>,
      %get3A_265 = arith.index_cast %add3A_259 : i32 to index
      %get3A_266 = tpu.vector_load %arg13[%get3A_265] {strides = array<i32>} : memref<5120xi32, #tpu.memory_space<vmem>>, vector<16xi32>,
      %add3A_267 = arith.constant 40 : i32
      %add3A_268 = arith.addi %add3A_267, %add3A_255 : i32
      %swap3A_269 = arith.index_cast %add3A_268 : i32 to index
      %swap3A_270 = arith.constant 0 : index
      %swap3A_271 = tpu.vector_load %arg11[%swap3A_269, %swap3A_270] {strides = array<i32>} : memref<80x128xi32, #tpu.memory_space<vmem>>, vector<16xi32>,
      tpu.vector_store %arg11[%swap3A_269, %swap3A_270], %get3A_266 {strides = array<i32>} : memref<80x128xi32, #tpu.memory_space<vmem>>, vector<16xi32>,
      %mul3A_272 = arith.constant 128 : i32
      %mul3A_273 = arith.muli %add3A_255, %mul3A_272 : i32
      %add3A_274 = arith.constant 16 : i32
      %add3A_275 = arith.addi %mul3A_273, %add3A_274 : i32
      %get3A_276 = arith.index_cast %add3A_275 : i32 to index
      %get3A_277 = tpu.vector_load %arg12[%get3A_276] {strides = array<i32>} : memref<5120xi32, #tpu.memory_space<vmem>>, vector<16xi32>,
      %add3A_278 = arith.constant 40 : i32
      %add3A_279 = arith.addi %add3A_278, %add3A_255 : i32
      %swap3A_280 = arith.index_cast %add3A_279 : i32 to index
      %swap3A_281 = arith.constant 16 : index
      %swap3A_282 = tpu.vector_load %arg10[%swap3A_280, %swap3A_281] {strides = array<i32>} : memref<80x128xi32, #tpu.memory_space<vmem>>, vector<16xi32>,
      tpu.vector_store %arg10[%swap3A_280, %swap3A_281], %get3A_277 {strides = array<i32>} : memref<80x128xi32, #tpu.memory_space<vmem>>, vector<16xi32>,
      %get3A_283 = arith.index_cast %add3A_275 : i32 to index
      %get3A_284 = tpu.vector_load %arg13[%get3A_283] {strides = array<i32>} : memref<5120xi32, #tpu.memory_space<vmem>>, vector<16xi32>,
      %add3A_285 = arith.constant 40 : i32
      %add3A_286 = arith.addi %add3A_285, %add3A_255 : i32
      %swap3A_287 = arith.index_cast %add3A_286 : i32 to index
      %swap3A_288 = arith.constant 16 : index
      %swap3A_289 = tpu.vector_load %arg11[%swap3A_287, %swap3A_288] {strides = array<i32>} : memref<80x128xi32, #tpu.memory_space<vmem>>, vector<16xi32>,
      tpu.vector_store %arg11[%swap3A_287, %swap3A_288], %get3A_284 {strides = array<i32>} : memref<80x128xi32, #tpu.memory_space<vmem>>, vector<16xi32>,
      %mul3A_290 = arith.constant 128 : i32
      %mul3A_291 = arith.muli %add3A_255, %mul3A_290 : i32
      %add3A_292 = arith.constant 32 : i32
      %add3A_293 = arith.addi %mul3A_291, %add3A_292 : i32
      %get3A_294 = arith.index_cast %add3A_293 : i32 to index
      %get3A_295 = tpu.vector_load %arg12[%get3A_294] {strides = array<i32>} : memref<5120xi32, #tpu.memory_space<vmem>>, vector<16xi32>,
      %add3A_296 = arith.constant 40 : i32
      %add3A_297 = arith.addi %add3A_296, %add3A_255 : i32
      %swap3A_298 = arith.index_cast %add3A_297 : i32 to index
      %swap3A_299 = arith.constant 32 : index
      %swap3A_300 = tpu.vector_load %arg10[%swap3A_298, %swap3A_299] {strides = array<i32>} : memref<80x128xi32, #tpu.memory_space<vmem>>, vector<16xi32>,
      tpu.vector_store %arg10[%swap3A_298, %swap3A_299], %get3A_295 {strides = array<i32>} : memref<80x128xi32, #tpu.memory_space<vmem>>, vector<16xi32>,
      %get3A_301 = arith.index_cast %add3A_293 : i32 to index
      %get3A_302 = tpu.vector_load %arg13[%get3A_301] {strides = array<i32>} : memref<5120xi32, #tpu.memory_space<vmem>>, vector<16xi32>,
      %add3A_303 = arith.constant 40 : i32
      %add3A_304 = arith.addi %add3A_303, %add3A_255 : i32
      %swap3A_305 = arith.index_cast %add3A_304 : i32 to index
      %swap3A_306 = arith.constant 32 : index
      %swap3A_307 = tpu.vector_load %arg11[%swap3A_305, %swap3A_306] {strides = array<i32>} : memref<80x128xi32, #tpu.memory_space<vmem>>, vector<16xi32>,
      tpu.vector_store %arg11[%swap3A_305, %swap3A_306], %get3A_302 {strides = array<i32>} : memref<80x128xi32, #tpu.memory_space<vmem>>, vector<16xi32>,
      %mul3A_308 = arith.constant 128 : i32
      %mul3A_309 = arith.muli %add3A_255, %mul3A_308 : i32
      %add3A_310 = arith.constant 48 : i32
      %add3A_311 = arith.addi %mul3A_309, %add3A_310 : i32
      %get3A_312 = arith.index_cast %add3A_311 : i32 to index
      %get3A_313 = tpu.vector_load %arg12[%get3A_312] {strides = array<i32>} : memref<5120xi32, #tpu.memory_space<vmem>>, vector<16xi32>,
      %add3A_314 = arith.constant 40 : i32
      %add3A_315 = arith.addi %add3A_314, %add3A_255 : i32
      %swap3A_316 = arith.index_cast %add3A_315 : i32 to index
      %swap3A_317 = arith.constant 48 : index
      %swap3A_318 = tpu.vector_load %arg10[%swap3A_316, %swap3A_317] {strides = array<i32>} : memref<80x128xi32, #tpu.memory_space<vmem>>, vector<16xi32>,
      tpu.vector_store %arg10[%swap3A_316, %swap3A_317], %get3A_313 {strides = array<i32>} : memref<80x128xi32, #tpu.memory_space<vmem>>, vector<16xi32>,
      %get3A_319 = arith.index_cast %add3A_311 : i32 to index
      %get3A_320 = tpu.vector_load %arg13[%get3A_319] {strides = array<i32>} : memref<5120xi32, #tpu.memory_space<vmem>>, vector<16xi32>,
      %add3A_321 = arith.constant 40 : i32
      %add3A_322 = arith.addi %add3A_321, %add3A_255 : i32
      %swap3A_323 = arith.index_cast %add3A_322 : i32 to index
      %swap3A_324 = arith.constant 48 : index
      %swap3A_325 = tpu.vector_load %arg11[%swap3A_323, %swap3A_324] {strides = array<i32>} : memref<80x128xi32, #tpu.memory_space<vmem>>, vector<16xi32>,
      tpu.vector_store %arg11[%swap3A_323, %swap3A_324], %get3A_320 {strides = array<i32>} : memref<80x128xi32, #tpu.memory_space<vmem>>, vector<16xi32>,
      %mul3A_326 = arith.constant 128 : i32
      %mul3A_327 = arith.muli %add3A_255, %mul3A_326 : i32
      %add3A_328 = arith.constant 64 : i32
      %add3A_329 = arith.addi %mul3A_327, %add3A_328 : i32
      %get3A_330 = arith.index_cast %add3A_329 : i32 to index
      %get3A_331 = tpu.vector_load %arg12[%get3A_330] {strides = array<i32>} : memref<5120xi32, #tpu.memory_space<vmem>>, vector<16xi32>,
      %add3A_332 = arith.constant 40 : i32
      %add3A_333 = arith.addi %add3A_332, %add3A_255 : i32
      %swap3A_334 = arith.index_cast %add3A_333 : i32 to index
      %swap3A_335 = arith.constant 64 : index
      %swap3A_336 = tpu.vector_load %arg10[%swap3A_334, %swap3A_335] {strides = array<i32>} : memref<80x128xi32, #tpu.memory_space<vmem>>, vector<16xi32>,
      tpu.vector_store %arg10[%swap3A_334, %swap3A_335], %get3A_331 {strides = array<i32>} : memref<80x128xi32, #tpu.memory_space<vmem>>, vector<16xi32>,
      %get3A_337 = arith.index_cast %add3A_329 : i32 to index
      %get3A_338 = tpu.vector_load %arg13[%get3A_337] {strides = array<i32>} : memref<5120xi32, #tpu.memory_space<vmem>>, vector<16xi32>,
      %add3A_339 = arith.constant 40 : i32
      %add3A_340 = arith.addi %add3A_339, %add3A_255 : i32
      %swap3A_341 = arith.index_cast %add3A_340 : i32 to index
      %swap3A_342 = arith.constant 64 : index
      %swap3A_343 = tpu.vector_load %arg11[%swap3A_341, %swap3A_342] {strides = array<i32>} : memref<80x128xi32, #tpu.memory_space<vmem>>, vector<16xi32>,
      tpu.vector_store %arg11[%swap3A_341, %swap3A_342], %get3A_338 {strides = array<i32>} : memref<80x128xi32, #tpu.memory_space<vmem>>, vector<16xi32>,
      %mul3A_344 = arith.constant 128 : i32
      %mul3A_345 = arith.muli %add3A_255, %mul3A_344 : i32
      %add3A_346 = arith.constant 80 : i32
      %add3A_347 = arith.addi %mul3A_345, %add3A_346 : i32
      %get3A_348 = arith.index_cast %add3A_347 : i32 to index
      %get3A_349 = tpu.vector_load %arg12[%get3A_348] {strides = array<i32>} : memref<5120xi32, #tpu.memory_space<vmem>>, vector<16xi32>,
      %add3A_350 = arith.constant 40 : i32
      %add3A_351 = arith.addi %add3A_350, %add3A_255 : i32
      %swap3A_352 = arith.index_cast %add3A_351 : i32 to index
      %swap3A_353 = arith.constant 80 : index
      %swap3A_354 = tpu.vector_load %arg10[%swap3A_352, %swap3A_353] {strides = array<i32>} : memref<80x128xi32, #tpu.memory_space<vmem>>, vector<16xi32>,
      tpu.vector_store %arg10[%swap3A_352, %swap3A_353], %get3A_349 {strides = array<i32>} : memref<80x128xi32, #tpu.memory_space<vmem>>, vector<16xi32>,
      %get3A_355 = arith.index_cast %add3A_347 : i32 to index
      %get3A_356 = tpu.vector_load %arg13[%get3A_355] {strides = array<i32>} : memref<5120xi32, #tpu.memory_space<vmem>>, vector<16xi32>,
      %add3A_357 = arith.constant 40 : i32
      %add3A_358 = arith.addi %add3A_357, %add3A_255 : i32
      %swap3A_359 = arith.index_cast %add3A_358 : i32 to index
      %swap3A_360 = arith.constant 80 : index
      %swap3A_361 = tpu.vector_load %arg11[%swap3A_359, %swap3A_360] {strides = array<i32>} : memref<80x128xi32, #tpu.memory_space<vmem>>, vector<16xi32>,
      tpu.vector_store %arg11[%swap3A_359, %swap3A_360], %get3A_356 {strides = array<i32>} : memref<80x128xi32, #tpu.memory_space<vmem>>, vector<16xi32>,
      %mul3A_362 = arith.constant 128 : i32
      %mul3A_363 = arith.muli %add3A_255, %mul3A_362 : i32
      %add3A_364 = arith.constant 96 : i32
      %add3A_365 = arith.addi %mul3A_363, %add3A_364 : i32
      %get3A_366 = arith.index_cast %add3A_365 : i32 to index
      %get3A_367 = tpu.vector_load %arg12[%get3A_366] {strides = array<i32>} : memref<5120xi32, #tpu.memory_space<vmem>>, vector<16xi32>,
      %add3A_368 = arith.constant 40 : i32
      %add3A_369 = arith.addi %add3A_368, %add3A_255 : i32
      %swap3A_370 = arith.index_cast %add3A_369 : i32 to index
      %swap3A_371 = arith.constant 96 : index
      %swap3A_372 = tpu.vector_load %arg10[%swap3A_370, %swap3A_371] {strides = array<i32>} : memref<80x128xi32, #tpu.memory_space<vmem>>, vector<16xi32>,
      tpu.vector_store %arg10[%swap3A_370, %swap3A_371], %get3A_367 {strides = array<i32>} : memref<80x128xi32, #tpu.memory_space<vmem>>, vector<16xi32>,
      %get3A_373 = arith.index_cast %add3A_365 : i32 to index
      %get3A_374 = tpu.vector_load %arg13[%get3A_373] {strides = array<i32>} : memref<5120xi32, #tpu.memory_space<vmem>>, vector<16xi32>,
      %add3A_375 = arith.constant 40 : i32
      %add3A_376 = arith.addi %add3A_375, %add3A_255 : i32
      %swap3A_377 = arith.index_cast %add3A_376 : i32 to index
      %swap3A_378 = arith.constant 96 : index
      %swap3A_379 = tpu.vector_load %arg11[%swap3A_377, %swap3A_378] {strides = array<i32>} : memref<80x128xi32, #tpu.memory_space<vmem>>, vector<16xi32>,
      tpu.vector_store %arg11[%swap3A_377, %swap3A_378], %get3A_374 {strides = array<i32>} : memref<80x128xi32, #tpu.memory_space<vmem>>, vector<16xi32>,
      %mul3A_380 = arith.constant 128 : i32
      %mul3A_381 = arith.muli %add3A_255, %mul3A_380 : i32
      %add3A_382 = arith.constant 112 : i32
      %add3A_383 = arith.addi %mul3A_381, %add3A_382 : i32
      %get3A_384 = arith.index_cast %add3A_383 : i32 to index
      %get3A_385 = tpu.vector_load %arg12[%get3A_384] {strides = array<i32>} : memref<5120xi32, #tpu.memory_space<vmem>>, vector<16xi32>,
      %add3A_386 = arith.constant 40 : i32
      %add3A_387 = arith.addi %add3A_386, %add3A_255 : i32
      %swap3A_388 = arith.index_cast %add3A_387 : i32 to index
      %swap3A_389 = arith.constant 112 : index
      %swap3A_390 = tpu.vector_load %arg10[%swap3A_388, %swap3A_389] {strides = array<i32>} : memref<80x128xi32, #tpu.memory_space<vmem>>, vector<16xi32>,
      tpu.vector_store %arg10[%swap3A_388, %swap3A_389], %get3A_385 {strides = array<i32>} : memref<80x128xi32, #tpu.memory_space<vmem>>, vector<16xi32>,
      %get3A_391 = arith.index_cast %add3A_383 : i32 to index
      %get3A_392 = tpu.vector_load %arg13[%get3A_391] {strides = array<i32>} : memref<5120xi32, #tpu.memory_space<vmem>>, vector<16xi32>,
      %add3A_393 = arith.constant 40 : i32
      %add3A_394 = arith.addi %add3A_393, %add3A_255 : i32
      %swap3A_395 = arith.index_cast %add3A_394 : i32 to index
      %swap3A_396 = arith.constant 112 : index
      %swap3A_397 = tpu.vector_load %arg11[%swap3A_395, %swap3A_396] {strides = array<i32>} : memref<80x128xi32, #tpu.memory_space<vmem>>, vector<16xi32>,
      tpu.vector_store %arg11[%swap3A_395, %swap3A_396], %get3A_392 {strides = array<i32>} : memref<80x128xi32, #tpu.memory_space<vmem>>, vector<16xi32>,
    }
    %while3A_75 = arith.constant 1 : i32
    scf.for %while3A_253 = %while3A_73 to %while3A_69 step %while3A_75  : i32 {
      %mul3A_254 = arith.muli %while3A_253, %while3A_65 : i32
      %add3A_255 = arith.addi %while3A_66, %mul3A_254 : i32
      %mul3A_256 = arith.constant 128 : i32
      %mul3A_257 = arith.muli %add3A_255, %mul3A_256 : i32
      %add3A_258 = arith.constant 0 : i32
      %add3A_259 = arith.addi %mul3A_257, %add3A_258 : i32
      %get3A = arith.index_cast %add3A_259 : i32 to index
      %get3A_260 = tpu.vector_load %arg12[%get3A] {strides = array<i32>} : memref<5120xi32, #tpu.memory_space<vmem>>, vector<16xi32>,
      %add3A_261 = arith.constant 40 : i32
      %add3A_262 = arith.addi %add3A_261, %add3A_255 : i32
      %swap3A = arith.index_cast %add3A_262 : i32 to index
      %swap3A_263 = arith.constant 0 : index
      %swap3A_264 = tpu.vector_load %arg10[%swap3A, %swap3A_263] {strides = array<i32>} : memref<80x128xi32, #tpu.memory_space<vmem>>, vector<16xi32>,
      tpu.vector_store %arg10[%swap3A, %swap3A_263], %get3A_260 {strides = array<i32>} : memref<80x128xi32, #tpu.memory_space<vmem>>, vector<16xi32>,
      %get3A_265 = arith.index_cast %add3A_259 : i32 to index
      %get3A_266 = tpu.vector_load %arg13[%get3A_265] {strides = array<i32>} : memref<5120xi32, #tpu.memory_space<vmem>>, vector<16xi32>,
      %add3A_267 = arith.constant 40 : i32
      %add3A_268 = arith.addi %add3A_267, %add3A_255 : i32
      %swap3A_269 = arith.index_cast %add3A_268 : i32 to index
      %swap3A_270 = arith.constant 0 : index
      %swap3A_271 = tpu.vector_load %arg11[%swap3A_269, %swap3A_270] {strides = array<i32>} : memref<80x128xi32, #tpu.memory_space<vmem>>, vector<16xi32>,
      tpu.vector_store %arg11[%swap3A_269, %swap3A_270], %get3A_266 {strides = array<i32>} : memref<80x128xi32, #tpu.memory_space<vmem>>, vector<16xi32>,
      %mul3A_272 = arith.constant 128 : i32
      %mul3A_273 = arith.muli %add3A_255, %mul3A_272 : i32
      %add3A_274 = arith.constant 16 : i32
      %add3A_275 = arith.addi %mul3A_273, %add3A_274 : i32
      %get3A_276 = arith.index_cast %add3A_275 : i32 to index
      %get3A_277 = tpu.vector_load %arg12[%get3A_276] {strides = array<i32>} : memref<5120xi32, #tpu.memory_space<vmem>>, vector<16xi32>,
      %add3A_278 = arith.constant 40 : i32
      %add3A_279 = arith.addi %add3A_278, %add3A_255 : i32
      %swap3A_280 = arith.index_cast %add3A_279 : i32 to index
      %swap3A_281 = arith.constant 16 : index
      %swap3A_282 = tpu.vector_load %arg10[%swap3A_280, %swap3A_281] {strides = array<i32>} : memref<80x128xi32, #tpu.memory_space<vmem>>, vector<16xi32>,
      tpu.vector_store %arg10[%swap3A_280, %swap3A_281], %get3A_277 {strides = array<i32>} : memref<80x128xi32, #tpu.memory_space<vmem>>, vector<16xi32>,
      %get3A_283 = arith.index_cast %add3A_275 : i32 to index
      %get3A_284 = tpu.vector_load %arg13[%get3A_283] {strides = array<i32>} : memref<5120xi32, #tpu.memory_space<vmem>>, vector<16xi32>,
      %add3A_285 = arith.constant 40 : i32
      %add3A_286 = arith.addi %add3A_285, %add3A_255 : i32
      %swap3A_287 = arith.index_cast %add3A_286 : i32 to index
      %swap3A_288 = arith.constant 16 : index
      %swap3A_289 = tpu.vector_load %arg11[%swap3A_287, %swap3A_288] {strides = array<i32>} : memref<80x128xi32, #tpu.memory_space<vmem>>, vector<16xi32>,
      tpu.vector_store %arg11[%swap3A_287, %swap3A_288], %get3A_284 {strides = array<i32>} : memref<80x128xi32, #tpu.memory_space<vmem>>, vector<16xi32>,
      %mul3A_290 = arith.constant 128 : i32
      %mul3A_291 = arith.muli %add3A_255, %mul3A_290 : i32
      %add3A_292 = arith.constant 32 : i32
      %add3A_293 = arith.addi %mul3A_291, %add3A_292 : i32
      %get3A_294 = arith.index_cast %add3A_293 : i32 to index
      %get3A_295 = tpu.vector_load %arg12[%get3A_294] {strides = array<i32>} : memref<5120xi32, #tpu.memory_space<vmem>>, vector<16xi32>,
      %add3A_296 = arith.constant 40 : i32
      %add3A_297 = arith.addi %add3A_296, %add3A_255 : i32
      %swap3A_298 = arith.index_cast %add3A_297 : i32 to index
      %swap3A_299 = arith.constant 32 : index
      %swap3A_300 = tpu.vector_load %arg10[%swap3A_298, %swap3A_299] {strides = array<i32>} : memref<80x128xi32, #tpu.memory_space<vmem>>, vector<16xi32>,
      tpu.vector_store %arg10[%swap3A_298, %swap3A_299], %get3A_295 {strides = array<i32>} : memref<80x128xi32, #tpu.memory_space<vmem>>, vector<16xi32>,
      %get3A_301 = arith.index_cast %add3A_293 : i32 to index
      %get3A_302 = tpu.vector_load %arg13[%get3A_301] {strides = array<i32>} : memref<5120xi32, #tpu.memory_space<vmem>>, vector<16xi32>,
      %add3A_303 = arith.constant 40 : i32
      %add3A_304 = arith.addi %add3A_303, %add3A_255 : i32
      %swap3A_305 = arith.index_cast %add3A_304 : i32 to index
      %swap3A_306 = arith.constant 32 : index
      %swap3A_307 = tpu.vector_load %arg11[%swap3A_305, %swap3A_306] {strides = array<i32>} : memref<80x128xi32, #tpu.memory_space<vmem>>, vector<16xi32>,
      tpu.vector_store %arg11[%swap3A_305, %swap3A_306], %get3A_302 {strides = array<i32>} : memref<80x128xi32, #tpu.memory_space<vmem>>, vector<16xi32>,
      %mul3A_308 = arith.constant 128 : i32
      %mul3A_309 = arith.muli %add3A_255, %mul3A_308 : i32
      %add3A_310 = arith.constant 48 : i32
      %add3A_311 = arith.addi %mul3A_309, %add3A_310 : i32
      %get3A_312 = arith.index_cast %add3A_311 : i32 to index
      %get3A_313 = tpu.vector_load %arg12[%get3A_312] {strides = array<i32>} : memref<5120xi32, #tpu.memory_space<vmem>>, vector<16xi32>,
      %add3A_314 = arith.constant 40 : i32
      %add3A_315 = arith.addi %add3A_314, %add3A_255 : i32
      %swap3A_316 = arith.index_cast %add3A_315 : i32 to index
      %swap3A_317 = arith.constant 48 : index
      %swap3A_318 = tpu.vector_load %arg10[%swap3A_316, %swap3A_317] {strides = array<i32>} : memref<80x128xi32, #tpu.memory_space<vmem>>, vector<16xi32>,
      tpu.vector_store %arg10[%swap3A_316, %swap3A_317], %get3A_313 {strides = array<i32>} : memref<80x128xi32, #tpu.memory_space<vmem>>, vector<16xi32>,
      %get3A_319 = arith.index_cast %add3A_311 : i32 to index
      %get3A_320 = tpu.vector_load %arg13[%get3A_319] {strides = array<i32>} : memref<5120xi32, #tpu.memory_space<vmem>>, vector<16xi32>,
      %add3A_321 = arith.constant 40 : i32
      %add3A_322 = arith.addi %add3A_321, %add3A_255 : i32
      %swap3A_323 = arith.index_cast %add3A_322 : i32 to index
      %swap3A_324 = arith.constant 48 : index
      %swap3A_325 = tpu.vector_load %arg11[%swap3A_323, %swap3A_324] {strides = array<i32>} : memref<80x128xi32, #tpu.memory_space<vmem>>, vector<16xi32>,
      tpu.vector_store %arg11[%swap3A_323, %swap3A_324], %get3A_320 {strides = array<i32>} : memref<80x128xi32, #tpu.memory_space<vmem>>, vector<16xi32>,
      %mul3A_326 = arith.constant 128 : i32
      %mul3A_327 = arith.muli %add3A_255, %mul3A_326 : i32
      %add3A_328 = arith.constant 64 : i32
      %add3A_329 = arith.addi %mul3A_327, %add3A_328 : i32
      %get3A_330 = arith.index_cast %add3A_329 : i32 to index
      %get3A_331 = tpu.vector_load %arg12[%get3A_330] {strides = array<i32>} : memref<5120xi32, #tpu.memory_space<vmem>>, vector<16xi32>,
      %add3A_332 = arith.constant 40 : i32
      %add3A_333 = arith.addi %add3A_332, %add3A_255 : i32
      %swap3A_334 = arith.index_cast %add3A_333 : i32 to index
      %swap3A_335 = arith.constant 64 : index
      %swap3A_336 = tpu.vector_load %arg10[%swap3A_334, %swap3A_335] {strides = array<i32>} : memref<80x128xi32, #tpu.memory_space<vmem>>, vector<16xi32>,
      tpu.vector_store %arg10[%swap3A_334, %swap3A_335], %get3A_331 {strides = array<i32>} : memref<80x128xi32, #tpu.memory_space<vmem>>, vector<16xi32>,
      %get3A_337 = arith.index_cast %add3A_329 : i32 to index
      %get3A_338 = tpu.vector_load %arg13[%get3A_337] {strides = array<i32>} : memref<5120xi32, #tpu.memory_space<vmem>>, vector<16xi32>,
      %add3A_339 = arith.constant 40 : i32
      %add3A_340 = arith.addi %add3A_339, %add3A_255 : i32
      %swap3A_341 = arith.index_cast %add3A_340 : i32 to index
      %swap3A_342 = arith.constant 64 : index
      %swap3A_343 = tpu.vector_load %arg11[%swap3A_341, %swap3A_342] {strides = array<i32>} : memref<80x128xi32, #tpu.memory_space<vmem>>, vector<16xi32>,
      tpu.vector_store %arg11[%swap3A_341, %swap3A_342], %get3A_338 {strides = array<i32>} : memref<80x128xi32, #tpu.memory_space<vmem>>, vector<16xi32>,
      %mul3A_344 = arith.constant 128 : i32
      %mul3A_345 = arith.muli %add3A_255, %mul3A_344 : i32
      %add3A_346 = arith.constant 80 : i32
      %add3A_347 = arith.addi %mul3A_345, %add3A_346 : i32
      %get3A_348 = arith.index_cast %add3A_347 : i32 to index
      %get3A_349 = tpu.vector_load %arg12[%get3A_348] {strides = array<i32>} : memref<5120xi32, #tpu.memory_space<vmem>>, vector<16xi32>,
      %add3A_350 = arith.constant 40 : i32
      %add3A_351 = arith.addi %add3A_350, %add3A_255 : i32
      %swap3A_352 = arith.index_cast %add3A_351 : i32 to index
      %swap3A_353 = arith.constant 80 : index
      %swap3A_354 = tpu.vector_load %arg10[%swap3A_352, %swap3A_353] {strides = array<i32>} : memref<80x128xi32, #tpu.memory_space<vmem>>, vector<16xi32>,
      tpu.vector_store %arg10[%swap3A_352, %swap3A_353], %get3A_349 {strides = array<i32>} : memref<80x128xi32, #tpu.memory_space<vmem>>, vector<16xi32>,
      %get3A_355 = arith.index_cast %add3A_347 : i32 to index
      %get3A_356 = tpu.vector_load %arg13[%get3A_355] {strides = array<i32>} : memref<5120xi32, #tpu.memory_space<vmem>>, vector<16xi32>,
      %add3A_357 = arith.constant 40 : i32
      %add3A_358 = arith.addi %add3A_357, %add3A_255 : i32
      %swap3A_359 = arith.index_cast %add3A_358 : i32 to index
      %swap3A_360 = arith.constant 80 : index
      %swap3A_361 = tpu.vector_load %arg11[%swap3A_359, %swap3A_360] {strides = array<i32>} : memref<80x128xi32, #tpu.memory_space<vmem>>, vector<16xi32>,
      tpu.vector_store %arg11[%swap3A_359, %swap3A_360], %get3A_356 {strides = array<i32>} : memref<80x128xi32, #tpu.memory_space<vmem>>, vector<16xi32>,
      %mul3A_362 = arith.constant 128 : i32
      %mul3A_363 = arith.muli %add3A_255, %mul3A_362 : i32
      %add3A_364 = arith.constant 96 : i32
      %add3A_365 = arith.addi %mul3A_363, %add3A_364 : i32
      %get3A_366 = arith.index_cast %add3A_365 : i32 to index
      %get3A_367 = tpu.vector_load %arg12[%get3A_366] {strides = array<i32>} : memref<5120xi32, #tpu.memory_space<vmem>>, vector<16xi32>,
      %add3A_368 = arith.constant 40 : i32
      %add3A_369 = arith.addi %add3A_368, %add3A_255 : i32
      %swap3A_370 = arith.index_cast %add3A_369 : i32 to index
      %swap3A_371 = arith.constant 96 : index
      %swap3A_372 = tpu.vector_load %arg10[%swap3A_370, %swap3A_371] {strides = array<i32>} : memref<80x128xi32, #tpu.memory_space<vmem>>, vector<16xi32>,
      tpu.vector_store %arg10[%swap3A_370, %swap3A_371], %get3A_367 {strides = array<i32>} : memref<80x128xi32, #tpu.memory_space<vmem>>, vector<16xi32>,
      %get3A_373 = arith.index_cast %add3A_365 : i32 to index
      %get3A_374 = tpu.vector_load %arg13[%get3A_373] {strides = array<i32>} : memref<5120xi32, #tpu.memory_space<vmem>>, vector<16xi32>,
      %add3A_375 = arith.constant 40 : i32
      %add3A_376 = arith.addi %add3A_375, %add3A_255 : i32
      %swap3A_377 = arith.index_cast %add3A_376 : i32 to index
      %swap3A_378 = arith.constant 96 : index
      %swap3A_379 = tpu.vector_load %arg11[%swap3A_377, %swap3A_378] {strides = array<i32>} : memref<80x128xi32, #tpu.memory_space<vmem>>, vector<16xi32>,
      tpu.vector_store %arg11[%swap3A_377, %swap3A_378], %get3A_374 {strides = array<i32>} : memref<80x128xi32, #tpu.memory_space<vmem>>, vector<16xi32>,
      %mul3A_380 = arith.constant 128 : i32
      %mul3A_381 = arith.muli %add3A_255, %mul3A_380 : i32
      %add3A_382 = arith.constant 112 : i32
      %add3A_383 = arith.addi %mul3A_381, %add3A_382 : i32
      %get3A_384 = arith.index_cast %add3A_383 : i32 to index
      %get3A_385 = tpu.vector_load %arg12[%get3A_384] {strides = array<i32>} : memref<5120xi32, #tpu.memory_space<vmem>>, vector<16xi32>,
      %add3A_386 = arith.constant 40 : i32
      %add3A_387 = arith.addi %add3A_386, %add3A_255 : i32
      %swap3A_388 = arith.index_cast %add3A_387 : i32 to index
      %swap3A_389 = arith.constant 112 : index
      %swap3A_390 = tpu.vector_load %arg10[%swap3A_388, %swap3A_389] {strides = array<i32>} : memref<80x128xi32, #tpu.memory_space<vmem>>, vector<16xi32>,
      tpu.vector_store %arg10[%swap3A_388, %swap3A_389], %get3A_385 {strides = array<i32>} : memref<80x128xi32, #tpu.memory_space<vmem>>, vector<16xi32>,
      %get3A_391 = arith.index_cast %add3A_383 : i32 to index
      %get3A_392 = tpu.vector_load %arg13[%get3A_391] {strides = array<i32>} : memref<5120xi32, #tpu.memory_space<vmem>>, vector<16xi32>,
      %add3A_393 = arith.constant 40 : i32
      %add3A_394 = arith.addi %add3A_393, %add3A_255 : i32
      %swap3A_395 = arith.index_cast %add3A_394 : i32 to index
      %swap3A_396 = arith.constant 112 : index
      %swap3A_397 = tpu.vector_load %arg11[%swap3A_395, %swap3A_396] {strides = array<i32>} : memref<80x128xi32, #tpu.memory_space<vmem>>, vector<16xi32>,
      tpu.vector_store %arg11[%swap3A_395, %swap3A_396], %get3A_392 {strides = array<i32>} : memref<80x128xi32, #tpu.memory_space<vmem>>, vector<16xi32>,
    }
    %mul3A_76 = arith.constant 328 : i32
    %mul3A_77 = arith.muli %arg1, %mul3A_76 : i32
    "tpu.region"() ({
      %run_scoped3A = tpu.sem_alloc : memref<!tpu.dma_semaphore, #tpu.memory_space<semaphore_mem>>
      %dma_start3A_253 = arith.constant 0 : i32
      %dma_start3A_254 = tpu.memref_slice %arg20[%mul3A_77, %dma_start3A_253] : memref<5248x128xf32, #tpu.memory_space<vmem_shared>> -> memref<328x128xf32, #tpu.memory_space<vmem_shared>>
      tpu.enqueue_dma source(%arg6 : memref<328x128xf32, #tpu.memory_space<hbm>>) target(%dma_start3A_254 : memref<328x128xf32, #tpu.memory_space<vmem_shared>>) target_semaphore(%run_scoped3A : memref<!tpu.dma_semaphore, #tpu.memory_space<semaphore_mem>>)
      %dma_wait3A = arith.constant 0 : i32
      %dma_wait3A_255 = tpu.memref_slice %arg20[%mul3A_77, %dma_wait3A] : memref<5248x128xf32, #tpu.memory_space<vmem_shared>> -> memref<328x128xf32, #tpu.memory_space<vmem_shared>>
      tpu.wait_dma2 semaphore(%run_scoped3A : memref<!tpu.dma_semaphore, #tpu.memory_space<semaphore_mem>>) src(%arg6 : memref<328x128xf32, #tpu.memory_space<hbm>>) dst(%dma_wait3A_255 : memref<328x128xf32, #tpu.memory_space<vmem_shared>>)
      tpu.yield
    }) : () -> ()
    %barrier3A = arith.constant 0 : index
    tpu.barrier barrier_id(%barrier3A)
    %dma_start3A = arith.constant 0 : i32
    %dma_start3A_78 = arith.constant 0 : i32
    %dma_start3A_79 = tpu.memref_slice %arg10[%dma_start3A, %dma_start3A_78] : memref<80x128xi32, #tpu.memory_space<vmem>> -> memref<1x128xi32, #tpu.memory_space<vmem>>
    %dma_start3A_80 = tpu.memref_squeeze %dma_start3A_79 : memref<1x128xi32, #tpu.memory_space<vmem>> -> memref<128xi32, #tpu.memory_space<vmem>>
    %dma_start3A_81 = arith.constant 0 : i32
    %dma_start3A_82 = arith.constant 0 : i32
    %dma_start3A_83 = tpu.memref_slice %arg2[%dma_start3A_81, %dma_start3A_82] : memref<10000x128xf32, #tpu.memory_space<hbm>> -> memref<10000x128xf32, #tpu.memory_space<hbm>>
    tpu.enqueue_indirect_dma source(%dma_start3A_83 : memref<10000x128xf32, #tpu.memory_space<hbm>>) target(%arg14 : memref<128x128xf32, #tpu.memory_space<vmem>>) offsets(%dma_start3A_80 : memref<128xi32, #tpu.memory_space<vmem>>) semaphore(%arg16 : memref<!tpu.dma_semaphore, #tpu.memory_space<semaphore_mem>>)
    %dma_start3A_84 = arith.constant 1 : i32
    %dma_start3A_85 = arith.constant 0 : i32
    %dma_start3A_86 = tpu.memref_slice %arg10[%dma_start3A_84, %dma_start3A_85] : memref<80x128xi32, #tpu.memory_space<vmem>> -> memref<1x128xi32, #tpu.memory_space<vmem>>
    %dma_start3A_87 = tpu.memref_squeeze %dma_start3A_86 : memref<1x128xi32, #tpu.memory_space<vmem>> -> memref<128xi32, #tpu.memory_space<vmem>>
    %dma_start3A_88 = arith.constant 0 : i32
    %dma_start3A_89 = arith.constant 0 : i32
    %dma_start3A_90 = tpu.memref_slice %arg2[%dma_start3A_88, %dma_start3A_89] : memref<10000x128xf32, #tpu.memory_space<hbm>> -> memref<10000x128xf32, #tpu.memory_space<hbm>>
    tpu.enqueue_indirect_dma source(%dma_start3A_90 : memref<10000x128xf32, #tpu.memory_space<hbm>>) target(%arg15 : memref<128x128xf32, #tpu.memory_space<vmem>>) offsets(%dma_start3A_87 : memref<128xi32, #tpu.memory_space<vmem>>) semaphore(%arg17 : memref<!tpu.dma_semaphore, #tpu.memory_space<semaphore_mem>>)
    %sub3A_91 = arith.constant 0 : i32
    %sub3A_92 = arith.subi %max3A_19, %sub3A_91 : i32
    %sub3A_93 = arith.constant 2 : i32
    %sub3A_94 = arith.constant 1 : i32
    %sub3A_95 = arith.subi %sub3A_93, %sub3A_94 : i32
    %add3A_96 = arith.addi %sub3A_92, %sub3A_95 : i32
    %div3A_97 = arith.constant 2 : i32
    %div3A_98 = arith.divsi %add3A_96, %div3A_97 : i32
    %while3A_99 = arith.constant 2 : i32
    %while3A_100 = arith.constant 0 : i32
    %while3A_101 = arith.constant 0 : i32
    %while3A_102 = arith.subi %div3A_98, %while3A_101 : i32
    %while3A_103 = arith.addi %while3A_101, %while3A_102 : i32
    %while3A_104 = arith.constant 1 : i32
    %while3A_105 = arith.divsi %while3A_102, %while3A_104 : i32
    %while3A_106 = arith.muli %while3A_105, %while3A_104 : i32
    %while3A_107 = arith.addi %while3A_101, %while3A_106 : i32
    %while3A_108 = arith.constant 1 : i32
    scf.for %while3A_253 = %while3A_101 to %while3A_107 step %while3A_108  : i32 {
      %mul3A_254 = arith.muli %while3A_253, %while3A_99 : i32
      %add3A_255 = arith.addi %while3A_100, %mul3A_254 : i32
      %add3A_256 = arith.constant 0 : i32
      %add3A_257 = arith.addi %add3A_256, %add3A_255 : i32
      %add3A_258 = arith.constant 0 : i32
      %add3A_259 = arith.addi %add3A_257, %add3A_258 : i32
      %dma_wait3A = arith.constant 0 : i32
      %dma_wait3A_260 = tpu.memref_slice %arg10[%add3A_259, %dma_wait3A] : memref<80x128xi32, #tpu.memory_space<vmem>> -> memref<1x128xi32, #tpu.memory_space<vmem>>
      %dma_wait3A_261 = tpu.memref_squeeze %dma_wait3A_260 : memref<1x128xi32, #tpu.memory_space<vmem>> -> memref<128xi32, #tpu.memory_space<vmem>>
      %dma_wait3A_262 = arith.constant 0 : i32
      %dma_wait3A_263 = arith.constant 0 : i32
      %dma_wait3A_264 = tpu.memref_slice %arg2[%dma_wait3A_262, %dma_wait3A_263] : memref<10000x128xf32, #tpu.memory_space<hbm>> -> memref<10000x128xf32, #tpu.memory_space<hbm>>
      tpu.wait_indirect_dma semaphore(%arg16 : memref<!tpu.dma_semaphore, #tpu.memory_space<semaphore_mem>>) src(%dma_wait3A_264 : memref<10000x128xf32, #tpu.memory_space<hbm>>) dst(%arg14 : memref<128x128xf32, #tpu.memory_space<vmem>>)
      %add3A_265 = arith.constant 0 : i32
      %add3A_266 = arith.addi %add3A_265, %add3A_255 : i32
      %add3A_267 = arith.constant 0 : i32
      %add3A_268 = arith.addi %add3A_266, %add3A_267 : i32
      %dma_start3A_269 = arith.constant 0 : i32
      %dma_start3A_270 = tpu.memref_slice %arg11[%add3A_268, %dma_start3A_269] : memref<80x128xi32, #tpu.memory_space<vmem>> -> memref<1x128xi32, #tpu.memory_space<vmem>>
      %dma_start3A_271 = tpu.memref_squeeze %dma_start3A_270 : memref<1x128xi32, #tpu.memory_space<vmem>> -> memref<128xi32, #tpu.memory_space<vmem>>
      %dma_start3A_272 = arith.constant 0 : i32
      %dma_start3A_273 = arith.constant 0 : i32
      %dma_start3A_274 = tpu.memref_slice %arg20[%dma_start3A_272, %dma_start3A_273] : memref<5248x128xf32, #tpu.memory_space<vmem_shared>> -> memref<5248x128xf32, #tpu.memory_space<vmem_shared>>
      tpu.enqueue_indirect_dma source(%arg14 : memref<128x128xf32, #tpu.memory_space<vmem>>) target(%dma_start3A_274 : memref<5248x128xf32, #tpu.memory_space<vmem_shared>>) offsets(%dma_start3A_271 : memref<128xi32, #tpu.memory_space<vmem>>) semaphore(%arg18 : memref<!tpu.dma_semaphore, #tpu.memory_space<semaphore_mem>>) {add = true}
      %add3A_275 = arith.constant 0 : i32
      %add3A_276 = arith.addi %add3A_275, %add3A_255 : i32
      %add3A_277 = arith.constant 1 : i32
      %add3A_278 = arith.addi %add3A_276, %add3A_277 : i32
      %dma_wait3A_279 = arith.constant 0 : i32
      %dma_wait3A_280 = tpu.memref_slice %arg10[%add3A_278, %dma_wait3A_279] : memref<80x128xi32, #tpu.memory_space<vmem>> -> memref<1x128xi32, #tpu.memory_space<vmem>>
      %dma_wait3A_281 = tpu.memref_squeeze %dma_wait3A_280 : memref<1x128xi32, #tpu.memory_space<vmem>> -> memref<128xi32, #tpu.memory_space<vmem>>
      %dma_wait3A_282 = arith.constant 0 : i32
      %dma_wait3A_283 = arith.constant 0 : i32
      %dma_wait3A_284 = tpu.memref_slice %arg2[%dma_wait3A_282, %dma_wait3A_283] : memref<10000x128xf32, #tpu.memory_space<hbm>> -> memref<10000x128xf32, #tpu.memory_space<hbm>>
      tpu.wait_indirect_dma semaphore(%arg17 : memref<!tpu.dma_semaphore, #tpu.memory_space<semaphore_mem>>) src(%dma_wait3A_284 : memref<10000x128xf32, #tpu.memory_space<hbm>>) dst(%arg15 : memref<128x128xf32, #tpu.memory_space<vmem>>)
      %add3A_285 = arith.constant 0 : i32
      %add3A_286 = arith.addi %add3A_285, %add3A_255 : i32
      %add3A_287 = arith.constant 1 : i32
      %add3A_288 = arith.addi %add3A_286, %add3A_287 : i32
      %dma_start3A_289 = arith.constant 0 : i32
      %dma_start3A_290 = tpu.memref_slice %arg11[%add3A_288, %dma_start3A_289] : memref<80x128xi32, #tpu.memory_space<vmem>> -> memref<1x128xi32, #tpu.memory_space<vmem>>
      %dma_start3A_291 = tpu.memref_squeeze %dma_start3A_290 : memref<1x128xi32, #tpu.memory_space<vmem>> -> memref<128xi32, #tpu.memory_space<vmem>>
      %dma_start3A_292 = arith.constant 0 : i32
      %dma_start3A_293 = arith.constant 0 : i32
      %dma_start3A_294 = tpu.memref_slice %arg20[%dma_start3A_292, %dma_start3A_293] : memref<5248x128xf32, #tpu.memory_space<vmem_shared>> -> memref<5248x128xf32, #tpu.memory_space<vmem_shared>>
      tpu.enqueue_indirect_dma source(%arg15 : memref<128x128xf32, #tpu.memory_space<vmem>>) target(%dma_start3A_294 : memref<5248x128xf32, #tpu.memory_space<vmem_shared>>) offsets(%dma_start3A_291 : memref<128xi32, #tpu.memory_space<vmem>>) semaphore(%arg19 : memref<!tpu.dma_semaphore, #tpu.memory_space<semaphore_mem>>) {add = true}
      %add3A_295 = arith.constant 0 : i32
      %add3A_296 = arith.addi %add3A_295, %add3A_255 : i32
      %add3A_297 = arith.constant 0 : i32
      %add3A_298 = arith.addi %add3A_296, %add3A_297 : i32
      %dma_wait3A_299 = arith.constant 0 : i32
      %dma_wait3A_300 = tpu.memref_slice %arg11[%add3A_298, %dma_wait3A_299] : memref<80x128xi32, #tpu.memory_space<vmem>> -> memref<1x128xi32, #tpu.memory_space<vmem>>
      %dma_wait3A_301 = tpu.memref_squeeze %dma_wait3A_300 : memref<1x128xi32, #tpu.memory_space<vmem>> -> memref<128xi32, #tpu.memory_space<vmem>>
      %dma_wait3A_302 = arith.constant 0 : i32
      %dma_wait3A_303 = arith.constant 0 : i32
      %dma_wait3A_304 = tpu.memref_slice %arg20[%dma_wait3A_302, %dma_wait3A_303] : memref<5248x128xf32, #tpu.memory_space<vmem_shared>> -> memref<5248x128xf32, #tpu.memory_space<vmem_shared>>
      tpu.wait_indirect_dma semaphore(%arg18 : memref<!tpu.dma_semaphore, #tpu.memory_space<semaphore_mem>>) src(%arg14 : memref<128x128xf32, #tpu.memory_space<vmem>>) dst(%dma_wait3A_304 : memref<5248x128xf32, #tpu.memory_space<vmem_shared>>)
      %add3A_305 = arith.constant 2 : i32
      %add3A_306 = arith.addi %add3A_255, %add3A_305 : i32
      %add3A_307 = arith.constant 0 : i32
      %add3A_308 = arith.addi %add3A_306, %add3A_307 : i32
      %lt3A_309 = arith.cmpi slt, %add3A_308, %max3A_19 : i32
      %convert_element_type3A_310 = arith.extui %lt3A_309 : i1 to i32
      %cond3A_311 = arith.constant 0 : i32
      %cond3A_312 = arith.cmpi ne, %convert_element_type3A_310, %cond3A_311 : i32
      scf.if %cond3A_312 {
        %add3A_331 = arith.constant 0 : i32
        %add3A_332 = arith.addi %add3A_331, %add3A_255 : i32
        %add3A_333 = arith.constant 2 : i32
        %add3A_334 = arith.addi %add3A_332, %add3A_333 : i32
        %add3A_335 = arith.constant 0 : i32
        %add3A_336 = arith.addi %add3A_334, %add3A_335 : i32
        %dma_start3A_337 = arith.constant 0 : i32
        %dma_start3A_338 = tpu.memref_slice %arg10[%add3A_336, %dma_start3A_337] : memref<80x128xi32, #tpu.memory_space<vmem>> -> memref<1x128xi32, #tpu.memory_space<vmem>>
        %dma_start3A_339 = tpu.memref_squeeze %dma_start3A_338 : memref<1x128xi32, #tpu.memory_space<vmem>> -> memref<128xi32, #tpu.memory_space<vmem>>
        %dma_start3A_340 = arith.constant 0 : i32
        %dma_start3A_341 = arith.constant 0 : i32
        %dma_start3A_342 = tpu.memref_slice %arg2[%dma_start3A_340, %dma_start3A_341] : memref<10000x128xf32, #tpu.memory_space<hbm>> -> memref<10000x128xf32, #tpu.memory_space<hbm>>
        tpu.enqueue_indirect_dma source(%dma_start3A_342 : memref<10000x128xf32, #tpu.memory_space<hbm>>) target(%arg14 : memref<128x128xf32, #tpu.memory_space<vmem>>) offsets(%dma_start3A_339 : memref<128xi32, #tpu.memory_space<vmem>>) semaphore(%arg16 : memref<!tpu.dma_semaphore, #tpu.memory_space<semaphore_mem>>)
      } else {
      }
      %add3A_313 = arith.constant 0 : i32
      %add3A_314 = arith.addi %add3A_313, %add3A_255 : i32
      %add3A_315 = arith.constant 1 : i32
      %add3A_316 = arith.addi %add3A_314, %add3A_315 : i32
      %dma_wait3A_317 = arith.constant 0 : i32
      %dma_wait3A_318 = tpu.memref_slice %arg11[%add3A_316, %dma_wait3A_317] : memref<80x128xi32, #tpu.memory_space<vmem>> -> memref<1x128xi32, #tpu.memory_space<vmem>>
      %dma_wait3A_319 = tpu.memref_squeeze %dma_wait3A_318 : memref<1x128xi32, #tpu.memory_space<vmem>> -> memref<128xi32, #tpu.memory_space<vmem>>
      %dma_wait3A_320 = arith.constant 0 : i32
      %dma_wait3A_321 = arith.constant 0 : i32
      %dma_wait3A_322 = tpu.memref_slice %arg20[%dma_wait3A_320, %dma_wait3A_321] : memref<5248x128xf32, #tpu.memory_space<vmem_shared>> -> memref<5248x128xf32, #tpu.memory_space<vmem_shared>>
      tpu.wait_indirect_dma semaphore(%arg19 : memref<!tpu.dma_semaphore, #tpu.memory_space<semaphore_mem>>) src(%arg15 : memref<128x128xf32, #tpu.memory_space<vmem>>) dst(%dma_wait3A_322 : memref<5248x128xf32, #tpu.memory_space<vmem_shared>>)
      %add3A_323 = arith.constant 2 : i32
      %add3A_324 = arith.addi %add3A_255, %add3A_323 : i32
      %add3A_325 = arith.constant 1 : i32
      %add3A_326 = arith.addi %add3A_324, %add3A_325 : i32
      %lt3A_327 = arith.cmpi slt, %add3A_326, %max3A_19 : i32
      %convert_element_type3A_328 = arith.extui %lt3A_327 : i1 to i32
      %cond3A_329 = arith.constant 0 : i32
      %cond3A_330 = arith.cmpi ne, %convert_element_type3A_328, %cond3A_329 : i32
      scf.if %cond3A_330 {
        %add3A_331 = arith.constant 0 : i32
        %add3A_332 = arith.addi %add3A_331, %add3A_255 : i32
        %add3A_333 = arith.constant 2 : i32
        %add3A_334 = arith.addi %add3A_332, %add3A_333 : i32
        %add3A_335 = arith.constant 1 : i32
        %add3A_336 = arith.addi %add3A_334, %add3A_335 : i32
        %dma_start3A_337 = arith.constant 0 : i32
        %dma_start3A_338 = tpu.memref_slice %arg10[%add3A_336, %dma_start3A_337] : memref<80x128xi32, #tpu.memory_space<vmem>> -> memref<1x128xi32, #tpu.memory_space<vmem>>
        %dma_start3A_339 = tpu.memref_squeeze %dma_start3A_338 : memref<1x128xi32, #tpu.memory_space<vmem>> -> memref<128xi32, #tpu.memory_space<vmem>>
        %dma_start3A_340 = arith.constant 0 : i32
        %dma_start3A_341 = arith.constant 0 : i32
        %dma_start3A_342 = tpu.memref_slice %arg2[%dma_start3A_340, %dma_start3A_341] : memref<10000x128xf32, #tpu.memory_space<hbm>> -> memref<10000x128xf32, #tpu.memory_space<hbm>>
        tpu.enqueue_indirect_dma source(%dma_start3A_342 : memref<10000x128xf32, #tpu.memory_space<hbm>>) target(%arg15 : memref<128x128xf32, #tpu.memory_space<vmem>>) offsets(%dma_start3A_339 : memref<128xi32, #tpu.memory_space<vmem>>) semaphore(%arg17 : memref<!tpu.dma_semaphore, #tpu.memory_space<semaphore_mem>>)
      } else {
      }
    }
    %while3A_109 = arith.constant 1 : i32
    scf.for %while3A_253 = %while3A_107 to %while3A_103 step %while3A_109  : i32 {
      %mul3A_254 = arith.muli %while3A_253, %while3A_99 : i32
      %add3A_255 = arith.addi %while3A_100, %mul3A_254 : i32
      %add3A_256 = arith.constant 0 : i32
      %add3A_257 = arith.addi %add3A_256, %add3A_255 : i32
      %add3A_258 = arith.constant 0 : i32
      %add3A_259 = arith.addi %add3A_257, %add3A_258 : i32
      %dma_wait3A = arith.constant 0 : i32
      %dma_wait3A_260 = tpu.memref_slice %arg10[%add3A_259, %dma_wait3A] : memref<80x128xi32, #tpu.memory_space<vmem>> -> memref<1x128xi32, #tpu.memory_space<vmem>>
      %dma_wait3A_261 = tpu.memref_squeeze %dma_wait3A_260 : memref<1x128xi32, #tpu.memory_space<vmem>> -> memref<128xi32, #tpu.memory_space<vmem>>
      %dma_wait3A_262 = arith.constant 0 : i32
      %dma_wait3A_263 = arith.constant 0 : i32
      %dma_wait3A_264 = tpu.memref_slice %arg2[%dma_wait3A_262, %dma_wait3A_263] : memref<10000x128xf32, #tpu.memory_space<hbm>> -> memref<10000x128xf32, #tpu.memory_space<hbm>>
      tpu.wait_indirect_dma semaphore(%arg16 : memref<!tpu.dma_semaphore, #tpu.memory_space<semaphore_mem>>) src(%dma_wait3A_264 : memref<10000x128xf32, #tpu.memory_space<hbm>>) dst(%arg14 : memref<128x128xf32, #tpu.memory_space<vmem>>)
      %add3A_265 = arith.constant 0 : i32
      %add3A_266 = arith.addi %add3A_265, %add3A_255 : i32
      %add3A_267 = arith.constant 0 : i32
      %add3A_268 = arith.addi %add3A_266, %add3A_267 : i32
      %dma_start3A_269 = arith.constant 0 : i32
      %dma_start3A_270 = tpu.memref_slice %arg11[%add3A_268, %dma_start3A_269] : memref<80x128xi32, #tpu.memory_space<vmem>> -> memref<1x128xi32, #tpu.memory_space<vmem>>
      %dma_start3A_271 = tpu.memref_squeeze %dma_start3A_270 : memref<1x128xi32, #tpu.memory_space<vmem>> -> memref<128xi32, #tpu.memory_space<vmem>>
      %dma_start3A_272 = arith.constant 0 : i32
      %dma_start3A_273 = arith.constant 0 : i32
      %dma_start3A_274 = tpu.memref_slice %arg20[%dma_start3A_272, %dma_start3A_273] : memref<5248x128xf32, #tpu.memory_space<vmem_shared>> -> memref<5248x128xf32, #tpu.memory_space<vmem_shared>>
      tpu.enqueue_indirect_dma source(%arg14 : memref<128x128xf32, #tpu.memory_space<vmem>>) target(%dma_start3A_274 : memref<5248x128xf32, #tpu.memory_space<vmem_shared>>) offsets(%dma_start3A_271 : memref<128xi32, #tpu.memory_space<vmem>>) semaphore(%arg18 : memref<!tpu.dma_semaphore, #tpu.memory_space<semaphore_mem>>) {add = true}
      %add3A_275 = arith.constant 0 : i32
      %add3A_276 = arith.addi %add3A_275, %add3A_255 : i32
      %add3A_277 = arith.constant 1 : i32
      %add3A_278 = arith.addi %add3A_276, %add3A_277 : i32
      %dma_wait3A_279 = arith.constant 0 : i32
      %dma_wait3A_280 = tpu.memref_slice %arg10[%add3A_278, %dma_wait3A_279] : memref<80x128xi32, #tpu.memory_space<vmem>> -> memref<1x128xi32, #tpu.memory_space<vmem>>
      %dma_wait3A_281 = tpu.memref_squeeze %dma_wait3A_280 : memref<1x128xi32, #tpu.memory_space<vmem>> -> memref<128xi32, #tpu.memory_space<vmem>>
      %dma_wait3A_282 = arith.constant 0 : i32
      %dma_wait3A_283 = arith.constant 0 : i32
      %dma_wait3A_284 = tpu.memref_slice %arg2[%dma_wait3A_282, %dma_wait3A_283] : memref<10000x128xf32, #tpu.memory_space<hbm>> -> memref<10000x128xf32, #tpu.memory_space<hbm>>
      tpu.wait_indirect_dma semaphore(%arg17 : memref<!tpu.dma_semaphore, #tpu.memory_space<semaphore_mem>>) src(%dma_wait3A_284 : memref<10000x128xf32, #tpu.memory_space<hbm>>) dst(%arg15 : memref<128x128xf32, #tpu.memory_space<vmem>>)
      %add3A_285 = arith.constant 0 : i32
      %add3A_286 = arith.addi %add3A_285, %add3A_255 : i32
      %add3A_287 = arith.constant 1 : i32
      %add3A_288 = arith.addi %add3A_286, %add3A_287 : i32
      %dma_start3A_289 = arith.constant 0 : i32
      %dma_start3A_290 = tpu.memref_slice %arg11[%add3A_288, %dma_start3A_289] : memref<80x128xi32, #tpu.memory_space<vmem>> -> memref<1x128xi32, #tpu.memory_space<vmem>>
      %dma_start3A_291 = tpu.memref_squeeze %dma_start3A_290 : memref<1x128xi32, #tpu.memory_space<vmem>> -> memref<128xi32, #tpu.memory_space<vmem>>
      %dma_start3A_292 = arith.constant 0 : i32
      %dma_start3A_293 = arith.constant 0 : i32
      %dma_start3A_294 = tpu.memref_slice %arg20[%dma_start3A_292, %dma_start3A_293] : memref<5248x128xf32, #tpu.memory_space<vmem_shared>> -> memref<5248x128xf32, #tpu.memory_space<vmem_shared>>
      tpu.enqueue_indirect_dma source(%arg15 : memref<128x128xf32, #tpu.memory_space<vmem>>) target(%dma_start3A_294 : memref<5248x128xf32, #tpu.memory_space<vmem_shared>>) offsets(%dma_start3A_291 : memref<128xi32, #tpu.memory_space<vmem>>) semaphore(%arg19 : memref<!tpu.dma_semaphore, #tpu.memory_space<semaphore_mem>>) {add = true}
      %add3A_295 = arith.constant 0 : i32
      %add3A_296 = arith.addi %add3A_295, %add3A_255 : i32
      %add3A_297 = arith.constant 0 : i32
      %add3A_298 = arith.addi %add3A_296, %add3A_297 : i32
      %dma_wait3A_299 = arith.constant 0 : i32
      %dma_wait3A_300 = tpu.memref_slice %arg11[%add3A_298, %dma_wait3A_299] : memref<80x128xi32, #tpu.memory_space<vmem>> -> memref<1x128xi32, #tpu.memory_space<vmem>>
      %dma_wait3A_301 = tpu.memref_squeeze %dma_wait3A_300 : memref<1x128xi32, #tpu.memory_space<vmem>> -> memref<128xi32, #tpu.memory_space<vmem>>
      %dma_wait3A_302 = arith.constant 0 : i32
      %dma_wait3A_303 = arith.constant 0 : i32
      %dma_wait3A_304 = tpu.memref_slice %arg20[%dma_wait3A_302, %dma_wait3A_303] : memref<5248x128xf32, #tpu.memory_space<vmem_shared>> -> memref<5248x128xf32, #tpu.memory_space<vmem_shared>>
      tpu.wait_indirect_dma semaphore(%arg18 : memref<!tpu.dma_semaphore, #tpu.memory_space<semaphore_mem>>) src(%arg14 : memref<128x128xf32, #tpu.memory_space<vmem>>) dst(%dma_wait3A_304 : memref<5248x128xf32, #tpu.memory_space<vmem_shared>>)
      %add3A_305 = arith.constant 2 : i32
      %add3A_306 = arith.addi %add3A_255, %add3A_305 : i32
      %add3A_307 = arith.constant 0 : i32
      %add3A_308 = arith.addi %add3A_306, %add3A_307 : i32
      %lt3A_309 = arith.cmpi slt, %add3A_308, %max3A_19 : i32
      %convert_element_type3A_310 = arith.extui %lt3A_309 : i1 to i32
      %cond3A_311 = arith.constant 0 : i32
      %cond3A_312 = arith.cmpi ne, %convert_element_type3A_310, %cond3A_311 : i32
      scf.if %cond3A_312 {
        %add3A_331 = arith.constant 0 : i32
        %add3A_332 = arith.addi %add3A_331, %add3A_255 : i32
        %add3A_333 = arith.constant 2 : i32
        %add3A_334 = arith.addi %add3A_332, %add3A_333 : i32
        %add3A_335 = arith.constant 0 : i32
        %add3A_336 = arith.addi %add3A_334, %add3A_335 : i32
        %dma_start3A_337 = arith.constant 0 : i32
        %dma_start3A_338 = tpu.memref_slice %arg10[%add3A_336, %dma_start3A_337] : memref<80x128xi32, #tpu.memory_space<vmem>> -> memref<1x128xi32, #tpu.memory_space<vmem>>
        %dma_start3A_339 = tpu.memref_squeeze %dma_start3A_338 : memref<1x128xi32, #tpu.memory_space<vmem>> -> memref<128xi32, #tpu.memory_space<vmem>>
        %dma_start3A_340 = arith.constant 0 : i32
        %dma_start3A_341 = arith.constant 0 : i32
        %dma_start3A_342 = tpu.memref_slice %arg2[%dma_start3A_340, %dma_start3A_341] : memref<10000x128xf32, #tpu.memory_space<hbm>> -> memref<10000x128xf32, #tpu.memory_space<hbm>>
        tpu.enqueue_indirect_dma source(%dma_start3A_342 : memref<10000x128xf32, #tpu.memory_space<hbm>>) target(%arg14 : memref<128x128xf32, #tpu.memory_space<vmem>>) offsets(%dma_start3A_339 : memref<128xi32, #tpu.memory_space<vmem>>) semaphore(%arg16 : memref<!tpu.dma_semaphore, #tpu.memory_space<semaphore_mem>>)
      } else {
      }
      %add3A_313 = arith.constant 0 : i32
      %add3A_314 = arith.addi %add3A_313, %add3A_255 : i32
      %add3A_315 = arith.constant 1 : i32
      %add3A_316 = arith.addi %add3A_314, %add3A_315 : i32
      %dma_wait3A_317 = arith.constant 0 : i32
      %dma_wait3A_318 = tpu.memref_slice %arg11[%add3A_316, %dma_wait3A_317] : memref<80x128xi32, #tpu.memory_space<vmem>> -> memref<1x128xi32, #tpu.memory_space<vmem>>
      %dma_wait3A_319 = tpu.memref_squeeze %dma_wait3A_318 : memref<1x128xi32, #tpu.memory_space<vmem>> -> memref<128xi32, #tpu.memory_space<vmem>>
      %dma_wait3A_320 = arith.constant 0 : i32
      %dma_wait3A_321 = arith.constant 0 : i32
      %dma_wait3A_322 = tpu.memref_slice %arg20[%dma_wait3A_320, %dma_wait3A_321] : memref<5248x128xf32, #tpu.memory_space<vmem_shared>> -> memref<5248x128xf32, #tpu.memory_space<vmem_shared>>
      tpu.wait_indirect_dma semaphore(%arg19 : memref<!tpu.dma_semaphore, #tpu.memory_space<semaphore_mem>>) src(%arg15 : memref<128x128xf32, #tpu.memory_space<vmem>>) dst(%dma_wait3A_322 : memref<5248x128xf32, #tpu.memory_space<vmem_shared>>)
      %add3A_323 = arith.constant 2 : i32
      %add3A_324 = arith.addi %add3A_255, %add3A_323 : i32
      %add3A_325 = arith.constant 1 : i32
      %add3A_326 = arith.addi %add3A_324, %add3A_325 : i32
      %lt3A_327 = arith.cmpi slt, %add3A_326, %max3A_19 : i32
      %convert_element_type3A_328 = arith.extui %lt3A_327 : i1 to i32
      %cond3A_329 = arith.constant 0 : i32
      %cond3A_330 = arith.cmpi ne, %convert_element_type3A_328, %cond3A_329 : i32
      scf.if %cond3A_330 {
        %add3A_331 = arith.constant 0 : i32
        %add3A_332 = arith.addi %add3A_331, %add3A_255 : i32
        %add3A_333 = arith.constant 2 : i32
        %add3A_334 = arith.addi %add3A_332, %add3A_333 : i32
        %add3A_335 = arith.constant 1 : i32
        %add3A_336 = arith.addi %add3A_334, %add3A_335 : i32
        %dma_start3A_337 = arith.constant 0 : i32
        %dma_start3A_338 = tpu.memref_slice %arg10[%add3A_336, %dma_start3A_337] : memref<80x128xi32, #tpu.memory_space<vmem>> -> memref<1x128xi32, #tpu.memory_space<vmem>>
        %dma_start3A_339 = tpu.memref_squeeze %dma_start3A_338 : memref<1x128xi32, #tpu.memory_space<vmem>> -> memref<128xi32, #tpu.memory_space<vmem>>
        %dma_start3A_340 = arith.constant 0 : i32
        %dma_start3A_341 = arith.constant 0 : i32
        %dma_start3A_342 = tpu.memref_slice %arg2[%dma_start3A_340, %dma_start3A_341] : memref<10000x128xf32, #tpu.memory_space<hbm>> -> memref<10000x128xf32, #tpu.memory_space<hbm>>
        tpu.enqueue_indirect_dma source(%dma_start3A_342 : memref<10000x128xf32, #tpu.memory_space<hbm>>) target(%arg15 : memref<128x128xf32, #tpu.memory_space<vmem>>) offsets(%dma_start3A_339 : memref<128xi32, #tpu.memory_space<vmem>>) semaphore(%arg17 : memref<!tpu.dma_semaphore, #tpu.memory_space<semaphore_mem>>)
      } else {
      }
    }
    %dma_start3A_110 = arith.constant 40 : i32
    %dma_start3A_111 = arith.constant 0 : i32
    %dma_start3A_112 = tpu.memref_slice %arg10[%dma_start3A_110, %dma_start3A_111] : memref<80x128xi32, #tpu.memory_space<vmem>> -> memref<1x128xi32, #tpu.memory_space<vmem>>
    %dma_start3A_113 = tpu.memref_squeeze %dma_start3A_112 : memref<1x128xi32, #tpu.memory_space<vmem>> -> memref<128xi32, #tpu.memory_space<vmem>>
    %dma_start3A_114 = arith.constant 0 : i32
    %dma_start3A_115 = arith.constant 0 : i32
    %dma_start3A_116 = tpu.memref_slice %arg2[%dma_start3A_114, %dma_start3A_115] : memref<10000x128xf32, #tpu.memory_space<hbm>> -> memref<10000x128xf32, #tpu.memory_space<hbm>>
    tpu.enqueue_indirect_dma source(%dma_start3A_116 : memref<10000x128xf32, #tpu.memory_space<hbm>>) target(%arg14 : memref<128x128xf32, #tpu.memory_space<vmem>>) offsets(%dma_start3A_113 : memref<128xi32, #tpu.memory_space<vmem>>) semaphore(%arg16 : memref<!tpu.dma_semaphore, #tpu.memory_space<semaphore_mem>>)
    %dma_start3A_117 = arith.constant 41 : i32
    %dma_start3A_118 = arith.constant 0 : i32
    %dma_start3A_119 = tpu.memref_slice %arg10[%dma_start3A_117, %dma_start3A_118] : memref<80x128xi32, #tpu.memory_space<vmem>> -> memref<1x128xi32, #tpu.memory_space<vmem>>
    %dma_start3A_120 = tpu.memref_squeeze %dma_start3A_119 : memref<1x128xi32, #tpu.memory_space<vmem>> -> memref<128xi32, #tpu.memory_space<vmem>>
    %dma_start3A_121 = arith.constant 0 : i32
    %dma_start3A_122 = arith.constant 0 : i32
    %dma_start3A_123 = tpu.memref_slice %arg2[%dma_start3A_121, %dma_start3A_122] : memref<10000x128xf32, #tpu.memory_space<hbm>> -> memref<10000x128xf32, #tpu.memory_space<hbm>>
    tpu.enqueue_indirect_dma source(%dma_start3A_123 : memref<10000x128xf32, #tpu.memory_space<hbm>>) target(%arg15 : memref<128x128xf32, #tpu.memory_space<vmem>>) offsets(%dma_start3A_120 : memref<128xi32, #tpu.memory_space<vmem>>) semaphore(%arg17 : memref<!tpu.dma_semaphore, #tpu.memory_space<semaphore_mem>>)
    %sub3A_124 = arith.constant 0 : i32
    %sub3A_125 = arith.subi %max3A_56, %sub3A_124 : i32
    %sub3A_126 = arith.constant 2 : i32
    %sub3A_127 = arith.constant 1 : i32
    %sub3A_128 = arith.subi %sub3A_126, %sub3A_127 : i32
    %add3A_129 = arith.addi %sub3A_125, %sub3A_128 : i32
    %div3A_130 = arith.constant 2 : i32
    %div3A_131 = arith.divsi %add3A_129, %div3A_130 : i32
    %while3A_132 = arith.constant 2 : i32
    %while3A_133 = arith.constant 0 : i32
    %while3A_134 = arith.constant 0 : i32
    %while3A_135 = arith.subi %div3A_131, %while3A_134 : i32
    %while3A_136 = arith.addi %while3A_134, %while3A_135 : i32
    %while3A_137 = arith.constant 1 : i32
    %while3A_138 = arith.divsi %while3A_135, %while3A_137 : i32
    %while3A_139 = arith.muli %while3A_138, %while3A_137 : i32
    %while3A_140 = arith.addi %while3A_134, %while3A_139 : i32
    %while3A_141 = arith.constant 1 : i32
    scf.for %while3A_253 = %while3A_134 to %while3A_140 step %while3A_141  : i32 {
      %mul3A_254 = arith.muli %while3A_253, %while3A_132 : i32
      %add3A_255 = arith.addi %while3A_133, %mul3A_254 : i32
      %add3A_256 = arith.constant 40 : i32
      %add3A_257 = arith.addi %add3A_256, %add3A_255 : i32
      %add3A_258 = arith.constant 0 : i32
      %add3A_259 = arith.addi %add3A_257, %add3A_258 : i32
      %dma_wait3A = arith.constant 0 : i32
      %dma_wait3A_260 = tpu.memref_slice %arg10[%add3A_259, %dma_wait3A] : memref<80x128xi32, #tpu.memory_space<vmem>> -> memref<1x128xi32, #tpu.memory_space<vmem>>
      %dma_wait3A_261 = tpu.memref_squeeze %dma_wait3A_260 : memref<1x128xi32, #tpu.memory_space<vmem>> -> memref<128xi32, #tpu.memory_space<vmem>>
      %dma_wait3A_262 = arith.constant 0 : i32
      %dma_wait3A_263 = arith.constant 0 : i32
      %dma_wait3A_264 = tpu.memref_slice %arg2[%dma_wait3A_262, %dma_wait3A_263] : memref<10000x128xf32, #tpu.memory_space<hbm>> -> memref<10000x128xf32, #tpu.memory_space<hbm>>
      tpu.wait_indirect_dma semaphore(%arg16 : memref<!tpu.dma_semaphore, #tpu.memory_space<semaphore_mem>>) src(%dma_wait3A_264 : memref<10000x128xf32, #tpu.memory_space<hbm>>) dst(%arg14 : memref<128x128xf32, #tpu.memory_space<vmem>>)
      %add3A_265 = arith.constant 40 : i32
      %add3A_266 = arith.addi %add3A_265, %add3A_255 : i32
      %add3A_267 = arith.constant 0 : i32
      %add3A_268 = arith.addi %add3A_266, %add3A_267 : i32
      %dma_start3A_269 = arith.constant 0 : i32
      %dma_start3A_270 = tpu.memref_slice %arg11[%add3A_268, %dma_start3A_269] : memref<80x128xi32, #tpu.memory_space<vmem>> -> memref<1x128xi32, #tpu.memory_space<vmem>>
      %dma_start3A_271 = tpu.memref_squeeze %dma_start3A_270 : memref<1x128xi32, #tpu.memory_space<vmem>> -> memref<128xi32, #tpu.memory_space<vmem>>
      %dma_start3A_272 = arith.constant 0 : i32
      %dma_start3A_273 = arith.constant 0 : i32
      %dma_start3A_274 = tpu.memref_slice %arg20[%dma_start3A_272, %dma_start3A_273] : memref<5248x128xf32, #tpu.memory_space<vmem_shared>> -> memref<5248x128xf32, #tpu.memory_space<vmem_shared>>
      tpu.enqueue_indirect_dma source(%arg14 : memref<128x128xf32, #tpu.memory_space<vmem>>) target(%dma_start3A_274 : memref<5248x128xf32, #tpu.memory_space<vmem_shared>>) offsets(%dma_start3A_271 : memref<128xi32, #tpu.memory_space<vmem>>) semaphore(%arg18 : memref<!tpu.dma_semaphore, #tpu.memory_space<semaphore_mem>>) {add = true}
      %add3A_275 = arith.constant 40 : i32
      %add3A_276 = arith.addi %add3A_275, %add3A_255 : i32
      %add3A_277 = arith.constant 1 : i32
      %add3A_278 = arith.addi %add3A_276, %add3A_277 : i32
      %dma_wait3A_279 = arith.constant 0 : i32
      %dma_wait3A_280 = tpu.memref_slice %arg10[%add3A_278, %dma_wait3A_279] : memref<80x128xi32, #tpu.memory_space<vmem>> -> memref<1x128xi32, #tpu.memory_space<vmem>>
      %dma_wait3A_281 = tpu.memref_squeeze %dma_wait3A_280 : memref<1x128xi32, #tpu.memory_space<vmem>> -> memref<128xi32, #tpu.memory_space<vmem>>
      %dma_wait3A_282 = arith.constant 0 : i32
      %dma_wait3A_283 = arith.constant 0 : i32
      %dma_wait3A_284 = tpu.memref_slice %arg2[%dma_wait3A_282, %dma_wait3A_283] : memref<10000x128xf32, #tpu.memory_space<hbm>> -> memref<10000x128xf32, #tpu.memory_space<hbm>>
      tpu.wait_indirect_dma semaphore(%arg17 : memref<!tpu.dma_semaphore, #tpu.memory_space<semaphore_mem>>) src(%dma_wait3A_284 : memref<10000x128xf32, #tpu.memory_space<hbm>>) dst(%arg15 : memref<128x128xf32, #tpu.memory_space<vmem>>)
      %add3A_285 = arith.constant 40 : i32
      %add3A_286 = arith.addi %add3A_285, %add3A_255 : i32
      %add3A_287 = arith.constant 1 : i32
      %add3A_288 = arith.addi %add3A_286, %add3A_287 : i32
      %dma_start3A_289 = arith.constant 0 : i32
      %dma_start3A_290 = tpu.memref_slice %arg11[%add3A_288, %dma_start3A_289] : memref<80x128xi32, #tpu.memory_space<vmem>> -> memref<1x128xi32, #tpu.memory_space<vmem>>
      %dma_start3A_291 = tpu.memref_squeeze %dma_start3A_290 : memref<1x128xi32, #tpu.memory_space<vmem>> -> memref<128xi32, #tpu.memory_space<vmem>>
      %dma_start3A_292 = arith.constant 0 : i32
      %dma_start3A_293 = arith.constant 0 : i32
      %dma_start3A_294 = tpu.memref_slice %arg20[%dma_start3A_292, %dma_start3A_293] : memref<5248x128xf32, #tpu.memory_space<vmem_shared>> -> memref<5248x128xf32, #tpu.memory_space<vmem_shared>>
      tpu.enqueue_indirect_dma source(%arg15 : memref<128x128xf32, #tpu.memory_space<vmem>>) target(%dma_start3A_294 : memref<5248x128xf32, #tpu.memory_space<vmem_shared>>) offsets(%dma_start3A_291 : memref<128xi32, #tpu.memory_space<vmem>>) semaphore(%arg19 : memref<!tpu.dma_semaphore, #tpu.memory_space<semaphore_mem>>) {add = true}
      %add3A_295 = arith.constant 40 : i32
      %add3A_296 = arith.addi %add3A_295, %add3A_255 : i32
      %add3A_297 = arith.constant 0 : i32
      %add3A_298 = arith.addi %add3A_296, %add3A_297 : i32
      %dma_wait3A_299 = arith.constant 0 : i32
      %dma_wait3A_300 = tpu.memref_slice %arg11[%add3A_298, %dma_wait3A_299] : memref<80x128xi32, #tpu.memory_space<vmem>> -> memref<1x128xi32, #tpu.memory_space<vmem>>
      %dma_wait3A_301 = tpu.memref_squeeze %dma_wait3A_300 : memref<1x128xi32, #tpu.memory_space<vmem>> -> memref<128xi32, #tpu.memory_space<vmem>>
      %dma_wait3A_302 = arith.constant 0 : i32
      %dma_wait3A_303 = arith.constant 0 : i32
      %dma_wait3A_304 = tpu.memref_slice %arg20[%dma_wait3A_302, %dma_wait3A_303] : memref<5248x128xf32, #tpu.memory_space<vmem_shared>> -> memref<5248x128xf32, #tpu.memory_space<vmem_shared>>
      tpu.wait_indirect_dma semaphore(%arg18 : memref<!tpu.dma_semaphore, #tpu.memory_space<semaphore_mem>>) src(%arg14 : memref<128x128xf32, #tpu.memory_space<vmem>>) dst(%dma_wait3A_304 : memref<5248x128xf32, #tpu.memory_space<vmem_shared>>)
      %add3A_305 = arith.constant 2 : i32
      %add3A_306 = arith.addi %add3A_255, %add3A_305 : i32
      %add3A_307 = arith.constant 0 : i32
      %add3A_308 = arith.addi %add3A_306, %add3A_307 : i32
      %lt3A_309 = arith.cmpi slt, %add3A_308, %max3A_56 : i32
      %convert_element_type3A_310 = arith.extui %lt3A_309 : i1 to i32
      %cond3A_311 = arith.constant 0 : i32
      %cond3A_312 = arith.cmpi ne, %convert_element_type3A_310, %cond3A_311 : i32
      scf.if %cond3A_312 {
        %add3A_331 = arith.constant 40 : i32
        %add3A_332 = arith.addi %add3A_331, %add3A_255 : i32
        %add3A_333 = arith.constant 2 : i32
        %add3A_334 = arith.addi %add3A_332, %add3A_333 : i32
        %add3A_335 = arith.constant 0 : i32
        %add3A_336 = arith.addi %add3A_334, %add3A_335 : i32
        %dma_start3A_337 = arith.constant 0 : i32
        %dma_start3A_338 = tpu.memref_slice %arg10[%add3A_336, %dma_start3A_337] : memref<80x128xi32, #tpu.memory_space<vmem>> -> memref<1x128xi32, #tpu.memory_space<vmem>>
        %dma_start3A_339 = tpu.memref_squeeze %dma_start3A_338 : memref<1x128xi32, #tpu.memory_space<vmem>> -> memref<128xi32, #tpu.memory_space<vmem>>
        %dma_start3A_340 = arith.constant 0 : i32
        %dma_start3A_341 = arith.constant 0 : i32
        %dma_start3A_342 = tpu.memref_slice %arg2[%dma_start3A_340, %dma_start3A_341] : memref<10000x128xf32, #tpu.memory_space<hbm>> -> memref<10000x128xf32, #tpu.memory_space<hbm>>
        tpu.enqueue_indirect_dma source(%dma_start3A_342 : memref<10000x128xf32, #tpu.memory_space<hbm>>) target(%arg14 : memref<128x128xf32, #tpu.memory_space<vmem>>) offsets(%dma_start3A_339 : memref<128xi32, #tpu.memory_space<vmem>>) semaphore(%arg16 : memref<!tpu.dma_semaphore, #tpu.memory_space<semaphore_mem>>)
      } else {
      }
      %add3A_313 = arith.constant 40 : i32
      %add3A_314 = arith.addi %add3A_313, %add3A_255 : i32
      %add3A_315 = arith.constant 1 : i32
      %add3A_316 = arith.addi %add3A_314, %add3A_315 : i32
      %dma_wait3A_317 = arith.constant 0 : i32
      %dma_wait3A_318 = tpu.memref_slice %arg11[%add3A_316, %dma_wait3A_317] : memref<80x128xi32, #tpu.memory_space<vmem>> -> memref<1x128xi32, #tpu.memory_space<vmem>>
      %dma_wait3A_319 = tpu.memref_squeeze %dma_wait3A_318 : memref<1x128xi32, #tpu.memory_space<vmem>> -> memref<128xi32, #tpu.memory_space<vmem>>
      %dma_wait3A_320 = arith.constant 0 : i32
      %dma_wait3A_321 = arith.constant 0 : i32
      %dma_wait3A_322 = tpu.memref_slice %arg20[%dma_wait3A_320, %dma_wait3A_321] : memref<5248x128xf32, #tpu.memory_space<vmem_shared>> -> memref<5248x128xf32, #tpu.memory_space<vmem_shared>>
      tpu.wait_indirect_dma semaphore(%arg19 : memref<!tpu.dma_semaphore, #tpu.memory_space<semaphore_mem>>) src(%arg15 : memref<128x128xf32, #tpu.memory_space<vmem>>) dst(%dma_wait3A_322 : memref<5248x128xf32, #tpu.memory_space<vmem_shared>>)
      %add3A_323 = arith.constant 2 : i32
      %add3A_324 = arith.addi %add3A_255, %add3A_323 : i32
      %add3A_325 = arith.constant 1 : i32
      %add3A_326 = arith.addi %add3A_324, %add3A_325 : i32
      %lt3A_327 = arith.cmpi slt, %add3A_326, %max3A_56 : i32
      %convert_element_type3A_328 = arith.extui %lt3A_327 : i1 to i32
      %cond3A_329 = arith.constant 0 : i32
      %cond3A_330 = arith.cmpi ne, %convert_element_type3A_328, %cond3A_329 : i32
      scf.if %cond3A_330 {
        %add3A_331 = arith.constant 40 : i32
        %add3A_332 = arith.addi %add3A_331, %add3A_255 : i32
        %add3A_333 = arith.constant 2 : i32
        %add3A_334 = arith.addi %add3A_332, %add3A_333 : i32
        %add3A_335 = arith.constant 1 : i32
        %add3A_336 = arith.addi %add3A_334, %add3A_335 : i32
        %dma_start3A_337 = arith.constant 0 : i32
        %dma_start3A_338 = tpu.memref_slice %arg10[%add3A_336, %dma_start3A_337] : memref<80x128xi32, #tpu.memory_space<vmem>> -> memref<1x128xi32, #tpu.memory_space<vmem>>
        %dma_start3A_339 = tpu.memref_squeeze %dma_start3A_338 : memref<1x128xi32, #tpu.memory_space<vmem>> -> memref<128xi32, #tpu.memory_space<vmem>>
        %dma_start3A_340 = arith.constant 0 : i32
        %dma_start3A_341 = arith.constant 0 : i32
        %dma_start3A_342 = tpu.memref_slice %arg2[%dma_start3A_340, %dma_start3A_341] : memref<10000x128xf32, #tpu.memory_space<hbm>> -> memref<10000x128xf32, #tpu.memory_space<hbm>>
        tpu.enqueue_indirect_dma source(%dma_start3A_342 : memref<10000x128xf32, #tpu.memory_space<hbm>>) target(%arg15 : memref<128x128xf32, #tpu.memory_space<vmem>>) offsets(%dma_start3A_339 : memref<128xi32, #tpu.memory_space<vmem>>) semaphore(%arg17 : memref<!tpu.dma_semaphore, #tpu.memory_space<semaphore_mem>>)
      } else {
      }
    }
    %while3A_142 = arith.constant 1 : i32
    scf.for %while3A_253 = %while3A_140 to %while3A_136 step %while3A_142  : i32 {
      %mul3A_254 = arith.muli %while3A_253, %while3A_132 : i32
      %add3A_255 = arith.addi %while3A_133, %mul3A_254 : i32
      %add3A_256 = arith.constant 40 : i32
      %add3A_257 = arith.addi %add3A_256, %add3A_255 : i32
      %add3A_258 = arith.constant 0 : i32
      %add3A_259 = arith.addi %add3A_257, %add3A_258 : i32
      %dma_wait3A = arith.constant 0 : i32
      %dma_wait3A_260 = tpu.memref_slice %arg10[%add3A_259, %dma_wait3A] : memref<80x128xi32, #tpu.memory_space<vmem>> -> memref<1x128xi32, #tpu.memory_space<vmem>>
      %dma_wait3A_261 = tpu.memref_squeeze %dma_wait3A_260 : memref<1x128xi32, #tpu.memory_space<vmem>> -> memref<128xi32, #tpu.memory_space<vmem>>
      %dma_wait3A_262 = arith.constant 0 : i32
      %dma_wait3A_263 = arith.constant 0 : i32
      %dma_wait3A_264 = tpu.memref_slice %arg2[%dma_wait3A_262, %dma_wait3A_263] : memref<10000x128xf32, #tpu.memory_space<hbm>> -> memref<10000x128xf32, #tpu.memory_space<hbm>>
      tpu.wait_indirect_dma semaphore(%arg16 : memref<!tpu.dma_semaphore, #tpu.memory_space<semaphore_mem>>) src(%dma_wait3A_264 : memref<10000x128xf32, #tpu.memory_space<hbm>>) dst(%arg14 : memref<128x128xf32, #tpu.memory_space<vmem>>)
      %add3A_265 = arith.constant 40 : i32
      %add3A_266 = arith.addi %add3A_265, %add3A_255 : i32
      %add3A_267 = arith.constant 0 : i32
      %add3A_268 = arith.addi %add3A_266, %add3A_267 : i32
      %dma_start3A_269 = arith.constant 0 : i32
      %dma_start3A_270 = tpu.memref_slice %arg11[%add3A_268, %dma_start3A_269] : memref<80x128xi32, #tpu.memory_space<vmem>> -> memref<1x128xi32, #tpu.memory_space<vmem>>
      %dma_start3A_271 = tpu.memref_squeeze %dma_start3A_270 : memref<1x128xi32, #tpu.memory_space<vmem>> -> memref<128xi32, #tpu.memory_space<vmem>>
      %dma_start3A_272 = arith.constant 0 : i32
      %dma_start3A_273 = arith.constant 0 : i32
      %dma_start3A_274 = tpu.memref_slice %arg20[%dma_start3A_272, %dma_start3A_273] : memref<5248x128xf32, #tpu.memory_space<vmem_shared>> -> memref<5248x128xf32, #tpu.memory_space<vmem_shared>>
      tpu.enqueue_indirect_dma source(%arg14 : memref<128x128xf32, #tpu.memory_space<vmem>>) target(%dma_start3A_274 : memref<5248x128xf32, #tpu.memory_space<vmem_shared>>) offsets(%dma_start3A_271 : memref<128xi32, #tpu.memory_space<vmem>>) semaphore(%arg18 : memref<!tpu.dma_semaphore, #tpu.memory_space<semaphore_mem>>) {add = true}
      %add3A_275 = arith.constant 40 : i32
      %add3A_276 = arith.addi %add3A_275, %add3A_255 : i32
      %add3A_277 = arith.constant 1 : i32
      %add3A_278 = arith.addi %add3A_276, %add3A_277 : i32
      %dma_wait3A_279 = arith.constant 0 : i32
      %dma_wait3A_280 = tpu.memref_slice %arg10[%add3A_278, %dma_wait3A_279] : memref<80x128xi32, #tpu.memory_space<vmem>> -> memref<1x128xi32, #tpu.memory_space<vmem>>
      %dma_wait3A_281 = tpu.memref_squeeze %dma_wait3A_280 : memref<1x128xi32, #tpu.memory_space<vmem>> -> memref<128xi32, #tpu.memory_space<vmem>>
      %dma_wait3A_282 = arith.constant 0 : i32
      %dma_wait3A_283 = arith.constant 0 : i32
      %dma_wait3A_284 = tpu.memref_slice %arg2[%dma_wait3A_282, %dma_wait3A_283] : memref<10000x128xf32, #tpu.memory_space<hbm>> -> memref<10000x128xf32, #tpu.memory_space<hbm>>
      tpu.wait_indirect_dma semaphore(%arg17 : memref<!tpu.dma_semaphore, #tpu.memory_space<semaphore_mem>>) src(%dma_wait3A_284 : memref<10000x128xf32, #tpu.memory_space<hbm>>) dst(%arg15 : memref<128x128xf32, #tpu.memory_space<vmem>>)
      %add3A_285 = arith.constant 40 : i32
      %add3A_286 = arith.addi %add3A_285, %add3A_255 : i32
      %add3A_287 = arith.constant 1 : i32
      %add3A_288 = arith.addi %add3A_286, %add3A_287 : i32
      %dma_start3A_289 = arith.constant 0 : i32
      %dma_start3A_290 = tpu.memref_slice %arg11[%add3A_288, %dma_start3A_289] : memref<80x128xi32, #tpu.memory_space<vmem>> -> memref<1x128xi32, #tpu.memory_space<vmem>>
      %dma_start3A_291 = tpu.memref_squeeze %dma_start3A_290 : memref<1x128xi32, #tpu.memory_space<vmem>> -> memref<128xi32, #tpu.memory_space<vmem>>
      %dma_start3A_292 = arith.constant 0 : i32
      %dma_start3A_293 = arith.constant 0 : i32
      %dma_start3A_294 = tpu.memref_slice %arg20[%dma_start3A_292, %dma_start3A_293] : memref<5248x128xf32, #tpu.memory_space<vmem_shared>> -> memref<5248x128xf32, #tpu.memory_space<vmem_shared>>
      tpu.enqueue_indirect_dma source(%arg15 : memref<128x128xf32, #tpu.memory_space<vmem>>) target(%dma_start3A_294 : memref<5248x128xf32, #tpu.memory_space<vmem_shared>>) offsets(%dma_start3A_291 : memref<128xi32, #tpu.memory_space<vmem>>) semaphore(%arg19 : memref<!tpu.dma_semaphore, #tpu.memory_space<semaphore_mem>>) {add = true}
      %add3A_295 = arith.constant 40 : i32
      %add3A_296 = arith.addi %add3A_295, %add3A_255 : i32
      %add3A_297 = arith.constant 0 : i32
      %add3A_298 = arith.addi %add3A_296, %add3A_297 : i32
      %dma_wait3A_299 = arith.constant 0 : i32
      %dma_wait3A_300 = tpu.memref_slice %arg11[%add3A_298, %dma_wait3A_299] : memref<80x128xi32, #tpu.memory_space<vmem>> -> memref<1x128xi32, #tpu.memory_space<vmem>>
      %dma_wait3A_301 = tpu.memref_squeeze %dma_wait3A_300 : memref<1x128xi32, #tpu.memory_space<vmem>> -> memref<128xi32, #tpu.memory_space<vmem>>
      %dma_wait3A_302 = arith.constant 0 : i32
      %dma_wait3A_303 = arith.constant 0 : i32
      %dma_wait3A_304 = tpu.memref_slice %arg20[%dma_wait3A_302, %dma_wait3A_303] : memref<5248x128xf32, #tpu.memory_space<vmem_shared>> -> memref<5248x128xf32, #tpu.memory_space<vmem_shared>>
      tpu.wait_indirect_dma semaphore(%arg18 : memref<!tpu.dma_semaphore, #tpu.memory_space<semaphore_mem>>) src(%arg14 : memref<128x128xf32, #tpu.memory_space<vmem>>) dst(%dma_wait3A_304 : memref<5248x128xf32, #tpu.memory_space<vmem_shared>>)
      %add3A_305 = arith.constant 2 : i32
      %add3A_306 = arith.addi %add3A_255, %add3A_305 : i32
      %add3A_307 = arith.constant 0 : i32
      %add3A_308 = arith.addi %add3A_306, %add3A_307 : i32
      %lt3A_309 = arith.cmpi slt, %add3A_308, %max3A_56 : i32
      %convert_element_type3A_310 = arith.extui %lt3A_309 : i1 to i32
      %cond3A_311 = arith.constant 0 : i32
      %cond3A_312 = arith.cmpi ne, %convert_element_type3A_310, %cond3A_311 : i32
      scf.if %cond3A_312 {
        %add3A_331 = arith.constant 40 : i32
        %add3A_332 = arith.addi %add3A_331, %add3A_255 : i32
        %add3A_333 = arith.constant 2 : i32
        %add3A_334 = arith.addi %add3A_332, %add3A_333 : i32
        %add3A_335 = arith.constant 0 : i32
        %add3A_336 = arith.addi %add3A_334, %add3A_335 : i32
        %dma_start3A_337 = arith.constant 0 : i32
        %dma_start3A_338 = tpu.memref_slice %arg10[%add3A_336, %dma_start3A_337] : memref<80x128xi32, #tpu.memory_space<vmem>> -> memref<1x128xi32, #tpu.memory_space<vmem>>
        %dma_start3A_339 = tpu.memref_squeeze %dma_start3A_338 : memref<1x128xi32, #tpu.memory_space<vmem>> -> memref<128xi32, #tpu.memory_space<vmem>>
        %dma_start3A_340 = arith.constant 0 : i32
        %dma_start3A_341 = arith.constant 0 : i32
        %dma_start3A_342 = tpu.memref_slice %arg2[%dma_start3A_340, %dma_start3A_341] : memref<10000x128xf32, #tpu.memory_space<hbm>> -> memref<10000x128xf32, #tpu.memory_space<hbm>>
        tpu.enqueue_indirect_dma source(%dma_start3A_342 : memref<10000x128xf32, #tpu.memory_space<hbm>>) target(%arg14 : memref<128x128xf32, #tpu.memory_space<vmem>>) offsets(%dma_start3A_339 : memref<128xi32, #tpu.memory_space<vmem>>) semaphore(%arg16 : memref<!tpu.dma_semaphore, #tpu.memory_space<semaphore_mem>>)
      } else {
      }
      %add3A_313 = arith.constant 40 : i32
      %add3A_314 = arith.addi %add3A_313, %add3A_255 : i32
      %add3A_315 = arith.constant 1 : i32
      %add3A_316 = arith.addi %add3A_314, %add3A_315 : i32
      %dma_wait3A_317 = arith.constant 0 : i32
      %dma_wait3A_318 = tpu.memref_slice %arg11[%add3A_316, %dma_wait3A_317] : memref<80x128xi32, #tpu.memory_space<vmem>> -> memref<1x128xi32, #tpu.memory_space<vmem>>
      %dma_wait3A_319 = tpu.memref_squeeze %dma_wait3A_318 : memref<1x128xi32, #tpu.memory_space<vmem>> -> memref<128xi32, #tpu.memory_space<vmem>>
      %dma_wait3A_320 = arith.constant 0 : i32
      %dma_wait3A_321 = arith.constant 0 : i32
      %dma_wait3A_322 = tpu.memref_slice %arg20[%dma_wait3A_320, %dma_wait3A_321] : memref<5248x128xf32, #tpu.memory_space<vmem_shared>> -> memref<5248x128xf32, #tpu.memory_space<vmem_shared>>
      tpu.wait_indirect_dma semaphore(%arg19 : memref<!tpu.dma_semaphore, #tpu.memory_space<semaphore_mem>>) src(%arg15 : memref<128x128xf32, #tpu.memory_space<vmem>>) dst(%dma_wait3A_322 : memref<5248x128xf32, #tpu.memory_space<vmem_shared>>)
      %add3A_323 = arith.constant 2 : i32
      %add3A_324 = arith.addi %add3A_255, %add3A_323 : i32
      %add3A_325 = arith.constant 1 : i32
      %add3A_326 = arith.addi %add3A_324, %add3A_325 : i32
      %lt3A_327 = arith.cmpi slt, %add3A_326, %max3A_56 : i32
      %convert_element_type3A_328 = arith.extui %lt3A_327 : i1 to i32
      %cond3A_329 = arith.constant 0 : i32
      %cond3A_330 = arith.cmpi ne, %convert_element_type3A_328, %cond3A_329 : i32
      scf.if %cond3A_330 {
        %add3A_331 = arith.constant 40 : i32
        %add3A_332 = arith.addi %add3A_331, %add3A_255 : i32
        %add3A_333 = arith.constant 2 : i32
        %add3A_334 = arith.addi %add3A_332, %add3A_333 : i32
        %add3A_335 = arith.constant 1 : i32
        %add3A_336 = arith.addi %add3A_334, %add3A_335 : i32
        %dma_start3A_337 = arith.constant 0 : i32
        %dma_start3A_338 = tpu.memref_slice %arg10[%add3A_336, %dma_start3A_337] : memref<80x128xi32, #tpu.memory_space<vmem>> -> memref<1x128xi32, #tpu.memory_space<vmem>>
        %dma_start3A_339 = tpu.memref_squeeze %dma_start3A_338 : memref<1x128xi32, #tpu.memory_space<vmem>> -> memref<128xi32, #tpu.memory_space<vmem>>
        %dma_start3A_340 = arith.constant 0 : i32
        %dma_start3A_341 = arith.constant 0 : i32
        %dma_start3A_342 = tpu.memref_slice %arg2[%dma_start3A_340, %dma_start3A_341] : memref<10000x128xf32, #tpu.memory_space<hbm>> -> memref<10000x128xf32, #tpu.memory_space<hbm>>
        tpu.enqueue_indirect_dma source(%dma_start3A_342 : memref<10000x128xf32, #tpu.memory_space<hbm>>) target(%arg15 : memref<128x128xf32, #tpu.memory_space<vmem>>) offsets(%dma_start3A_339 : memref<128xi32, #tpu.memory_space<vmem>>) semaphore(%arg17 : memref<!tpu.dma_semaphore, #tpu.memory_space<semaphore_mem>>)
      } else {
      }
    }
    %barrier3A_143 = arith.constant 0 : index
    tpu.barrier barrier_id(%barrier3A_143)
    %eq3A = arith.constant 0 : i32
    %eq3A_144 = arith.cmpi eq, %arg0, %eq3A : i32
    %convert_element_type3A = arith.extui %eq3A_144 : i1 to i32
    %cond3A = arith.constant 0 : i32
    %cond3A_145 = arith.cmpi ne, %convert_element_type3A, %cond3A : i32
    scf.if %cond3A_145 {
      %mul3A_253 = arith.constant 320 : i32
      %mul3A_254 = arith.muli %arg1, %mul3A_253 : i32
      %mul3A_255 = arith.constant 320 : i32
      %mul3A_256 = arith.muli %arg1, %mul3A_255 : i32
      "tpu.region"() ({
        %run_scoped3A = tpu.sem_alloc : memref<!tpu.dma_semaphore, #tpu.memory_space<semaphore_mem>>
        %dma_start3A_257 = arith.constant 0 : i32
        %dma_start3A_258 = tpu.memref_slice %arg7[%mul3A_256, %dma_start3A_257] : memref<10000x256xf32, #tpu.memory_space<hbm>> -> memref<320x128xf32, #tpu.memory_space<hbm>>
        %dma_start3A_259 = arith.constant 0 : i32
        %dma_start3A_260 = tpu.memref_slice %arg20[%mul3A_254, %dma_start3A_259] : memref<5248x128xf32, #tpu.memory_space<vmem_shared>> -> memref<320x128xf32, #tpu.memory_space<vmem_shared>>
        tpu.enqueue_dma source(%dma_start3A_260 : memref<320x128xf32, #tpu.memory_space<vmem_shared>>) target(%dma_start3A_258 : memref<320x128xf32, #tpu.memory_space<hbm>>) target_semaphore(%run_scoped3A : memref<!tpu.dma_semaphore, #tpu.memory_space<semaphore_mem>>)
        %dma_wait3A = arith.constant 0 : i32
        %dma_wait3A_261 = tpu.memref_slice %arg7[%mul3A_256, %dma_wait3A] : memref<10000x256xf32, #tpu.memory_space<hbm>> -> memref<320x128xf32, #tpu.memory_space<hbm>>
        %dma_wait3A_262 = arith.constant 0 : i32
        %dma_wait3A_263 = tpu.memref_slice %arg20[%mul3A_254, %dma_wait3A_262] : memref<5248x128xf32, #tpu.memory_space<vmem_shared>> -> memref<320x128xf32, #tpu.memory_space<vmem_shared>>
        tpu.wait_dma2 semaphore(%run_scoped3A : memref<!tpu.dma_semaphore, #tpu.memory_space<semaphore_mem>>) src(%dma_wait3A_263 : memref<320x128xf32, #tpu.memory_space<vmem_shared>>) dst(%dma_wait3A_261 : memref<320x128xf32, #tpu.memory_space<hbm>>)
        tpu.yield
      }) : () -> ()
    } else {
    }
    %eq3A_146 = arith.constant 1 : i32
    %eq3A_147 = arith.cmpi eq, %arg0, %eq3A_146 : i32
    %lt3A = arith.constant 15 : i32
    %lt3A_148 = arith.cmpi slt, %arg1, %lt3A : i32
    %and3A = arith.andi %eq3A_147, %lt3A_148 : i1
    %convert_element_type3A_149 = arith.extui %and3A : i1 to i32
    %cond3A_150 = arith.constant 0 : i32
    %cond3A_151 = arith.cmpi ne, %convert_element_type3A_149, %cond3A_150 : i32
    scf.if %cond3A_151 {
      %mul3A_253 = arith.constant 304 : i32
      %mul3A_254 = arith.muli %arg1, %mul3A_253 : i32
      %mul3A_255 = arith.constant 304 : i32
      %mul3A_256 = arith.muli %arg1, %mul3A_255 : i32
      %add3A_257 = arith.constant 5120 : i32
      %add3A_258 = arith.addi %add3A_257, %mul3A_256 : i32
      "tpu.region"() ({
        %run_scoped3A = tpu.sem_alloc : memref<!tpu.dma_semaphore, #tpu.memory_space<semaphore_mem>>
        %dma_start3A_259 = arith.constant 0 : i32
        %dma_start3A_260 = tpu.memref_slice %arg7[%add3A_258, %dma_start3A_259] : memref<10000x256xf32, #tpu.memory_space<hbm>> -> memref<304x128xf32, #tpu.memory_space<hbm>>
        %dma_start3A_261 = arith.constant 0 : i32
        %dma_start3A_262 = tpu.memref_slice %arg20[%mul3A_254, %dma_start3A_261] : memref<5248x128xf32, #tpu.memory_space<vmem_shared>> -> memref<304x128xf32, #tpu.memory_space<vmem_shared>>
        tpu.enqueue_dma source(%dma_start3A_262 : memref<304x128xf32, #tpu.memory_space<vmem_shared>>) target(%dma_start3A_260 : memref<304x128xf32, #tpu.memory_space<hbm>>) target_semaphore(%run_scoped3A : memref<!tpu.dma_semaphore, #tpu.memory_space<semaphore_mem>>)
        %dma_wait3A = arith.constant 0 : i32
        %dma_wait3A_263 = tpu.memref_slice %arg7[%add3A_258, %dma_wait3A] : memref<10000x256xf32, #tpu.memory_space<hbm>> -> memref<304x128xf32, #tpu.memory_space<hbm>>
        %dma_wait3A_264 = arith.constant 0 : i32
        %dma_wait3A_265 = tpu.memref_slice %arg20[%mul3A_254, %dma_wait3A_264] : memref<5248x128xf32, #tpu.memory_space<vmem_shared>> -> memref<304x128xf32, #tpu.memory_space<vmem_shared>>
        tpu.wait_dma2 semaphore(%run_scoped3A : memref<!tpu.dma_semaphore, #tpu.memory_space<semaphore_mem>>) src(%dma_wait3A_265 : memref<304x128xf32, #tpu.memory_space<vmem_shared>>) dst(%dma_wait3A_263 : memref<304x128xf32, #tpu.memory_space<hbm>>)
        tpu.yield
      }) : () -> ()
    } else {
    }
    %eq3A_152 = arith.constant 1 : i32
    %eq3A_153 = arith.cmpi eq, %arg0, %eq3A_152 : i32
    %eq3A_154 = arith.constant 15 : i32
    %eq3A_155 = arith.cmpi eq, %arg1, %eq3A_154 : i32
    %and3A_156 = arith.andi %eq3A_153, %eq3A_155 : i1
    %convert_element_type3A_157 = arith.extui %and3A_156 : i1 to i32
    %cond3A_158 = arith.constant 0 : i32
    %cond3A_159 = arith.cmpi ne, %convert_element_type3A_157, %cond3A_158 : i32
    scf.if %cond3A_159 {
      "tpu.region"() ({
        %run_scoped3A = tpu.sem_alloc : memref<!tpu.dma_semaphore, #tpu.memory_space<semaphore_mem>>
        %dma_start3A_253 = arith.constant 9680 : i32
        %dma_start3A_254 = arith.constant 0 : i32
        %dma_start3A_255 = tpu.memref_slice %arg7[%dma_start3A_253, %dma_start3A_254] : memref<10000x256xf32, #tpu.memory_space<hbm>> -> memref<320x128xf32, #tpu.memory_space<hbm>>
        %dma_start3A_256 = arith.constant 4560 : i32
        %dma_start3A_257 = arith.constant 0 : i32
        %dma_start3A_258 = tpu.memref_slice %arg20[%dma_start3A_256, %dma_start3A_257] : memref<5248x128xf32, #tpu.memory_space<vmem_shared>> -> memref<320x128xf32, #tpu.memory_space<vmem_shared>>
        tpu.enqueue_dma source(%dma_start3A_258 : memref<320x128xf32, #tpu.memory_space<vmem_shared>>) target(%dma_start3A_255 : memref<320x128xf32, #tpu.memory_space<hbm>>) target_semaphore(%run_scoped3A : memref<!tpu.dma_semaphore, #tpu.memory_space<semaphore_mem>>)
        %dma_wait3A = arith.constant 9680 : i32
        %dma_wait3A_259 = arith.constant 0 : i32
        %dma_wait3A_260 = tpu.memref_slice %arg7[%dma_wait3A, %dma_wait3A_259] : memref<10000x256xf32, #tpu.memory_space<hbm>> -> memref<320x128xf32, #tpu.memory_space<hbm>>
        %dma_wait3A_261 = arith.constant 4560 : i32
        %dma_wait3A_262 = arith.constant 0 : i32
        %dma_wait3A_263 = tpu.memref_slice %arg20[%dma_wait3A_261, %dma_wait3A_262] : memref<5248x128xf32, #tpu.memory_space<vmem_shared>> -> memref<320x128xf32, #tpu.memory_space<vmem_shared>>
        tpu.wait_dma2 semaphore(%run_scoped3A : memref<!tpu.dma_semaphore, #tpu.memory_space<semaphore_mem>>) src(%dma_wait3A_263 : memref<320x128xf32, #tpu.memory_space<vmem_shared>>) dst(%dma_wait3A_260 : memref<320x128xf32, #tpu.memory_space<hbm>>)
        tpu.yield
      }) : () -> ()
    } else {
    }
    %barrier3A_160 = arith.constant 0 : index
    tpu.barrier barrier_id(%barrier3A_160)
    %mul3A_161 = arith.constant 328 : i32
    %mul3A_162 = arith.muli %arg1, %mul3A_161 : i32
    "tpu.region"() ({
      %run_scoped3A = tpu.sem_alloc : memref<!tpu.dma_semaphore, #tpu.memory_space<semaphore_mem>>
      %dma_start3A_253 = arith.constant 0 : i32
      %dma_start3A_254 = tpu.memref_slice %arg20[%mul3A_162, %dma_start3A_253] : memref<5248x128xf32, #tpu.memory_space<vmem_shared>> -> memref<328x128xf32, #tpu.memory_space<vmem_shared>>
      tpu.enqueue_dma source(%arg6 : memref<328x128xf32, #tpu.memory_space<hbm>>) target(%dma_start3A_254 : memref<328x128xf32, #tpu.memory_space<vmem_shared>>) target_semaphore(%run_scoped3A : memref<!tpu.dma_semaphore, #tpu.memory_space<semaphore_mem>>)
      %dma_wait3A = arith.constant 0 : i32
      %dma_wait3A_255 = tpu.memref_slice %arg20[%mul3A_162, %dma_wait3A] : memref<5248x128xf32, #tpu.memory_space<vmem_shared>> -> memref<328x128xf32, #tpu.memory_space<vmem_shared>>
      tpu.wait_dma2 semaphore(%run_scoped3A : memref<!tpu.dma_semaphore, #tpu.memory_space<semaphore_mem>>) src(%arg6 : memref<328x128xf32, #tpu.memory_space<hbm>>) dst(%dma_wait3A_255 : memref<328x128xf32, #tpu.memory_space<vmem_shared>>)
      tpu.yield
    }) : () -> ()
    %barrier3A_163 = arith.constant 0 : index
    tpu.barrier barrier_id(%barrier3A_163)
    %dma_start3A_164 = arith.constant 0 : i32
    %dma_start3A_165 = arith.constant 0 : i32
    %dma_start3A_166 = tpu.memref_slice %arg10[%dma_start3A_164, %dma_start3A_165] : memref<80x128xi32, #tpu.memory_space<vmem>> -> memref<1x128xi32, #tpu.memory_space<vmem>>
    %dma_start3A_167 = tpu.memref_squeeze %dma_start3A_166 : memref<1x128xi32, #tpu.memory_space<vmem>> -> memref<128xi32, #tpu.memory_space<vmem>>
    %dma_start3A_168 = arith.constant 0 : i32
    %dma_start3A_169 = arith.constant 0 : i32
    %dma_start3A_170 = tpu.memref_slice %arg3[%dma_start3A_168, %dma_start3A_169] : memref<10000x128xf32, #tpu.memory_space<hbm>> -> memref<10000x128xf32, #tpu.memory_space<hbm>>
    tpu.enqueue_indirect_dma source(%dma_start3A_170 : memref<10000x128xf32, #tpu.memory_space<hbm>>) target(%arg14 : memref<128x128xf32, #tpu.memory_space<vmem>>) offsets(%dma_start3A_167 : memref<128xi32, #tpu.memory_space<vmem>>) semaphore(%arg16 : memref<!tpu.dma_semaphore, #tpu.memory_space<semaphore_mem>>)
    %dma_start3A_171 = arith.constant 1 : i32
    %dma_start3A_172 = arith.constant 0 : i32
    %dma_start3A_173 = tpu.memref_slice %arg10[%dma_start3A_171, %dma_start3A_172] : memref<80x128xi32, #tpu.memory_space<vmem>> -> memref<1x128xi32, #tpu.memory_space<vmem>>
    %dma_start3A_174 = tpu.memref_squeeze %dma_start3A_173 : memref<1x128xi32, #tpu.memory_space<vmem>> -> memref<128xi32, #tpu.memory_space<vmem>>
    %dma_start3A_175 = arith.constant 0 : i32
    %dma_start3A_176 = arith.constant 0 : i32
    %dma_start3A_177 = tpu.memref_slice %arg3[%dma_start3A_175, %dma_start3A_176] : memref<10000x128xf32, #tpu.memory_space<hbm>> -> memref<10000x128xf32, #tpu.memory_space<hbm>>
    tpu.enqueue_indirect_dma source(%dma_start3A_177 : memref<10000x128xf32, #tpu.memory_space<hbm>>) target(%arg15 : memref<128x128xf32, #tpu.memory_space<vmem>>) offsets(%dma_start3A_174 : memref<128xi32, #tpu.memory_space<vmem>>) semaphore(%arg17 : memref<!tpu.dma_semaphore, #tpu.memory_space<semaphore_mem>>)
    %sub3A_178 = arith.constant 0 : i32
    %sub3A_179 = arith.subi %max3A_19, %sub3A_178 : i32
    %sub3A_180 = arith.constant 2 : i32
    %sub3A_181 = arith.constant 1 : i32
    %sub3A_182 = arith.subi %sub3A_180, %sub3A_181 : i32
    %add3A_183 = arith.addi %sub3A_179, %sub3A_182 : i32
    %div3A_184 = arith.constant 2 : i32
    %div3A_185 = arith.divsi %add3A_183, %div3A_184 : i32
    %while3A_186 = arith.constant 2 : i32
    %while3A_187 = arith.constant 0 : i32
    %while3A_188 = arith.constant 0 : i32
    %while3A_189 = arith.subi %div3A_185, %while3A_188 : i32
    %while3A_190 = arith.addi %while3A_188, %while3A_189 : i32
    %while3A_191 = arith.constant 1 : i32
    %while3A_192 = arith.divsi %while3A_189, %while3A_191 : i32
    %while3A_193 = arith.muli %while3A_192, %while3A_191 : i32
    %while3A_194 = arith.addi %while3A_188, %while3A_193 : i32
    %while3A_195 = arith.constant 1 : i32
    scf.for %while3A_253 = %while3A_188 to %while3A_194 step %while3A_195  : i32 {
      %mul3A_254 = arith.muli %while3A_253, %while3A_186 : i32
      %add3A_255 = arith.addi %while3A_187, %mul3A_254 : i32
      %add3A_256 = arith.constant 0 : i32
      %add3A_257 = arith.addi %add3A_256, %add3A_255 : i32
      %add3A_258 = arith.constant 0 : i32
      %add3A_259 = arith.addi %add3A_257, %add3A_258 : i32
      %dma_wait3A = arith.constant 0 : i32
      %dma_wait3A_260 = tpu.memref_slice %arg10[%add3A_259, %dma_wait3A] : memref<80x128xi32, #tpu.memory_space<vmem>> -> memref<1x128xi32, #tpu.memory_space<vmem>>
      %dma_wait3A_261 = tpu.memref_squeeze %dma_wait3A_260 : memref<1x128xi32, #tpu.memory_space<vmem>> -> memref<128xi32, #tpu.memory_space<vmem>>
      %dma_wait3A_262 = arith.constant 0 : i32
      %dma_wait3A_263 = arith.constant 0 : i32
      %dma_wait3A_264 = tpu.memref_slice %arg3[%dma_wait3A_262, %dma_wait3A_263] : memref<10000x128xf32, #tpu.memory_space<hbm>> -> memref<10000x128xf32, #tpu.memory_space<hbm>>
      tpu.wait_indirect_dma semaphore(%arg16 : memref<!tpu.dma_semaphore, #tpu.memory_space<semaphore_mem>>) src(%dma_wait3A_264 : memref<10000x128xf32, #tpu.memory_space<hbm>>) dst(%arg14 : memref<128x128xf32, #tpu.memory_space<vmem>>)
      %add3A_265 = arith.constant 0 : i32
      %add3A_266 = arith.addi %add3A_265, %add3A_255 : i32
      %add3A_267 = arith.constant 0 : i32
      %add3A_268 = arith.addi %add3A_266, %add3A_267 : i32
      %dma_start3A_269 = arith.constant 0 : i32
      %dma_start3A_270 = tpu.memref_slice %arg11[%add3A_268, %dma_start3A_269] : memref<80x128xi32, #tpu.memory_space<vmem>> -> memref<1x128xi32, #tpu.memory_space<vmem>>
      %dma_start3A_271 = tpu.memref_squeeze %dma_start3A_270 : memref<1x128xi32, #tpu.memory_space<vmem>> -> memref<128xi32, #tpu.memory_space<vmem>>
      %dma_start3A_272 = arith.constant 0 : i32
      %dma_start3A_273 = arith.constant 0 : i32
      %dma_start3A_274 = tpu.memref_slice %arg20[%dma_start3A_272, %dma_start3A_273] : memref<5248x128xf32, #tpu.memory_space<vmem_shared>> -> memref<5248x128xf32, #tpu.memory_space<vmem_shared>>
      tpu.enqueue_indirect_dma source(%arg14 : memref<128x128xf32, #tpu.memory_space<vmem>>) target(%dma_start3A_274 : memref<5248x128xf32, #tpu.memory_space<vmem_shared>>) offsets(%dma_start3A_271 : memref<128xi32, #tpu.memory_space<vmem>>) semaphore(%arg18 : memref<!tpu.dma_semaphore, #tpu.memory_space<semaphore_mem>>) {add = true}
      %add3A_275 = arith.constant 0 : i32
      %add3A_276 = arith.addi %add3A_275, %add3A_255 : i32
      %add3A_277 = arith.constant 1 : i32
      %add3A_278 = arith.addi %add3A_276, %add3A_277 : i32
      %dma_wait3A_279 = arith.constant 0 : i32
      %dma_wait3A_280 = tpu.memref_slice %arg10[%add3A_278, %dma_wait3A_279] : memref<80x128xi32, #tpu.memory_space<vmem>> -> memref<1x128xi32, #tpu.memory_space<vmem>>
      %dma_wait3A_281 = tpu.memref_squeeze %dma_wait3A_280 : memref<1x128xi32, #tpu.memory_space<vmem>> -> memref<128xi32, #tpu.memory_space<vmem>>
      %dma_wait3A_282 = arith.constant 0 : i32
      %dma_wait3A_283 = arith.constant 0 : i32
      %dma_wait3A_284 = tpu.memref_slice %arg3[%dma_wait3A_282, %dma_wait3A_283] : memref<10000x128xf32, #tpu.memory_space<hbm>> -> memref<10000x128xf32, #tpu.memory_space<hbm>>
      tpu.wait_indirect_dma semaphore(%arg17 : memref<!tpu.dma_semaphore, #tpu.memory_space<semaphore_mem>>) src(%dma_wait3A_284 : memref<10000x128xf32, #tpu.memory_space<hbm>>) dst(%arg15 : memref<128x128xf32, #tpu.memory_space<vmem>>)
      %add3A_285 = arith.constant 0 : i32
      %add3A_286 = arith.addi %add3A_285, %add3A_255 : i32
      %add3A_287 = arith.constant 1 : i32
      %add3A_288 = arith.addi %add3A_286, %add3A_287 : i32
      %dma_start3A_289 = arith.constant 0 : i32
      %dma_start3A_290 = tpu.memref_slice %arg11[%add3A_288, %dma_start3A_289] : memref<80x128xi32, #tpu.memory_space<vmem>> -> memref<1x128xi32, #tpu.memory_space<vmem>>
      %dma_start3A_291 = tpu.memref_squeeze %dma_start3A_290 : memref<1x128xi32, #tpu.memory_space<vmem>> -> memref<128xi32, #tpu.memory_space<vmem>>
      %dma_start3A_292 = arith.constant 0 : i32
      %dma_start3A_293 = arith.constant 0 : i32
      %dma_start3A_294 = tpu.memref_slice %arg20[%dma_start3A_292, %dma_start3A_293] : memref<5248x128xf32, #tpu.memory_space<vmem_shared>> -> memref<5248x128xf32, #tpu.memory_space<vmem_shared>>
      tpu.enqueue_indirect_dma source(%arg15 : memref<128x128xf32, #tpu.memory_space<vmem>>) target(%dma_start3A_294 : memref<5248x128xf32, #tpu.memory_space<vmem_shared>>) offsets(%dma_start3A_291 : memref<128xi32, #tpu.memory_space<vmem>>) semaphore(%arg19 : memref<!tpu.dma_semaphore, #tpu.memory_space<semaphore_mem>>) {add = true}
      %add3A_295 = arith.constant 0 : i32
      %add3A_296 = arith.addi %add3A_295, %add3A_255 : i32
      %add3A_297 = arith.constant 0 : i32
      %add3A_298 = arith.addi %add3A_296, %add3A_297 : i32
      %dma_wait3A_299 = arith.constant 0 : i32
      %dma_wait3A_300 = tpu.memref_slice %arg11[%add3A_298, %dma_wait3A_299] : memref<80x128xi32, #tpu.memory_space<vmem>> -> memref<1x128xi32, #tpu.memory_space<vmem>>
      %dma_wait3A_301 = tpu.memref_squeeze %dma_wait3A_300 : memref<1x128xi32, #tpu.memory_space<vmem>> -> memref<128xi32, #tpu.memory_space<vmem>>
      %dma_wait3A_302 = arith.constant 0 : i32
      %dma_wait3A_303 = arith.constant 0 : i32
      %dma_wait3A_304 = tpu.memref_slice %arg20[%dma_wait3A_302, %dma_wait3A_303] : memref<5248x128xf32, #tpu.memory_space<vmem_shared>> -> memref<5248x128xf32, #tpu.memory_space<vmem_shared>>
      tpu.wait_indirect_dma semaphore(%arg18 : memref<!tpu.dma_semaphore, #tpu.memory_space<semaphore_mem>>) src(%arg14 : memref<128x128xf32, #tpu.memory_space<vmem>>) dst(%dma_wait3A_304 : memref<5248x128xf32, #tpu.memory_space<vmem_shared>>)
      %add3A_305 = arith.constant 2 : i32
      %add3A_306 = arith.addi %add3A_255, %add3A_305 : i32
      %add3A_307 = arith.constant 0 : i32
      %add3A_308 = arith.addi %add3A_306, %add3A_307 : i32
      %lt3A_309 = arith.cmpi slt, %add3A_308, %max3A_19 : i32
      %convert_element_type3A_310 = arith.extui %lt3A_309 : i1 to i32
      %cond3A_311 = arith.constant 0 : i32
      %cond3A_312 = arith.cmpi ne, %convert_element_type3A_310, %cond3A_311 : i32
      scf.if %cond3A_312 {
        %add3A_331 = arith.constant 0 : i32
        %add3A_332 = arith.addi %add3A_331, %add3A_255 : i32
        %add3A_333 = arith.constant 2 : i32
        %add3A_334 = arith.addi %add3A_332, %add3A_333 : i32
        %add3A_335 = arith.constant 0 : i32
        %add3A_336 = arith.addi %add3A_334, %add3A_335 : i32
        %dma_start3A_337 = arith.constant 0 : i32
        %dma_start3A_338 = tpu.memref_slice %arg10[%add3A_336, %dma_start3A_337] : memref<80x128xi32, #tpu.memory_space<vmem>> -> memref<1x128xi32, #tpu.memory_space<vmem>>
        %dma_start3A_339 = tpu.memref_squeeze %dma_start3A_338 : memref<1x128xi32, #tpu.memory_space<vmem>> -> memref<128xi32, #tpu.memory_space<vmem>>
        %dma_start3A_340 = arith.constant 0 : i32
        %dma_start3A_341 = arith.constant 0 : i32
        %dma_start3A_342 = tpu.memref_slice %arg3[%dma_start3A_340, %dma_start3A_341] : memref<10000x128xf32, #tpu.memory_space<hbm>> -> memref<10000x128xf32, #tpu.memory_space<hbm>>
        tpu.enqueue_indirect_dma source(%dma_start3A_342 : memref<10000x128xf32, #tpu.memory_space<hbm>>) target(%arg14 : memref<128x128xf32, #tpu.memory_space<vmem>>) offsets(%dma_start3A_339 : memref<128xi32, #tpu.memory_space<vmem>>) semaphore(%arg16 : memref<!tpu.dma_semaphore, #tpu.memory_space<semaphore_mem>>)
      } else {
      }
      %add3A_313 = arith.constant 0 : i32
      %add3A_314 = arith.addi %add3A_313, %add3A_255 : i32
      %add3A_315 = arith.constant 1 : i32
      %add3A_316 = arith.addi %add3A_314, %add3A_315 : i32
      %dma_wait3A_317 = arith.constant 0 : i32
      %dma_wait3A_318 = tpu.memref_slice %arg11[%add3A_316, %dma_wait3A_317] : memref<80x128xi32, #tpu.memory_space<vmem>> -> memref<1x128xi32, #tpu.memory_space<vmem>>
      %dma_wait3A_319 = tpu.memref_squeeze %dma_wait3A_318 : memref<1x128xi32, #tpu.memory_space<vmem>> -> memref<128xi32, #tpu.memory_space<vmem>>
      %dma_wait3A_320 = arith.constant 0 : i32
      %dma_wait3A_321 = arith.constant 0 : i32
      %dma_wait3A_322 = tpu.memref_slice %arg20[%dma_wait3A_320, %dma_wait3A_321] : memref<5248x128xf32, #tpu.memory_space<vmem_shared>> -> memref<5248x128xf32, #tpu.memory_space<vmem_shared>>
      tpu.wait_indirect_dma semaphore(%arg19 : memref<!tpu.dma_semaphore, #tpu.memory_space<semaphore_mem>>) src(%arg15 : memref<128x128xf32, #tpu.memory_space<vmem>>) dst(%dma_wait3A_322 : memref<5248x128xf32, #tpu.memory_space<vmem_shared>>)
      %add3A_323 = arith.constant 2 : i32
      %add3A_324 = arith.addi %add3A_255, %add3A_323 : i32
      %add3A_325 = arith.constant 1 : i32
      %add3A_326 = arith.addi %add3A_324, %add3A_325 : i32
      %lt3A_327 = arith.cmpi slt, %add3A_326, %max3A_19 : i32
      %convert_element_type3A_328 = arith.extui %lt3A_327 : i1 to i32
      %cond3A_329 = arith.constant 0 : i32
      %cond3A_330 = arith.cmpi ne, %convert_element_type3A_328, %cond3A_329 : i32
      scf.if %cond3A_330 {
        %add3A_331 = arith.constant 0 : i32
        %add3A_332 = arith.addi %add3A_331, %add3A_255 : i32
        %add3A_333 = arith.constant 2 : i32
        %add3A_334 = arith.addi %add3A_332, %add3A_333 : i32
        %add3A_335 = arith.constant 1 : i32
        %add3A_336 = arith.addi %add3A_334, %add3A_335 : i32
        %dma_start3A_337 = arith.constant 0 : i32
        %dma_start3A_338 = tpu.memref_slice %arg10[%add3A_336, %dma_start3A_337] : memref<80x128xi32, #tpu.memory_space<vmem>> -> memref<1x128xi32, #tpu.memory_space<vmem>>
        %dma_start3A_339 = tpu.memref_squeeze %dma_start3A_338 : memref<1x128xi32, #tpu.memory_space<vmem>> -> memref<128xi32, #tpu.memory_space<vmem>>
        %dma_start3A_340 = arith.constant 0 : i32
        %dma_start3A_341 = arith.constant 0 : i32
        %dma_start3A_342 = tpu.memref_slice %arg3[%dma_start3A_340, %dma_start3A_341] : memref<10000x128xf32, #tpu.memory_space<hbm>> -> memref<10000x128xf32, #tpu.memory_space<hbm>>
        tpu.enqueue_indirect_dma source(%dma_start3A_342 : memref<10000x128xf32, #tpu.memory_space<hbm>>) target(%arg15 : memref<128x128xf32, #tpu.memory_space<vmem>>) offsets(%dma_start3A_339 : memref<128xi32, #tpu.memory_space<vmem>>) semaphore(%arg17 : memref<!tpu.dma_semaphore, #tpu.memory_space<semaphore_mem>>)
      } else {
      }
    }
    %while3A_196 = arith.constant 1 : i32
    scf.for %while3A_253 = %while3A_194 to %while3A_190 step %while3A_196  : i32 {
      %mul3A_254 = arith.muli %while3A_253, %while3A_186 : i32
      %add3A_255 = arith.addi %while3A_187, %mul3A_254 : i32
      %add3A_256 = arith.constant 0 : i32
      %add3A_257 = arith.addi %add3A_256, %add3A_255 : i32
      %add3A_258 = arith.constant 0 : i32
      %add3A_259 = arith.addi %add3A_257, %add3A_258 : i32
      %dma_wait3A = arith.constant 0 : i32
      %dma_wait3A_260 = tpu.memref_slice %arg10[%add3A_259, %dma_wait3A] : memref<80x128xi32, #tpu.memory_space<vmem>> -> memref<1x128xi32, #tpu.memory_space<vmem>>
      %dma_wait3A_261 = tpu.memref_squeeze %dma_wait3A_260 : memref<1x128xi32, #tpu.memory_space<vmem>> -> memref<128xi32, #tpu.memory_space<vmem>>
      %dma_wait3A_262 = arith.constant 0 : i32
      %dma_wait3A_263 = arith.constant 0 : i32
      %dma_wait3A_264 = tpu.memref_slice %arg3[%dma_wait3A_262, %dma_wait3A_263] : memref<10000x128xf32, #tpu.memory_space<hbm>> -> memref<10000x128xf32, #tpu.memory_space<hbm>>
      tpu.wait_indirect_dma semaphore(%arg16 : memref<!tpu.dma_semaphore, #tpu.memory_space<semaphore_mem>>) src(%dma_wait3A_264 : memref<10000x128xf32, #tpu.memory_space<hbm>>) dst(%arg14 : memref<128x128xf32, #tpu.memory_space<vmem>>)
      %add3A_265 = arith.constant 0 : i32
      %add3A_266 = arith.addi %add3A_265, %add3A_255 : i32
      %add3A_267 = arith.constant 0 : i32
      %add3A_268 = arith.addi %add3A_266, %add3A_267 : i32
      %dma_start3A_269 = arith.constant 0 : i32
      %dma_start3A_270 = tpu.memref_slice %arg11[%add3A_268, %dma_start3A_269] : memref<80x128xi32, #tpu.memory_space<vmem>> -> memref<1x128xi32, #tpu.memory_space<vmem>>
      %dma_start3A_271 = tpu.memref_squeeze %dma_start3A_270 : memref<1x128xi32, #tpu.memory_space<vmem>> -> memref<128xi32, #tpu.memory_space<vmem>>
      %dma_start3A_272 = arith.constant 0 : i32
      %dma_start3A_273 = arith.constant 0 : i32
      %dma_start3A_274 = tpu.memref_slice %arg20[%dma_start3A_272, %dma_start3A_273] : memref<5248x128xf32, #tpu.memory_space<vmem_shared>> -> memref<5248x128xf32, #tpu.memory_space<vmem_shared>>
      tpu.enqueue_indirect_dma source(%arg14 : memref<128x128xf32, #tpu.memory_space<vmem>>) target(%dma_start3A_274 : memref<5248x128xf32, #tpu.memory_space<vmem_shared>>) offsets(%dma_start3A_271 : memref<128xi32, #tpu.memory_space<vmem>>) semaphore(%arg18 : memref<!tpu.dma_semaphore, #tpu.memory_space<semaphore_mem>>) {add = true}
      %add3A_275 = arith.constant 0 : i32
      %add3A_276 = arith.addi %add3A_275, %add3A_255 : i32
      %add3A_277 = arith.constant 1 : i32
      %add3A_278 = arith.addi %add3A_276, %add3A_277 : i32
      %dma_wait3A_279 = arith.constant 0 : i32
      %dma_wait3A_280 = tpu.memref_slice %arg10[%add3A_278, %dma_wait3A_279] : memref<80x128xi32, #tpu.memory_space<vmem>> -> memref<1x128xi32, #tpu.memory_space<vmem>>
      %dma_wait3A_281 = tpu.memref_squeeze %dma_wait3A_280 : memref<1x128xi32, #tpu.memory_space<vmem>> -> memref<128xi32, #tpu.memory_space<vmem>>
      %dma_wait3A_282 = arith.constant 0 : i32
      %dma_wait3A_283 = arith.constant 0 : i32
      %dma_wait3A_284 = tpu.memref_slice %arg3[%dma_wait3A_282, %dma_wait3A_283] : memref<10000x128xf32, #tpu.memory_space<hbm>> -> memref<10000x128xf32, #tpu.memory_space<hbm>>
      tpu.wait_indirect_dma semaphore(%arg17 : memref<!tpu.dma_semaphore, #tpu.memory_space<semaphore_mem>>) src(%dma_wait3A_284 : memref<10000x128xf32, #tpu.memory_space<hbm>>) dst(%arg15 : memref<128x128xf32, #tpu.memory_space<vmem>>)
      %add3A_285 = arith.constant 0 : i32
      %add3A_286 = arith.addi %add3A_285, %add3A_255 : i32
      %add3A_287 = arith.constant 1 : i32
      %add3A_288 = arith.addi %add3A_286, %add3A_287 : i32
      %dma_start3A_289 = arith.constant 0 : i32
      %dma_start3A_290 = tpu.memref_slice %arg11[%add3A_288, %dma_start3A_289] : memref<80x128xi32, #tpu.memory_space<vmem>> -> memref<1x128xi32, #tpu.memory_space<vmem>>
      %dma_start3A_291 = tpu.memref_squeeze %dma_start3A_290 : memref<1x128xi32, #tpu.memory_space<vmem>> -> memref<128xi32, #tpu.memory_space<vmem>>
      %dma_start3A_292 = arith.constant 0 : i32
      %dma_start3A_293 = arith.constant 0 : i32
      %dma_start3A_294 = tpu.memref_slice %arg20[%dma_start3A_292, %dma_start3A_293] : memref<5248x128xf32, #tpu.memory_space<vmem_shared>> -> memref<5248x128xf32, #tpu.memory_space<vmem_shared>>
      tpu.enqueue_indirect_dma source(%arg15 : memref<128x128xf32, #tpu.memory_space<vmem>>) target(%dma_start3A_294 : memref<5248x128xf32, #tpu.memory_space<vmem_shared>>) offsets(%dma_start3A_291 : memref<128xi32, #tpu.memory_space<vmem>>) semaphore(%arg19 : memref<!tpu.dma_semaphore, #tpu.memory_space<semaphore_mem>>) {add = true}
      %add3A_295 = arith.constant 0 : i32
      %add3A_296 = arith.addi %add3A_295, %add3A_255 : i32
      %add3A_297 = arith.constant 0 : i32
      %add3A_298 = arith.addi %add3A_296, %add3A_297 : i32
      %dma_wait3A_299 = arith.constant 0 : i32
      %dma_wait3A_300 = tpu.memref_slice %arg11[%add3A_298, %dma_wait3A_299] : memref<80x128xi32, #tpu.memory_space<vmem>> -> memref<1x128xi32, #tpu.memory_space<vmem>>
      %dma_wait3A_301 = tpu.memref_squeeze %dma_wait3A_300 : memref<1x128xi32, #tpu.memory_space<vmem>> -> memref<128xi32, #tpu.memory_space<vmem>>
      %dma_wait3A_302 = arith.constant 0 : i32
      %dma_wait3A_303 = arith.constant 0 : i32
      %dma_wait3A_304 = tpu.memref_slice %arg20[%dma_wait3A_302, %dma_wait3A_303] : memref<5248x128xf32, #tpu.memory_space<vmem_shared>> -> memref<5248x128xf32, #tpu.memory_space<vmem_shared>>
      tpu.wait_indirect_dma semaphore(%arg18 : memref<!tpu.dma_semaphore, #tpu.memory_space<semaphore_mem>>) src(%arg14 : memref<128x128xf32, #tpu.memory_space<vmem>>) dst(%dma_wait3A_304 : memref<5248x128xf32, #tpu.memory_space<vmem_shared>>)
      %add3A_305 = arith.constant 2 : i32
      %add3A_306 = arith.addi %add3A_255, %add3A_305 : i32
      %add3A_307 = arith.constant 0 : i32
      %add3A_308 = arith.addi %add3A_306, %add3A_307 : i32
      %lt3A_309 = arith.cmpi slt, %add3A_308, %max3A_19 : i32
      %convert_element_type3A_310 = arith.extui %lt3A_309 : i1 to i32
      %cond3A_311 = arith.constant 0 : i32
      %cond3A_312 = arith.cmpi ne, %convert_element_type3A_310, %cond3A_311 : i32
      scf.if %cond3A_312 {
        %add3A_331 = arith.constant 0 : i32
        %add3A_332 = arith.addi %add3A_331, %add3A_255 : i32
        %add3A_333 = arith.constant 2 : i32
        %add3A_334 = arith.addi %add3A_332, %add3A_333 : i32
        %add3A_335 = arith.constant 0 : i32
        %add3A_336 = arith.addi %add3A_334, %add3A_335 : i32
        %dma_start3A_337 = arith.constant 0 : i32
        %dma_start3A_338 = tpu.memref_slice %arg10[%add3A_336, %dma_start3A_337] : memref<80x128xi32, #tpu.memory_space<vmem>> -> memref<1x128xi32, #tpu.memory_space<vmem>>
        %dma_start3A_339 = tpu.memref_squeeze %dma_start3A_338 : memref<1x128xi32, #tpu.memory_space<vmem>> -> memref<128xi32, #tpu.memory_space<vmem>>
        %dma_start3A_340 = arith.constant 0 : i32
        %dma_start3A_341 = arith.constant 0 : i32
        %dma_start3A_342 = tpu.memref_slice %arg3[%dma_start3A_340, %dma_start3A_341] : memref<10000x128xf32, #tpu.memory_space<hbm>> -> memref<10000x128xf32, #tpu.memory_space<hbm>>
        tpu.enqueue_indirect_dma source(%dma_start3A_342 : memref<10000x128xf32, #tpu.memory_space<hbm>>) target(%arg14 : memref<128x128xf32, #tpu.memory_space<vmem>>) offsets(%dma_start3A_339 : memref<128xi32, #tpu.memory_space<vmem>>) semaphore(%arg16 : memref<!tpu.dma_semaphore, #tpu.memory_space<semaphore_mem>>)
      } else {
      }
      %add3A_313 = arith.constant 0 : i32
      %add3A_314 = arith.addi %add3A_313, %add3A_255 : i32
      %add3A_315 = arith.constant 1 : i32
      %add3A_316 = arith.addi %add3A_314, %add3A_315 : i32
      %dma_wait3A_317 = arith.constant 0 : i32
      %dma_wait3A_318 = tpu.memref_slice %arg11[%add3A_316, %dma_wait3A_317] : memref<80x128xi32, #tpu.memory_space<vmem>> -> memref<1x128xi32, #tpu.memory_space<vmem>>
      %dma_wait3A_319 = tpu.memref_squeeze %dma_wait3A_318 : memref<1x128xi32, #tpu.memory_space<vmem>> -> memref<128xi32, #tpu.memory_space<vmem>>
      %dma_wait3A_320 = arith.constant 0 : i32
      %dma_wait3A_321 = arith.constant 0 : i32
      %dma_wait3A_322 = tpu.memref_slice %arg20[%dma_wait3A_320, %dma_wait3A_321] : memref<5248x128xf32, #tpu.memory_space<vmem_shared>> -> memref<5248x128xf32, #tpu.memory_space<vmem_shared>>
      tpu.wait_indirect_dma semaphore(%arg19 : memref<!tpu.dma_semaphore, #tpu.memory_space<semaphore_mem>>) src(%arg15 : memref<128x128xf32, #tpu.memory_space<vmem>>) dst(%dma_wait3A_322 : memref<5248x128xf32, #tpu.memory_space<vmem_shared>>)
      %add3A_323 = arith.constant 2 : i32
      %add3A_324 = arith.addi %add3A_255, %add3A_323 : i32
      %add3A_325 = arith.constant 1 : i32
      %add3A_326 = arith.addi %add3A_324, %add3A_325 : i32
      %lt3A_327 = arith.cmpi slt, %add3A_326, %max3A_19 : i32
      %convert_element_type3A_328 = arith.extui %lt3A_327 : i1 to i32
      %cond3A_329 = arith.constant 0 : i32
      %cond3A_330 = arith.cmpi ne, %convert_element_type3A_328, %cond3A_329 : i32
      scf.if %cond3A_330 {
        %add3A_331 = arith.constant 0 : i32
        %add3A_332 = arith.addi %add3A_331, %add3A_255 : i32
        %add3A_333 = arith.constant 2 : i32
        %add3A_334 = arith.addi %add3A_332, %add3A_333 : i32
        %add3A_335 = arith.constant 1 : i32
        %add3A_336 = arith.addi %add3A_334, %add3A_335 : i32
        %dma_start3A_337 = arith.constant 0 : i32
        %dma_start3A_338 = tpu.memref_slice %arg10[%add3A_336, %dma_start3A_337] : memref<80x128xi32, #tpu.memory_space<vmem>> -> memref<1x128xi32, #tpu.memory_space<vmem>>
        %dma_start3A_339 = tpu.memref_squeeze %dma_start3A_338 : memref<1x128xi32, #tpu.memory_space<vmem>> -> memref<128xi32, #tpu.memory_space<vmem>>
        %dma_start3A_340 = arith.constant 0 : i32
        %dma_start3A_341 = arith.constant 0 : i32
        %dma_start3A_342 = tpu.memref_slice %arg3[%dma_start3A_340, %dma_start3A_341] : memref<10000x128xf32, #tpu.memory_space<hbm>> -> memref<10000x128xf32, #tpu.memory_space<hbm>>
        tpu.enqueue_indirect_dma source(%dma_start3A_342 : memref<10000x128xf32, #tpu.memory_space<hbm>>) target(%arg15 : memref<128x128xf32, #tpu.memory_space<vmem>>) offsets(%dma_start3A_339 : memref<128xi32, #tpu.memory_space<vmem>>) semaphore(%arg17 : memref<!tpu.dma_semaphore, #tpu.memory_space<semaphore_mem>>)
      } else {
      }
    }
    %dma_start3A_197 = arith.constant 40 : i32
    %dma_start3A_198 = arith.constant 0 : i32
    %dma_start3A_199 = tpu.memref_slice %arg10[%dma_start3A_197, %dma_start3A_198] : memref<80x128xi32, #tpu.memory_space<vmem>> -> memref<1x128xi32, #tpu.memory_space<vmem>>
    %dma_start3A_200 = tpu.memref_squeeze %dma_start3A_199 : memref<1x128xi32, #tpu.memory_space<vmem>> -> memref<128xi32, #tpu.memory_space<vmem>>
    %dma_start3A_201 = arith.constant 0 : i32
    %dma_start3A_202 = arith.constant 0 : i32
    %dma_start3A_203 = tpu.memref_slice %arg3[%dma_start3A_201, %dma_start3A_202] : memref<10000x128xf32, #tpu.memory_space<hbm>> -> memref<10000x128xf32, #tpu.memory_space<hbm>>
    tpu.enqueue_indirect_dma source(%dma_start3A_203 : memref<10000x128xf32, #tpu.memory_space<hbm>>) target(%arg14 : memref<128x128xf32, #tpu.memory_space<vmem>>) offsets(%dma_start3A_200 : memref<128xi32, #tpu.memory_space<vmem>>) semaphore(%arg16 : memref<!tpu.dma_semaphore, #tpu.memory_space<semaphore_mem>>)
    %dma_start3A_204 = arith.constant 41 : i32
    %dma_start3A_205 = arith.constant 0 : i32
    %dma_start3A_206 = tpu.memref_slice %arg10[%dma_start3A_204, %dma_start3A_205] : memref<80x128xi32, #tpu.memory_space<vmem>> -> memref<1x128xi32, #tpu.memory_space<vmem>>
    %dma_start3A_207 = tpu.memref_squeeze %dma_start3A_206 : memref<1x128xi32, #tpu.memory_space<vmem>> -> memref<128xi32, #tpu.memory_space<vmem>>
    %dma_start3A_208 = arith.constant 0 : i32
    %dma_start3A_209 = arith.constant 0 : i32
    %dma_start3A_210 = tpu.memref_slice %arg3[%dma_start3A_208, %dma_start3A_209] : memref<10000x128xf32, #tpu.memory_space<hbm>> -> memref<10000x128xf32, #tpu.memory_space<hbm>>
    tpu.enqueue_indirect_dma source(%dma_start3A_210 : memref<10000x128xf32, #tpu.memory_space<hbm>>) target(%arg15 : memref<128x128xf32, #tpu.memory_space<vmem>>) offsets(%dma_start3A_207 : memref<128xi32, #tpu.memory_space<vmem>>) semaphore(%arg17 : memref<!tpu.dma_semaphore, #tpu.memory_space<semaphore_mem>>)
    %sub3A_211 = arith.constant 0 : i32
    %sub3A_212 = arith.subi %max3A_56, %sub3A_211 : i32
    %sub3A_213 = arith.constant 2 : i32
    %sub3A_214 = arith.constant 1 : i32
    %sub3A_215 = arith.subi %sub3A_213, %sub3A_214 : i32
    %add3A_216 = arith.addi %sub3A_212, %sub3A_215 : i32
    %div3A_217 = arith.constant 2 : i32
    %div3A_218 = arith.divsi %add3A_216, %div3A_217 : i32
    %while3A_219 = arith.constant 2 : i32
    %while3A_220 = arith.constant 0 : i32
    %while3A_221 = arith.constant 0 : i32
    %while3A_222 = arith.subi %div3A_218, %while3A_221 : i32
    %while3A_223 = arith.addi %while3A_221, %while3A_222 : i32
    %while3A_224 = arith.constant 1 : i32
    %while3A_225 = arith.divsi %while3A_222, %while3A_224 : i32
    %while3A_226 = arith.muli %while3A_225, %while3A_224 : i32
    %while3A_227 = arith.addi %while3A_221, %while3A_226 : i32
    %while3A_228 = arith.constant 1 : i32
    scf.for %while3A_253 = %while3A_221 to %while3A_227 step %while3A_228  : i32 {
      %mul3A_254 = arith.muli %while3A_253, %while3A_219 : i32
      %add3A_255 = arith.addi %while3A_220, %mul3A_254 : i32
      %add3A_256 = arith.constant 40 : i32
      %add3A_257 = arith.addi %add3A_256, %add3A_255 : i32
      %add3A_258 = arith.constant 0 : i32
      %add3A_259 = arith.addi %add3A_257, %add3A_258 : i32
      %dma_wait3A = arith.constant 0 : i32
      %dma_wait3A_260 = tpu.memref_slice %arg10[%add3A_259, %dma_wait3A] : memref<80x128xi32, #tpu.memory_space<vmem>> -> memref<1x128xi32, #tpu.memory_space<vmem>>
      %dma_wait3A_261 = tpu.memref_squeeze %dma_wait3A_260 : memref<1x128xi32, #tpu.memory_space<vmem>> -> memref<128xi32, #tpu.memory_space<vmem>>
      %dma_wait3A_262 = arith.constant 0 : i32
      %dma_wait3A_263 = arith.constant 0 : i32
      %dma_wait3A_264 = tpu.memref_slice %arg3[%dma_wait3A_262, %dma_wait3A_263] : memref<10000x128xf32, #tpu.memory_space<hbm>> -> memref<10000x128xf32, #tpu.memory_space<hbm>>
      tpu.wait_indirect_dma semaphore(%arg16 : memref<!tpu.dma_semaphore, #tpu.memory_space<semaphore_mem>>) src(%dma_wait3A_264 : memref<10000x128xf32, #tpu.memory_space<hbm>>) dst(%arg14 : memref<128x128xf32, #tpu.memory_space<vmem>>)
      %add3A_265 = arith.constant 40 : i32
      %add3A_266 = arith.addi %add3A_265, %add3A_255 : i32
      %add3A_267 = arith.constant 0 : i32
      %add3A_268 = arith.addi %add3A_266, %add3A_267 : i32
      %dma_start3A_269 = arith.constant 0 : i32
      %dma_start3A_270 = tpu.memref_slice %arg11[%add3A_268, %dma_start3A_269] : memref<80x128xi32, #tpu.memory_space<vmem>> -> memref<1x128xi32, #tpu.memory_space<vmem>>
      %dma_start3A_271 = tpu.memref_squeeze %dma_start3A_270 : memref<1x128xi32, #tpu.memory_space<vmem>> -> memref<128xi32, #tpu.memory_space<vmem>>
      %dma_start3A_272 = arith.constant 0 : i32
      %dma_start3A_273 = arith.constant 0 : i32
      %dma_start3A_274 = tpu.memref_slice %arg20[%dma_start3A_272, %dma_start3A_273] : memref<5248x128xf32, #tpu.memory_space<vmem_shared>> -> memref<5248x128xf32, #tpu.memory_space<vmem_shared>>
      tpu.enqueue_indirect_dma source(%arg14 : memref<128x128xf32, #tpu.memory_space<vmem>>) target(%dma_start3A_274 : memref<5248x128xf32, #tpu.memory_space<vmem_shared>>) offsets(%dma_start3A_271 : memref<128xi32, #tpu.memory_space<vmem>>) semaphore(%arg18 : memref<!tpu.dma_semaphore, #tpu.memory_space<semaphore_mem>>) {add = true}
      %add3A_275 = arith.constant 40 : i32
      %add3A_276 = arith.addi %add3A_275, %add3A_255 : i32
      %add3A_277 = arith.constant 1 : i32
      %add3A_278 = arith.addi %add3A_276, %add3A_277 : i32
      %dma_wait3A_279 = arith.constant 0 : i32
      %dma_wait3A_280 = tpu.memref_slice %arg10[%add3A_278, %dma_wait3A_279] : memref<80x128xi32, #tpu.memory_space<vmem>> -> memref<1x128xi32, #tpu.memory_space<vmem>>
      %dma_wait3A_281 = tpu.memref_squeeze %dma_wait3A_280 : memref<1x128xi32, #tpu.memory_space<vmem>> -> memref<128xi32, #tpu.memory_space<vmem>>
      %dma_wait3A_282 = arith.constant 0 : i32
      %dma_wait3A_283 = arith.constant 0 : i32
      %dma_wait3A_284 = tpu.memref_slice %arg3[%dma_wait3A_282, %dma_wait3A_283] : memref<10000x128xf32, #tpu.memory_space<hbm>> -> memref<10000x128xf32, #tpu.memory_space<hbm>>
      tpu.wait_indirect_dma semaphore(%arg17 : memref<!tpu.dma_semaphore, #tpu.memory_space<semaphore_mem>>) src(%dma_wait3A_284 : memref<10000x128xf32, #tpu.memory_space<hbm>>) dst(%arg15 : memref<128x128xf32, #tpu.memory_space<vmem>>)
      %add3A_285 = arith.constant 40 : i32
      %add3A_286 = arith.addi %add3A_285, %add3A_255 : i32
      %add3A_287 = arith.constant 1 : i32
      %add3A_288 = arith.addi %add3A_286, %add3A_287 : i32
      %dma_start3A_289 = arith.constant 0 : i32
      %dma_start3A_290 = tpu.memref_slice %arg11[%add3A_288, %dma_start3A_289] : memref<80x128xi32, #tpu.memory_space<vmem>> -> memref<1x128xi32, #tpu.memory_space<vmem>>
      %dma_start3A_291 = tpu.memref_squeeze %dma_start3A_290 : memref<1x128xi32, #tpu.memory_space<vmem>> -> memref<128xi32, #tpu.memory_space<vmem>>
      %dma_start3A_292 = arith.constant 0 : i32
      %dma_start3A_293 = arith.constant 0 : i32
      %dma_start3A_294 = tpu.memref_slice %arg20[%dma_start3A_292, %dma_start3A_293] : memref<5248x128xf32, #tpu.memory_space<vmem_shared>> -> memref<5248x128xf32, #tpu.memory_space<vmem_shared>>
      tpu.enqueue_indirect_dma source(%arg15 : memref<128x128xf32, #tpu.memory_space<vmem>>) target(%dma_start3A_294 : memref<5248x128xf32, #tpu.memory_space<vmem_shared>>) offsets(%dma_start3A_291 : memref<128xi32, #tpu.memory_space<vmem>>) semaphore(%arg19 : memref<!tpu.dma_semaphore, #tpu.memory_space<semaphore_mem>>) {add = true}
      %add3A_295 = arith.constant 40 : i32
      %add3A_296 = arith.addi %add3A_295, %add3A_255 : i32
      %add3A_297 = arith.constant 0 : i32
      %add3A_298 = arith.addi %add3A_296, %add3A_297 : i32
      %dma_wait3A_299 = arith.constant 0 : i32
      %dma_wait3A_300 = tpu.memref_slice %arg11[%add3A_298, %dma_wait3A_299] : memref<80x128xi32, #tpu.memory_space<vmem>> -> memref<1x128xi32, #tpu.memory_space<vmem>>
      %dma_wait3A_301 = tpu.memref_squeeze %dma_wait3A_300 : memref<1x128xi32, #tpu.memory_space<vmem>> -> memref<128xi32, #tpu.memory_space<vmem>>
      %dma_wait3A_302 = arith.constant 0 : i32
      %dma_wait3A_303 = arith.constant 0 : i32
      %dma_wait3A_304 = tpu.memref_slice %arg20[%dma_wait3A_302, %dma_wait3A_303] : memref<5248x128xf32, #tpu.memory_space<vmem_shared>> -> memref<5248x128xf32, #tpu.memory_space<vmem_shared>>
      tpu.wait_indirect_dma semaphore(%arg18 : memref<!tpu.dma_semaphore, #tpu.memory_space<semaphore_mem>>) src(%arg14 : memref<128x128xf32, #tpu.memory_space<vmem>>) dst(%dma_wait3A_304 : memref<5248x128xf32, #tpu.memory_space<vmem_shared>>)
      %add3A_305 = arith.constant 2 : i32
      %add3A_306 = arith.addi %add3A_255, %add3A_305 : i32
      %add3A_307 = arith.constant 0 : i32
      %add3A_308 = arith.addi %add3A_306, %add3A_307 : i32
      %lt3A_309 = arith.cmpi slt, %add3A_308, %max3A_56 : i32
      %convert_element_type3A_310 = arith.extui %lt3A_309 : i1 to i32
      %cond3A_311 = arith.constant 0 : i32
      %cond3A_312 = arith.cmpi ne, %convert_element_type3A_310, %cond3A_311 : i32
      scf.if %cond3A_312 {
        %add3A_331 = arith.constant 40 : i32
        %add3A_332 = arith.addi %add3A_331, %add3A_255 : i32
        %add3A_333 = arith.constant 2 : i32
        %add3A_334 = arith.addi %add3A_332, %add3A_333 : i32
        %add3A_335 = arith.constant 0 : i32
        %add3A_336 = arith.addi %add3A_334, %add3A_335 : i32
        %dma_start3A_337 = arith.constant 0 : i32
        %dma_start3A_338 = tpu.memref_slice %arg10[%add3A_336, %dma_start3A_337] : memref<80x128xi32, #tpu.memory_space<vmem>> -> memref<1x128xi32, #tpu.memory_space<vmem>>
        %dma_start3A_339 = tpu.memref_squeeze %dma_start3A_338 : memref<1x128xi32, #tpu.memory_space<vmem>> -> memref<128xi32, #tpu.memory_space<vmem>>
        %dma_start3A_340 = arith.constant 0 : i32
        %dma_start3A_341 = arith.constant 0 : i32
        %dma_start3A_342 = tpu.memref_slice %arg3[%dma_start3A_340, %dma_start3A_341] : memref<10000x128xf32, #tpu.memory_space<hbm>> -> memref<10000x128xf32, #tpu.memory_space<hbm>>
        tpu.enqueue_indirect_dma source(%dma_start3A_342 : memref<10000x128xf32, #tpu.memory_space<hbm>>) target(%arg14 : memref<128x128xf32, #tpu.memory_space<vmem>>) offsets(%dma_start3A_339 : memref<128xi32, #tpu.memory_space<vmem>>) semaphore(%arg16 : memref<!tpu.dma_semaphore, #tpu.memory_space<semaphore_mem>>)
      } else {
      }
      %add3A_313 = arith.constant 40 : i32
      %add3A_314 = arith.addi %add3A_313, %add3A_255 : i32
      %add3A_315 = arith.constant 1 : i32
      %add3A_316 = arith.addi %add3A_314, %add3A_315 : i32
      %dma_wait3A_317 = arith.constant 0 : i32
      %dma_wait3A_318 = tpu.memref_slice %arg11[%add3A_316, %dma_wait3A_317] : memref<80x128xi32, #tpu.memory_space<vmem>> -> memref<1x128xi32, #tpu.memory_space<vmem>>
      %dma_wait3A_319 = tpu.memref_squeeze %dma_wait3A_318 : memref<1x128xi32, #tpu.memory_space<vmem>> -> memref<128xi32, #tpu.memory_space<vmem>>
      %dma_wait3A_320 = arith.constant 0 : i32
      %dma_wait3A_321 = arith.constant 0 : i32
      %dma_wait3A_322 = tpu.memref_slice %arg20[%dma_wait3A_320, %dma_wait3A_321] : memref<5248x128xf32, #tpu.memory_space<vmem_shared>> -> memref<5248x128xf32, #tpu.memory_space<vmem_shared>>
      tpu.wait_indirect_dma semaphore(%arg19 : memref<!tpu.dma_semaphore, #tpu.memory_space<semaphore_mem>>) src(%arg15 : memref<128x128xf32, #tpu.memory_space<vmem>>) dst(%dma_wait3A_322 : memref<5248x128xf32, #tpu.memory_space<vmem_shared>>)
      %add3A_323 = arith.constant 2 : i32
      %add3A_324 = arith.addi %add3A_255, %add3A_323 : i32
      %add3A_325 = arith.constant 1 : i32
      %add3A_326 = arith.addi %add3A_324, %add3A_325 : i32
      %lt3A_327 = arith.cmpi slt, %add3A_326, %max3A_56 : i32
      %convert_element_type3A_328 = arith.extui %lt3A_327 : i1 to i32
      %cond3A_329 = arith.constant 0 : i32
      %cond3A_330 = arith.cmpi ne, %convert_element_type3A_328, %cond3A_329 : i32
      scf.if %cond3A_330 {
        %add3A_331 = arith.constant 40 : i32
        %add3A_332 = arith.addi %add3A_331, %add3A_255 : i32
        %add3A_333 = arith.constant 2 : i32
        %add3A_334 = arith.addi %add3A_332, %add3A_333 : i32
        %add3A_335 = arith.constant 1 : i32
        %add3A_336 = arith.addi %add3A_334, %add3A_335 : i32
        %dma_start3A_337 = arith.constant 0 : i32
        %dma_start3A_338 = tpu.memref_slice %arg10[%add3A_336, %dma_start3A_337] : memref<80x128xi32, #tpu.memory_space<vmem>> -> memref<1x128xi32, #tpu.memory_space<vmem>>
        %dma_start3A_339 = tpu.memref_squeeze %dma_start3A_338 : memref<1x128xi32, #tpu.memory_space<vmem>> -> memref<128xi32, #tpu.memory_space<vmem>>
        %dma_start3A_340 = arith.constant 0 : i32
        %dma_start3A_341 = arith.constant 0 : i32
        %dma_start3A_342 = tpu.memref_slice %arg3[%dma_start3A_340, %dma_start3A_341] : memref<10000x128xf32, #tpu.memory_space<hbm>> -> memref<10000x128xf32, #tpu.memory_space<hbm>>
        tpu.enqueue_indirect_dma source(%dma_start3A_342 : memref<10000x128xf32, #tpu.memory_space<hbm>>) target(%arg15 : memref<128x128xf32, #tpu.memory_space<vmem>>) offsets(%dma_start3A_339 : memref<128xi32, #tpu.memory_space<vmem>>) semaphore(%arg17 : memref<!tpu.dma_semaphore, #tpu.memory_space<semaphore_mem>>)
      } else {
      }
    }
    %while3A_229 = arith.constant 1 : i32
    scf.for %while3A_253 = %while3A_227 to %while3A_223 step %while3A_229  : i32 {
      %mul3A_254 = arith.muli %while3A_253, %while3A_219 : i32
      %add3A_255 = arith.addi %while3A_220, %mul3A_254 : i32
      %add3A_256 = arith.constant 40 : i32
      %add3A_257 = arith.addi %add3A_256, %add3A_255 : i32
      %add3A_258 = arith.constant 0 : i32
      %add3A_259 = arith.addi %add3A_257, %add3A_258 : i32
      %dma_wait3A = arith.constant 0 : i32
      %dma_wait3A_260 = tpu.memref_slice %arg10[%add3A_259, %dma_wait3A] : memref<80x128xi32, #tpu.memory_space<vmem>> -> memref<1x128xi32, #tpu.memory_space<vmem>>
      %dma_wait3A_261 = tpu.memref_squeeze %dma_wait3A_260 : memref<1x128xi32, #tpu.memory_space<vmem>> -> memref<128xi32, #tpu.memory_space<vmem>>
      %dma_wait3A_262 = arith.constant 0 : i32
      %dma_wait3A_263 = arith.constant 0 : i32
      %dma_wait3A_264 = tpu.memref_slice %arg3[%dma_wait3A_262, %dma_wait3A_263] : memref<10000x128xf32, #tpu.memory_space<hbm>> -> memref<10000x128xf32, #tpu.memory_space<hbm>>
      tpu.wait_indirect_dma semaphore(%arg16 : memref<!tpu.dma_semaphore, #tpu.memory_space<semaphore_mem>>) src(%dma_wait3A_264 : memref<10000x128xf32, #tpu.memory_space<hbm>>) dst(%arg14 : memref<128x128xf32, #tpu.memory_space<vmem>>)
      %add3A_265 = arith.constant 40 : i32
      %add3A_266 = arith.addi %add3A_265, %add3A_255 : i32
      %add3A_267 = arith.constant 0 : i32
      %add3A_268 = arith.addi %add3A_266, %add3A_267 : i32
      %dma_start3A_269 = arith.constant 0 : i32
      %dma_start3A_270 = tpu.memref_slice %arg11[%add3A_268, %dma_start3A_269] : memref<80x128xi32, #tpu.memory_space<vmem>> -> memref<1x128xi32, #tpu.memory_space<vmem>>
      %dma_start3A_271 = tpu.memref_squeeze %dma_start3A_270 : memref<1x128xi32, #tpu.memory_space<vmem>> -> memref<128xi32, #tpu.memory_space<vmem>>
      %dma_start3A_272 = arith.constant 0 : i32
      %dma_start3A_273 = arith.constant 0 : i32
      %dma_start3A_274 = tpu.memref_slice %arg20[%dma_start3A_272, %dma_start3A_273] : memref<5248x128xf32, #tpu.memory_space<vmem_shared>> -> memref<5248x128xf32, #tpu.memory_space<vmem_shared>>
      tpu.enqueue_indirect_dma source(%arg14 : memref<128x128xf32, #tpu.memory_space<vmem>>) target(%dma_start3A_274 : memref<5248x128xf32, #tpu.memory_space<vmem_shared>>) offsets(%dma_start3A_271 : memref<128xi32, #tpu.memory_space<vmem>>) semaphore(%arg18 : memref<!tpu.dma_semaphore, #tpu.memory_space<semaphore_mem>>) {add = true}
      %add3A_275 = arith.constant 40 : i32
      %add3A_276 = arith.addi %add3A_275, %add3A_255 : i32
      %add3A_277 = arith.constant 1 : i32
      %add3A_278 = arith.addi %add3A_276, %add3A_277 : i32
      %dma_wait3A_279 = arith.constant 0 : i32
      %dma_wait3A_280 = tpu.memref_slice %arg10[%add3A_278, %dma_wait3A_279] : memref<80x128xi32, #tpu.memory_space<vmem>> -> memref<1x128xi32, #tpu.memory_space<vmem>>
      %dma_wait3A_281 = tpu.memref_squeeze %dma_wait3A_280 : memref<1x128xi32, #tpu.memory_space<vmem>> -> memref<128xi32, #tpu.memory_space<vmem>>
      %dma_wait3A_282 = arith.constant 0 : i32
      %dma_wait3A_283 = arith.constant 0 : i32
      %dma_wait3A_284 = tpu.memref_slice %arg3[%dma_wait3A_282, %dma_wait3A_283] : memref<10000x128xf32, #tpu.memory_space<hbm>> -> memref<10000x128xf32, #tpu.memory_space<hbm>>
      tpu.wait_indirect_dma semaphore(%arg17 : memref<!tpu.dma_semaphore, #tpu.memory_space<semaphore_mem>>) src(%dma_wait3A_284 : memref<10000x128xf32, #tpu.memory_space<hbm>>) dst(%arg15 : memref<128x128xf32, #tpu.memory_space<vmem>>)
      %add3A_285 = arith.constant 40 : i32
      %add3A_286 = arith.addi %add3A_285, %add3A_255 : i32
      %add3A_287 = arith.constant 1 : i32
      %add3A_288 = arith.addi %add3A_286, %add3A_287 : i32
      %dma_start3A_289 = arith.constant 0 : i32
      %dma_start3A_290 = tpu.memref_slice %arg11[%add3A_288, %dma_start3A_289] : memref<80x128xi32, #tpu.memory_space<vmem>> -> memref<1x128xi32, #tpu.memory_space<vmem>>
      %dma_start3A_291 = tpu.memref_squeeze %dma_start3A_290 : memref<1x128xi32, #tpu.memory_space<vmem>> -> memref<128xi32, #tpu.memory_space<vmem>>
      %dma_start3A_292 = arith.constant 0 : i32
      %dma_start3A_293 = arith.constant 0 : i32
      %dma_start3A_294 = tpu.memref_slice %arg20[%dma_start3A_292, %dma_start3A_293] : memref<5248x128xf32, #tpu.memory_space<vmem_shared>> -> memref<5248x128xf32, #tpu.memory_space<vmem_shared>>
      tpu.enqueue_indirect_dma source(%arg15 : memref<128x128xf32, #tpu.memory_space<vmem>>) target(%dma_start3A_294 : memref<5248x128xf32, #tpu.memory_space<vmem_shared>>) offsets(%dma_start3A_291 : memref<128xi32, #tpu.memory_space<vmem>>) semaphore(%arg19 : memref<!tpu.dma_semaphore, #tpu.memory_space<semaphore_mem>>) {add = true}
      %add3A_295 = arith.constant 40 : i32
      %add3A_296 = arith.addi %add3A_295, %add3A_255 : i32
      %add3A_297 = arith.constant 0 : i32
      %add3A_298 = arith.addi %add3A_296, %add3A_297 : i32
      %dma_wait3A_299 = arith.constant 0 : i32
      %dma_wait3A_300 = tpu.memref_slice %arg11[%add3A_298, %dma_wait3A_299] : memref<80x128xi32, #tpu.memory_space<vmem>> -> memref<1x128xi32, #tpu.memory_space<vmem>>
      %dma_wait3A_301 = tpu.memref_squeeze %dma_wait3A_300 : memref<1x128xi32, #tpu.memory_space<vmem>> -> memref<128xi32, #tpu.memory_space<vmem>>
      %dma_wait3A_302 = arith.constant 0 : i32
      %dma_wait3A_303 = arith.constant 0 : i32
      %dma_wait3A_304 = tpu.memref_slice %arg20[%dma_wait3A_302, %dma_wait3A_303] : memref<5248x128xf32, #tpu.memory_space<vmem_shared>> -> memref<5248x128xf32, #tpu.memory_space<vmem_shared>>
      tpu.wait_indirect_dma semaphore(%arg18 : memref<!tpu.dma_semaphore, #tpu.memory_space<semaphore_mem>>) src(%arg14 : memref<128x128xf32, #tpu.memory_space<vmem>>) dst(%dma_wait3A_304 : memref<5248x128xf32, #tpu.memory_space<vmem_shared>>)
      %add3A_305 = arith.constant 2 : i32
      %add3A_306 = arith.addi %add3A_255, %add3A_305 : i32
      %add3A_307 = arith.constant 0 : i32
      %add3A_308 = arith.addi %add3A_306, %add3A_307 : i32
      %lt3A_309 = arith.cmpi slt, %add3A_308, %max3A_56 : i32
      %convert_element_type3A_310 = arith.extui %lt3A_309 : i1 to i32
      %cond3A_311 = arith.constant 0 : i32
      %cond3A_312 = arith.cmpi ne, %convert_element_type3A_310, %cond3A_311 : i32
      scf.if %cond3A_312 {
        %add3A_331 = arith.constant 40 : i32
        %add3A_332 = arith.addi %add3A_331, %add3A_255 : i32
        %add3A_333 = arith.constant 2 : i32
        %add3A_334 = arith.addi %add3A_332, %add3A_333 : i32
        %add3A_335 = arith.constant 0 : i32
        %add3A_336 = arith.addi %add3A_334, %add3A_335 : i32
        %dma_start3A_337 = arith.constant 0 : i32
        %dma_start3A_338 = tpu.memref_slice %arg10[%add3A_336, %dma_start3A_337] : memref<80x128xi32, #tpu.memory_space<vmem>> -> memref<1x128xi32, #tpu.memory_space<vmem>>
        %dma_start3A_339 = tpu.memref_squeeze %dma_start3A_338 : memref<1x128xi32, #tpu.memory_space<vmem>> -> memref<128xi32, #tpu.memory_space<vmem>>
        %dma_start3A_340 = arith.constant 0 : i32
        %dma_start3A_341 = arith.constant 0 : i32
        %dma_start3A_342 = tpu.memref_slice %arg3[%dma_start3A_340, %dma_start3A_341] : memref<10000x128xf32, #tpu.memory_space<hbm>> -> memref<10000x128xf32, #tpu.memory_space<hbm>>
        tpu.enqueue_indirect_dma source(%dma_start3A_342 : memref<10000x128xf32, #tpu.memory_space<hbm>>) target(%arg14 : memref<128x128xf32, #tpu.memory_space<vmem>>) offsets(%dma_start3A_339 : memref<128xi32, #tpu.memory_space<vmem>>) semaphore(%arg16 : memref<!tpu.dma_semaphore, #tpu.memory_space<semaphore_mem>>)
      } else {
      }
      %add3A_313 = arith.constant 40 : i32
      %add3A_314 = arith.addi %add3A_313, %add3A_255 : i32
      %add3A_315 = arith.constant 1 : i32
      %add3A_316 = arith.addi %add3A_314, %add3A_315 : i32
      %dma_wait3A_317 = arith.constant 0 : i32
      %dma_wait3A_318 = tpu.memref_slice %arg11[%add3A_316, %dma_wait3A_317] : memref<80x128xi32, #tpu.memory_space<vmem>> -> memref<1x128xi32, #tpu.memory_space<vmem>>
      %dma_wait3A_319 = tpu.memref_squeeze %dma_wait3A_318 : memref<1x128xi32, #tpu.memory_space<vmem>> -> memref<128xi32, #tpu.memory_space<vmem>>
      %dma_wait3A_320 = arith.constant 0 : i32
      %dma_wait3A_321 = arith.constant 0 : i32
      %dma_wait3A_322 = tpu.memref_slice %arg20[%dma_wait3A_320, %dma_wait3A_321] : memref<5248x128xf32, #tpu.memory_space<vmem_shared>> -> memref<5248x128xf32, #tpu.memory_space<vmem_shared>>
      tpu.wait_indirect_dma semaphore(%arg19 : memref<!tpu.dma_semaphore, #tpu.memory_space<semaphore_mem>>) src(%arg15 : memref<128x128xf32, #tpu.memory_space<vmem>>) dst(%dma_wait3A_322 : memref<5248x128xf32, #tpu.memory_space<vmem_shared>>)
      %add3A_323 = arith.constant 2 : i32
      %add3A_324 = arith.addi %add3A_255, %add3A_323 : i32
      %add3A_325 = arith.constant 1 : i32
      %add3A_326 = arith.addi %add3A_324, %add3A_325 : i32
      %lt3A_327 = arith.cmpi slt, %add3A_326, %max3A_56 : i32
      %convert_element_type3A_328 = arith.extui %lt3A_327 : i1 to i32
      %cond3A_329 = arith.constant 0 : i32
      %cond3A_330 = arith.cmpi ne, %convert_element_type3A_328, %cond3A_329 : i32
      scf.if %cond3A_330 {
        %add3A_331 = arith.constant 40 : i32
        %add3A_332 = arith.addi %add3A_331, %add3A_255 : i32
        %add3A_333 = arith.constant 2 : i32
        %add3A_334 = arith.addi %add3A_332, %add3A_333 : i32
        %add3A_335 = arith.constant 1 : i32
        %add3A_336 = arith.addi %add3A_334, %add3A_335 : i32
        %dma_start3A_337 = arith.constant 0 : i32
        %dma_start3A_338 = tpu.memref_slice %arg10[%add3A_336, %dma_start3A_337] : memref<80x128xi32, #tpu.memory_space<vmem>> -> memref<1x128xi32, #tpu.memory_space<vmem>>
        %dma_start3A_339 = tpu.memref_squeeze %dma_start3A_338 : memref<1x128xi32, #tpu.memory_space<vmem>> -> memref<128xi32, #tpu.memory_space<vmem>>
        %dma_start3A_340 = arith.constant 0 : i32
        %dma_start3A_341 = arith.constant 0 : i32
        %dma_start3A_342 = tpu.memref_slice %arg3[%dma_start3A_340, %dma_start3A_341] : memref<10000x128xf32, #tpu.memory_space<hbm>> -> memref<10000x128xf32, #tpu.memory_space<hbm>>
        tpu.enqueue_indirect_dma source(%dma_start3A_342 : memref<10000x128xf32, #tpu.memory_space<hbm>>) target(%arg15 : memref<128x128xf32, #tpu.memory_space<vmem>>) offsets(%dma_start3A_339 : memref<128xi32, #tpu.memory_space<vmem>>) semaphore(%arg17 : memref<!tpu.dma_semaphore, #tpu.memory_space<semaphore_mem>>)
      } else {
      }
    }
    %barrier3A_230 = arith.constant 0 : index
    tpu.barrier barrier_id(%barrier3A_230)
    %eq3A_231 = arith.constant 0 : i32
    %eq3A_232 = arith.cmpi eq, %arg0, %eq3A_231 : i32
    %convert_element_type3A_233 = arith.extui %eq3A_232 : i1 to i32
    %cond3A_234 = arith.constant 0 : i32
    %cond3A_235 = arith.cmpi ne, %convert_element_type3A_233, %cond3A_234 : i32
    scf.if %cond3A_235 {
      %mul3A_253 = arith.constant 320 : i32
      %mul3A_254 = arith.muli %arg1, %mul3A_253 : i32
      %mul3A_255 = arith.constant 320 : i32
      %mul3A_256 = arith.muli %arg1, %mul3A_255 : i32
      "tpu.region"() ({
        %run_scoped3A = tpu.sem_alloc : memref<!tpu.dma_semaphore, #tpu.memory_space<semaphore_mem>>
        %dma_start3A_257 = arith.constant 128 : i32
        %dma_start3A_258 = tpu.memref_slice %arg7[%mul3A_256, %dma_start3A_257] : memref<10000x256xf32, #tpu.memory_space<hbm>> -> memref<320x128xf32, #tpu.memory_space<hbm>>
        %dma_start3A_259 = arith.constant 0 : i32
        %dma_start3A_260 = tpu.memref_slice %arg20[%mul3A_254, %dma_start3A_259] : memref<5248x128xf32, #tpu.memory_space<vmem_shared>> -> memref<320x128xf32, #tpu.memory_space<vmem_shared>>
        tpu.enqueue_dma source(%dma_start3A_260 : memref<320x128xf32, #tpu.memory_space<vmem_shared>>) target(%dma_start3A_258 : memref<320x128xf32, #tpu.memory_space<hbm>>) target_semaphore(%run_scoped3A : memref<!tpu.dma_semaphore, #tpu.memory_space<semaphore_mem>>)
        %dma_wait3A = arith.constant 128 : i32
        %dma_wait3A_261 = tpu.memref_slice %arg7[%mul3A_256, %dma_wait3A] : memref<10000x256xf32, #tpu.memory_space<hbm>> -> memref<320x128xf32, #tpu.memory_space<hbm>>
        %dma_wait3A_262 = arith.constant 0 : i32
        %dma_wait3A_263 = tpu.memref_slice %arg20[%mul3A_254, %dma_wait3A_262] : memref<5248x128xf32, #tpu.memory_space<vmem_shared>> -> memref<320x128xf32, #tpu.memory_space<vmem_shared>>
        tpu.wait_dma2 semaphore(%run_scoped3A : memref<!tpu.dma_semaphore, #tpu.memory_space<semaphore_mem>>) src(%dma_wait3A_263 : memref<320x128xf32, #tpu.memory_space<vmem_shared>>) dst(%dma_wait3A_261 : memref<320x128xf32, #tpu.memory_space<hbm>>)
        tpu.yield
      }) : () -> ()
    } else {
    }
    %eq3A_236 = arith.constant 1 : i32
    %eq3A_237 = arith.cmpi eq, %arg0, %eq3A_236 : i32
    %lt3A_238 = arith.constant 15 : i32
    %lt3A_239 = arith.cmpi slt, %arg1, %lt3A_238 : i32
    %and3A_240 = arith.andi %eq3A_237, %lt3A_239 : i1
    %convert_element_type3A_241 = arith.extui %and3A_240 : i1 to i32
    %cond3A_242 = arith.constant 0 : i32
    %cond3A_243 = arith.cmpi ne, %convert_element_type3A_241, %cond3A_242 : i32
    scf.if %cond3A_243 {
      %mul3A_253 = arith.constant 304 : i32
      %mul3A_254 = arith.muli %arg1, %mul3A_253 : i32
      %mul3A_255 = arith.constant 304 : i32
      %mul3A_256 = arith.muli %arg1, %mul3A_255 : i32
      %add3A_257 = arith.constant 5120 : i32
      %add3A_258 = arith.addi %add3A_257, %mul3A_256 : i32
      "tpu.region"() ({
        %run_scoped3A = tpu.sem_alloc : memref<!tpu.dma_semaphore, #tpu.memory_space<semaphore_mem>>
        %dma_start3A_259 = arith.constant 128 : i32
        %dma_start3A_260 = tpu.memref_slice %arg7[%add3A_258, %dma_start3A_259] : memref<10000x256xf32, #tpu.memory_space<hbm>> -> memref<304x128xf32, #tpu.memory_space<hbm>>
        %dma_start3A_261 = arith.constant 0 : i32
        %dma_start3A_262 = tpu.memref_slice %arg20[%mul3A_254, %dma_start3A_261] : memref<5248x128xf32, #tpu.memory_space<vmem_shared>> -> memref<304x128xf32, #tpu.memory_space<vmem_shared>>
        tpu.enqueue_dma source(%dma_start3A_262 : memref<304x128xf32, #tpu.memory_space<vmem_shared>>) target(%dma_start3A_260 : memref<304x128xf32, #tpu.memory_space<hbm>>) target_semaphore(%run_scoped3A : memref<!tpu.dma_semaphore, #tpu.memory_space<semaphore_mem>>)
        %dma_wait3A = arith.constant 128 : i32
        %dma_wait3A_263 = tpu.memref_slice %arg7[%add3A_258, %dma_wait3A] : memref<10000x256xf32, #tpu.memory_space<hbm>> -> memref<304x128xf32, #tpu.memory_space<hbm>>
        %dma_wait3A_264 = arith.constant 0 : i32
        %dma_wait3A_265 = tpu.memref_slice %arg20[%mul3A_254, %dma_wait3A_264] : memref<5248x128xf32, #tpu.memory_space<vmem_shared>> -> memref<304x128xf32, #tpu.memory_space<vmem_shared>>
        tpu.wait_dma2 semaphore(%run_scoped3A : memref<!tpu.dma_semaphore, #tpu.memory_space<semaphore_mem>>) src(%dma_wait3A_265 : memref<304x128xf32, #tpu.memory_space<vmem_shared>>) dst(%dma_wait3A_263 : memref<304x128xf32, #tpu.memory_space<hbm>>)
        tpu.yield
      }) : () -> ()
    } else {
    }
    %eq3A_244 = arith.constant 1 : i32
    %eq3A_245 = arith.cmpi eq, %arg0, %eq3A_244 : i32
    %eq3A_246 = arith.constant 15 : i32
    %eq3A_247 = arith.cmpi eq, %arg1, %eq3A_246 : i32
    %and3A_248 = arith.andi %eq3A_245, %eq3A_247 : i1
    %convert_element_type3A_249 = arith.extui %and3A_248 : i1 to i32
    %cond3A_250 = arith.constant 0 : i32
    %cond3A_251 = arith.cmpi ne, %convert_element_type3A_249, %cond3A_250 : i32
    scf.if %cond3A_251 {
      "tpu.region"() ({
        %run_scoped3A = tpu.sem_alloc : memref<!tpu.dma_semaphore, #tpu.memory_space<semaphore_mem>>
        %dma_start3A_253 = arith.constant 9680 : i32
        %dma_start3A_254 = arith.constant 128 : i32
        %dma_start3A_255 = tpu.memref_slice %arg7[%dma_start3A_253, %dma_start3A_254] : memref<10000x256xf32, #tpu.memory_space<hbm>> -> memref<320x128xf32, #tpu.memory_space<hbm>>
        %dma_start3A_256 = arith.constant 4560 : i32
        %dma_start3A_257 = arith.constant 0 : i32
        %dma_start3A_258 = tpu.memref_slice %arg20[%dma_start3A_256, %dma_start3A_257] : memref<5248x128xf32, #tpu.memory_space<vmem_shared>> -> memref<320x128xf32, #tpu.memory_space<vmem_shared>>
        tpu.enqueue_dma source(%dma_start3A_258 : memref<320x128xf32, #tpu.memory_space<vmem_shared>>) target(%dma_start3A_255 : memref<320x128xf32, #tpu.memory_space<hbm>>) target_semaphore(%run_scoped3A : memref<!tpu.dma_semaphore, #tpu.memory_space<semaphore_mem>>)
        %dma_wait3A = arith.constant 9680 : i32
        %dma_wait3A_259 = arith.constant 128 : i32
        %dma_wait3A_260 = tpu.memref_slice %arg7[%dma_wait3A, %dma_wait3A_259] : memref<10000x256xf32, #tpu.memory_space<hbm>> -> memref<320x128xf32, #tpu.memory_space<hbm>>
        %dma_wait3A_261 = arith.constant 4560 : i32
        %dma_wait3A_262 = arith.constant 0 : i32
        %dma_wait3A_263 = tpu.memref_slice %arg20[%dma_wait3A_261, %dma_wait3A_262] : memref<5248x128xf32, #tpu.memory_space<vmem_shared>> -> memref<320x128xf32, #tpu.memory_space<vmem_shared>>
        tpu.wait_dma2 semaphore(%run_scoped3A : memref<!tpu.dma_semaphore, #tpu.memory_space<semaphore_mem>>) src(%dma_wait3A_263 : memref<320x128xf32, #tpu.memory_space<vmem_shared>>) dst(%dma_wait3A_260 : memref<320x128xf32, #tpu.memory_space<hbm>>)
        tpu.yield
      }) : () -> ()
    } else {
    }
    %barrier3A_252 = arith.constant 0 : index
    tpu.barrier barrier_id(%barrier3A_252)
    return
  }
}

module attributes {stable_mosaic.version = 14 : i64} {
  func.func @body(%arg0: i32, %arg1: memref<400x256xf32, #tpu.memory_space<vmem>>, %arg2: memref<400x1xf32, #tpu.memory_space<vmem>>, %arg3: memref<256x256xf32, #tpu.memory_space<vmem>>, %arg4: memref<400x128xf32, #tpu.memory_space<vmem>>, %arg5: memref<400x128xf32, #tpu.memory_space<vmem>>) attributes {dimension_semantics = [#tpu.dimension_semantics<arbitrary>], iteration_bounds = array<i64: 25>, scalar_prefetch = 0 : i64, scratch_operands = 0 : i64, tpu.core_type = #tpu.core_type<tc>, window_params = [{transform_indices = @transform_0, window_bounds = array<i64: 400, 256>}, {transform_indices = @transform_1, window_bounds = array<i64: 400, 1>}, {pipeline_mode = #tpu.pipeline_mode<synchronous>, transform_indices = @transform_2, window_bounds = array<i64: 256, 256>}, {transform_indices = @transform_3, window_bounds = array<i64: 400, 128>}, {transform_indices = @transform_4, window_bounds = array<i64: 400, 128>}]} {
    %get3A = arith.constant 0 : index
    %get3A_0 = arith.constant 0 : index
    %get3A_1 = vector.load %arg2[%get3A, %get3A_0] : memref<400x1xf32, #tpu.memory_space<vmem>>, vector<400x1xf32>
    %gt3A = arith.constant 5.000000e-01 : f32
    %gt3A_2 = vector.broadcast %gt3A : f32 to vector<400x1xf32>
    %gt3A_3 = arith.cmpf ogt, %get3A_1, %gt3A_2 : vector<400x1xf32>
    %max3A = arith.constant 9.99999996E-13 : f32
    %max3A_4 = vector.broadcast %max3A : f32 to vector<400x1xf32>
    %max3A_5 = arith.maximumf %get3A_1, %max3A_4 : vector<400x1xf32>
    %rsqrt3A = math.rsqrt %max3A_5 : vector<400x1xf32>
    %jit3A = arith.constant 0.000000e+00 : f32
    %broadcast_in_dim3A = vector.broadcast %jit3A : f32 to vector<400x1xf32>
    %select_n3A = arith.select %gt3A_3, %rsqrt3A, %broadcast_in_dim3A : vector<400x1xi1>, vector<400x1xf32>
    %get3A_6 = arith.constant 0 : index
    %get3A_7 = arith.constant 0 : index
    %get3A_8 = vector.load %arg1[%get3A_6, %get3A_7] : memref<400x256xf32, #tpu.memory_space<vmem>>, vector<400x256xf32>
    %mul3A = vector.broadcast %select_n3A : vector<400x1xf32> to vector<400x256xf32>
    %mul3A_9 = arith.mulf %get3A_8, %mul3A : vector<400x256xf32>
    %get3A_10 = arith.constant 0 : index
    %get3A_11 = arith.constant 0 : index
    %get3A_12 = vector.load %arg3[%get3A_10, %get3A_11] : memref<256x256xf32, #tpu.memory_space<vmem>>, vector<256x256xf32>
    %dot_general3A = arith.constant dense<0.000000e+00> : vector<400x256xf32>
    %dot_general3A_13 = tpu.matmul %mul3A_9, %get3A_12, %dot_general3A {dimension_numbers = #tpu.dot_dimension_numbers<[1], [0], [0], [1], [0, 0, 1, 1], [], []>, transpose_lhs_hint = false} : vector<400x256xf32>, vector<256x256xf32>, vector<400x256xf32> -> vector<400x256xf32>
    %slice3A = vector.extract_strided_slice %dot_general3A_13 {offsets = [0, 0], sizes = [400, 128], strides = [1, 1]} : vector<400x256xf32> to vector<400x128xf32>
    %swap3A = arith.constant 0 : index
    %swap3A_14 = arith.constant 0 : index
    %swap3A_15 = vector.load %arg4[%swap3A, %swap3A_14] : memref<400x128xf32, #tpu.memory_space<vmem>>, vector<400x128xf32>
    tpu.vector_store %arg4[%swap3A, %swap3A_14], %slice3A {strides = array<i32>} : memref<400x128xf32, #tpu.memory_space<vmem>>, vector<400x128xf32>,
    %slice3A_16 = vector.extract_strided_slice %dot_general3A_13 {offsets = [0, 128], sizes = [400, 128], strides = [1, 1]} : vector<400x256xf32> to vector<400x128xf32>
    %swap3A_17 = arith.constant 0 : index
    %swap3A_18 = arith.constant 0 : index
    %swap3A_19 = vector.load %arg5[%swap3A_17, %swap3A_18] : memref<400x128xf32, #tpu.memory_space<vmem>>, vector<400x128xf32>
    tpu.vector_store %arg5[%swap3A_17, %swap3A_18], %slice3A_16 {strides = array<i32>} : memref<400x128xf32, #tpu.memory_space<vmem>>, vector<400x128xf32>,
    return
  }
  func.func @transform_0(%arg0: i32) -> (i32, i32) {
    %c0_i32 = arith.constant 0 : i32
    %c0_i32_0 = arith.constant 0 : i32
    return %arg0, %c0_i32 : i32, i32
  }
  func.func @transform_1(%arg0: i32) -> (i32, i32) {
    %c0_i32 = arith.constant 0 : i32
    %c0_i32_0 = arith.constant 0 : i32
    return %arg0, %c0_i32 : i32, i32
  }
  func.func @transform_2(%arg0: i32) -> (i32, i32) {
    %c0_i32 = arith.constant 0 : i32
    %c0_i32_0 = arith.constant 0 : i32
    %c0_i32_1 = arith.constant 0 : i32
    return %c0_i32, %c0_i32_0 : i32, i32
  }
  func.func @transform_3(%arg0: i32) -> (i32, i32) {
    %c0_i32 = arith.constant 0 : i32
    %c0_i32_0 = arith.constant 0 : i32
    return %arg0, %c0_i32 : i32, i32
  }
  func.func @transform_4(%arg0: i32) -> (i32, i32) {
    %c0_i32 = arith.constant 0 : i32
    %c0_i32_0 = arith.constant 0 : i32
    return %arg0, %c0_i32 : i32, i32
  }
}

module attributes {stable_mosaic.version = 14 : i64} {
  func.func @body(%arg0: i32, %arg1: memref<400x256xf32, #tpu.memory_space<vmem>>, %arg2: memref<400x1xf32, #tpu.memory_space<vmem>>, %arg3: memref<1x256xf32, #tpu.memory_space<vmem>>, %arg4: memref<400x256xf32, #tpu.memory_space<vmem>>) attributes {dimension_semantics = [#tpu.dimension_semantics<arbitrary>], iteration_bounds = array<i64: 25>, scalar_prefetch = 0 : i64, scratch_operands = 0 : i64, tpu.core_type = #tpu.core_type<tc>, window_params = [{transform_indices = @transform_0, window_bounds = array<i64: 400, 256>}, {transform_indices = @transform_1, window_bounds = array<i64: 400, 1>}, {pipeline_mode = #tpu.pipeline_mode<synchronous>, transform_indices = @transform_2, window_bounds = array<i64: 1, 256>}, {transform_indices = @transform_3, window_bounds = array<i64: 400, 256>}]} {
    %get3A = arith.constant 0 : index
    %get3A_0 = arith.constant 0 : index
    %get3A_1 = vector.load %arg2[%get3A, %get3A_0] : memref<400x1xf32, #tpu.memory_space<vmem>>, vector<400x1xf32>
    %gt3A = arith.constant 5.000000e-01 : f32
    %gt3A_2 = vector.broadcast %gt3A : f32 to vector<400x1xf32>
    %gt3A_3 = arith.cmpf ogt, %get3A_1, %gt3A_2 : vector<400x1xf32>
    %max3A = arith.constant 9.99999996E-13 : f32
    %max3A_4 = vector.broadcast %max3A : f32 to vector<400x1xf32>
    %max3A_5 = arith.maximumf %get3A_1, %max3A_4 : vector<400x1xf32>
    %rsqrt3A = math.rsqrt %max3A_5 : vector<400x1xf32>
    %jit3A = arith.constant 0.000000e+00 : f32
    %broadcast_in_dim3A = vector.broadcast %jit3A : f32 to vector<400x1xf32>
    %select_n3A = arith.select %gt3A_3, %rsqrt3A, %broadcast_in_dim3A : vector<400x1xi1>, vector<400x1xf32>
    %get3A_6 = arith.constant 0 : index
    %get3A_7 = arith.constant 0 : index
    %get3A_8 = vector.load %arg1[%get3A_6, %get3A_7] : memref<400x256xf32, #tpu.memory_space<vmem>>, vector<400x256xf32>
    %mul3A = vector.broadcast %select_n3A : vector<400x1xf32> to vector<400x256xf32>
    %mul3A_9 = arith.mulf %get3A_8, %mul3A : vector<400x256xf32>
    %get3A_10 = arith.constant 0 : index
    %get3A_11 = arith.constant 0 : index
    %get3A_12 = vector.load %arg3[%get3A_10, %get3A_11] : memref<1x256xf32, #tpu.memory_space<vmem>>, vector<1x256xf32>
    %add3A = vector.broadcast %get3A_12 : vector<1x256xf32> to vector<400x256xf32>
    %add3A_13 = arith.addf %mul3A_9, %add3A : vector<400x256xf32>
    %max3A_14 = arith.constant 0.000000e+00 : f32
    %max3A_15 = vector.broadcast %max3A_14 : f32 to vector<400x256xf32>
    %max3A_16 = arith.maximumf %add3A_13, %max3A_15 : vector<400x256xf32>
    %swap3A = arith.constant 0 : index
    %swap3A_17 = arith.constant 0 : index
    %swap3A_18 = vector.load %arg4[%swap3A, %swap3A_17] : memref<400x256xf32, #tpu.memory_space<vmem>>, vector<400x256xf32>
    tpu.vector_store %arg4[%swap3A, %swap3A_17], %max3A_16 {strides = array<i32>} : memref<400x256xf32, #tpu.memory_space<vmem>>, vector<400x256xf32>,
    return
  }
  func.func @transform_0(%arg0: i32) -> (i32, i32) {
    %c0_i32 = arith.constant 0 : i32
    %c0_i32_0 = arith.constant 0 : i32
    return %arg0, %c0_i32 : i32, i32
  }
  func.func @transform_1(%arg0: i32) -> (i32, i32) {
    %c0_i32 = arith.constant 0 : i32
    %c0_i32_0 = arith.constant 0 : i32
    return %arg0, %c0_i32 : i32, i32
  }
  func.func @transform_2(%arg0: i32) -> (i32, i32) {
    %c0_i32 = arith.constant 0 : i32
    %c0_i32_0 = arith.constant 0 : i32
    %c0_i32_1 = arith.constant 0 : i32
    return %c0_i32, %c0_i32_0 : i32, i32
  }
  func.func @transform_3(%arg0: i32) -> (i32, i32) {
    %c0_i32 = arith.constant 0 : i32
    %c0_i32_0 = arith.constant 0 : i32
    return %arg0, %c0_i32 : i32, i32
  }
}

</mosaic_0001>

<sc_bundles>
// kernel: kernel.6.cloned.1.call-start
scs
__scs_entry_jumppad:
0x0: {  	(pc) =	sbr.rel $0x88, $3  }
0x1: {  	(tag) =	ssettag $0x0;
	lr =	simm.s32 $0x1  }
0x2: {  	[smem:$0x3F9D] =	sst lr;
	_ =	strace $0xD0000000  }
0x3: {  	_ = 	snop  }
0x4: {  	_ = 	snop  }
0x5: {  	_ = 	snop  }
0x6: {  	_ = 	snop  }
0x7: {  	_ = 	snop  }
__scs_overlays_trampoline_lowered:
0x8: {  	[smem:$0x3FAC] =	sst s0  }
0x9: {  	[smem:$0x3FAD] =	sst s1  }
0xa: {  	[smem:$0x3FAE] =	sst s2  }
0xb: {  	[smem:$0x3FAF] =	sst s3  }
0xc: {  	[smem:$0x3FB0] =	sst s4  }
0xd: {  	[smem:$0x3FB1] =	sst s5  }
0xe: {  	[smem:$0x3FB2] =	sst s6  }
0xf: {  	[smem:$0x3FB3] =	sst s7  }
0x10: {  	[smem:$0x3FB4] =	sst s8  }
0x11: {  	[smem:$0x3FB5] =	sst s9;
	s0 =	simm.s32 @!p0 $0x0  }
0x12: {  	s1 =	sld [smem:$0x3F9B];
	s0 =	simm.s32 @p0 $0x1  }
0x13: {  	[smem:$0x3FB6] =	sst s0;
	s0 =	simm.s32 @!p1 $0x0  }
0x14: {  	s2 =	sld [smem:$0x3F9A];
	s0 =	simm.s32 @p1 $0x1  }
0x15: {  	[smem:$0x3FB7] =	sst s0;
	s0 =	simm.s32 @!p2 $0x0  }
0x16: {  	s3 =	sld [smem:$0x3FDB];
	s0 =	simm.s32 @p2 $0x1  }
0x17: {  	s4 =	simm.s32 $0x1BF5;
	[smem:$0x3FB9] =	sst s0  }
0x18: {  	s0 =	sld [smem:$0x3F9C];
	_ =	swait.ge [sflag:s4], $0x0  }
0x19: {  	s7 =	sld [smem:$0x3F9D]  }
0x1a: {  	s8 =	sadd.s32 $0xFFFFE003, lr  }
0x1b: {  	s9 =	sadd.s32 $0xFFFFFEF7, lr;
	s5 =	simm.s32 $0xFFFFFFFF;
	p2 =	slt.u32 s8, $0xFFFFF086  }
0x1c: {  	p1 =	slt.u32 s9, $0xF7A;
	s5 =	simm.s32 @!p2 $0x0  }
0x1d: {  	s5 =	simm.s32 @p1 $0x1;
	p0 =	seq.s32 s7, s2  }
0x1e: {  	s7 =	smul.u32 @!p0 $0xF7A, s2;
	p2 =	seq.s32 @!p0 s5, $0x0  }
0x1f: {  	s9 =	smul.u32 $0xF7A, s1;
	s8 =	simm.s32 @!p0 $0x1BF5;
	p2 =	por !p2, p0  }
0x20: {  	[sflag:s8] =	ssyncset.s32 @!p0 $0xFFFFF086;
	s6 =	sadd.s32 @!p0 s3, s7;
	s7 =	simm.s32 @!p0 $0x108  }
0x21: {  	s3 =	sadd.s32 s3, s9;
	s6 =	sadd.s32 @!p0 $0x88, s6;
	s7 =	simm.s32 @p2 $0x1082  }
0x22: {  	[simem:s7], [sflag:s8] =	dma.local @!p0 [hbm:s6], $0xF7A  }
0x23: {  	s9 =	sor.u32 $0xD0000000, s2;
	s6 =	simm.s32 $0x108;
	_ =	swait.ge @!p0 [sflag:s8], $0x0  }
0x24: {  	s3 =	sadd.s32 $0x88, s3;
	s6 =	simm.s32 @!p1 $0x1082;
	[sflag:s4] =	ssyncset.s32 $0xFFFFF086  }
0x25: {  	[simem:s6], [sflag:s4] =	dma.local [hbm:s3], $0xF7A  }
0x26: {  	[smem:$0x3F9D] =	sst s1;
	(tag) =	ssettag s2;
	_ =	strace s9  }
0x27: {  	s1 =	sld [smem:$0x3FAD]  }
0x28: {  	s2 =	sld [smem:$0x3FAE]  }
0x29: {  	s4 =	sld [smem:$0x3FB0]  }
0x2a: {  	p0 =	seq.s32 s5, $0x0;
	s5 =	sld [smem:$0x3FB1]  }
0x2b: {  	s6 =	sld [smem:$0x3FB2]  }
0x2c: {  	s7 =	sld [smem:$0x3FB3]  }
0x2d: {  	s3 =	simm.s32 $0x108;
	s8 =	sld [smem:$0x3FB4]  }
0x2e: {  	s3 =	simm.s32 @!p0 $0x1082;
	s9 =	sld [smem:$0x3FB5]  }
0x2f: {  	lr =	sadd.s32 s0, s3;
	s0 =	sld [smem:$0x3FAC]  }
0x30: {  	s3 =	sld [smem:$0x3FAF]  }
0x31: {  	[smem:$0x3FB8] =	sst s10  }
0x32: {  	s10 =	sld [smem:$0x3FB6];
	_ =	sdelay $0x3  }
0x33: {  	p0 =	seq.s32 s10, $0x1;
	s10 =	sld [smem:$0x3FB8];
	_ =	sdelay $0x3  }
0x34: {  	[smem:$0x3FB8] =	sst s10  }
0x35: {  	s10 =	sld [smem:$0x3FB7];
	_ =	sdelay $0x3  }
0x36: {  	p1 =	seq.s32 s10, $0x1;
	s10 =	sld [smem:$0x3FB8];
	_ =	sdelay $0x3  }
0x37: {  	[smem:$0x3FB8] =	sst s10  }
0x38: {  	s10 =	sld [smem:$0x3FB9]  }
0x39: {  	_ = 	snop;
	(pc) =	sbr.ind lr, $3  }
0x3a: {  	_ = 	snop  }
0x3b: {  	_ = 	snop  }
0x3c: {  	p2 =	seq.s32 s10, $0x1;
	s10 =	sld [smem:$0x3FB8]  }
0x3d: {  	_ =	shalt  }
0x3e: {  	_ =	shalt  }
0x3f: {  	_ =	shalt  }
0x40: {  	_ =	shalt  }
0x41: {  	_ =	shalt  }
0x42: {  	_ =	shalt  }
0x43: {  	_ =	shalt  }
0x44: {  	_ =	shalt  }
0x45: {  	_ =	shalt  }
0x46: {  	_ =	shalt  }
0x47: {  	_ =	shalt  }
0x48: {  	_ =	shalt  }
0x49: {  	_ =	shalt  }
0x4a: {  	_ =	shalt  }
0x4b: {  	_ =	shalt  }
0x4c: {  	_ =	shalt  }
0x4d: {  	_ =	shalt  }
0x4e: {  	_ =	shalt  }
0x4f: {  	_ =	shalt  }
0x50: {  	_ =	shalt  }
0x51: {  	_ =	shalt  }
0x52: {  	_ =	shalt  }
0x53: {  	_ =	shalt  }
0x54: {  	_ =	shalt  }
0x55: {  	_ =	shalt  }
0x56: {  	_ =	shalt  }
0x57: {  	_ =	shalt  }
0x58: {  	_ =	shalt  }
0x59: {  	_ =	shalt  }
0x5a: {  	_ =	shalt  }
0x5b: {  	_ =	shalt  }
0x5c: {  	_ =	shalt  }
0x5d: {  	_ =	shalt  }
0x5e: {  	_ =	shalt  }
0x5f: {  	_ =	shalt  }
0x60: {  	_ =	shalt  }
0x61: {  	_ =	shalt  }
0x62: {  	_ =	shalt  }
0x63: {  	_ =	shalt  }
0x64: {  	_ =	shalt  }
0x65: {  	_ =	shalt  }
0x66: {  	_ =	shalt  }
0x67: {  	_ =	shalt  }
0x68: {  	_ =	shalt  }
0x69: {  	_ =	shalt  }
0x6a: {  	_ =	shalt  }
0x6b: {  	_ =	shalt  }
0x6c: {  	_ =	shalt  }
0x6d: {  	_ =	shalt  }
0x6e: {  	_ =	shalt  }
0x6f: {  	_ =	shalt  }
0x70: {  	_ =	shalt  }
0x71: {  	_ =	shalt  }
0x72: {  	_ =	shalt  }
0x73: {  	_ =	shalt  }
0x74: {  	_ =	shalt  }
0x75: {  	_ =	shalt  }
0x76: {  	_ =	shalt  }
0x77: {  	_ =	shalt  }
0x78: {  	_ =	shalt  }
0x79: {  	_ =	shalt  }
0x7a: {  	_ =	shalt  }
0x7b: {  	_ =	shalt  }
0x7c: {  	_ =	shalt  }
0x7d: {  	_ =	shalt  }
0x7e: {  	_ =	shalt  }
0x7f: {  	_ =	shalt  }
0x80: {  	_ =	shalt  }
0x81: {  	_ =	shalt  }
0x82: {  	_ =	shalt  }
0x83: {  	_ =	shalt  }
0x84: {  	_ =	shalt  }
0x85: {  	_ =	shalt  }
0x86: {  	_ =	shalt  }
0x87: {  	_ =	shalt  }
.Lfunc_end0:
.L_simem_size_0:
called_computation_lowered:
.L_overlay_start_0:
0x88: {  	s2 =	sld [smem:$0x3FD9]  }
0x89: {  	s3 =	sld [smem:$0x3FFE];
	_ =	sdelay $0x1  }
0x8a: {  	s1 =	srdreg.scid  }
0x8b: {  	s0 =	sand.u32 $0x1, s1  }
0x8c: {  	s17 =	sshll.u32 s0, $0xA;
	s2 =	sadd.s32 s3, s2  }
0x8d: {  	s2 =	sadd.s32 s2, s17  }
0x8e: {  	[smem:$0x3FC4] =	sst s2  }
0x8f: {  	_ = 	snop  }
0x90: {  	s2 =	sld [smem:$0x3FD0];
	(tm) =	ssettm $0x1  }
0x91: {  	s18 =	sld [smem:$0x3FFB];
	_ =	sdelay $0x3  }
0x92: {  	_ =	strace s18  }
0x93: {  	s3 =	sld [smem:$0x3FFC];
	_ =	sdelay $0x3  }
0x94: {  	_ =	strace s3  }
0x95: {  	s3 =	sld [smem:$0x3FFD];
	_ =	sdelay $0x3  }
0x96: {  	_ =	strace s3  }
0x97: {  	_ =	strace $0x8FFFFFFF  }
0x98: {  	s19 =	sld [smem:$0x3FDB];
	_ =	sdelay $0x1  }
0x99: {  	s4 =	simm.s32 $_scs_section_size  }
0x9a: {  	s5 =	simm.s32 $_size__tile_overlayer_lowered;
	s6 =	simm.s32 $_tile_overlayer_lowered  }
0x9b: {  	s22 =	simm.s32 $0x1BFF;
	s21 =	sshll.u32 s6, $0x1;
	s3 =	sadd.s32 s4, s19  }
0x9c: {  	s7 =	simm.s32 $0x0;
	s20 =	sshll.u32 s5, $0x1;
	s5 =	sadd.s32 s21, s3  }
0x9d: {  	[timem:s7], [sflag:s22] =	dma.local [hbm:s5], s20  }
0x9e: {  	_ =	swait.ge [sflag:s22], s20  }
0x9f: {  	s4 =	ssub.s32 $0x0, s20;
	[sflag:s22] =	ssyncset.done $0x0  }
0xa0: {  	[sflag:s22] =	ssyncadd.s32 s4;
	_ =	sdelay $0x1  }
0xa1: {  	s23 =	simm.s32 $0x1B8B  }
0xa2: {  	_ =	swait.ge [sflag:s23], $0x1  }
0xa3: {  	[sflag:s23] =	ssyncset.done $0x0  }
0xa4: {  	s25 =	simm.s32 $0x1B8E;
	s24 =	sld [smem:$0x3FFE];
	[sflag:s23] =	ssyncadd.s32 $0xFFFFFFFF  }
0xa5: {  	s26 =	simm.s32 $execute0_lowered;
	[smem:$0x3FD2] =	sst s25  }
0xa6: {  	s5 =	sshll.u32 s26, $0x1;
	_ =	strace $0x80000046;
	[dreg:$0x1] =	wrdreg $0xFFFFFFFF  }
0xa7: {  	s28 =	simm.s32 $_size_execute0_lowered;
	s3 =	sadd.s32 s3, s5;
	[dreg:$0x0] =	wrdreg $0x0  }
0xa8: {  	s5 =	sshll.u32 s28, $0x1;
	[dreg:$0x2] =	wrdreg s3  }
0xa9: {  	[dreg:$0x3] =	wrdreg s5  }
0xaa: {  	[dreg:$0x4] =	wrdreg $0xC0  }
0xab: {  	_ =	task [dreg:s7], $0x5FFFF  }
0xac: {  	[dreg:$0x1] =	wrdreg $0xFFFFFFFF  }
0xad: {  	[dreg:$0x0] =	wrdreg $0x60  }
0xae: {  	[dreg:$0x2] =	wrdreg s24  }
0xaf: {  	[dreg:$0x3] =	wrdreg s2  }
0xb0: {  	[dreg:$0x4] =	wrdreg $0x68000  }
0xb1: {  	[dreg:$0x5] =	wrdreg $0x9  }
0xb2: {  	_ =	task.clear_ibuf [dreg:s7], $0x6FFFF;
	_ =	strace $0x90000046  }
0xb3: {  	s29 =	simm.s32 $0x9;
	_ =	strace $0x80000048  }
0xb4: {  	_ =	swait.ge [sflag:s29], $0x1  }
0xb5: {  	[sflag:s29] =	ssyncadd.s32 $0xFFFFFFFF  }
0xb6: {  	_ =	strace $0x90000048  }
0xb7: {  	_ =	sfence  }
0xb8: {  	s30 =	sld [smem:$0x0];
	_ =	sdelay $0x2  }
0xb9: {  	s31 =	sshll.u32 s1, $0xD;
	s1 =	sshrl.u32 s1, $0x2  }
0xba: {  	s3 =	sand.u32 $0x4000, s31;
	s1 =	sadd.s32 s1, s30  }
0xbb: {  	s0 =	sor.u32 s3, s0;
	s1 =	sshll.u32 s1, $0x11  }
0xbc: {  	s0 =	sor.u32 s1, s0  }
0xbd: {  	s0 =	sadd.s32 $0x8F2B, s0  }
0xbe: {  	[sflag:s0] =	ssyncadd.remote.s32 $0x1  }
0xbf: {  	_ =	sfence.sel $0xFFFF  }
0xc0: {  	[dreg:$0x0] =	wrdreg $0xFFFFFFFF;
	(pc) =	sbr.abs _section_cstart, $3  }
0xc1: {  	[dreg:$0x1] =	wrdreg $0xFFFFFFFF  }
0xc2: {  	_ =	task.clear_ibuf [dreg:s7], $0x2FFFF;
	_ =	strace $0x9FFFFFFF  }
0xc3: {  	(tm) =	ssettm $0x7FFFFFFF  }
tec
execute0_lowered:
.L_overlay_start_1:
0x0: {  	(tag) =	ssettag $0x1  }
0x1: {  	s0 =	srdreg.scid;
	s5 =	rddreg [dreg:$0x0]  }
0x2: {  	s7 =	rddreg [dreg:$0x1];
	s6 =	sand.u32 $0x1, s0  }
0x3: {  	s0 =	stileid.u32;
	s4 =	smul.u32 $0x28000, s6  }
0x4: {  	s2 =	rddreg [dreg:$0x2];
	s8 =	smul.u32 $0x2800, s0  }
0x5: {  	s1 =	rddreg [dreg:$0x3];
	s3 =	simm.s32 $0x0;
	s26 =	smul.u32 $0x29000, s0  }
0x6: {  	s15 =	simm.s32 $0x0;
	[smem:$0x7FF] =	sst s3;
	s10 =	smul.u32 $0xA0000, s6  }
0x7: {  	_ =	strace $0x80000047;
	s6 =	ssub.s32 $0x2, s6;
	s11 =	smul.u32 $0xA000, s0  }
0x8: {  	s13 =	smul.u32 $0x28000, s0;
	s31 =	sshll.u32 s0, $0x6;
	s12 =	sshrl.u32 s6, $0x1  }
0x9: {  	s4 =	sadd.s32 s8, s4;
	s12 =	ssub.s32 s6, s12;
	s28 =	sadd.s32 s11, s10  }
0xa: {  	s8 =	sshrl.u32 s26, $0x2;
	s29 =	sshrl.u32 s13, $0x2;
	s10 =	simm.s32 $0x2800  }
0xb: {  	s11 =	sor.u32 $0x1C01, s31;
	s13 =	simm.s32 $0x80;
	s4 =	sshrl.u32 s4, $0x3  }
0xc: {  	s30 =	sadd.s32 s8, s2;
	s14 =	sadd.s32 s29, s2;
	s8 =	smax.u32 s12, $0x1  }
0xd: {  	s9 =	sadd.s32 s4, s5;
	s4 =	sadd.s32 $0xA400, s5;
	s5 =	sadd.s32 $0xAC00, s5  }
0xe: {  	s12 =	sshrl.u32 s30, $0x3;
	s6 =	sadd.s32 $0x400, s9;
	s9 =	sshrl.u32 s28, $0x3  }
0xf: {  	s14 =	sshrl.u32 s14, $0x3;
	s7 =	sadd.s32 s7, s9;
	s9 =	simm.s32 $0x1  }
.LBB2_1:
0x10: {  	[tilespmem:s3], [sflag:$0x1] =	stream.linear.gather [hbm4b:s6+s3], $0x2800, $0x38;
	[tilespmem:$0x10C00] =	vst v63  }
0x11: {  	_ =	swait.ge [sflag:s9], $0x2800  }
0x12: {  	[sflag:s9] =	ssyncset.done $0x0  }
0x13: {  	[sflag:s9] =	ssyncadd.s32 $0xFFFFD800  }
0x14: {  	[tilespmem:s10], [sflag:$0x1] =	stream.linear.gather [hbm4b:s4+s3], $0x4000, $0x38;
	[tilespmem:$0x10C00] =	vst v63  }
0x15: {  	_ =	swait.ge [sflag:s9], $0x4000  }
0x16: {  	[sflag:s9] =	ssyncset.done $0x0  }
0x17: {  	[sflag:s9] =	ssyncadd.s32 $0xFFFFC000  }
0x18: {  	[spmem:s12], [sflag:s11] =	dma.local [hbm:s5], $0x1480  }
0x19: {  	_ =	swait.ge [sflag:s9], $0x1480  }
0x1a: {  	[sflag:s9] =	ssyncset.done $0x0  }
0x1b: {  	[sflag:s9] =	ssyncadd.s32 $0xFFFFEB80  }
0x1c: {  	s16 =	simm.s32 $0x0;
	[bflag:$0x0] =	sbarrier.arrive $0xFFFF  }
0x1d: {  	[spmem:s2] =	stream.indirect.scatter.add.f32 [tilespmem:s10], [sflag:$0x1], $0x80, s16, s13, $0xb8;
	[tilespmem:$0x10C00] =	vst v63  }
0x1e: {  	_ =	swait.ge [sflag:s9], $0x4000  }
0x1f: {  	s16 =	simm.s32 $0x200;
	[sflag:s9] =	ssyncset.done $0x0  }
.LBB2_2:
0x20: {  	s17 =	sshra.s32 s16, $0x2;
	[sflag:s9] =	ssyncadd.s32 $0xFFFFC000;
	p0 =	sne.s32 s16, $0x9E00  }
0x21: {  	[spmem:s2] =	stream.indirect.scatter.add.f32 [tilespmem:s10], [sflag:$0x1], $0x80, s17, s13, $0xb8;
	[tilespmem:$0x10C00] =	vst v63  }
.Ltmp0:
0x22: {  	_ = 	snop;
	(pc) =	sbr.rel @p0 .LBB2_2-.Ltmp0, $4  }
0x23: {  	_ = 	snop  }
0x24: {  	s16 =	sadd.s32 $0x200, s16  }
0x25: {  	_ =	swait.ge [sflag:s9], $0x4000  }
0x26: {  	[sflag:s9] =	ssyncset.done $0x0  }
0x27: {  	s15 =	sadd.s32 $0x1, s15  }
0x28: {  	[sflag:s9] =	ssyncadd.s32 $0xFFFFC000;
	p0 =	sne.s32 s15, s8  }
.Ltmp1:
0x29: {  	[bflag:$0x0] =	sbarrier.arrive $0xFFFF;
	(pc) =	sbr.rel @p0 .LBB2_1-.Ltmp1, $4  }
0x2a: {  	[hbm:s7], [sflag:s11] =	dma.local [spmem:s14], $0x1400  }
0x2b: {  	_ =	swait.ge [sflag:s9], $0x1400  }
0x2c: {  	[sflag:s9] =	ssyncset.done $0x0  }
0x2d: {  	[sflag:s9] =	ssyncadd.s32 $0xFFFFEC00  }
0x2e: {  	_ =	sfence.sel $0x180000  }
0x2f: {  	[bflag:$0x0] =	sbarrier.arrive $0xFFFF  }
0x30: {  	p0 =	sne.s32 s0, $0x0;
	_ =	strace $0x90000047  }
0x31: {  	s0 =	sadd.s32 @!p0 $0x100000, s1;
	[bflag:$0x2] =	sbarrier.arrive $0xFFFF  }
0x32: {  	[sflag:s0] =	ssyncadd.tile.s32 @!p0 $0x1;
	_ =	shalt  }
.Lfunc_end2:
_tile_overlayer_lowered:
.L_overlay_start_2:
0x33: {  	(tag) =	ssettag $0x2  }
0x34: {  	s0 =	rddreg [dreg:$0x0];
	s2 =	stileid.u32  }
0x35: {  	s1 =	rddreg [dreg:$0x1];
	p0 =	sne.s32 s2, $0x0  }
0x36: {  	s3 =	rddreg [dreg:$0x2];
	[bflag:$0x3] =	sbarrier.arrive $0xFFFF;
	s2 =	simm.s32 @!p0 $0x1C01  }
0x37: {  	[timem:s3], [sflag:s2] =	dma.local @!p0 [hbm:s0], s1  }
0x38: {  	s0 =	simm.s32 @!p0 $0x1  }
0x39: {  	_ =	swait.ge @!p0 [sflag:s0], s1  }
0x3a: {  	s1 =	ssub.s32 @!p0 $0x0, s1;
	[sflag:s0] =	ssyncset.done @!p0 $0x0  }
0x3b: {  	[sflag:s0] =	ssyncadd.s32 @!p0 s1  }
0x3c: {  	[bflag:$0x3] =	sbarrier.arrive $0xFFFF  }
0x3d: {  	_ =	shalt  }

// kernel: kernel.9.cloned.1.call-start
scs
__scs_entry_jumppad:
0x0: {  	(pc) =	sbr.rel $0x88, $3  }
0x1: {  	(tag) =	ssettag $0x0;
	lr =	simm.s32 $0x1  }
0x2: {  	[smem:$0x3F9D] =	sst lr;
	_ =	strace $0xD0000000  }
0x3: {  	_ = 	snop  }
0x4: {  	_ = 	snop  }
0x5: {  	_ = 	snop  }
0x6: {  	_ = 	snop  }
0x7: {  	_ = 	snop  }
__scs_overlays_trampoline_lowered:
0x8: {  	[smem:$0x3FAC] =	sst s0  }
0x9: {  	[smem:$0x3FAD] =	sst s1  }
0xa: {  	[smem:$0x3FAE] =	sst s2  }
0xb: {  	[smem:$0x3FAF] =	sst s3  }
0xc: {  	[smem:$0x3FB0] =	sst s4  }
0xd: {  	[smem:$0x3FB1] =	sst s5  }
0xe: {  	[smem:$0x3FB2] =	sst s6  }
0xf: {  	[smem:$0x3FB3] =	sst s7  }
0x10: {  	[smem:$0x3FB4] =	sst s8  }
0x11: {  	[smem:$0x3FB5] =	sst s9;
	s0 =	simm.s32 @!p0 $0x0  }
0x12: {  	s1 =	sld [smem:$0x3F9B];
	s0 =	simm.s32 @p0 $0x1  }
0x13: {  	[smem:$0x3FB6] =	sst s0;
	s0 =	simm.s32 @!p1 $0x0  }
0x14: {  	s2 =	sld [smem:$0x3F9A];
	s0 =	simm.s32 @p1 $0x1  }
0x15: {  	[smem:$0x3FB7] =	sst s0;
	s0 =	simm.s32 @!p2 $0x0  }
0x16: {  	s3 =	sld [smem:$0x3FDB];
	s0 =	simm.s32 @p2 $0x1  }
0x17: {  	s4 =	simm.s32 $0x1BF5;
	[smem:$0x3FB9] =	sst s0  }
0x18: {  	s0 =	sld [smem:$0x3F9C];
	_ =	swait.ge [sflag:s4], $0x0  }
0x19: {  	s7 =	sld [smem:$0x3F9D]  }
0x1a: {  	s8 =	sadd.s32 $0xFFFFE003, lr  }
0x1b: {  	s9 =	sadd.s32 $0xFFFFFEF7, lr;
	s5 =	simm.s32 $0xFFFFFFFF;
	p2 =	slt.u32 s8, $0xFFFFF086  }
0x1c: {  	p1 =	slt.u32 s9, $0xF7A;
	s5 =	simm.s32 @!p2 $0x0  }
0x1d: {  	s5 =	simm.s32 @p1 $0x1;
	p0 =	seq.s32 s7, s2  }
0x1e: {  	s7 =	smul.u32 @!p0 $0xF7A, s2;
	p2 =	seq.s32 @!p0 s5, $0x0  }
0x1f: {  	s9 =	smul.u32 $0xF7A, s1;
	s8 =	simm.s32 @!p0 $0x1BF5;
	p2 =	por !p2, p0  }
0x20: {  	[sflag:s8] =	ssyncset.s32 @!p0 $0xFFFFF086;
	s6 =	sadd.s32 @!p0 s3, s7;
	s7 =	simm.s32 @!p0 $0x108  }
0x21: {  	s3 =	sadd.s32 s3, s9;
	s6 =	sadd.s32 @!p0 $0x88, s6;
	s7 =	simm.s32 @p2 $0x1082  }
0x22: {  	[simem:s7], [sflag:s8] =	dma.local @!p0 [hbm:s6], $0xF7A  }
0x23: {  	s9 =	sor.u32 $0xD0000000, s2;
	s6 =	simm.s32 $0x108;
	_ =	swait.ge @!p0 [sflag:s8], $0x0  }
0x24: {  	s3 =	sadd.s32 $0x88, s3;
	s6 =	simm.s32 @!p1 $0x1082;
	[sflag:s4] =	ssyncset.s32 $0xFFFFF086  }
0x25: {  	[simem:s6], [sflag:s4] =	dma.local [hbm:s3], $0xF7A  }
0x26: {  	[smem:$0x3F9D] =	sst s1;
	(tag) =	ssettag s2;
	_ =	strace s9  }
0x27: {  	s1 =	sld [smem:$0x3FAD]  }
0x28: {  	s2 =	sld [smem:$0x3FAE]  }
0x29: {  	s4 =	sld [smem:$0x3FB0]  }
0x2a: {  	p0 =	seq.s32 s5, $0x0;
	s5 =	sld [smem:$0x3FB1]  }
0x2b: {  	s6 =	sld [smem:$0x3FB2]  }
0x2c: {  	s7 =	sld [smem:$0x3FB3]  }
0x2d: {  	s3 =	simm.s32 $0x108;
	s8 =	sld [smem:$0x3FB4]  }
0x2e: {  	s3 =	simm.s32 @!p0 $0x1082;
	s9 =	sld [smem:$0x3FB5]  }
0x2f: {  	lr =	sadd.s32 s0, s3;
	s0 =	sld [smem:$0x3FAC]  }
0x30: {  	s3 =	sld [smem:$0x3FAF]  }
0x31: {  	[smem:$0x3FB8] =	sst s10  }
0x32: {  	s10 =	sld [smem:$0x3FB6];
	_ =	sdelay $0x3  }
0x33: {  	p0 =	seq.s32 s10, $0x1;
	s10 =	sld [smem:$0x3FB8];
	_ =	sdelay $0x3  }
0x34: {  	[smem:$0x3FB8] =	sst s10  }
0x35: {  	s10 =	sld [smem:$0x3FB7];
	_ =	sdelay $0x3  }
0x36: {  	p1 =	seq.s32 s10, $0x1;
	s10 =	sld [smem:$0x3FB8];
	_ =	sdelay $0x3  }
0x37: {  	[smem:$0x3FB8] =	sst s10  }
0x38: {  	s10 =	sld [smem:$0x3FB9]  }
0x39: {  	_ = 	snop;
	(pc) =	sbr.ind lr, $3  }
0x3a: {  	_ = 	snop  }
0x3b: {  	_ = 	snop  }
0x3c: {  	p2 =	seq.s32 s10, $0x1;
	s10 =	sld [smem:$0x3FB8]  }
0x3d: {  	_ =	shalt  }
0x3e: {  	_ =	shalt  }
0x3f: {  	_ =	shalt  }
0x40: {  	_ =	shalt  }
0x41: {  	_ =	shalt  }
0x42: {  	_ =	shalt  }
0x43: {  	_ =	shalt  }
0x44: {  	_ =	shalt  }
0x45: {  	_ =	shalt  }
0x46: {  	_ =	shalt  }
0x47: {  	_ =	shalt  }
0x48: {  	_ =	shalt  }
0x49: {  	_ =	shalt  }
0x4a: {  	_ =	shalt  }
0x4b: {  	_ =	shalt  }
0x4c: {  	_ =	shalt  }
0x4d: {  	_ =	shalt  }
0x4e: {  	_ =	shalt  }
0x4f: {  	_ =	shalt  }
0x50: {  	_ =	shalt  }
0x51: {  	_ =	shalt  }
0x52: {  	_ =	shalt  }
0x53: {  	_ =	shalt  }
0x54: {  	_ =	shalt  }
0x55: {  	_ =	shalt  }
0x56: {  	_ =	shalt  }
0x57: {  	_ =	shalt  }
0x58: {  	_ =	shalt  }
0x59: {  	_ =	shalt  }
0x5a: {  	_ =	shalt  }
0x5b: {  	_ =	shalt  }
0x5c: {  	_ =	shalt  }
0x5d: {  	_ =	shalt  }
0x5e: {  	_ =	shalt  }
0x5f: {  	_ =	shalt  }
0x60: {  	_ =	shalt  }
0x61: {  	_ =	shalt  }
0x62: {  	_ =	shalt  }
0x63: {  	_ =	shalt  }
0x64: {  	_ =	shalt  }
0x65: {  	_ =	shalt  }
0x66: {  	_ =	shalt  }
0x67: {  	_ =	shalt  }
0x68: {  	_ =	shalt  }
0x69: {  	_ =	shalt  }
0x6a: {  	_ =	shalt  }
0x6b: {  	_ =	shalt  }
0x6c: {  	_ =	shalt  }
0x6d: {  	_ =	shalt  }
0x6e: {  	_ =	shalt  }
0x6f: {  	_ =	shalt  }
0x70: {  	_ =	shalt  }
0x71: {  	_ =	shalt  }
0x72: {  	_ =	shalt  }
0x73: {  	_ =	shalt  }
0x74: {  	_ =	shalt  }
0x75: {  	_ =	shalt  }
0x76: {  	_ =	shalt  }
0x77: {  	_ =	shalt  }
0x78: {  	_ =	shalt  }
0x79: {  	_ =	shalt  }
0x7a: {  	_ =	shalt  }
0x7b: {  	_ =	shalt  }
0x7c: {  	_ =	shalt  }
0x7d: {  	_ =	shalt  }
0x7e: {  	_ =	shalt  }
0x7f: {  	_ =	shalt  }
0x80: {  	_ =	shalt  }
0x81: {  	_ =	shalt  }
0x82: {  	_ =	shalt  }
0x83: {  	_ =	shalt  }
0x84: {  	_ =	shalt  }
0x85: {  	_ =	shalt  }
0x86: {  	_ =	shalt  }
0x87: {  	_ =	shalt  }
.Lfunc_end0:
.L_simem_size_0:
called_computation.1_lowered:
.L_overlay_start_0:
0x88: {  	s2 =	sld [smem:$0x3FD9]  }
0x89: {  	s3 =	sld [smem:$0x3FFE];
	_ =	sdelay $0x1  }
0x8a: {  	s1 =	srdreg.scid  }
0x8b: {  	s0 =	sand.u32 $0x1, s1  }
0x8c: {  	s17 =	sshll.u32 s0, $0xA;
	s2 =	sadd.s32 s3, s2  }
0x8d: {  	s2 =	sadd.s32 s2, s17  }
0x8e: {  	[smem:$0x3FC4] =	sst s2  }
0x8f: {  	_ = 	snop  }
0x90: {  	s2 =	sld [smem:$0x3FD0];
	(tm) =	ssettm $0x1  }
0x91: {  	s18 =	sld [smem:$0x3FFB];
	_ =	sdelay $0x3  }
0x92: {  	_ =	strace s18  }
0x93: {  	s3 =	sld [smem:$0x3FFC];
	_ =	sdelay $0x3  }
0x94: {  	_ =	strace s3  }
0x95: {  	s3 =	sld [smem:$0x3FFD];
	_ =	sdelay $0x3  }
0x96: {  	_ =	strace s3  }
0x97: {  	_ =	strace $0x8FFFFFFF  }
0x98: {  	s19 =	sld [smem:$0x3FDB];
	_ =	sdelay $0x1  }
0x99: {  	s4 =	simm.s32 $_scs_section_size  }
0x9a: {  	s5 =	simm.s32 $_size__tile_overlayer_lowered;
	s6 =	simm.s32 $_tile_overlayer_lowered  }
0x9b: {  	s22 =	simm.s32 $0x1BFF;
	s21 =	sshll.u32 s6, $0x1;
	s3 =	sadd.s32 s4, s19  }
0x9c: {  	s7 =	simm.s32 $0x0;
	s20 =	sshll.u32 s5, $0x1;
	s5 =	sadd.s32 s21, s3  }
0x9d: {  	[timem:s7], [sflag:s22] =	dma.local [hbm:s5], s20  }
0x9e: {  	_ =	swait.ge [sflag:s22], s20  }
0x9f: {  	s4 =	ssub.s32 $0x0, s20;
	[sflag:s22] =	ssyncset.done $0x0  }
0xa0: {  	[sflag:s22] =	ssyncadd.s32 s4;
	_ =	sdelay $0x1  }
0xa1: {  	s23 =	simm.s32 $0x1B8B  }
0xa2: {  	_ =	swait.ge [sflag:s23], $0x1  }
0xa3: {  	[sflag:s23] =	ssyncset.done $0x0  }
0xa4: {  	s25 =	simm.s32 $0x1B8E;
	s24 =	sld [smem:$0x3FFE];
	[sflag:s23] =	ssyncadd.s32 $0xFFFFFFFF  }
0xa5: {  	s26 =	simm.s32 $execute0_lowered;
	[smem:$0x3FD2] =	sst s25  }
0xa6: {  	s5 =	sshll.u32 s26, $0x1;
	_ =	strace $0x80000049;
	[dreg:$0x1] =	wrdreg $0xFFFFFFFF  }
0xa7: {  	s28 =	simm.s32 $_size_execute0_lowered;
	s3 =	sadd.s32 s3, s5;
	[dreg:$0x0] =	wrdreg $0x0  }
0xa8: {  	s5 =	sshll.u32 s28, $0x1;
	[dreg:$0x2] =	wrdreg s3  }
0xa9: {  	[dreg:$0x3] =	wrdreg s5  }
0xaa: {  	[dreg:$0x4] =	wrdreg $0xC0  }
0xab: {  	_ =	task [dreg:s7], $0x5FFFF  }
0xac: {  	[dreg:$0x1] =	wrdreg $0xFFFFFFFF  }
0xad: {  	[dreg:$0x0] =	wrdreg $0x60  }
0xae: {  	[dreg:$0x2] =	wrdreg s24  }
0xaf: {  	[dreg:$0x3] =	wrdreg s2  }
0xb0: {  	[dreg:$0x4] =	wrdreg $0x148000  }
0xb1: {  	[dreg:$0x5] =	wrdreg $0x9  }
0xb2: {  	_ =	task.clear_ibuf [dreg:s7], $0x6FFFF;
	_ =	strace $0x90000049  }
0xb3: {  	s29 =	simm.s32 $0x9;
	_ =	strace $0x8000004B  }
0xb4: {  	_ =	swait.ge [sflag:s29], $0x1  }
0xb5: {  	[sflag:s29] =	ssyncadd.s32 $0xFFFFFFFF  }
0xb6: {  	_ =	strace $0x9000004B  }
0xb7: {  	_ =	sfence  }
0xb8: {  	s30 =	sld [smem:$0x0];
	_ =	sdelay $0x2  }
0xb9: {  	s31 =	sshll.u32 s1, $0xD;
	s1 =	sshrl.u32 s1, $0x2  }
0xba: {  	s3 =	sand.u32 $0x4000, s31;
	s1 =	sadd.s32 s1, s30  }
0xbb: {  	s0 =	sor.u32 s3, s0;
	s1 =	sshll.u32 s1, $0x11  }
0xbc: {  	s0 =	sor.u32 s1, s0  }
0xbd: {  	s0 =	sadd.s32 $0x8F2B, s0  }
0xbe: {  	[sflag:s0] =	ssyncadd.remote.s32 $0x1  }
0xbf: {  	_ =	sfence.sel $0xFFFF  }
0xc0: {  	[dreg:$0x0] =	wrdreg $0xFFFFFFFF;
	(pc) =	sbr.abs _section_cstart, $3  }
0xc1: {  	[dreg:$0x1] =	wrdreg $0xFFFFFFFF  }
0xc2: {  	_ =	task.clear_ibuf [dreg:s7], $0x2FFFF;
	_ =	strace $0x9FFFFFFF  }
0xc3: {  	(tm) =	ssettm $0x7FFFFFFF  }
tec
execute0_lowered:
.L_overlay_start_1:
0x0: {  	(tag) =	ssettag $0x1  }
0x1: {  	s0 =	rddreg [dreg:$0x0]  }
0x2: {  	s1 =	rddreg [dreg:$0x1]  }
0x3: {  	s2 =	rddreg [dreg:$0x2]  }
0x4: {  	s14 =	stileid.u32;
	s3 =	srdreg.scid  }
0x5: {  	s4 =	simm.s32 $0x0;
	s28 =	simm.s32 $0x1;
	s7 =	smul.u32 $0x2800, s14  }
0x6: {  	s29 =	simm.s32 $0x2;
	s30 =	simm.s32 $0x3;
	s10 =	smul.u32 $0x29000, s14  }
0x7: {  	s31 =	simm.s32 $0x4;
	s3 =	sand.u32 $0x1, s3;
	s13 =	smul.u32 $0x28000, s14  }
0x8: {  	[smem:$0x7FF] =	sst s4;
	s4 =	sadd.s32 $0x11200, s0;
	s20 =	smul.u32 $0x26000, s14  }
0x9: {  	s5 =	sadd.s32 $0x38400, s0;
	p1 =	sne.s32 s14, $0xF;
	s21 =	smul.u32 $0x13000, s14  }
0xa: {  	p2 =	seq.s32 s14, $0xF;
	s24 =	sadd.s32 $0x4BA00, s1;
	s6 =	smul.u32 $0x28000, s3  }
0xb: {  	_ =	strace $0x8000004A;
	s9 =	ssub.s32 $0x2, s3;
	p0 =	seq.s32 s3, $0x1  }
0xc: {  	[dreg:$0x8] =	wrdreg s24;
	s24 =	simm.s32 $0xC800;
	s8 =	sshrl.u32 s7, $0x3  }
0xd: {  	s12 =	sshrl.u32 s9, $0x1;
	s17 =	sshrl.u32 s10, $0x2;
	s18 =	sshrl.u32 s13, $0x2  }
0xe: {  	p1 =	por !p1, !p0;
	p2 =	por !p2, !p0;
	s22 =	sshrl.u32 s20, $0x2  }
0xf: {  	s23 =	sshrl.u32 s21, $0x3;
	s20 =	simm.s32 $0x5;
	s8 =	sadd.s32 s8, s0  }
0x10: {  	s6 =	sadd.s32 s7, s6;
	s15 =	ssub.s32 s9, s12;
	s19 =	sadd.s32 s18, s2  }
0x11: {  	p0 =	por !p1, !p1;
	p2 =	por !p2, !p2;
	s12 =	sadd.s32 $0x8E800, s2  }
0x12: {  	s6 =	sshrl.u32 s6, $0x3;
	s8 =	sadd.s32 $0xC200, s8;
	[dreg:$0x7] =	wrdreg s19  }
0x13: {  	s11 =	sadd.s32 s6, s0;
	[dreg:$0x4] =	wrdreg s8;
	s8 =	sadd.s32 s17, s2  }
0x14: {  	s6 =	sadd.s32 $0xAC00, s0;
	s0 =	smax.u32 s15, $0x1;
	[dreg:$0x6] =	wrdreg s8  }
0x15: {  	s25 =	sadd.s32 s1, s23;
	s16 =	sadd.s32 $0x400, s11;
	[dreg:$0xe] =	wrdreg s0  }
0x16: {  	s11 =	sadd.s32 s1, s7;
	s7 =	sadd.s32 s22, s2;
	[dreg:$0x5] =	wrdreg s16  }
0x17: {  	p1 =	sne.s32 s3, $0x0;
	s8 =	sadd.s32 $0x28000, s25;
	[dreg:$0x9] =	wrdreg s7  }
0x18: {  	v0 =	vmov s14;
	s19 =	simm.s32 $0x5000;
	s1 =	sadd.s32 $0x4BA80, s1;
	[dreg:$0xa] =	wrdreg s8  }
0x19: {  	v0 =	vor.u32 $0x1400, v0;
	p2 =	por !p2, p0;
	s26 =	sadd.s32 $0x80, s11;
	[dreg:$0xd] =	wrdreg s1  }
0x1a: {  	v0 =	vbroadcast v0, $0x0;
	s22 =	simm.s32 $0x80;
	s7 =	sadd.s32 $0x28080, s25;
	[dreg:$0xb] =	wrdreg s26  }
0x1b: {  	v1 =	vimm.s32 $0x0;
	s1 =	simm.s32 $0x0;
	[dreg:$0xc] =	wrdreg s7;
	s26 =	simm.s32 $0x10800  }
.LBB2_1:
0x1c: {  	s0 =	simm.s32 $0x0;
	s3 =	rddreg [dreg:$0x4]  }
0x1d: {  	[tilespmem:s0], [sflag:$0x5] =	stream.linear.gather [hbm4b:s3+s0], $0x2800, $0x38;
	[tilespmem:$0x1EC00] =	vst v63  }
0x1e: {  	_ =	swait.ge [sflag:s20], $0x2800  }
0x1f: {  	[sflag:s20] =	ssyncset.done $0x0  }
0x20: {  	s7 =	simm.s32 $0x2800;
	s25 =	rddreg [dreg:$0x5];
	[sflag:s20] =	ssyncadd.s32 $0xFFFFD800  }
0x21: {  	[tilespmem:s7], [sflag:$0x5] =	stream.linear.gather [hbm4b:s25+s0], $0x2800, $0x38;
	[tilespmem:$0x1EC00] =	vst v63  }
0x22: {  	_ =	swait.ge [sflag:s20], $0x2800  }
0x23: {  	[sflag:s20] =	ssyncset.done $0x0  }
0x24: {  	s3 =	simm.s32 $0x200;
	s0 =	simm.s32 $0x0;
	[sflag:s20] =	ssyncadd.s32 $0xFFFFD800  }
.LBB2_2:
0x25: {  	p3 =	sne.s32 s3, $0x4E00;
	[tilespmem:s0+$0xB470] =	vst v0  }
0x26: {  	[tilespmem:s0+$0xA000] =	vst v1  }
0x27: {  	[tilespmem:s0+$0xB400] =	vst v0  }
0x28: {  	[tilespmem:s0+$0xA010] =	vst v1  }
0x29: {  	[tilespmem:s0+$0xB410] =	vst v0  }
0x2a: {  	[tilespmem:s0+$0xA020] =	vst v1  }
0x2b: {  	[tilespmem:s0+$0xB420] =	vst v0  }
0x2c: {  	[tilespmem:s0+$0xA030] =	vst v1  }
0x2d: {  	[tilespmem:s0+$0xB430] =	vst v0  }
0x2e: {  	[tilespmem:s0+$0xA040] =	vst v1  }
0x2f: {  	[tilespmem:s0+$0xB440] =	vst v0  }
.Ltmp0:
0x30: {  	[tilespmem:s0+$0xA050] =	vst v1;
	(pc) =	sbr.rel @p3 .LBB2_2-.Ltmp0, $4  }
0x31: {  	[tilespmem:s0+$0xB450] =	vst v0  }
0x32: {  	[tilespmem:s0+$0xA060] =	vst v1  }
0x33: {  	[tilespmem:s0+$0xB460] =	vst v0  }
0x34: {  	[tilespmem:s0+$0xA070] =	vst v1;
	s0 =	sshra.s32 s3, $0x2;
	s3 =	sadd.s32 $0x200, s3  }
0x35: {  	[tilespmem:s0+$0xB470] =	vst v0  }
0x36: {  	[tilespmem:s0+$0xA000] =	vst v1  }
0x37: {  	[tilespmem:s0+$0xB400] =	vst v0  }
0x38: {  	[tilespmem:s0+$0xA010] =	vst v1  }
0x39: {  	[tilespmem:s0+$0xB410] =	vst v0  }
0x3a: {  	[tilespmem:s0+$0xA020] =	vst v1  }
0x3b: {  	[tilespmem:s0+$0xB420] =	vst v0  }
0x3c: {  	[tilespmem:s0+$0xA030] =	vst v1  }
0x3d: {  	[tilespmem:s0+$0xB430] =	vst v0  }
0x3e: {  	[tilespmem:s0+$0xA040] =	vst v1  }
0x3f: {  	[tilespmem:s0+$0xB440] =	vst v0  }
0x40: {  	[tilespmem:s0+$0xA050] =	vst v1  }
0x41: {  	[tilespmem:s0+$0xB450] =	vst v0  }
0x42: {  	[tilespmem:s0+$0xA060] =	vst v1  }
0x43: {  	[tilespmem:s0+$0xB460] =	vst v0  }
0x44: {  	[tilespmem:s0+$0xA070] =	vst v1;
	s15 =	simm.s32 $0x0  }
0x45: {  	v2 =	vld [tilespmem:s15+$0x2800]  }
0x46: {  	v3 =	vld [tilespmem:s15+$0x0];
	_ =	sdelay $0x3  }
0x47: {  	s3 =	simm.s32 $0x0;
	vm0 =	vlt.s32 v2, $0x1400  }
0x48: {  	[tilespmem:s3+$0xA000] =	vst.msk vm0, v3;
	v3 =	vsel vm0, $0x1, v1  }
0x49: {  	[tilespmem:s3+$0xB400] =	vst.msk vm0, v2;
	(xrf0) =	vadd.scan.msk.s32 $0xffff, v3  }
0x4a: {  	v2 =	vld [tilespmem:s15+$0x2810];
	_ =	sdelay $0x4  }
0x4b: {  	vm9 =	vlt.s32 v2, $0x1400;
	v3, _, _ =	vpop (xrf0)  }
0x4c: {  	v4 =	vsel vm9, $0x1, v1;
	(v2sf) =	vpush v3, $0xF  }
0x4d: {  	(xrf0) =	vadd.scan.msk.s32 $0xffff, v4;
	_ =	sdelay $0x5  }
0x4e: {  	v3, _, _ =	vpop (xrf0)  }
0x4f: {  	(v2sf) =	vpush v3, $0xF;
	_ =	sdelay $0x3  }
0x50: {  	v3 =	vld [tilespmem:s15+$0x10];
	_ =	sdelay $0x2  }
0x51: {  	s16 =	spop (v2sf)  }
0x52: {  	s3 =	sadd.s32 $0x0, s16  }
0x53: {  	[tilespmem:s3+$0xA000] =	vst.msk vm9, v3  }
0x54: {  	[tilespmem:s3+$0xB400] =	vst.msk vm9, v2  }
0x55: {  	v2 =	vld [tilespmem:s15+$0x2820]  }
0x56: {  	v3 =	vld [tilespmem:s15+$0x20];
	_ =	sdelay $0x2  }
0x57: {  	s7 =	spop (v2sf)  }
0x58: {  	s3 =	sadd.s32 s3, s7;
	vm10 =	vlt.s32 v2, $0x1400  }
0x59: {  	[tilespmem:s3+$0xA000] =	vst.msk vm10, v3;
	v3 =	vsel vm10, $0x1, v1  }
0x5a: {  	[tilespmem:s3+$0xB400] =	vst.msk vm10, v2;
	(xrf0) =	vadd.scan.msk.s32 $0xffff, v3  }
0x5b: {  	v2 =	vld [tilespmem:s15+$0x2830];
	_ =	sdelay $0x4  }
0x5c: {  	vm11 =	vlt.s32 v2, $0x1400;
	v3, _, _ =	vpop (xrf0)  }
0x5d: {  	v4 =	vsel vm11, $0x1, v1;
	(v2sf) =	vpush v3, $0xF  }
0x5e: {  	(xrf0) =	vadd.scan.msk.s32 $0xffff, v4;
	_ =	sdelay $0x5  }
0x5f: {  	v3, _, _ =	vpop (xrf0)  }
0x60: {  	(v2sf) =	vpush v3, $0xF;
	_ =	sdelay $0x3  }
0x61: {  	v3 =	vld [tilespmem:s15+$0x30];
	_ =	sdelay $0x2  }
0x62: {  	s17 =	spop (v2sf)  }
0x63: {  	s3 =	sadd.s32 s3, s17  }
0x64: {  	[tilespmem:s3+$0xA000] =	vst.msk vm11, v3  }
0x65: {  	[tilespmem:s3+$0xB400] =	vst.msk vm11, v2  }
0x66: {  	v2 =	vld [tilespmem:s15+$0x2840]  }
0x67: {  	v3 =	vld [tilespmem:s15+$0x40];
	_ =	sdelay $0x2  }
0x68: {  	s18 =	spop (v2sf)  }
0x69: {  	s3 =	sadd.s32 s3, s18;
	vm12 =	vlt.s32 v2, $0x1400  }
0x6a: {  	[tilespmem:s3+$0xA000] =	vst.msk vm12, v3;
	v3 =	vsel vm12, $0x1, v1  }
0x6b: {  	[tilespmem:s3+$0xB400] =	vst.msk vm12, v2;
	(xrf0) =	vadd.scan.msk.s32 $0xffff, v3  }
0x6c: {  	v2 =	vld [tilespmem:s15+$0x2850];
	_ =	sdelay $0x4  }
0x6d: {  	vm13 =	vlt.s32 v2, $0x1400;
	v3, _, _ =	vpop (xrf0)  }
0x6e: {  	v4 =	vsel vm13, $0x1, v1;
	(v2sf) =	vpush v3, $0xF  }
0x6f: {  	(xrf0) =	vadd.scan.msk.s32 $0xffff, v4;
	_ =	sdelay $0x5  }
0x70: {  	v3, _, _ =	vpop (xrf0)  }
0x71: {  	(v2sf) =	vpush v3, $0xF;
	_ =	sdelay $0x3  }
0x72: {  	v3 =	vld [tilespmem:s15+$0x50];
	_ =	sdelay $0x2  }
0x73: {  	s21 =	spop (v2sf)  }
0x74: {  	s3 =	sadd.s32 s3, s21  }
0x75: {  	[tilespmem:s3+$0xA000] =	vst.msk vm13, v3  }
0x76: {  	[tilespmem:s3+$0xB400] =	vst.msk vm13, v2  }
0x77: {  	v2 =	vld [tilespmem:s15+$0x2860]  }
0x78: {  	v3 =	vld [tilespmem:s15+$0x60];
	_ =	sdelay $0x2  }
0x79: {  	s23 =	spop (v2sf)  }
0x7a: {  	s3 =	sadd.s32 s3, s23;
	vm14 =	vlt.s32 v2, $0x1400  }
0x7b: {  	[tilespmem:s3+$0xA000] =	vst.msk vm14, v3  }
0x7c: {  	[tilespmem:s3+$0xB400] =	vst.msk vm14, v2  }
0x7d: {  	v2 =	vld [tilespmem:s15+$0x2870];
	_ =	sdelay $0x1  }
0x7e: {  	v3 =	vsel vm14, $0x1, v1  }
0x7f: {  	(xrf0) =	vadd.scan.msk.s32 $0xffff, v3;
	_ =	sdelay $0x1  }
0x80: {  	vm15 =	vlt.s32 v2, $0x1400  }
0x81: {  	v3 =	vsel vm15, $0x1, v1;
	_ =	sdelay $0x2  }
0x82: {  	(xrf0) =	vadd.scan.msk.s32 $0xffff, v3;
	v3, _, _ =	vpop (xrf0)  }
0x83: {  	(v2sf) =	vpush v3, $0xF;
	_ =	sdelay $0x5  }
0x84: {  	v3, _, _ =	vpop (xrf0)  }
0x85: {  	(v2sf) =	vpush v3, $0xF;
	_ =	sdelay $0x4  }
0x86: {  	v3 =	vld [tilespmem:s15+$0x70];
	_ =	sdelay $0x2  }
0x87: {  	s25 =	spop (v2sf)  }
0x88: {  	s8 =	sadd.s32 s3, s25  }
0x89: {  	[tilespmem:s8+$0xA000] =	vst.msk vm15, v3  }
0x8a: {  	s3 =	simm.s32 $0x80;
	[tilespmem:s8+$0xB400] =	vst.msk vm15, v2  }
0x8b: {  	v2 =	vld [tilespmem:s3+$0x2800]  }
0x8c: {  	v3 =	vld [tilespmem:s3+$0x0];
	_ =	sdelay $0x1  }
0x8d: {  	s7 =	simm.s32 $0x400;
	s0 =	spop (v2sf)  }
.LBB2_4:
0x8e: {  	p3 =	sne.s32 s7, $0x4E00  }
0x8f: {  	vm0 =	vlt.s32 v2, $0x1400;
	s8 =	sadd.s32 s8, s0;
	s0 =	smov.u32 s7;
	s7 =	sadd.s32 $0x200, s7  }
0x90: {  	[tilespmem:s8+$0xA000] =	vst.msk vm0, v3;
	v3 =	vsel vm0, $0x1, v1  }
0x91: {  	[tilespmem:s8+$0xB400] =	vst.msk vm0, v2;
	(xrf0) =	vadd.scan.msk.s32 $0xffff, v3  }
0x92: {  	v2 =	vld [tilespmem:s3+$0x2810];
	_ =	sdelay $0x4  }
0x93: {  	vm0 =	vlt.s32 v2, $0x1400;
	v3, _, _ =	vpop (xrf0)  }
0x94: {  	v4 =	vsel vm0, $0x1, v1;
	(v2sf) =	vpush v3, $0xF  }
0x95: {  	(xrf0) =	vadd.scan.msk.s32 $0xffff, v4;
	_ =	sdelay $0x5  }
0x96: {  	v3, _, _ =	vpop (xrf0)  }
0x97: {  	(v2sf) =	vpush v3, $0xF;
	_ =	sdelay $0x3  }
0x98: {  	v3 =	vld [tilespmem:s3+$0x10];
	_ =	sdelay $0x2  }
0x99: {  	s9 =	spop (v2sf)  }
0x9a: {  	s8 =	sadd.s32 s8, s9  }
0x9b: {  	[tilespmem:s8+$0xA000] =	vst.msk vm0, v3  }
0x9c: {  	[tilespmem:s8+$0xB400] =	vst.msk vm0, v2  }
0x9d: {  	v2 =	vld [tilespmem:s3+$0x2820]  }
0x9e: {  	v3 =	vld [tilespmem:s3+$0x20];
	_ =	sdelay $0x2  }
0x9f: {  	s9 =	spop (v2sf)  }
0xa0: {  	s8 =	sadd.s32 s8, s9;
	vm0 =	vlt.s32 v2, $0x1400  }
0xa1: {  	[tilespmem:s8+$0xA000] =	vst.msk vm0, v3;
	v3 =	vsel vm0, $0x1, v1  }
0xa2: {  	[tilespmem:s8+$0xB400] =	vst.msk vm0, v2;
	(xrf0) =	vadd.scan.msk.s32 $0xffff, v3  }
0xa3: {  	v2 =	vld [tilespmem:s3+$0x2830];
	_ =	sdelay $0x4  }
0xa4: {  	vm0 =	vlt.s32 v2, $0x1400;
	v3, _, _ =	vpop (xrf0)  }
0xa5: {  	v4 =	vsel vm0, $0x1, v1;
	(v2sf) =	vpush v3, $0xF  }
0xa6: {  	(xrf0) =	vadd.scan.msk.s32 $0xffff, v4;
	_ =	sdelay $0x5  }
0xa7: {  	v3, _, _ =	vpop (xrf0)  }
0xa8: {  	(v2sf) =	vpush v3, $0xF;
	_ =	sdelay $0x3  }
0xa9: {  	v3 =	vld [tilespmem:s3+$0x30];
	_ =	sdelay $0x2  }
0xaa: {  	s9 =	spop (v2sf)  }
0xab: {  	s8 =	sadd.s32 s8, s9  }
0xac: {  	[tilespmem:s8+$0xA000] =	vst.msk vm0, v3  }
0xad: {  	[tilespmem:s8+$0xB400] =	vst.msk vm0, v2  }
0xae: {  	v2 =	vld [tilespmem:s3+$0x2840]  }
0xaf: {  	v3 =	vld [tilespmem:s3+$0x40];
	_ =	sdelay $0x2  }
0xb0: {  	s9 =	spop (v2sf)  }
0xb1: {  	s8 =	sadd.s32 s8, s9;
	vm0 =	vlt.s32 v2, $0x1400  }
0xb2: {  	[tilespmem:s8+$0xA000] =	vst.msk vm0, v3;
	v3 =	vsel vm0, $0x1, v1  }
0xb3: {  	[tilespmem:s8+$0xB400] =	vst.msk vm0, v2;
	(xrf0) =	vadd.scan.msk.s32 $0xffff, v3  }
0xb4: {  	v2 =	vld [tilespmem:s3+$0x2850]  }
0xb5: {  	v3 =	vld [tilespmem:s3+$0x50];
	_ =	sdelay $0x3  }
0xb6: {  	vm0 =	vlt.s32 v2, $0x1400;
	v4, _, _ =	vpop (xrf0)  }
0xb7: {  	v5 =	vsel vm0, $0x1, v1;
	(v2sf) =	vpush v4, $0xF  }
0xb8: {  	(xrf0) =	vadd.scan.msk.s32 $0xffff, v5;
	_ =	sdelay $0x5  }
0xb9: {  	v4, _, _ =	vpop (xrf0)  }
0xba: {  	(v2sf) =	vpush v4, $0xF;
	_ =	sdelay $0x6  }
0xbb: {  	s9 =	spop (v2sf)  }
0xbc: {  	s8 =	sadd.s32 s8, s9  }
0xbd: {  	[tilespmem:s8+$0xA000] =	vst.msk vm0, v3  }
0xbe: {  	[tilespmem:s8+$0xB400] =	vst.msk vm0, v2  }
0xbf: {  	v2 =	vld [tilespmem:s3+$0x2860]  }
0xc0: {  	v3 =	vld [tilespmem:s3+$0x60];
	_ =	sdelay $0x2  }
0xc1: {  	s9 =	spop (v2sf)  }
0xc2: {  	s8 =	sadd.s32 s8, s9;
	vm0 =	vlt.s32 v2, $0x1400  }
0xc3: {  	[tilespmem:s8+$0xA000] =	vst.msk vm0, v3;
	v3 =	vsel vm0, $0x1, v1  }
0xc4: {  	[tilespmem:s8+$0xB400] =	vst.msk vm0, v2;
	(xrf0) =	vadd.scan.msk.s32 $0xffff, v3  }
0xc5: {  	v2 =	vld [tilespmem:s3+$0x2870]  }
0xc6: {  	v3 =	vld [tilespmem:s3+$0x70];
	_ =	sdelay $0x3  }
0xc7: {  	vm0 =	vlt.s32 v2, $0x1400;
	v4, _, _ =	vpop (xrf0)  }
0xc8: {  	v5 =	vsel vm0, $0x1, v1;
	(v2sf) =	vpush v4, $0xF  }
0xc9: {  	(xrf0) =	vadd.scan.msk.s32 $0xffff, v5;
	_ =	sdelay $0x5  }
0xca: {  	v4, _, _ =	vpop (xrf0)  }
0xcb: {  	(v2sf) =	vpush v4, $0xF;
	_ =	sdelay $0x6  }
0xcc: {  	s3 =	spop (v2sf)  }
0xcd: {  	s8 =	sadd.s32 s8, s3  }
0xce: {  	[tilespmem:s8+$0xA000] =	vst.msk vm0, v3  }
0xcf: {  	s3 =	sshra.s32 s0, $0x2;
	[tilespmem:s8+$0xB400] =	vst.msk vm0, v2  }
.Ltmp1:
0xd0: {  	v2 =	vld [tilespmem:s3+$0x2800];
	(pc) =	sbr.rel @p3 .LBB2_4-.Ltmp1, $2  }
0xd1: {  	v3 =	vld [tilespmem:s3+$0x0];
	_ =	sdelay $0x2  }
0xd2: {  	s0 =	spop (v2sf)  }
0xd3: {  	vm0 =	vlt.s32 v2, $0x1400;
	s0 =	sadd.s32 s8, s0  }
0xd4: {  	[tilespmem:s0+$0xA000] =	vst.msk vm0, v3;
	v3 =	vsel vm0, $0x1, v1  }
0xd5: {  	[tilespmem:s0+$0xB400] =	vst.msk vm0, v2;
	(xrf0) =	vadd.scan.msk.s32 $0xffff, v3  }
0xd6: {  	v2 =	vld [tilespmem:s3+$0x2810];
	_ =	sdelay $0x4  }
0xd7: {  	vm9 =	vlt.s32 v2, $0x1400;
	v3, _, _ =	vpop (xrf0)  }
0xd8: {  	v4 =	vsel vm9, $0x1, v1;
	(v2sf) =	vpush v3, $0xF  }
0xd9: {  	(xrf0) =	vadd.scan.msk.s32 $0xffff, v4;
	_ =	sdelay $0x5  }
0xda: {  	v3, _, _ =	vpop (xrf0)  }
0xdb: {  	(v2sf) =	vpush v3, $0xF;
	_ =	sdelay $0x3  }
0xdc: {  	v3 =	vld [tilespmem:s3+$0x10];
	_ =	sdelay $0x2  }
0xdd: {  	s7 =	spop (v2sf)  }
0xde: {  	s0 =	sadd.s32 s0, s7  }
0xdf: {  	[tilespmem:s0+$0xA000] =	vst.msk vm9, v3  }
0xe0: {  	[tilespmem:s0+$0xB400] =	vst.msk vm9, v2  }
0xe1: {  	v2 =	vld [tilespmem:s3+$0x2820]  }
0xe2: {  	v3 =	vld [tilespmem:s3+$0x20];
	_ =	sdelay $0x2  }
0xe3: {  	s13 =	spop (v2sf)  }
0xe4: {  	s0 =	sadd.s32 s0, s13;
	vm10 =	vlt.s32 v2, $0x1400  }
0xe5: {  	[tilespmem:s0+$0xA000] =	vst.msk vm10, v3;
	v3 =	vsel vm10, $0x1, v1  }
0xe6: {  	[tilespmem:s0+$0xB400] =	vst.msk vm10, v2;
	(xrf0) =	vadd.scan.msk.s32 $0xffff, v3  }
0xe7: {  	v2 =	vld [tilespmem:s3+$0x2830];
	_ =	sdelay $0x4  }
0xe8: {  	vm11 =	vlt.s32 v2, $0x1400;
	v3, _, _ =	vpop (xrf0)  }
0xe9: {  	v62 =	vsel vm11, $0x1, v1;
	(v2sf) =	vpush v3, $0xF  }
0xea: {  	(xrf0) =	vadd.scan.msk.s32 $0xffff, v62;
	_ =	sdelay $0x5  }
0xeb: {  	v3, _, _ =	vpop (xrf0)  }
0xec: {  	(v2sf) =	vpush v3, $0xF;
	_ =	sdelay $0x3  }
0xed: {  	v3 =	vld [tilespmem:s3+$0x30];
	_ =	sdelay $0x2  }
0xee: {  	s14 =	spop (v2sf)  }
0xef: {  	s0 =	sadd.s32 s0, s14  }
0xf0: {  	[tilespmem:s0+$0xA000] =	vst.msk vm11, v3  }
0xf1: {  	[tilespmem:s0+$0xB400] =	vst.msk vm11, v2  }
0xf2: {  	v2 =	vld [tilespmem:s3+$0x2840]  }
0xf3: {  	v3 =	vld [tilespmem:s3+$0x40];
	_ =	sdelay $0x2  }
0xf4: {  	s15 =	spop (v2sf)  }
0xf5: {  	s0 =	sadd.s32 s0, s15;
	vm12 =	vlt.s32 v2, $0x1400  }
0xf6: {  	[tilespmem:s0+$0xA000] =	vst.msk vm12, v3;
	v3 =	vsel vm12, $0x1, v1  }
0xf7: {  	[tilespmem:s0+$0xB400] =	vst.msk vm12, v2;
	(xrf0) =	vadd.scan.msk.s32 $0xffff, v3  }
0xf8: {  	v2 =	vld [tilespmem:s3+$0x2850];
	_ =	sdelay $0x4  }
0xf9: {  	vm13 =	vlt.s32 v2, $0x1400;
	v3, _, _ =	vpop (xrf0)  }
0xfa: {  	v63 =	vsel vm13, $0x1, v1;
	(v2sf) =	vpush v3, $0xF  }
0xfb: {  	(xrf0) =	vadd.scan.msk.s32 $0xffff, v63;
	_ =	sdelay $0x5  }
0xfc: {  	v3, _, _ =	vpop (xrf0)  }
0xfd: {  	(v2sf) =	vpush v3, $0xF;
	_ =	sdelay $0x3  }
0xfe: {  	v3 =	vld [tilespmem:s3+$0x50];
	_ =	sdelay $0x2  }
0xff: {  	s16 =	spop (v2sf)  }
0x100: {  	s0 =	sadd.s32 s0, s16  }
0x101: {  	[tilespmem:s0+$0xA000] =	vst.msk vm13, v3  }
0x102: {  	[tilespmem:s0+$0xB400] =	vst.msk vm13, v2  }
0x103: {  	v2 =	vld [tilespmem:s3+$0x2860]  }
0x104: {  	v3 =	vld [tilespmem:s3+$0x60];
	_ =	sdelay $0x2  }
0x105: {  	s17 =	spop (v2sf)  }
0x106: {  	s0 =	sadd.s32 s0, s17;
	vm14 =	vlt.s32 v2, $0x1400  }
0x107: {  	[tilespmem:s0+$0xA000] =	vst.msk vm14, v3  }
0x108: {  	[tilespmem:s0+$0xB400] =	vst.msk vm14, v2  }
0x109: {  	v2 =	vld [tilespmem:s3+$0x2870];
	_ =	sdelay $0x4  }
0x10a: {  	v3 =	vsel vm14, $0x1, v1;
	vm15 =	vlt.s32 v2, $0x1400  }
0x10b: {  	(xrf0) =	vadd.scan.msk.s32 $0xffff, v3;
	v3 =	vsel vm15, $0x1, v1  }
0x10c: {  	(xrf0) =	vadd.scan.msk.s32 $0xffff, v3;
	_ =	sdelay $0x4  }
0x10d: {  	v3, _, _ =	vpop (xrf0)  }
0x10e: {  	(v2sf) =	vpush v3, $0xF;
	v3, _, _ =	vpop (xrf0)  }
0x10f: {  	(v2sf) =	vpush v3, $0xF;
	_ =	sdelay $0xd  }
0x110: {  	s18 =	spop (v2sf)  }
0x111: {  	s0 =	sadd.s32 s0, s18;
	s21 =	spop (v2sf)  }
0x112: {  	s7 =	sadd.s32 s0, s21  }
0x113: {  	s7 =	sadd.s32 $0xFF, s7  }
0x114: {  	s23 =	sshra.s32 s7, $0x1F  }
0x115: {  	s25 =	sshrl.u32 s23, $0x18  }
0x116: {  	v3 =	vld [tilespmem:s3+$0x70];
	s3 =	sadd.s32 s25, s7  }
0x117: {  	s3 =	sshra.s32 s3, $0x8  }
0x118: {  	s3 =	sshll.u32 s3, $0x1  }
0x119: {  	p3 =	sgt.s32 s3, $0x2  }
0x11a: {  	s3 =	simm.s32 @!p3 $0x2  }
0x11b: {  	p4 =	sne.s32 s3, $0x1  }
.Ltmp2:
0x11c: {  	_ = 	snop;
	(pc) =	sbr.rel @!p4 .LBB2_6-.Ltmp2, $4  }
0x11d: {  	_ = 	snop  }
0x11e: {  	[tilespmem:s0+$0xA000] =	vst.msk vm15, v3  }
0x11f: {  	s8 =	simm.s32 $0x5040;
	[tilespmem:s0+$0xB400] =	vst.msk vm15, v2;
	s23 =	simm.s32 $0xB440;
	s25 =	simm.s32 $0xA040  }
0x120: {  	s7 =	simm.s32 $0x7840;
	v2 =	vld [tilespmem:s25+$0xFFFFFFC0];
	p3 =	por $0x0, $0x0;
	s0 =	sadd.s32 $0xFFFFFFFF, s3  }
0x121: {  	_ =	sdelay $0x3  }
0x122: {  	[tilespmem:s8+$0xFFFFFFC0] =	vst v2  }
0x123: {  	v2 =	vld [tilespmem:s23+$0xFFFFFFC0];
	_ =	sdelay $0x4  }
0x124: {  	[tilespmem:s7+$0xFFFFFFC0] =	vst v2  }
0x125: {  	v2 =	vld [tilespmem:s25+$0xFFFFFFD0];
	_ =	sdelay $0x4  }
0x126: {  	[tilespmem:s8+$0xFFFFFFD0] =	vst v2  }
0x127: {  	v2 =	vld [tilespmem:s23+$0xFFFFFFD0];
	_ =	sdelay $0x4  }
0x128: {  	[tilespmem:s7+$0xFFFFFFD0] =	vst v2  }
0x129: {  	v2 =	vld [tilespmem:s25+$0xFFFFFFE0];
	_ =	sdelay $0x4  }
0x12a: {  	[tilespmem:s8+$0xFFFFFFE0] =	vst v2  }
0x12b: {  	v2 =	vld [tilespmem:s23+$0xFFFFFFE0];
	_ =	sdelay $0x4  }
0x12c: {  	[tilespmem:s7+$0xFFFFFFE0] =	vst v2  }
0x12d: {  	v2 =	vld [tilespmem:s25+$0xFFFFFFF0];
	_ =	sdelay $0x4  }
0x12e: {  	[tilespmem:s8+$0xFFFFFFF0] =	vst v2  }
0x12f: {  	v2 =	vld [tilespmem:s23+$0xFFFFFFF0];
	_ =	sdelay $0x4  }
0x130: {  	[tilespmem:s7+$0xFFFFFFF0] =	vst v2  }
0x131: {  	v2 =	vld [tilespmem:s25+$0x0];
	_ =	sdelay $0x4  }
0x132: {  	[tilespmem:s8+$0x0] =	vst v2  }
0x133: {  	v2 =	vld [tilespmem:s23+$0x0];
	_ =	sdelay $0x4  }
0x134: {  	[tilespmem:s7+$0x0] =	vst v2  }
0x135: {  	v2 =	vld [tilespmem:s25+$0x10];
	_ =	sdelay $0x4  }
0x136: {  	[tilespmem:s8+$0x10] =	vst v2  }
0x137: {  	v2 =	vld [tilespmem:s23+$0x10];
	_ =	sdelay $0x4  }
0x138: {  	[tilespmem:s7+$0x10] =	vst v2  }
0x139: {  	v2 =	vld [tilespmem:s25+$0x20];
	_ =	sdelay $0x4  }
0x13a: {  	[tilespmem:s8+$0x20] =	vst v2  }
0x13b: {  	v2 =	vld [tilespmem:s23+$0x20];
	_ =	sdelay $0x4  }
0x13c: {  	[tilespmem:s7+$0x20] =	vst v2  }
0x13d: {  	v2 =	vld [tilespmem:s25+$0x30];
	_ =	sdelay $0x4  }
0x13e: {  	[tilespmem:s8+$0x30] =	vst v2  }
0x13f: {  	v2 =	vld [tilespmem:s23+$0x30]  }
0x140: {  	p4 =	sne.s32 s0, $0x1  }
.Ltmp3:
0x141: {  	_ = 	snop;
	(pc) =	sbr.rel @!p4 .LBB2_8-.Ltmp3, $3  }
0x142: {  	_ =	sdelay $0x1  }
0x143: {  	s21 =	sadd.s32 $0xFFFFFFFF, s0;
	p3 =	por $0x1, $0x1;
	s25 =	simm.s32 $0xA0C0;
	[tilespmem:s7+$0x30] =	vst v2  }
0x144: {  	s0 =	simm.s32 $0x5040;
	s10 =	simm.s32 $0xB440;
	s9 =	simm.s32 $0x7840;
	v2 =	vld [tilespmem:s25+$0xFFFFFFC0]  }
.LBB2_9:
0x145: {  	p4 =	sne.s32 s21, $0x1;
	_ =	sdelay $0x2  }
0x146: {  	s0 =	sadd.s32 $0x80, s0  }
0x147: {  	s10 =	sadd.s32 $0x80, s10;
	[tilespmem:s0+$0xFFFFFFC0] =	vst v2  }
0x148: {  	v2 =	vld [tilespmem:s10+$0xFFFFFFC0];
	_ =	sdelay $0x3  }
0x149: {  	s9 =	sadd.s32 $0x80, s9  }
0x14a: {  	[tilespmem:s9+$0xFFFFFFC0] =	vst v2  }
0x14b: {  	v2 =	vld [tilespmem:s25+$0xFFFFFFD0];
	_ =	sdelay $0x4  }
0x14c: {  	[tilespmem:s0+$0xFFFFFFD0] =	vst v2  }
0x14d: {  	v2 =	vld [tilespmem:s10+$0xFFFFFFD0];
	_ =	sdelay $0x4  }
0x14e: {  	[tilespmem:s9+$0xFFFFFFD0] =	vst v2  }
0x14f: {  	v2 =	vld [tilespmem:s25+$0xFFFFFFE0];
	_ =	sdelay $0x4  }
0x150: {  	[tilespmem:s0+$0xFFFFFFE0] =	vst v2  }
0x151: {  	v2 =	vld [tilespmem:s10+$0xFFFFFFE0];
	_ =	sdelay $0x4  }
0x152: {  	[tilespmem:s9+$0xFFFFFFE0] =	vst v2  }
0x153: {  	v2 =	vld [tilespmem:s25+$0xFFFFFFF0];
	_ =	sdelay $0x4  }
0x154: {  	[tilespmem:s0+$0xFFFFFFF0] =	vst v2  }
0x155: {  	v2 =	vld [tilespmem:s10+$0xFFFFFFF0];
	_ =	sdelay $0x4  }
0x156: {  	[tilespmem:s9+$0xFFFFFFF0] =	vst v2  }
0x157: {  	v2 =	vld [tilespmem:s25+$0x0];
	_ =	sdelay $0x4  }
0x158: {  	[tilespmem:s0+$0x0] =	vst v2  }
0x159: {  	v2 =	vld [tilespmem:s10+$0x0];
	_ =	sdelay $0x4  }
0x15a: {  	[tilespmem:s9+$0x0] =	vst v2  }
0x15b: {  	v2 =	vld [tilespmem:s25+$0x10];
	_ =	sdelay $0x4  }
0x15c: {  	[tilespmem:s0+$0x10] =	vst v2  }
0x15d: {  	v2 =	vld [tilespmem:s10+$0x10];
	_ =	sdelay $0x4  }
0x15e: {  	[tilespmem:s9+$0x10] =	vst v2  }
0x15f: {  	v2 =	vld [tilespmem:s25+$0x20];
	_ =	sdelay $0x4  }
0x160: {  	[tilespmem:s0+$0x20] =	vst v2  }
0x161: {  	v2 =	vld [tilespmem:s10+$0x20];
	_ =	sdelay $0x4  }
0x162: {  	[tilespmem:s9+$0x20] =	vst v2  }
0x163: {  	v2 =	vld [tilespmem:s25+$0x30];
	_ =	sdelay $0x4  }
0x164: {  	[tilespmem:s0+$0x30] =	vst v2  }
0x165: {  	v2 =	vld [tilespmem:s10+$0x30];
	_ =	sdelay $0x1  }
.Ltmp4:
0x166: {  	(pc) =	sbr.rel @p4 .LBB2_9-.Ltmp4, $3  }
0x167: {  	_ =	sdelay $0x1  }
0x168: {  	s25 =	sadd.s32 $0x80, s25;
	[tilespmem:s9+$0x30] =	vst v2  }
0x169: {  	s21 =	sadd.s32 $0xFFFFFFFF, s21;
	v2 =	vld [tilespmem:s25+$0xFFFFFFC0]  }
.LBB2_10:
0x16a: {  	_ =	sdelay $0x1  }
0x16b: {  	s0 =	sadd.s32 @p3 $0x80, s0  }
0x16c: {  	s8 =	smov.u32 @p3 s0;
	s0 =	sadd.s32 @p3 $0x80, s10  }
0x16d: {  	s23 =	smov.u32 @p3 s0;
	[tilespmem:s8+$0xFFFFFFC0] =	vst v2  }
0x16e: {  	v2 =	vld [tilespmem:s23+$0xFFFFFFC0];
	_ =	sdelay $0x2  }
0x16f: {  	s0 =	sadd.s32 @p3 $0x80, s9  }
0x170: {  	s7 =	smov.u32 @p3 s0  }
0x171: {  	[tilespmem:s7+$0xFFFFFFC0] =	vst v2  }
0x172: {  	v2 =	vld [tilespmem:s25+$0xFFFFFFD0];
	_ =	sdelay $0x4  }
0x173: {  	[tilespmem:s8+$0xFFFFFFD0] =	vst v2  }
0x174: {  	v2 =	vld [tilespmem:s23+$0xFFFFFFD0];
	_ =	sdelay $0x4  }
0x175: {  	[tilespmem:s7+$0xFFFFFFD0] =	vst v2  }
0x176: {  	v2 =	vld [tilespmem:s25+$0xFFFFFFE0];
	_ =	sdelay $0x4  }
0x177: {  	[tilespmem:s8+$0xFFFFFFE0] =	vst v2  }
0x178: {  	v2 =	vld [tilespmem:s23+$0xFFFFFFE0];
	_ =	sdelay $0x4  }
0x179: {  	[tilespmem:s7+$0xFFFFFFE0] =	vst v2  }
0x17a: {  	v2 =	vld [tilespmem:s25+$0xFFFFFFF0];
	_ =	sdelay $0x4  }
0x17b: {  	[tilespmem:s8+$0xFFFFFFF0] =	vst v2  }
0x17c: {  	v2 =	vld [tilespmem:s23+$0xFFFFFFF0];
	_ =	sdelay $0x4  }
0x17d: {  	[tilespmem:s7+$0xFFFFFFF0] =	vst v2  }
0x17e: {  	v2 =	vld [tilespmem:s25+$0x0];
	_ =	sdelay $0x4  }
0x17f: {  	[tilespmem:s8+$0x0] =	vst v2  }
0x180: {  	v2 =	vld [tilespmem:s23+$0x0];
	_ =	sdelay $0x4  }
0x181: {  	[tilespmem:s7+$0x0] =	vst v2  }
0x182: {  	v2 =	vld [tilespmem:s25+$0x10];
	_ =	sdelay $0x4  }
0x183: {  	[tilespmem:s8+$0x10] =	vst v2  }
0x184: {  	v2 =	vld [tilespmem:s23+$0x10];
	_ =	sdelay $0x4  }
0x185: {  	[tilespmem:s7+$0x10] =	vst v2  }
0x186: {  	v2 =	vld [tilespmem:s25+$0x20];
	_ =	sdelay $0x4  }
0x187: {  	[tilespmem:s8+$0x20] =	vst v2  }
0x188: {  	v2 =	vld [tilespmem:s23+$0x20];
	_ =	sdelay $0x4  }
0x189: {  	[tilespmem:s7+$0x20] =	vst v2  }
0x18a: {  	v2 =	vld [tilespmem:s25+$0x30];
	_ =	sdelay $0x4  }
0x18b: {  	[tilespmem:s8+$0x30] =	vst v2  }
0x18c: {  	p4 =	por $0x1, $0x1;
	v2 =	vld [tilespmem:s23+$0x30]  }
.Ltmp5:
0x18d: {  	_ = 	snop;
	(pc) =	sbr.rel @!p4 .LBB2_12-.Ltmp5, $2  }
0x18e: {  	_ =	sdelay $0x2  }
0x18f: {  	s0 =	simm.s32 $0x0;
	s8 =	simm.s32 $0x200;
	[tilespmem:s7+$0x30] =	vst v2;
	s7 =	simm.s32 $0x0  }
.LBB2_11:
0x190: {  	p3 =	sne.s32 s8, $0x4E00;
	[tilespmem:s0+$0xB470] =	vst v0  }
0x191: {  	[tilespmem:s0+$0xA000] =	vst v1  }
0x192: {  	[tilespmem:s0+$0xB400] =	vst v0  }
0x193: {  	[tilespmem:s0+$0xA010] =	vst v1  }
0x194: {  	[tilespmem:s0+$0xB410] =	vst v0  }
0x195: {  	[tilespmem:s0+$0xA020] =	vst v1  }
0x196: {  	[tilespmem:s0+$0xB420] =	vst v0  }
0x197: {  	[tilespmem:s0+$0xA030] =	vst v1  }
0x198: {  	[tilespmem:s0+$0xB430] =	vst v0  }
0x199: {  	[tilespmem:s0+$0xA040] =	vst v1  }
0x19a: {  	[tilespmem:s0+$0xB440] =	vst v0  }
.Ltmp6:
0x19b: {  	[tilespmem:s0+$0xA050] =	vst v1;
	(pc) =	sbr.rel @p3 .LBB2_11-.Ltmp6, $4  }
0x19c: {  	[tilespmem:s0+$0xB450] =	vst v0  }
0x19d: {  	[tilespmem:s0+$0xA060] =	vst v1  }
0x19e: {  	[tilespmem:s0+$0xB460] =	vst v0  }
0x19f: {  	[tilespmem:s0+$0xA070] =	vst v1;
	s0 =	sshra.s32 s8, $0x2;
	s8 =	sadd.s32 $0x200, s8  }
.LBB2_12:
0x1a0: {  	[tilespmem:s0+$0xB470] =	vst v0  }
0x1a1: {  	[tilespmem:s0+$0xA000] =	vst v1  }
0x1a2: {  	[tilespmem:s0+$0xB400] =	vst v0  }
0x1a3: {  	[tilespmem:s0+$0xA010] =	vst v1  }
0x1a4: {  	[tilespmem:s0+$0xB410] =	vst v0  }
0x1a5: {  	[tilespmem:s0+$0xA020] =	vst v1  }
0x1a6: {  	[tilespmem:s0+$0xB420] =	vst v0  }
0x1a7: {  	[tilespmem:s0+$0xA030] =	vst v1  }
0x1a8: {  	[tilespmem:s0+$0xB430] =	vst v0  }
0x1a9: {  	[tilespmem:s0+$0xA040] =	vst v1  }
0x1aa: {  	[tilespmem:s0+$0xB440] =	vst v0  }
0x1ab: {  	[tilespmem:s0+$0xA050] =	vst v1  }
0x1ac: {  	[tilespmem:s0+$0xB450] =	vst v0  }
.Ltmp7:
0x1ad: {  	[tilespmem:s0+$0xA060] =	vst v1;
	(pc) =	sbr.rel @!p4 .LBB2_13-.Ltmp7, $4  }
0x1ae: {  	[tilespmem:s0+$0xB460] =	vst v0  }
0x1af: {  	[tilespmem:s0+$0xA070] =	vst v1;
	s23 =	simm.s32 $0x0  }
0x1b0: {  	v2 =	vld [tilespmem:s23+$0x3C00]  }
0x1b1: {  	p3 =	por $0x0, $0x0;
	v3 =	vld [tilespmem:s23+$0x1400]  }
0x1b2: {  	_ =	sdelay $0x2  }
0x1b3: {  	vm0 =	vlt.s32 v2, $0x1400  }
0x1b4: {  	[tilespmem:s7+$0xA000] =	vst.msk vm0, v3;
	v3 =	vsel vm0, $0x1, v1  }
0x1b5: {  	[tilespmem:s7+$0xB400] =	vst.msk vm0, v2;
	(xrf0) =	vadd.scan.msk.s32 $0xffff, v3  }
0x1b6: {  	v2 =	vld [tilespmem:s23+$0x3C10];
	_ =	sdelay $0x4  }
0x1b7: {  	vm9 =	vlt.s32 v2, $0x1400;
	v3, _, _ =	vpop (xrf0)  }
0x1b8: {  	v4 =	vsel vm9, $0x1, v1;
	(v2sf) =	vpush v3, $0xF  }
0x1b9: {  	(xrf0) =	vadd.scan.msk.s32 $0xffff, v4;
	_ =	sdelay $0x5  }
0x1ba: {  	v3, _, _ =	vpop (xrf0)  }
0x1bb: {  	(v2sf) =	vpush v3, $0xF;
	_ =	sdelay $0x3  }
0x1bc: {  	v3 =	vld [tilespmem:s23+$0x1410];
	_ =	sdelay $0x2  }
0x1bd: {  	s0 =	spop (v2sf)  }
0x1be: {  	s0 =	sadd.s32 $0x0, s0  }
0x1bf: {  	[tilespmem:s0+$0xA000] =	vst.msk vm9, v3  }
0x1c0: {  	[tilespmem:s0+$0xB400] =	vst.msk vm9, v2  }
0x1c1: {  	v2 =	vld [tilespmem:s23+$0x3C20]  }
0x1c2: {  	v3 =	vld [tilespmem:s23+$0x1420];
	_ =	sdelay $0x2  }
0x1c3: {  	s8 =	spop (v2sf)  }
0x1c4: {  	s0 =	sadd.s32 s0, s8;
	vm10 =	vlt.s32 v2, $0x1400  }
0x1c5: {  	[tilespmem:s0+$0xA000] =	vst.msk vm10, v3;
	v3 =	vsel vm10, $0x1, v1  }
0x1c6: {  	[tilespmem:s0+$0xB400] =	vst.msk vm10, v2;
	(xrf0) =	vadd.scan.msk.s32 $0xffff, v3  }
0x1c7: {  	v2 =	vld [tilespmem:s23+$0x3C30];
	_ =	sdelay $0x4  }
0x1c8: {  	vm11 =	vlt.s32 v2, $0x1400;
	v3, _, _ =	vpop (xrf0)  }
0x1c9: {  	v4 =	vsel vm11, $0x1, v1;
	(v2sf) =	vpush v3, $0xF  }
0x1ca: {  	(xrf0) =	vadd.scan.msk.s32 $0xffff, v4;
	_ =	sdelay $0x5  }
0x1cb: {  	v3, _, _ =	vpop (xrf0)  }
0x1cc: {  	(v2sf) =	vpush v3, $0xF;
	_ =	sdelay $0x3  }
0x1cd: {  	v3 =	vld [tilespmem:s23+$0x1430];
	_ =	sdelay $0x2  }
0x1ce: {  	s16 =	spop (v2sf)  }
0x1cf: {  	s0 =	sadd.s32 s0, s16  }
0x1d0: {  	[tilespmem:s0+$0xA000] =	vst.msk vm11, v3  }
0x1d1: {  	[tilespmem:s0+$0xB400] =	vst.msk vm11, v2  }
0x1d2: {  	v2 =	vld [tilespmem:s23+$0x3C40]  }
0x1d3: {  	v3 =	vld [tilespmem:s23+$0x1440];
	_ =	sdelay $0x2  }
0x1d4: {  	s17 =	spop (v2sf)  }
0x1d5: {  	s0 =	sadd.s32 s0, s17;
	vm12 =	vlt.s32 v2, $0x1400  }
0x1d6: {  	[tilespmem:s0+$0xA000] =	vst.msk vm12, v3;
	v3 =	vsel vm12, $0x1, v1  }
0x1d7: {  	[tilespmem:s0+$0xB400] =	vst.msk vm12, v2;
	(xrf0) =	vadd.scan.msk.s32 $0xffff, v3  }
0x1d8: {  	v2 =	vld [tilespmem:s23+$0x3C50];
	_ =	sdelay $0x4  }
0x1d9: {  	vm13 =	vlt.s32 v2, $0x1400;
	v3, _, _ =	vpop (xrf0)  }
0x1da: {  	v4 =	vsel vm13, $0x1, v1;
	(v2sf) =	vpush v3, $0xF  }
0x1db: {  	(xrf0) =	vadd.scan.msk.s32 $0xffff, v4;
	_ =	sdelay $0x5  }
0x1dc: {  	v3, _, _ =	vpop (xrf0)  }
0x1dd: {  	(v2sf) =	vpush v3, $0xF;
	_ =	sdelay $0x3  }
0x1de: {  	v3 =	vld [tilespmem:s23+$0x1450];
	_ =	sdelay $0x2  }
0x1df: {  	s18 =	spop (v2sf)  }
0x1e0: {  	s0 =	sadd.s32 s0, s18  }
0x1e1: {  	[tilespmem:s0+$0xA000] =	vst.msk vm13, v3  }
0x1e2: {  	[tilespmem:s0+$0xB400] =	vst.msk vm13, v2  }
0x1e3: {  	v2 =	vld [tilespmem:s23+$0x3C60]  }
0x1e4: {  	v3 =	vld [tilespmem:s23+$0x1460];
	_ =	sdelay $0x2  }
0x1e5: {  	s21 =	spop (v2sf)  }
0x1e6: {  	s0 =	sadd.s32 s0, s21;
	vm14 =	vlt.s32 v2, $0x1400  }
0x1e7: {  	[tilespmem:s0+$0xA000] =	vst.msk vm14, v3  }
0x1e8: {  	[tilespmem:s0+$0xB400] =	vst.msk vm14, v2  }
0x1e9: {  	v2 =	vld [tilespmem:s23+$0x3C70];
	_ =	sdelay $0x1  }
0x1ea: {  	v3 =	vsel vm14, $0x1, v1  }
0x1eb: {  	(xrf0) =	vadd.scan.msk.s32 $0xffff, v3;
	_ =	sdelay $0x1  }
0x1ec: {  	vm15 =	vlt.s32 v2, $0x1400  }
0x1ed: {  	v3 =	vsel vm15, $0x1, v1;
	_ =	sdelay $0x2  }
0x1ee: {  	(xrf0) =	vadd.scan.msk.s32 $0xffff, v3;
	v3, _, _ =	vpop (xrf0)  }
0x1ef: {  	(v2sf) =	vpush v3, $0xF;
	_ =	sdelay $0x5  }
0x1f0: {  	v3, _, _ =	vpop (xrf0)  }
0x1f1: {  	(v2sf) =	vpush v3, $0xF;
	_ =	sdelay $0x4  }
0x1f2: {  	v3 =	vld [tilespmem:s23+$0x1470];
	_ =	sdelay $0x2  }
0x1f3: {  	s25 =	spop (v2sf)  }
0x1f4: {  	s9 =	sadd.s32 s0, s25  }
0x1f5: {  	p5 =	por $0x1, $0x1;
	[tilespmem:s9+$0xA000] =	vst.msk vm15, v3  }
.Ltmp8:
0x1f6: {  	s23 =	simm.s32 $0x80;
	[tilespmem:s9+$0xB400] =	vst.msk vm15, v2;
	(pc) =	sbr.rel @!p5 .LBB2_16-.Ltmp8, $3  }
0x1f7: {  	v2 =	vld [tilespmem:s23+$0x3C00]  }
0x1f8: {  	v3 =	vld [tilespmem:s23+$0x1400];
	_ =	sdelay $0x1  }
0x1f9: {  	p4 =	por $0x1, $0x1;
	s8 =	simm.s32 $0x400;
	s0 =	spop (v2sf)  }
.LBB2_15:
0x1fa: {  	p5 =	sne.s32 s8, $0x4E00  }
0x1fb: {  	vm0 =	vlt.s32 v2, $0x1400;
	s9 =	sadd.s32 s9, s0;
	s0 =	smov.u32 s8;
	s8 =	sadd.s32 $0x200, s8  }
0x1fc: {  	[tilespmem:s9+$0xA000] =	vst.msk vm0, v3;
	v3 =	vsel vm0, $0x1, v1  }
0x1fd: {  	[tilespmem:s9+$0xB400] =	vst.msk vm0, v2;
	(xrf0) =	vadd.scan.msk.s32 $0xffff, v3  }
0x1fe: {  	v2 =	vld [tilespmem:s23+$0x3C10];
	_ =	sdelay $0x4  }
0x1ff: {  	vm0 =	vlt.s32 v2, $0x1400;
	v3, _, _ =	vpop (xrf0)  }
0x200: {  	v4 =	vsel vm0, $0x1, v1;
	(v2sf) =	vpush v3, $0xF  }
0x201: {  	(xrf0) =	vadd.scan.msk.s32 $0xffff, v4;
	_ =	sdelay $0x5  }
0x202: {  	v3, _, _ =	vpop (xrf0)  }
0x203: {  	(v2sf) =	vpush v3, $0xF;
	_ =	sdelay $0x3  }
0x204: {  	v3 =	vld [tilespmem:s23+$0x1410];
	_ =	sdelay $0x2  }
0x205: {  	s10 =	spop (v2sf)  }
0x206: {  	s9 =	sadd.s32 s9, s10  }
0x207: {  	[tilespmem:s9+$0xA000] =	vst.msk vm0, v3  }
0x208: {  	[tilespmem:s9+$0xB400] =	vst.msk vm0, v2  }
0x209: {  	v2 =	vld [tilespmem:s23+$0x3C20]  }
0x20a: {  	v3 =	vld [tilespmem:s23+$0x1420];
	_ =	sdelay $0x2  }
0x20b: {  	s10 =	spop (v2sf)  }
0x20c: {  	s9 =	sadd.s32 s9, s10;
	vm0 =	vlt.s32 v2, $0x1400  }
0x20d: {  	[tilespmem:s9+$0xA000] =	vst.msk vm0, v3;
	v3 =	vsel vm0, $0x1, v1  }
0x20e: {  	[tilespmem:s9+$0xB400] =	vst.msk vm0, v2;
	(xrf0) =	vadd.scan.msk.s32 $0xffff, v3  }
0x20f: {  	v2 =	vld [tilespmem:s23+$0x3C30];
	_ =	sdelay $0x4  }
0x210: {  	vm0 =	vlt.s32 v2, $0x1400;
	v3, _, _ =	vpop (xrf0)  }
0x211: {  	v4 =	vsel vm0, $0x1, v1;
	(v2sf) =	vpush v3, $0xF  }
0x212: {  	(xrf0) =	vadd.scan.msk.s32 $0xffff, v4;
	_ =	sdelay $0x5  }
0x213: {  	v3, _, _ =	vpop (xrf0)  }
0x214: {  	(v2sf) =	vpush v3, $0xF;
	_ =	sdelay $0x3  }
0x215: {  	v3 =	vld [tilespmem:s23+$0x1430];
	_ =	sdelay $0x2  }
0x216: {  	s10 =	spop (v2sf)  }
0x217: {  	s9 =	sadd.s32 s9, s10  }
0x218: {  	[tilespmem:s9+$0xA000] =	vst.msk vm0, v3  }
0x219: {  	[tilespmem:s9+$0xB400] =	vst.msk vm0, v2  }
0x21a: {  	v2 =	vld [tilespmem:s23+$0x3C40]  }
0x21b: {  	v3 =	vld [tilespmem:s23+$0x1440];
	_ =	sdelay $0x2  }
0x21c: {  	s10 =	spop (v2sf)  }
0x21d: {  	s9 =	sadd.s32 s9, s10;
	vm0 =	vlt.s32 v2, $0x1400  }
0x21e: {  	[tilespmem:s9+$0xA000] =	vst.msk vm0, v3;
	v3 =	vsel vm0, $0x1, v1  }
0x21f: {  	[tilespmem:s9+$0xB400] =	vst.msk vm0, v2;
	(xrf0) =	vadd.scan.msk.s32 $0xffff, v3  }
0x220: {  	v2 =	vld [tilespmem:s23+$0x3C50]  }
0x221: {  	v3 =	vld [tilespmem:s23+$0x1450];
	_ =	sdelay $0x3  }
0x222: {  	vm0 =	vlt.s32 v2, $0x1400;
	v4, _, _ =	vpop (xrf0)  }
0x223: {  	v5 =	vsel vm0, $0x1, v1;
	(v2sf) =	vpush v4, $0xF  }
0x224: {  	(xrf0) =	vadd.scan.msk.s32 $0xffff, v5;
	_ =	sdelay $0x5  }
0x225: {  	v4, _, _ =	vpop (xrf0)  }
0x226: {  	(v2sf) =	vpush v4, $0xF;
	_ =	sdelay $0x6  }
0x227: {  	s10 =	spop (v2sf)  }
0x228: {  	s9 =	sadd.s32 s9, s10  }
0x229: {  	[tilespmem:s9+$0xA000] =	vst.msk vm0, v3  }
0x22a: {  	[tilespmem:s9+$0xB400] =	vst.msk vm0, v2  }
0x22b: {  	v2 =	vld [tilespmem:s23+$0x3C60]  }
0x22c: {  	v3 =	vld [tilespmem:s23+$0x1460];
	_ =	sdelay $0x2  }
0x22d: {  	s10 =	spop (v2sf)  }
0x22e: {  	s9 =	sadd.s32 s9, s10;
	vm0 =	vlt.s32 v2, $0x1400  }
0x22f: {  	[tilespmem:s9+$0xA000] =	vst.msk vm0, v3;
	v3 =	vsel vm0, $0x1, v1  }
0x230: {  	[tilespmem:s9+$0xB400] =	vst.msk vm0, v2;
	(xrf0) =	vadd.scan.msk.s32 $0xffff, v3  }
0x231: {  	v2 =	vld [tilespmem:s23+$0x3C70]  }
0x232: {  	v3 =	vld [tilespmem:s23+$0x1470];
	_ =	sdelay $0x3  }
0x233: {  	vm0 =	vlt.s32 v2, $0x1400;
	v4, _, _ =	vpop (xrf0)  }
0x234: {  	v5 =	vsel vm0, $0x1, v1;
	(v2sf) =	vpush v4, $0xF  }
0x235: {  	(xrf0) =	vadd.scan.msk.s32 $0xffff, v5;
	_ =	sdelay $0x5  }
0x236: {  	v4, _, _ =	vpop (xrf0)  }
0x237: {  	(v2sf) =	vpush v4, $0xF;
	_ =	sdelay $0x6  }
0x238: {  	s10 =	spop (v2sf)  }
0x239: {  	s9 =	sadd.s32 s9, s10  }
0x23a: {  	[tilespmem:s9+$0xA000] =	vst.msk vm0, v3  }
0x23b: {  	s23 =	sshra.s32 s0, $0x2;
	[tilespmem:s9+$0xB400] =	vst.msk vm0, v2  }
.Ltmp9:
0x23c: {  	v2 =	vld [tilespmem:s23+$0x3C00];
	(pc) =	sbr.rel @p5 .LBB2_15-.Ltmp9, $2  }
0x23d: {  	v3 =	vld [tilespmem:s23+$0x1400];
	_ =	sdelay $0x2  }
0x23e: {  	s0 =	spop (v2sf)  }
.LBB2_16:
0x23f: {  	s0 =	sadd.s32 @p4 s9, s0  }
0x240: {  	vm0 =	vlt.s32 v2, $0x1400;
	s7 =	smov.u32 @p4 s0  }
0x241: {  	[tilespmem:s7+$0xA000] =	vst.msk vm0, v3;
	v3 =	vsel vm0, $0x1, v1  }
0x242: {  	[tilespmem:s7+$0xB400] =	vst.msk vm0, v2;
	(xrf0) =	vadd.scan.msk.s32 $0xffff, v3  }
0x243: {  	v2 =	vld [tilespmem:s23+$0x3C10];
	_ =	sdelay $0x4  }
0x244: {  	vm9 =	vlt.s32 v2, $0x1400;
	v3, _, _ =	vpop (xrf0)  }
0x245: {  	v4 =	vsel vm9, $0x1, v1;
	(v2sf) =	vpush v3, $0xF  }
0x246: {  	(xrf0) =	vadd.scan.msk.s32 $0xffff, v4;
	_ =	sdelay $0x5  }
0x247: {  	v3, _, _ =	vpop (xrf0)  }
0x248: {  	(v2sf) =	vpush v3, $0xF;
	_ =	sdelay $0x3  }
0x249: {  	v3 =	vld [tilespmem:s23+$0x1410];
	_ =	sdelay $0x2  }
0x24a: {  	s13 =	spop (v2sf)  }
0x24b: {  	s0 =	sadd.s32 s7, s13  }
0x24c: {  	[tilespmem:s0+$0xA000] =	vst.msk vm9, v3  }
0x24d: {  	[tilespmem:s0+$0xB400] =	vst.msk vm9, v2  }
0x24e: {  	v2 =	vld [tilespmem:s23+$0x3C20]  }
0x24f: {  	v3 =	vld [tilespmem:s23+$0x1420];
	_ =	sdelay $0x2  }
0x250: {  	s14 =	spop (v2sf)  }
0x251: {  	s0 =	sadd.s32 s0, s14;
	vm10 =	vlt.s32 v2, $0x1400  }
0x252: {  	[tilespmem:s0+$0xA000] =	vst.msk vm10, v3;
	v3 =	vsel vm10, $0x1, v1  }
0x253: {  	[tilespmem:s0+$0xB400] =	vst.msk vm10, v2;
	(xrf0) =	vadd.scan.msk.s32 $0xffff, v3  }
0x254: {  	v2 =	vld [tilespmem:s23+$0x3C30];
	_ =	sdelay $0x4  }
0x255: {  	vm11 =	vlt.s32 v2, $0x1400;
	v3, _, _ =	vpop (xrf0)  }
0x256: {  	v62 =	vsel vm11, $0x1, v1;
	(v2sf) =	vpush v3, $0xF  }
0x257: {  	(xrf0) =	vadd.scan.msk.s32 $0xffff, v62;
	_ =	sdelay $0x5  }
0x258: {  	v3, _, _ =	vpop (xrf0)  }
0x259: {  	(v2sf) =	vpush v3, $0xF;
	_ =	sdelay $0x3  }
0x25a: {  	v3 =	vld [tilespmem:s23+$0x1430];
	_ =	sdelay $0x2  }
0x25b: {  	s15 =	spop (v2sf)  }
0x25c: {  	s0 =	sadd.s32 s0, s15  }
0x25d: {  	[tilespmem:s0+$0xA000] =	vst.msk vm11, v3  }
0x25e: {  	[tilespmem:s0+$0xB400] =	vst.msk vm11, v2  }
0x25f: {  	v2 =	vld [tilespmem:s23+$0x3C40]  }
0x260: {  	v3 =	vld [tilespmem:s23+$0x1440];
	_ =	sdelay $0x2  }
0x261: {  	s16 =	spop (v2sf)  }
0x262: {  	s0 =	sadd.s32 s0, s16;
	vm12 =	vlt.s32 v2, $0x1400  }
0x263: {  	[tilespmem:s0+$0xA000] =	vst.msk vm12, v3;
	v3 =	vsel vm12, $0x1, v1  }
0x264: {  	[tilespmem:s0+$0xB400] =	vst.msk vm12, v2;
	(xrf0) =	vadd.scan.msk.s32 $0xffff, v3  }
0x265: {  	v2 =	vld [tilespmem:s23+$0x3C50];
	_ =	sdelay $0x4  }
0x266: {  	vm13 =	vlt.s32 v2, $0x1400;
	v3, _, _ =	vpop (xrf0)  }
0x267: {  	v63 =	vsel vm13, $0x1, v1;
	(v2sf) =	vpush v3, $0xF  }
0x268: {  	(xrf0) =	vadd.scan.msk.s32 $0xffff, v63;
	_ =	sdelay $0x5  }
0x269: {  	v3, _, _ =	vpop (xrf0)  }
0x26a: {  	(v2sf) =	vpush v3, $0xF;
	_ =	sdelay $0x3  }
0x26b: {  	v3 =	vld [tilespmem:s23+$0x1450];
	_ =	sdelay $0x2  }
0x26c: {  	s17 =	spop (v2sf)  }
0x26d: {  	s0 =	sadd.s32 s0, s17  }
0x26e: {  	[tilespmem:s0+$0xA000] =	vst.msk vm13, v3  }
0x26f: {  	[tilespmem:s0+$0xB400] =	vst.msk vm13, v2  }
0x270: {  	v2 =	vld [tilespmem:s23+$0x3C60]  }
0x271: {  	v3 =	vld [tilespmem:s23+$0x1460];
	_ =	sdelay $0x2  }
0x272: {  	s18 =	spop (v2sf)  }
0x273: {  	s0 =	sadd.s32 s0, s18;
	vm14 =	vlt.s32 v2, $0x1400  }
0x274: {  	[tilespmem:s0+$0xA000] =	vst.msk vm14, v3  }
0x275: {  	[tilespmem:s0+$0xB400] =	vst.msk vm14, v2  }
0x276: {  	v2 =	vld [tilespmem:s23+$0x3C70];
	_ =	sdelay $0x4  }
0x277: {  	v3 =	vsel vm14, $0x1, v1;
	vm15 =	vlt.s32 v2, $0x1400  }
0x278: {  	(xrf0) =	vadd.scan.msk.s32 $0xffff, v3;
	v3 =	vsel vm15, $0x1, v1  }
0x279: {  	(xrf0) =	vadd.scan.msk.s32 $0xffff, v3;
	_ =	sdelay $0x4  }
0x27a: {  	v3, _, _ =	vpop (xrf0)  }
0x27b: {  	(v2sf) =	vpush v3, $0xF;
	v3, _, _ =	vpop (xrf0)  }
0x27c: {  	(v2sf) =	vpush v3, $0xF;
	_ =	sdelay $0xd  }
0x27d: {  	s21 =	spop (v2sf)  }
0x27e: {  	s0 =	sadd.s32 s0, s21;
	s25 =	spop (v2sf)  }
0x27f: {  	s7 =	sadd.s32 s0, s25  }
0x280: {  	s7 =	sadd.s32 $0xFF, s7  }
0x281: {  	s8 =	sshra.s32 s7, $0x1F  }
0x282: {  	s8 =	sshrl.u32 s8, $0x18  }
0x283: {  	s7 =	sadd.s32 s8, s7  }
0x284: {  	s7 =	sshra.s32 s7, $0x8  }
0x285: {  	s7 =	sshll.u32 s7, $0x1  }
0x286: {  	v3 =	vld [tilespmem:s23+$0x1470];
	p4 =	sgt.s32 s7, $0x2  }
0x287: {  	s7 =	simm.s32 @!p4 $0x2  }
0x288: {  	p4 =	sne.s32 s7, $0x1  }
.Ltmp10:
0x289: {  	_ = 	snop;
	(pc) =	sbr.rel @!p4 .LBB2_17-.Ltmp10, $4  }
0x28a: {  	_ = 	snop  }
0x28b: {  	[tilespmem:s0+$0xA000] =	vst.msk vm15, v3  }
0x28c: {  	s9 =	simm.s32 $0xA040;
	s23 =	simm.s32 $0x8C70;
	[tilespmem:s0+$0xB400] =	vst.msk vm15, v2  }
0x28d: {  	v2 =	vld [tilespmem:s9+$0xFFFFFFC0];
	s25 =	simm.s32 $0xB440;
	s8 =	simm.s32 $0x6470;
	s0 =	sadd.s32 $0xFFFFFFFF, s7  }
0x28e: {  	_ =	sdelay $0x3  }
0x28f: {  	[tilespmem:s8+$0xFFFFFF90] =	vst v2  }
0x290: {  	v2 =	vld [tilespmem:s25+$0xFFFFFFC0];
	_ =	sdelay $0x4  }
0x291: {  	[tilespmem:s23+$0xFFFFFF90] =	vst v2  }
0x292: {  	v2 =	vld [tilespmem:s9+$0xFFFFFFD0];
	_ =	sdelay $0x4  }
0x293: {  	[tilespmem:s8+$0xFFFFFFA0] =	vst v2  }
0x294: {  	v2 =	vld [tilespmem:s25+$0xFFFFFFD0];
	_ =	sdelay $0x4  }
0x295: {  	[tilespmem:s23+$0xFFFFFFA0] =	vst v2  }
0x296: {  	v2 =	vld [tilespmem:s9+$0xFFFFFFE0];
	_ =	sdelay $0x4  }
0x297: {  	[tilespmem:s8+$0xFFFFFFB0] =	vst v2  }
0x298: {  	v2 =	vld [tilespmem:s25+$0xFFFFFFE0];
	_ =	sdelay $0x4  }
0x299: {  	[tilespmem:s23+$0xFFFFFFB0] =	vst v2  }
0x29a: {  	v2 =	vld [tilespmem:s9+$0xFFFFFFF0];
	_ =	sdelay $0x4  }
0x29b: {  	[tilespmem:s8+$0xFFFFFFC0] =	vst v2  }
0x29c: {  	v2 =	vld [tilespmem:s25+$0xFFFFFFF0];
	_ =	sdelay $0x4  }
0x29d: {  	[tilespmem:s23+$0xFFFFFFC0] =	vst v2  }
0x29e: {  	v2 =	vld [tilespmem:s9+$0x0];
	_ =	sdelay $0x4  }
0x29f: {  	[tilespmem:s8+$0xFFFFFFD0] =	vst v2  }
0x2a0: {  	v2 =	vld [tilespmem:s25+$0x0];
	_ =	sdelay $0x4  }
0x2a1: {  	[tilespmem:s23+$0xFFFFFFD0] =	vst v2  }
0x2a2: {  	v2 =	vld [tilespmem:s9+$0x10];
	_ =	sdelay $0x4  }
0x2a3: {  	[tilespmem:s8+$0xFFFFFFE0] =	vst v2  }
0x2a4: {  	v2 =	vld [tilespmem:s25+$0x10];
	_ =	sdelay $0x4  }
0x2a5: {  	[tilespmem:s23+$0xFFFFFFE0] =	vst v2  }
0x2a6: {  	v2 =	vld [tilespmem:s9+$0x20];
	_ =	sdelay $0x4  }
0x2a7: {  	[tilespmem:s8+$0xFFFFFFF0] =	vst v2  }
0x2a8: {  	v2 =	vld [tilespmem:s25+$0x20];
	_ =	sdelay $0x4  }
0x2a9: {  	[tilespmem:s23+$0xFFFFFFF0] =	vst v2  }
0x2aa: {  	v2 =	vld [tilespmem:s9+$0x30];
	_ =	sdelay $0x4  }
0x2ab: {  	[tilespmem:s8+$0x0] =	vst v2  }
0x2ac: {  	v2 =	vld [tilespmem:s25+$0x30]  }
0x2ad: {  	p4 =	sne.s32 s0, $0x1  }
.Ltmp11:
0x2ae: {  	_ = 	snop;
	(pc) =	sbr.rel @!p4 .LBB2_19-.Ltmp11, $3  }
0x2af: {  	_ =	sdelay $0x1  }
0x2b0: {  	s13 =	sadd.s32 $0xFFFFFFFF, s0;
	p3 =	por $0x1, $0x1;
	s9 =	simm.s32 $0xA0C0;
	[tilespmem:s23+$0x0] =	vst v2  }
0x2b1: {  	s0 =	simm.s32 $0x6470;
	s21 =	simm.s32 $0xB440;
	s10 =	simm.s32 $0x8C70;
	v2 =	vld [tilespmem:s9+$0xFFFFFFC0]  }
.LBB2_20:
0x2b2: {  	p4 =	sne.s32 s13, $0x1;
	_ =	sdelay $0x2  }
0x2b3: {  	s0 =	sadd.s32 $0x80, s0  }
0x2b4: {  	s21 =	sadd.s32 $0x80, s21;
	[tilespmem:s0+$0xFFFFFF90] =	vst v2  }
0x2b5: {  	v2 =	vld [tilespmem:s21+$0xFFFFFFC0];
	_ =	sdelay $0x3  }
0x2b6: {  	s10 =	sadd.s32 $0x80, s10  }
0x2b7: {  	[tilespmem:s10+$0xFFFFFF90] =	vst v2  }
0x2b8: {  	v2 =	vld [tilespmem:s9+$0xFFFFFFD0];
	_ =	sdelay $0x4  }
0x2b9: {  	[tilespmem:s0+$0xFFFFFFA0] =	vst v2  }
0x2ba: {  	v2 =	vld [tilespmem:s21+$0xFFFFFFD0];
	_ =	sdelay $0x4  }
0x2bb: {  	[tilespmem:s10+$0xFFFFFFA0] =	vst v2  }
0x2bc: {  	v2 =	vld [tilespmem:s9+$0xFFFFFFE0];
	_ =	sdelay $0x4  }
0x2bd: {  	[tilespmem:s0+$0xFFFFFFB0] =	vst v2  }
0x2be: {  	v2 =	vld [tilespmem:s21+$0xFFFFFFE0];
	_ =	sdelay $0x4  }
0x2bf: {  	[tilespmem:s10+$0xFFFFFFB0] =	vst v2  }
0x2c0: {  	v2 =	vld [tilespmem:s9+$0xFFFFFFF0];
	_ =	sdelay $0x4  }
0x2c1: {  	[tilespmem:s0+$0xFFFFFFC0] =	vst v2  }
0x2c2: {  	v2 =	vld [tilespmem:s21+$0xFFFFFFF0];
	_ =	sdelay $0x4  }
0x2c3: {  	[tilespmem:s10+$0xFFFFFFC0] =	vst v2  }
0x2c4: {  	v2 =	vld [tilespmem:s9+$0x0];
	_ =	sdelay $0x4  }
0x2c5: {  	[tilespmem:s0+$0xFFFFFFD0] =	vst v2  }
0x2c6: {  	v2 =	vld [tilespmem:s21+$0x0];
	_ =	sdelay $0x4  }
0x2c7: {  	[tilespmem:s10+$0xFFFFFFD0] =	vst v2  }
0x2c8: {  	v2 =	vld [tilespmem:s9+$0x10];
	_ =	sdelay $0x4  }
0x2c9: {  	[tilespmem:s0+$0xFFFFFFE0] =	vst v2  }
0x2ca: {  	v2 =	vld [tilespmem:s21+$0x10];
	_ =	sdelay $0x4  }
0x2cb: {  	[tilespmem:s10+$0xFFFFFFE0] =	vst v2  }
0x2cc: {  	v2 =	vld [tilespmem:s9+$0x20];
	_ =	sdelay $0x4  }
0x2cd: {  	[tilespmem:s0+$0xFFFFFFF0] =	vst v2  }
0x2ce: {  	v2 =	vld [tilespmem:s21+$0x20];
	_ =	sdelay $0x4  }
0x2cf: {  	[tilespmem:s10+$0xFFFFFFF0] =	vst v2  }
0x2d0: {  	v2 =	vld [tilespmem:s9+$0x30];
	_ =	sdelay $0x4  }
0x2d1: {  	[tilespmem:s0+$0x0] =	vst v2  }
0x2d2: {  	v2 =	vld [tilespmem:s21+$0x30];
	_ =	sdelay $0x1  }
.Ltmp12:
0x2d3: {  	(pc) =	sbr.rel @p4 .LBB2_20-.Ltmp12, $3  }
0x2d4: {  	_ =	sdelay $0x1  }
0x2d5: {  	s9 =	sadd.s32 $0x80, s9;
	[tilespmem:s10+$0x0] =	vst v2  }
0x2d6: {  	s13 =	sadd.s32 $0xFFFFFFFF, s13;
	v2 =	vld [tilespmem:s9+$0xFFFFFFC0]  }
.LBB2_21:
0x2d7: {  	_ =	sdelay $0x1  }
0x2d8: {  	s0 =	sadd.s32 @p3 $0x80, s0  }
0x2d9: {  	s8 =	smov.u32 @p3 s0;
	s0 =	sadd.s32 @p3 $0x80, s21  }
0x2da: {  	s25 =	smov.u32 @p3 s0;
	[tilespmem:s8+$0xFFFFFF90] =	vst v2  }
0x2db: {  	v2 =	vld [tilespmem:s25+$0xFFFFFFC0];
	_ =	sdelay $0x2  }
0x2dc: {  	s0 =	sadd.s32 @p3 $0x80, s10  }
0x2dd: {  	s23 =	smov.u32 @p3 s0  }
0x2de: {  	[tilespmem:s23+$0xFFFFFF90] =	vst v2  }
0x2df: {  	v2 =	vld [tilespmem:s9+$0xFFFFFFD0];
	_ =	sdelay $0x4  }
0x2e0: {  	[tilespmem:s8+$0xFFFFFFA0] =	vst v2  }
0x2e1: {  	v2 =	vld [tilespmem:s25+$0xFFFFFFD0];
	_ =	sdelay $0x4  }
0x2e2: {  	[tilespmem:s23+$0xFFFFFFA0] =	vst v2  }
0x2e3: {  	v2 =	vld [tilespmem:s9+$0xFFFFFFE0];
	_ =	sdelay $0x4  }
0x2e4: {  	[tilespmem:s8+$0xFFFFFFB0] =	vst v2  }
0x2e5: {  	v2 =	vld [tilespmem:s25+$0xFFFFFFE0];
	_ =	sdelay $0x4  }
0x2e6: {  	[tilespmem:s23+$0xFFFFFFB0] =	vst v2  }
0x2e7: {  	v2 =	vld [tilespmem:s9+$0xFFFFFFF0];
	_ =	sdelay $0x4  }
0x2e8: {  	[tilespmem:s8+$0xFFFFFFC0] =	vst v2  }
0x2e9: {  	v2 =	vld [tilespmem:s25+$0xFFFFFFF0];
	_ =	sdelay $0x4  }
0x2ea: {  	[tilespmem:s23+$0xFFFFFFC0] =	vst v2  }
0x2eb: {  	v2 =	vld [tilespmem:s9+$0x0];
	_ =	sdelay $0x4  }
0x2ec: {  	[tilespmem:s8+$0xFFFFFFD0] =	vst v2  }
0x2ed: {  	v2 =	vld [tilespmem:s25+$0x0];
	_ =	sdelay $0x4  }
0x2ee: {  	[tilespmem:s23+$0xFFFFFFD0] =	vst v2  }
0x2ef: {  	v2 =	vld [tilespmem:s9+$0x10];
	_ =	sdelay $0x4  }
0x2f0: {  	[tilespmem:s8+$0xFFFFFFE0] =	vst v2  }
0x2f1: {  	v2 =	vld [tilespmem:s25+$0x10];
	_ =	sdelay $0x4  }
0x2f2: {  	[tilespmem:s23+$0xFFFFFFE0] =	vst v2  }
0x2f3: {  	v2 =	vld [tilespmem:s9+$0x20];
	_ =	sdelay $0x4  }
0x2f4: {  	[tilespmem:s8+$0xFFFFFFF0] =	vst v2  }
0x2f5: {  	v2 =	vld [tilespmem:s25+$0x20];
	_ =	sdelay $0x4  }
0x2f6: {  	[tilespmem:s23+$0xFFFFFFF0] =	vst v2  }
0x2f7: {  	v2 =	vld [tilespmem:s9+$0x30];
	_ =	sdelay $0x4  }
0x2f8: {  	[tilespmem:s8+$0x0] =	vst v2  }
0x2f9: {  	v2 =	vld [tilespmem:s25+$0x30];
	_ =	sdelay $0x2  }
0x2fa: {  	s17 =	stileid.u32  }
0x2fb: {  	s18 =	rddreg [dreg:$0x6];
	s0 =	sshll.u32 s17, $0x6  }
0x2fc: {  	[tilespmem:s23+$0x0] =	vst v2;
	s23 =	sor.u32 $0x1C05, s0;
	s0 =	sshrl.u32 s18, $0x3  }
0x2fd: {  	[spmem:s0], [sflag:s23] =	dma.local [hbm:s6], $0x1480  }
0x2fe: {  	_ =	swait.ge [sflag:s20], $0x1480  }
0x2ff: {  	[sflag:s20] =	ssyncset.done $0x0  }
0x300: {  	[sflag:s20] =	ssyncadd.s32 $0xFFFFEB80  }
0x301: {  	[bflag:$0x0] =	sbarrier.arrive $0xFFFF  }
0x302: {  	[tilespmem:s24], [sflag:$0x1] =	stream.indirect.gather [hbm4b:s4+s22], $0x80, s19, s22, $0xb8;
	[tilespmem:$0x1EC00] =	vst v63  }
0x303: {  	s21 =	simm.s32 $0x5080  }
0x304: {  	[tilespmem:s26], [sflag:$0x2] =	stream.indirect.gather [hbm4b:s4+s22], $0x80, s21, s22, $0xb8;
	[tilespmem:$0x1EC00] =	vst v63  }
0x305: {  	_ =	swait.ge [sflag:s28], $0x4000  }
0x306: {  	[sflag:s28] =	ssyncset.done $0x0  }
0x307: {  	s25 =	simm.s32 $0x7800;
	[sflag:s28] =	ssyncadd.s32 $0xFFFFC000  }
0x308: {  	[spmem:s2] =	stream.indirect.scatter.add.f32 [tilespmem:s24], [sflag:$0x3], $0x80, s25, s22, $0xb8;
	[tilespmem:$0x1EC00] =	vst v63  }
0x309: {  	_ =	swait.ge [sflag:s29], $0x4000  }
0x30a: {  	[sflag:s29] =	ssyncset.done $0x0  }
0x30b: {  	s8 =	simm.s32 $0x7880;
	[sflag:s29] =	ssyncadd.s32 $0xFFFFC000  }
0x30c: {  	[spmem:s2] =	stream.indirect.scatter.add.f32 [tilespmem:s26], [sflag:$0x4], $0x80, s8, s22, $0xb8;
	[tilespmem:$0x1EC00] =	vst v63  }
0x30d: {  	s13 =	simm.s32 $0x5100;
	p3 =	sle.u32 s3, $0x2;
	_ =	swait.ge [sflag:s30], $0x4000  }
0x30e: {  	s14 =	simm.s32 @!p3 $0x80;
	s9 =	sshrl.u32 s3, $0x1;
	[sflag:s30] =	ssyncset.done $0x0  }
0x30f: {  	s15 =	simm.s32 @!p3 $0xC800;
	s10 =	sadd.s32 $0xFFFFFFFF, s9;
	[sflag:s30] =	ssyncadd.s32 $0xFFFFC000  }
0x310: {  	[tilespmem:s15], [sflag:$0x1] =	stream.indirect.gather @!p3 [hbm4b:s4+s14], $0x80, s13, s14, $0xb8;
	[tilespmem:$0x1EC00] =	vst v63  }
0x311: {  	p3 =	sne.s32 s10, $0x0  }
.Ltmp13:
0x312: {  	_ = 	snop;
	(pc) =	sbr.rel @!p3 .LBB2_23-.Ltmp13, $4  }
0x313: {  	_ = 	snop  }
0x314: {  	p4 =	sle.u32 s3, $0x3;
	_ =	swait.ge [sflag:s31], $0x4000  }
0x315: {  	s16 =	simm.s32 @!p4 $0x80;
	s13 =	simm.s32 $0x4;
	[sflag:s31] =	ssyncset.done $0x0  }
0x316: {  	s14 =	simm.s32 $0x5200;
	s15 =	simm.s32 @!p4 $0x5180;
	[sflag:s31] =	ssyncadd.s32 $0xFFFFC000  }
.LBB2_22:
0x317: {  	s10 =	sadd.s32 $0xFFFFFFFF, s10;
	s17 =	simm.s32 @!p4 $0x10800;
	s8 =	sadd.s32 $0x100, s8  }
0x318: {  	[tilespmem:s17], [sflag:$0x2] =	stream.indirect.gather @!p4 [hbm4b:s4+s16], $0x80, s15, s16, $0xb8;
	[tilespmem:$0x1EC00] =	vst v63  }
0x319: {  	p3 =	sne.s32 s10, $0x0;
	s15 =	smov.u32 s14;
	_ =	swait.ge [sflag:s28], $0x4000  }
0x31a: {  	[sflag:s28] =	ssyncset.done $0x0  }
0x31b: {  	s16 =	sadd.s32 $0xFFFFFF80, s8;
	[sflag:s28] =	ssyncadd.s32 $0xFFFFC000  }
0x31c: {  	[spmem:s2] =	stream.indirect.scatter.add.f32 [tilespmem:s24], [sflag:$0x3], $0x80, s16, s22, $0xb8;
	[tilespmem:$0x1EC00] =	vst v63  }
0x31d: {  	_ =	swait.ge [sflag:s29], $0x4000  }
0x31e: {  	[sflag:s29] =	ssyncset.done $0x0  }
0x31f: {  	[sflag:s29] =	ssyncadd.s32 $0xFFFFC000  }
0x320: {  	[spmem:s2] =	stream.indirect.scatter.add.f32 [tilespmem:s26], [sflag:$0x4], $0x80, s8, s22, $0xb8;
	[tilespmem:$0x1EC00] =	vst v63  }
0x321: {  	p4 =	sge.u32 s13, s3;
	_ =	swait.ge [sflag:s30], $0x4000  }
0x322: {  	s17 =	simm.s32 @!p4 $0xC800;
	[sflag:s30] =	ssyncset.done $0x0  }
.Ltmp14:
0x323: {  	s16 =	simm.s32 @!p4 $0x80;
	[sflag:s30] =	ssyncadd.s32 $0xFFFFC000;
	(pc) =	sbr.rel @p3 .LBB2_22-.Ltmp14, $4  }
0x324: {  	[tilespmem:s17], [sflag:$0x1] =	stream.indirect.gather @!p4 [hbm4b:s4+s16], $0x80, s14, s16, $0xb8;
	[tilespmem:$0x1EC00] =	vst v63  }
0x325: {  	s16 =	sadd.s32 $0x1, s13;
	s13 =	sadd.s32 $0x2, s13;
	_ =	swait.ge [sflag:s31], $0x4000  }
0x326: {  	s14 =	sadd.s32 $0x100, s14;
	p4 =	sge.u32 s16, s3;
	[sflag:s31] =	ssyncset.done $0x0  }
0x327: {  	s15 =	sadd.s32 @!p4 $0x80, s15;
	s16 =	simm.s32 @!p4 $0x80;
	[sflag:s31] =	ssyncadd.s32 $0xFFFFC000  }
.LBB2_23:
0x328: {  	s8 =	simm.s32 @!p4 $0x10800  }
0x329: {  	[tilespmem:s8], [sflag:$0x2] =	stream.indirect.gather @!p4 [hbm4b:s4+s16], $0x80, s15, s16, $0xb8;
	[tilespmem:$0x1EC00] =	vst v63  }
0x32a: {  	s18 =	simm.s32 $0x6400  }
0x32b: {  	[tilespmem:s24], [sflag:$0x1] =	stream.indirect.gather [hbm4b:s4+s22], $0x80, s18, s22, $0xb8;
	[tilespmem:$0x1EC00] =	vst v63  }
0x32c: {  	s19 =	simm.s32 $0x6480  }
0x32d: {  	[tilespmem:s26], [sflag:$0x2] =	stream.indirect.gather [hbm4b:s4+s22], $0x80, s19, s22, $0xb8;
	[tilespmem:$0x1EC00] =	vst v63  }
0x32e: {  	_ =	swait.ge [sflag:s28], $0x4000  }
0x32f: {  	[sflag:s28] =	ssyncset.done $0x0  }
0x330: {  	s21 =	simm.s32 $0x8C00;
	[sflag:s28] =	ssyncadd.s32 $0xFFFFC000  }
0x331: {  	[spmem:s2] =	stream.indirect.scatter.add.f32 [tilespmem:s24], [sflag:$0x3], $0x80, s21, s22, $0xb8;
	[tilespmem:$0x1EC00] =	vst v63  }
0x332: {  	_ =	swait.ge [sflag:s29], $0x4000  }
0x333: {  	s8 =	sadd.s32 $0xFFFFFFFE, s7;
	[sflag:s29] =	ssyncset.done $0x0  }
0x334: {  	s25 =	simm.s32 $0x8C80;
	p3 =	sle.u32 s8, $0x0;
	[sflag:s29] =	ssyncadd.s32 $0xFFFFC000  }
0x335: {  	[spmem:s2] =	stream.indirect.scatter.add.f32 [tilespmem:s26], [sflag:$0x4], $0x80, s25, s22, $0xb8;
	[tilespmem:$0x1EC00] =	vst v63  }
0x336: {  	s14 =	simm.s32 @!p3 $0x6500;
	_ =	swait.ge [sflag:s30], $0x4000  }
0x337: {  	s15 =	simm.s32 @!p3 $0x80;
	s25 =	sshrl.u32 s7, $0x1;
	[sflag:s30] =	ssyncset.done $0x0  }
0x338: {  	s16 =	simm.s32 @!p3 $0xC800;
	s13 =	sadd.s32 $0xFFFFFFFF, s25;
	[sflag:s30] =	ssyncadd.s32 $0xFFFFC000  }
0x339: {  	[tilespmem:s16], [sflag:$0x1] =	stream.indirect.gather @!p3 [hbm4b:s4+s15], $0x80, s14, s15, $0xb8;
	[tilespmem:$0x1EC00] =	vst v63  }
0x33a: {  	p3 =	sne.s32 s13, $0x0  }
.Ltmp15:
0x33b: {  	_ = 	snop;
	(pc) =	sbr.rel @!p3 .LBB2_25-.Ltmp15, $4  }
0x33c: {  	p4 =	sle.u32 s7, $0x3  }
0x33d: {  	s10 =	simm.s32 $0x6580;
	s17 =	simm.s32 @!p4 $0x10800  }
0x33e: {  	s21 =	simm.s32 $0x2;
	s14 =	simm.s32 $0x8D80;
	_ =	swait.ge [sflag:s31], $0x4000  }
0x33f: {  	s16 =	simm.s32 @!p4 $0x80;
	s15 =	simm.s32 $0x6580;
	[sflag:s31] =	ssyncset.done $0x0  }
.LBB2_24:
0x340: {  	s13 =	sadd.s32 $0xFFFFFFFF, s13;
	[sflag:s31] =	ssyncadd.s32 $0xFFFFC000;
	s15 =	sadd.s32 $0x100, s15  }
0x341: {  	[tilespmem:s17], [sflag:$0x2] =	stream.indirect.gather @!p4 [hbm4b:s4+s16], $0x80, s10, s16, $0xb8;
	[tilespmem:$0x1EC00] =	vst v63  }
0x342: {  	p3 =	sne.s32 s13, $0x0;
	s10 =	smov.u32 s15;
	_ =	swait.ge [sflag:s28], $0x4000  }
0x343: {  	[sflag:s28] =	ssyncset.done $0x0  }
0x344: {  	s16 =	sadd.s32 $0xFFFFFF80, s14;
	[sflag:s28] =	ssyncadd.s32 $0xFFFFC000  }
0x345: {  	[spmem:s2] =	stream.indirect.scatter.add.f32 [tilespmem:s24], [sflag:$0x3], $0x80, s16, s22, $0xb8;
	[tilespmem:$0x1EC00] =	vst v63  }
0x346: {  	_ =	swait.ge [sflag:s29], $0x4000  }
0x347: {  	[sflag:s29] =	ssyncset.done $0x0  }
0x348: {  	[sflag:s29] =	ssyncadd.s32 $0xFFFFC000  }
0x349: {  	[spmem:s2] =	stream.indirect.scatter.add.f32 [tilespmem:s26], [sflag:$0x4], $0x80, s14, s22, $0xb8;
	[tilespmem:$0x1EC00] =	vst v63  }
0x34a: {  	p4 =	sge.u32 s21, s8;
	_ =	swait.ge [sflag:s30], $0x4000  }
0x34b: {  	s17 =	simm.s32 @!p4 $0x80;
	[sflag:s30] =	ssyncset.done $0x0  }
.Ltmp16:
0x34c: {  	s16 =	sadd.s32 @!p4 $0xFFFFFF80, s15;
	[sflag:s30] =	ssyncadd.s32 $0xFFFFC000;
	(pc) =	sbr.rel @p3 .LBB2_24-.Ltmp16, $4  }
0x34d: {  	s19 =	sadd.s32 $0x3, s21;
	s21 =	sadd.s32 $0x2, s21;
	s18 =	simm.s32 @!p4 $0xC800  }
0x34e: {  	[tilespmem:s18], [sflag:$0x1] =	stream.indirect.gather @!p4 [hbm4b:s4+s17], $0x80, s16, s17, $0xb8;
	[tilespmem:$0x1EC00] =	vst v63  }
0x34f: {  	s14 =	sadd.s32 $0x100, s14;
	p4 =	sge.u32 s19, s7;
	_ =	swait.ge [sflag:s31], $0x4000  }
0x350: {  	s16 =	simm.s32 @!p4 $0x80;
	s17 =	simm.s32 @!p4 $0x10800;
	[sflag:s31] =	ssyncset.done $0x0  }
.LBB2_25:
0x351: {  	[sflag:s31] =	ssyncadd.s32 $0xFFFFC000  }
0x352: {  	[tilespmem:s17], [sflag:$0x2] =	stream.indirect.gather @!p4 [hbm4b:s4+s16], $0x80, s10, s16, $0xb8;
	[tilespmem:$0x1EC00] =	vst v63  }
0x353: {  	[bflag:$0x0] =	sbarrier.arrive $0xFFFF  }
0x354: {  	s13 =	simm.s32 @!p1 $0x8;
	s10 =	rddreg [dreg:$0x7]  }
0x355: {  	s14 =	simm.s32 @!p1 $0x100;
	s15 =	simm.s32 @!p1 $0x80;
	s10 =	sshrl.u32 @!p1 s10, $0x3  }
0x356: {  	[hbm:s11@s14], [sflag:s23] =	dma.strided @!p1 [spmem:s10@s15], $0x1400, s13, $0x10   }
0x357: {  	s13 =	simm.s32 @!p1 $0x5  }
0x358: {  	s16 =	simm.s32 @!p2 $0x80;
	_ =	swait.ge @!p1 [sflag:s13], $0x1400  }
0x359: {  	s14 =	simm.s32 @!p2 $0x8;
	s15 =	simm.s32 @!p2 $0x100;
	[sflag:s13] =	ssyncset.done @!p1 $0x0  }
0x35a: {  	s17 =	rddreg [dreg:$0x8];
	[sflag:s13] =	ssyncadd.s32 @!p1 $0xFFFFEC00;
	s13 =	sshrl.u32 @!p2 s12, $0x3  }
0x35b: {  	[hbm:s17@s15], [sflag:s23] =	dma.strided @!p2 [spmem:s13@s16], $0x1400, s14, $0x10   }
0x35c: {  	s13 =	simm.s32 @!p2 $0x5  }
0x35d: {  	_ =	swait.ge @!p2 [sflag:s13], $0x1400  }
0x35e: {  	s14 =	simm.s32 @p0 $0x100;
	[sflag:s13] =	ssyncset.done @!p2 $0x0  }
0x35f: {  	s15 =	simm.s32 @p0 $0x80;
	[sflag:s13] =	ssyncadd.s32 @!p2 $0xFFFFEC00;
	s13 =	rddreg [dreg:$0x9]  }
0x360: {  	s16 =	rddreg [dreg:$0xa];
	s21 =	sshrl.u32 @p0 s13, $0x3;
	s13 =	simm.s32 @p0 $0x8  }
0x361: {  	[hbm:s16@s14], [sflag:s23] =	dma.strided @p0 [spmem:s21@s15], $0x1300, s13, $0x10   }
0x362: {  	s13 =	simm.s32 @p0 $0x5  }
0x363: {  	_ =	swait.ge @p0 [sflag:s13], $0x1300  }
0x364: {  	[sflag:s13] =	ssyncset.done @p0 $0x0  }
0x365: {  	[sflag:s13] =	ssyncadd.s32 @p0 $0xFFFFED00  }
0x366: {  	[bflag:$0x0] =	sbarrier.arrive $0xFFFF  }
0x367: {  	[spmem:s0], [sflag:s23] =	dma.local [hbm:s6], $0x1480  }
0x368: {  	_ =	swait.ge [sflag:s20], $0x1480  }
0x369: {  	[sflag:s20] =	ssyncset.done $0x0  }
0x36a: {  	[sflag:s20] =	ssyncadd.s32 $0xFFFFEB80  }
0x36b: {  	s19 =	simm.s32 $0x5000;
	[bflag:$0x0] =	sbarrier.arrive $0xFFFF  }
0x36c: {  	[tilespmem:s24], [sflag:$0x1] =	stream.indirect.gather [hbm4b:s5+s22], $0x80, s19, s22, $0xb8;
	[tilespmem:$0x1EC00] =	vst v63  }
0x36d: {  	s17 =	simm.s32 $0x5080  }
0x36e: {  	[tilespmem:s26], [sflag:$0x2] =	stream.indirect.gather [hbm4b:s5+s22], $0x80, s17, s22, $0xb8;
	[tilespmem:$0x1EC00] =	vst v63  }
0x36f: {  	_ =	swait.ge [sflag:s28], $0x4000  }
0x370: {  	[sflag:s28] =	ssyncset.done $0x0  }
0x371: {  	s18 =	simm.s32 $0x7800;
	[sflag:s28] =	ssyncadd.s32 $0xFFFFC000  }
0x372: {  	[spmem:s2] =	stream.indirect.scatter.add.f32 [tilespmem:s24], [sflag:$0x3], $0x80, s18, s22, $0xb8;
	[tilespmem:$0x1EC00] =	vst v63  }
0x373: {  	p3 =	por @!p2 $0x1, $0x1;
	p4 =	por @!p0 $0x0, $0x0;
	_ =	swait.ge [sflag:s29], $0x4000  }
0x374: {  	p4 =	por @!p2 p3, p3;
	[sflag:s29] =	ssyncset.done $0x0  }
0x375: {  	p3 =	por @p0 $0x0, $0x0;
	s0 =	simm.s32 $0x7880;
	[sflag:s29] =	ssyncadd.s32 $0xFFFFC000  }
0x376: {  	[spmem:s2] =	stream.indirect.scatter.add.f32 [tilespmem:s26], [sflag:$0x4], $0x80, s0, s22, $0xb8;
	[tilespmem:$0x1EC00] =	vst v63  }
0x377: {  	p3 =	por @!p0 p4, p4;
	p4 =	sle.u32 s3, $0x2;
	_ =	swait.ge [sflag:s30], $0x4000  }
0x378: {  	s9 =	sadd.s32 $0xFFFFFFFF, s9;
	s14 =	simm.s32 @!p4 $0x80;
	[sflag:s30] =	ssyncset.done $0x0  }
0x379: {  	s15 =	simm.s32 @!p4 $0xC800;
	s13 =	simm.s32 $0x5100;
	[sflag:s30] =	ssyncadd.s32 $0xFFFFC000  }
0x37a: {  	[tilespmem:s15], [sflag:$0x1] =	stream.indirect.gather @!p4 [hbm4b:s5+s14], $0x80, s13, s14, $0xb8;
	[tilespmem:$0x1EC00] =	vst v63  }
0x37b: {  	p4 =	sne.s32 s9, $0x0  }
.Ltmp17:
0x37c: {  	_ = 	snop;
	(pc) =	sbr.rel @!p4 .LBB2_27-.Ltmp17, $4  }
0x37d: {  	_ = 	snop  }
0x37e: {  	p5 =	sle.u32 s3, $0x3;
	_ =	swait.ge [sflag:s31], $0x4000  }
0x37f: {  	s16 =	simm.s32 @!p5 $0x80;
	s13 =	simm.s32 $0x4;
	[sflag:s31] =	ssyncset.done $0x0  }
0x380: {  	s14 =	simm.s32 $0x5200;
	s15 =	simm.s32 @!p5 $0x5180;
	[sflag:s31] =	ssyncadd.s32 $0xFFFFC000  }
.LBB2_26:
0x381: {  	s9 =	sadd.s32 $0xFFFFFFFF, s9;
	s17 =	simm.s32 @!p5 $0x10800;
	s0 =	sadd.s32 $0x100, s0  }
0x382: {  	[tilespmem:s17], [sflag:$0x2] =	stream.indirect.gather @!p5 [hbm4b:s5+s16], $0x80, s15, s16, $0xb8;
	[tilespmem:$0x1EC00] =	vst v63  }
0x383: {  	p4 =	sne.s32 s9, $0x0;
	s15 =	smov.u32 s14;
	_ =	swait.ge [sflag:s28], $0x4000  }
0x384: {  	[sflag:s28] =	ssyncset.done $0x0  }
0x385: {  	s16 =	sadd.s32 $0xFFFFFF80, s0;
	[sflag:s28] =	ssyncadd.s32 $0xFFFFC000  }
0x386: {  	[spmem:s2] =	stream.indirect.scatter.add.f32 [tilespmem:s24], [sflag:$0x3], $0x80, s16, s22, $0xb8;
	[tilespmem:$0x1EC00] =	vst v63  }
0x387: {  	_ =	swait.ge [sflag:s29], $0x4000  }
0x388: {  	[sflag:s29] =	ssyncset.done $0x0  }
0x389: {  	[sflag:s29] =	ssyncadd.s32 $0xFFFFC000  }
0x38a: {  	[spmem:s2] =	stream.indirect.scatter.add.f32 [tilespmem:s26], [sflag:$0x4], $0x80, s0, s22, $0xb8;
	[tilespmem:$0x1EC00] =	vst v63  }
0x38b: {  	p5 =	sge.u32 s13, s3;
	_ =	swait.ge [sflag:s30], $0x4000  }
0x38c: {  	s17 =	simm.s32 @!p5 $0xC800;
	[sflag:s30] =	ssyncset.done $0x0  }
.Ltmp18:
0x38d: {  	s16 =	simm.s32 @!p5 $0x80;
	[sflag:s30] =	ssyncadd.s32 $0xFFFFC000;
	(pc) =	sbr.rel @p4 .LBB2_26-.Ltmp18, $4  }
0x38e: {  	[tilespmem:s17], [sflag:$0x1] =	stream.indirect.gather @!p5 [hbm4b:s5+s16], $0x80, s14, s16, $0xb8;
	[tilespmem:$0x1EC00] =	vst v63  }
0x38f: {  	s16 =	sadd.s32 $0x1, s13;
	s13 =	sadd.s32 $0x2, s13;
	_ =	swait.ge [sflag:s31], $0x4000  }
0x390: {  	s14 =	sadd.s32 $0x100, s14;
	p5 =	sge.u32 s16, s3;
	[sflag:s31] =	ssyncset.done $0x0  }
0x391: {  	s15 =	sadd.s32 @!p5 $0x80, s15;
	s16 =	simm.s32 @!p5 $0x80;
	[sflag:s31] =	ssyncadd.s32 $0xFFFFC000  }
.LBB2_27:
0x392: {  	s0 =	simm.s32 @!p5 $0x10800  }
0x393: {  	[tilespmem:s0], [sflag:$0x2] =	stream.indirect.gather @!p5 [hbm4b:s5+s16], $0x80, s15, s16, $0xb8;
	[tilespmem:$0x1EC00] =	vst v63  }
0x394: {  	s15 =	simm.s32 $0x6400  }
0x395: {  	[tilespmem:s24], [sflag:$0x1] =	stream.indirect.gather [hbm4b:s5+s22], $0x80, s15, s22, $0xb8;
	[tilespmem:$0x1EC00] =	vst v63  }
0x396: {  	s16 =	simm.s32 $0x6480  }
0x397: {  	[tilespmem:s26], [sflag:$0x2] =	stream.indirect.gather [hbm4b:s5+s22], $0x80, s16, s22, $0xb8;
	[tilespmem:$0x1EC00] =	vst v63  }
0x398: {  	_ =	swait.ge [sflag:s28], $0x4000  }
0x399: {  	[sflag:s28] =	ssyncset.done $0x0  }
0x39a: {  	s17 =	simm.s32 $0x8C00;
	[sflag:s28] =	ssyncadd.s32 $0xFFFFC000  }
0x39b: {  	[spmem:s2] =	stream.indirect.scatter.add.f32 [tilespmem:s24], [sflag:$0x3], $0x80, s17, s22, $0xb8;
	[tilespmem:$0x1EC00] =	vst v63  }
0x39c: {  	_ =	swait.ge [sflag:s29], $0x4000  }
0x39d: {  	[sflag:s29] =	ssyncset.done $0x0  }
0x39e: {  	s18 =	simm.s32 $0x8C80;
	[sflag:s29] =	ssyncadd.s32 $0xFFFFC000  }
0x39f: {  	[spmem:s2] =	stream.indirect.scatter.add.f32 [tilespmem:s26], [sflag:$0x4], $0x80, s18, s22, $0xb8;
	[tilespmem:$0x1EC00] =	vst v63  }
0x3a0: {  	p4 =	sle.u32 s8, $0x0;
	_ =	swait.ge [sflag:s30], $0x4000  }
0x3a1: {  	s3 =	sadd.s32 $0xFFFFFFFF, s25;
	s9 =	simm.s32 @!p4 $0x6500;
	[sflag:s30] =	ssyncset.done $0x0  }
0x3a2: {  	s13 =	simm.s32 @!p4 $0x80;
	s14 =	simm.s32 @!p4 $0xC800;
	[sflag:s30] =	ssyncadd.s32 $0xFFFFC000  }
0x3a3: {  	[tilespmem:s14], [sflag:$0x1] =	stream.indirect.gather @!p4 [hbm4b:s5+s13], $0x80, s9, s13, $0xb8;
	[tilespmem:$0x1EC00] =	vst v63  }
0x3a4: {  	p4 =	sne.s32 s3, $0x0  }
.Ltmp19:
0x3a5: {  	_ = 	snop;
	(pc) =	sbr.rel @!p4 .LBB2_29-.Ltmp19, $4  }
0x3a6: {  	p5 =	sle.u32 s7, $0x3  }
0x3a7: {  	s0 =	simm.s32 $0x6580;
	s15 =	simm.s32 @!p5 $0x80  }
0x3a8: {  	s16 =	simm.s32 @!p5 $0x10800;
	s9 =	simm.s32 $0x2;
	_ =	swait.ge [sflag:s31], $0x4000  }
0x3a9: {  	s13 =	simm.s32 $0x8D80;
	s14 =	simm.s32 $0x6580;
	[sflag:s31] =	ssyncset.done $0x0  }
.LBB2_28:
0x3aa: {  	s3 =	sadd.s32 $0xFFFFFFFF, s3;
	[sflag:s31] =	ssyncadd.s32 $0xFFFFC000;
	s14 =	sadd.s32 $0x100, s14  }
0x3ab: {  	[tilespmem:s16], [sflag:$0x2] =	stream.indirect.gather @!p5 [hbm4b:s5+s15], $0x80, s0, s15, $0xb8;
	[tilespmem:$0x1EC00] =	vst v63  }
0x3ac: {  	p4 =	sne.s32 s3, $0x0;
	s0 =	smov.u32 s14;
	_ =	swait.ge [sflag:s28], $0x4000  }
0x3ad: {  	[sflag:s28] =	ssyncset.done $0x0  }
0x3ae: {  	s15 =	sadd.s32 $0xFFFFFF80, s13;
	[sflag:s28] =	ssyncadd.s32 $0xFFFFC000  }
0x3af: {  	[spmem:s2] =	stream.indirect.scatter.add.f32 [tilespmem:s24], [sflag:$0x3], $0x80, s15, s22, $0xb8;
	[tilespmem:$0x1EC00] =	vst v63  }
0x3b0: {  	_ =	swait.ge [sflag:s29], $0x4000  }
0x3b1: {  	[sflag:s29] =	ssyncset.done $0x0  }
0x3b2: {  	[sflag:s29] =	ssyncadd.s32 $0xFFFFC000  }
0x3b3: {  	[spmem:s2] =	stream.indirect.scatter.add.f32 [tilespmem:s26], [sflag:$0x4], $0x80, s13, s22, $0xb8;
	[tilespmem:$0x1EC00] =	vst v63  }
0x3b4: {  	p5 =	sge.u32 s9, s8;
	_ =	swait.ge [sflag:s30], $0x4000  }
0x3b5: {  	s16 =	simm.s32 @!p5 $0x80;
	[sflag:s30] =	ssyncset.done $0x0  }
.Ltmp20:
0x3b6: {  	s15 =	sadd.s32 @!p5 $0xFFFFFF80, s14;
	[sflag:s30] =	ssyncadd.s32 $0xFFFFC000;
	(pc) =	sbr.rel @p4 .LBB2_28-.Ltmp20, $4  }
0x3b7: {  	s18 =	sadd.s32 $0x3, s9;
	s9 =	sadd.s32 $0x2, s9;
	s17 =	simm.s32 @!p5 $0xC800  }
0x3b8: {  	[tilespmem:s17], [sflag:$0x1] =	stream.indirect.gather @!p5 [hbm4b:s5+s16], $0x80, s15, s16, $0xb8;
	[tilespmem:$0x1EC00] =	vst v63  }
0x3b9: {  	s13 =	sadd.s32 $0x100, s13;
	p5 =	sge.u32 s18, s7;
	_ =	swait.ge [sflag:s31], $0x4000  }
0x3ba: {  	s15 =	simm.s32 @!p5 $0x80;
	s16 =	simm.s32 @!p5 $0x10800;
	[sflag:s31] =	ssyncset.done $0x0  }
.LBB2_29:
0x3bb: {  	[sflag:s31] =	ssyncadd.s32 $0xFFFFC000  }
0x3bc: {  	[tilespmem:s16], [sflag:$0x2] =	stream.indirect.gather @!p5 [hbm4b:s5+s15], $0x80, s0, s15, $0xb8;
	[tilespmem:$0x1EC00] =	vst v63  }
0x3bd: {  	s3 =	simm.s32 @!p1 $0x100;
	[bflag:$0x0] =	sbarrier.arrive $0xFFFF  }
0x3be: {  	s7 =	simm.s32 @!p1 $0x80;
	s0 =	simm.s32 @!p1 $0x8;
	s8 =	rddreg [dreg:$0xb]  }
0x3bf: {  	[hbm:s8@s3], [sflag:s23] =	dma.strided @!p1 [spmem:s10@s7], $0x1400, s0, $0x10   }
0x3c0: {  	s0 =	simm.s32 @!p1 $0x5  }
0x3c1: {  	_ =	swait.ge @!p1 [sflag:s0], $0x1400  }
0x3c2: {  	s3 =	simm.s32 @p0 $0x100;
	s7 =	simm.s32 @p0 $0x80;
	[sflag:s0] =	ssyncset.done @!p1 $0x0  }
0x3c3: {  	s8 =	rddreg [dreg:$0xc];
	[sflag:s0] =	ssyncadd.s32 @!p1 $0xFFFFEC00;
	s0 =	simm.s32 @p0 $0x8  }
0x3c4: {  	[hbm:s8@s3], [sflag:s23] =	dma.strided @p0 [spmem:s21@s7], $0x1300, s0, $0x10   }
0x3c5: {  	s0 =	simm.s32 @p0 $0x5  }
0x3c6: {  	s3 =	simm.s32 @p3 $0x8;
	_ =	swait.ge @p0 [sflag:s0], $0x1300  }
0x3c7: {  	s7 =	simm.s32 @p3 $0x100;
	s8 =	simm.s32 @p3 $0x80;
	[sflag:s0] =	ssyncset.done @p0 $0x0  }
0x3c8: {  	s9 =	rddreg [dreg:$0xd];
	[sflag:s0] =	ssyncadd.s32 @p0 $0xFFFFED00;
	s0 =	sshrl.u32 @p3 s12, $0x3  }
0x3c9: {  	[hbm:s9@s7], [sflag:s23] =	dma.strided @p3 [spmem:s0@s8], $0x1400, s3, $0x10   }
0x3ca: {  	s0 =	simm.s32 @p3 $0x5  }
0x3cb: {  	_ =	swait.ge @p3 [sflag:s0], $0x1400  }
0x3cc: {  	s1 =	sadd.s32 $0x1, s1;
	[sflag:s0] =	ssyncset.done @p3 $0x0;
	s25 =	rddreg [dreg:$0xe]  }
0x3cd: {  	[sflag:s0] =	ssyncadd.s32 @p3 $0xFFFFEC00;
	p3 =	sne.s32 s1, s25  }
.Ltmp21:
0x3ce: {  	_ = 	snop;
	(pc) =	sbr.rel @p3 .LBB2_1-.Ltmp21, $4  }
.Ltmp22:
0x3cf: {  	_ = 	snop;
	(pc) =	sbr.rel @!p3 .LBB2_30-.Ltmp22, $4  }
0x3d0: {  	_ = 	snop  }
0x3d1: {  	[bflag:$0x0] =	sbarrier.arrive $0xFFFF  }
0x3d2: {  	_ = 	snop  }
0x3d3: {  	_ = 	snop  }
.LBB2_6:
.Ltmp23:
0x3d4: {  	(pc) =	sbr.rel .LBB2_10-.Ltmp23, $2  }
0x3d5: {  	_ =	sdelay $0x2  }
0x3d6: {  	s0 =	simm.s32 $0x5040;
	s10 =	simm.s32 $0xB440;
	s9 =	simm.s32 $0x7840  }
.LBB2_13:
.Ltmp24:
0x3d7: {  	(pc) =	sbr.rel .LBB2_16-.Ltmp24, $2  }
0x3d8: {  	_ =	sdelay $0x2  }
0x3d9: {  	p4 =	por $0x0, $0x0  }
.LBB2_17:
.Ltmp25:
0x3da: {  	(pc) =	sbr.rel .LBB2_21-.Ltmp25, $2  }
0x3db: {  	_ =	sdelay $0x2  }
0x3dc: {  	s0 =	simm.s32 $0x6470;
	s21 =	simm.s32 $0xB440;
	s10 =	simm.s32 $0x8C70  }
.LBB2_8:
.Ltmp26:
0x3dd: {  	(pc) =	sbr.rel .LBB2_10-.Ltmp26, $2  }
0x3de: {  	_ =	sdelay $0x2  }
0x3df: {  	s0 =	simm.s32 $0x5040;
	s10 =	simm.s32 $0xB440;
	s9 =	simm.s32 $0x7840  }
.LBB2_19:
.Ltmp27:
0x3e0: {  	(pc) =	sbr.rel .LBB2_21-.Ltmp27, $2  }
0x3e1: {  	_ =	sdelay $0x2  }
0x3e2: {  	s0 =	simm.s32 $0x6470;
	s21 =	simm.s32 $0xB440;
	s10 =	simm.s32 $0x8C70  }
.LBB2_30:
0x3e3: {  	_ =	sfence.sel $0x180000  }
0x3e4: {  	[bflag:$0x0] =	sbarrier.arrive $0xFFFF  }
0x3e5: {  	_ =	strace $0x9000004A  }
0x3e6: {  	s0 =	stileid.u32;
	[bflag:$0x2] =	sbarrier.arrive $0xFFFF  }
0x3e7: {  	p0 =	sne.s32 s0, $0x0;
	s0 =	rddreg [dreg:$0x3]  }
0x3e8: {  	s0 =	sadd.s32 @!p0 $0x100000, s0  }
0x3e9: {  	[sflag:s0] =	ssyncadd.tile.s32 @!p0 $0x1;
	_ =	shalt  }
.Lfunc_end2:
_tile_overlayer_lowered:
.L_overlay_start_2:
0x3ea: {  	(tag) =	ssettag $0x2  }
0x3eb: {  	s0 =	rddreg [dreg:$0x0];
	s2 =	stileid.u32  }
0x3ec: {  	s1 =	rddreg [dreg:$0x1];
	p0 =	sne.s32 s2, $0x0  }
0x3ed: {  	s3 =	rddreg [dreg:$0x2];
	[bflag:$0x3] =	sbarrier.arrive $0xFFFF;
	s2 =	simm.s32 @!p0 $0x1C05  }
0x3ee: {  	[timem:s3], [sflag:s2] =	dma.local @!p0 [hbm:s0], s1  }
0x3ef: {  	s0 =	simm.s32 @!p0 $0x5  }
0x3f0: {  	_ =	swait.ge @!p0 [sflag:s0], s1  }
0x3f1: {  	s1 =	ssub.s32 @!p0 $0x0, s1;
	[sflag:s0] =	ssyncset.done @!p0 $0x0  }
0x3f2: {  	[sflag:s0] =	ssyncadd.s32 @!p0 s1  }
0x3f3: {  	[bflag:$0x3] =	sbarrier.arrive $0xFFFF  }
0x3f4: {  	_ =	shalt  }

</sc_bundles>
